<compile_context>
chip_gen: v7x
topology: tpu7x:2x2x1
jax: 0.10.2.dev20260603
libtpu: 0.0.44.dev20260713+nightly
codegen_flags: <defaults>
</compile_context>

<pallas_src>
import functools

import jax
import jax.numpy as jnp
from jax import lax
from jax.experimental import pallas as pl
from jax.experimental.pallas import tpu as pltpu
from jax.experimental.pallas import tpu_sc as plsc

_LANES = 128
_L = 16


def _energy_body(x_ref, e_ref):
    e_ref[...] = jnp.sum(x_ref[...], axis=1)


def _sc_threshold_body(N, k, n_shards, e_hbm, t_hbm, ebuf, kbuf, cbuf, hist,
                       l256, tmp256, g256, tbuf, sh_hist):
    c = lax.axis_index("c")
    s = lax.axis_index("s")
    groups_per_core = 16 // n_shards
    b = c * groups_per_core + s // n_shards
    shard = s % n_shards
    shard_n = N // n_shards
    n_vecs = shard_n // _L

    lanes = lax.iota(jnp.int32, _L)
    ones = jnp.ones((_L,), jnp.int32)

    pltpu.sync_copy(e_hbm.at[b, pl.ds(shard * shard_n, shard_n)], ebuf)

    def clear_hist():
        def clr(i, _):
            for j in range(16):
                hist[i, pl.ds(j * _L, _L)] = jnp.zeros((_L,), jnp.int32)
            return 0

        lax.fori_loop(0, 16, clr, 0)

    def merge_and_pick(r_k):
        def mrg(j, _):
            acc = hist[0, pl.ds(j * _L, _L)]
            for l in range(1, 16):
                acc = acc + hist[l, pl.ds(j * _L, _L)]
            l256[pl.ds(j * _L, _L)] = acc
            return 0

        lax.fori_loop(0, 16, mrg, 0)

        pltpu.sync_copy(l256, sh_hist.at[s])
        plsc.subcore_barrier()
        base_row = (s // n_shards) * n_shards
        for r in range(n_shards):
            pltpu.sync_copy(sh_hist.at[base_row + r], tmp256)

            def accj(j, _, first=(r == 0)):
                cur = tmp256[pl.ds(j * _L, _L)]
                if first:
                    g256[pl.ds(j * _L, _L)] = cur
                else:
                    g256[pl.ds(j * _L, _L)] = g256[pl.ds(j * _L, _L)] + cur
                return 0

            lax.fori_loop(0, 16, accj, 0)
        plsc.subcore_barrier()

        def scan_body(i, carry_in):
            carry, found, d, cgt = carry_in
            v = 15 - i
            hvec = g256[pl.ds(v * _L, _L)]
            ssum = jnp.sum(hvec)
            cum = plsc.cumsum(hvec)
            suff = ssum - cum + hvec
            cond = (carry + suff) >= r_k
            anyc = jnp.max(cond.astype(jnp.int32))
            jstar = jnp.max(jnp.where(cond, lanes, -1))
            sj = jnp.sum(jnp.where(lanes == jstar, suff, 0))
            hj = jnp.sum(jnp.where(lanes == jstar, hvec, 0))
            take = (found == 0) & (anyc == 1)
            d = jnp.where(take, v * _L + jstar, d)
            cgt = jnp.where(take, carry + sj - hj, cgt)
            found = jnp.where(take, 1, found)
            carry = carry + ssum
            return carry, found, d, cgt

        _, _, d, cgt = lax.fori_loop(
            0, 16, scan_body,
            (jnp.int32(0), jnp.int32(0), jnp.int32(0), jnp.int32(0)))
        return d, cgt

    clear_hist()

    def p0(i, _):
        for j in range(8):
            off = i * (8 * _L) + j * _L
            u = plsc.bitcast(ebuf[pl.ds(off, _L)], jnp.uint32)
            key = jnp.where(u >= jnp.uint32(0x80000000), ~u,
                            u | jnp.uint32(0x80000000))
            kbuf[pl.ds(off, _L)] = key
            dig = jnp.right_shift(key, jnp.uint32(24)).astype(jnp.int32)
            plsc.addupdate_scatter(hist, [lanes, dig], ones)
        return 0

    lax.fori_loop(0, n_vecs // 8, p0, 0)
    d, cgt = merge_and_pick(jnp.int32(k))
    r_k = jnp.int32(k) - cgt
    t_part = d.astype(jnp.uint32) << jnp.uint32(24)

    clear_hist()
    pref8 = t_part >> jnp.uint32(24)

    def p1(i, off_c):
        for j in range(8):
            off = i * (8 * _L) + j * _L
            key = kbuf[pl.ds(off, _L)]
            m = (key >> jnp.uint32(24)) == pref8
            dig = ((key >> jnp.uint32(16)) & jnp.uint32(0xFF)).astype(jnp.int32)
            plsc.addupdate_scatter(hist, [lanes, dig], ones, mask=m)
            plsc.store_compressed(cbuf.at[pl.ds(off_c, _L)], key, mask=m)
            off_c = off_c + jnp.sum(m.astype(jnp.int32))
        return off_c

    m1 = lax.fori_loop(0, n_vecs // 8, p1, jnp.int32(0))
    d, cgt = merge_and_pick(r_k)
    r_k = r_k - cgt
    t_part = t_part | (d.astype(jnp.uint32) << jnp.uint32(16))

    clear_hist()
    pref16 = t_part >> jnp.uint32(16)

    def p2(i, off_c):
        base = i * _L
        key = cbuf[pl.ds(base, _L)]
        valid = (lanes + base) < m1
        m = ((key >> jnp.uint32(16)) == pref16) & valid
        dig = ((key >> jnp.uint32(8)) & jnp.uint32(0xFF)).astype(jnp.int32)
        plsc.addupdate_scatter(hist, [lanes, dig], ones, mask=m)
        plsc.store_compressed(kbuf.at[pl.ds(off_c, _L)], key, mask=m)
        return off_c + jnp.sum(m.astype(jnp.int32))

    g1 = (m1 + jnp.int32(_L - 1)) // jnp.int32(_L)
    m2 = lax.fori_loop(0, g1, p2, jnp.int32(0))
    d, cgt = merge_and_pick(r_k)
    r_k = r_k - cgt
    t_part = t_part | (d.astype(jnp.uint32) << jnp.uint32(8))

    clear_hist()
    pref24 = t_part >> jnp.uint32(8)

    def p3(i, _):
        base = i * _L
        key = kbuf[pl.ds(base, _L)]
        valid = (lanes + base) < m2
        m = ((key >> jnp.uint32(8)) == pref24) & valid
        dig = (key & jnp.uint32(0xFF)).astype(jnp.int32)
        plsc.addupdate_scatter(hist, [lanes, dig], ones, mask=m)
        return 0

    g2 = (m2 + jnp.int32(_L - 1)) // jnp.int32(_L)
    lax.fori_loop(0, g2, p3, 0)
    d, _ = merge_and_pick(r_k)
    t_part = t_part | d.astype(jnp.uint32)

    tvec = jnp.full((_L,), t_part, dtype=jnp.uint32)
    fvec = jnp.where(tvec >= jnp.uint32(0x80000000),
                     tvec ^ jnp.uint32(0x80000000), ~tvec)

    @pl.when(shard == 0)
    def _():
        tbuf[...] = plsc.bitcast(fvec, jnp.float32)
        pltpu.sync_copy(tbuf, t_hbm.at[b])


def _mask_body(x_ref, e_ref, t_ref, o_ref):
    b = pl.program_id(0)
    rows_b = jax.lax.broadcasted_iota(jnp.int32, t_ref.shape, 0)
    t = jnp.max(jnp.where(rows_b == b, t_ref[...], -jnp.inf))
    keep = e_ref[...] >= t
    o_ref[...] = jnp.where(keep[:, None, :, :], x_ref[...], jnp.float32(0.0))


@jax.jit
def kernel(x):
    B, C, H, W = x.shape
    N = H * W
    k = N // 2
    assert N % _LANES == 0
    rows_total = N // _LANES

    n_chunks = 4 if rows_total % 4 == 0 else 1
    rows = rows_total // n_chunks

    xf = x.reshape(B, C, rows_total, _LANES)

    energy = pl.pallas_call(
        _energy_body,
        grid=(B, n_chunks),
        in_specs=[pl.BlockSpec((1, C, rows, _LANES), lambda b, j: (b, 0, j, 0))],
        out_specs=pl.BlockSpec((1, rows, _LANES), lambda b, j: (b, j, 0)),
        out_shape=jax.ShapeDtypeStruct((B, rows_total, _LANES), jnp.float32),
    )(xf)

    assert 16 % (16 * B // 32) == 0 and B % 2 == 0
    n_shards = 32 // B
    shard_n = N // n_shards
    assert shard_n % (8 * _L) == 0 and (shard_n * n_shards) == N

    mesh = plsc.VectorSubcoreMesh(core_axis_name="c", subcore_axis_name="s")
    thresh = pl.kernel(
        functools.partial(_sc_threshold_body, N, k, n_shards),
        mesh=mesh,
        compiler_params=pltpu.CompilerParams(needs_layout_passes=False),
        out_type=jax.ShapeDtypeStruct((B, _L), jnp.float32),
        scratch_types=[
            pltpu.VMEM((shard_n,), jnp.float32),
            pltpu.VMEM((shard_n + _L,), jnp.uint32),
            pltpu.VMEM((shard_n + _L,), jnp.uint32),
            pltpu.VMEM((16, 256), jnp.int32),
            pltpu.VMEM((256,), jnp.int32),
            pltpu.VMEM((256,), jnp.int32),
            pltpu.VMEM((256,), jnp.int32),
            pltpu.VMEM((_L,), jnp.float32),
            pltpu.VMEM_SHARED((16, 256), jnp.int32),
        ],
    )(energy.reshape(B, N))

    return thresh

# --- scband reference (transcript-rebuilt; emitter-appended) ---
"""Pipeline reference for scband-partial-attention-masking-6416681140602 (READ-ONLY COPY).

The authoritative reference and input builder live on the scoring server;
editing this copy changes nothing except your own understanding.
"""

import jax, jax.numpy as jnp
import numpy as np

MASKING_RATIO = 0.5

def setup_inputs(seed: int = 0) -> dict:
    key = jax.random.key(seed)
    x = jax.random.normal(key, (8, 96, 384, 384), dtype=jnp.float32)
    return {"x": x}

def reference(x):
    B, C, H, W = x.shape
    feat_flat = x.reshape(B, C, H * W)
    # energy: mean over channel dim -> [B, H*W]
    energy = feat_flat.mean(axis=1)
    k = int(H * W * MASKING_RATIO)
    # top-k over spatial positions per batch element
    topk_vals, topk_indices = jax.lax.top_k(energy, k)
    # scatter ones into mask at topk positions (torch scatter_ equivalent)
    batch_idx = jnp.arange(B)[:, None]
    mask = jnp.zeros_like(energy).at[batch_idx, topk_indices].set(1.0)
    mask = mask[:, None, :]  # [B, 1, H*W]
    masked_feat = feat_flat * mask
    masked_feat = masked_feat.reshape(B, C, H, W)
    return masked_feat

if __name__ == "__main__":
    import jax
    _d = setup_inputs()
    print(jax.jit(kernel)(*tuple(_d.values())))

</pallas_src>

<mosaic_0001>
#map = affine_map<(d0, d1) -> (0, 0)>
module attributes {stable_mosaic.version = 14 : i64} {
  func.func @_sc_threshold_body(%arg0: i32, %arg1: i32, %arg2: memref<8x147456xf32, #tpu.memory_space<hbm>>, %arg3: memref<8x16xf32, #tpu.memory_space<hbm>>, %arg4: memref<36864xf32, #tpu.memory_space<vmem>>, %arg5: memref<36880xi32, #tpu.memory_space<vmem>>, %arg6: memref<36880xi32, #tpu.memory_space<vmem>>, %arg7: memref<16x256xi32, #tpu.memory_space<vmem>>, %arg8: memref<256xi32, #tpu.memory_space<vmem>>, %arg9: memref<256xi32, #tpu.memory_space<vmem>>, %arg10: memref<256xi32, #tpu.memory_space<vmem>>, %arg11: memref<16xf32, #tpu.memory_space<vmem>>, %arg12: memref<16x256xi32, #tpu.memory_space<vmem_shared>>) attributes {dimension_semantics = [#tpu.dimension_semantics<core_parallel>, #tpu.dimension_semantics<subcore_parallel>], iteration_bounds = array<i64: 2, 16>, scalar_prefetch = 0 : i64, scratch_operands = 9 : i64, tpu.core_type = #tpu.core_type<sc_vector_subcore>, window_params = [{transform_indices = #map}, {transform_indices = #map}]} {
    %mul3A = arith.constant 4 : i32
    %mul3A_0 = arith.muli %arg0, %mul3A : i32
    %jit3A = arith.constant 4 : i32
    %div3A = arith.divsi %arg1, %jit3A : i32
    %sign3A = arith.constant 0 : i32
    %sign3A_1 = arith.cmpi sgt, %arg1, %sign3A : i32
    %sign3A_2 = arith.extui %sign3A_1 : i1 to i32
    %sign3A_3 = arith.constant 0 : i32
    %sign3A_4 = arith.cmpi slt, %arg1, %sign3A_3 : i32
    %sign3A_5 = arith.extui %sign3A_4 : i1 to i32
    %sign3A_6 = arith.subi %sign3A_2, %sign3A_5 : i32
    %sign3A_7 = arith.constant 0 : i32
    %sign3A_8 = arith.cmpi sgt, %jit3A, %sign3A_7 : i32
    %sign3A_9 = arith.extui %sign3A_8 : i1 to i32
    %sign3A_10 = arith.constant 0 : i32
    %sign3A_11 = arith.cmpi slt, %jit3A, %sign3A_10 : i32
    %sign3A_12 = arith.extui %sign3A_11 : i1 to i32
    %sign3A_13 = arith.subi %sign3A_9, %sign3A_12 : i32
    %ne3A = arith.cmpi ne, %sign3A_6, %sign3A_13 : i32
    %rem3A = arith.remsi %arg1, %jit3A : i32
    %ne3A_14 = arith.constant 0 : i32
    %ne3A_15 = arith.cmpi ne, %rem3A, %ne3A_14 : i32
    %and3A = arith.andi %ne3A, %ne3A_15 : i1
    %sub3A = arith.constant 1 : i32
    %sub3A_16 = arith.subi %div3A, %sub3A : i32
    %select_n3A = arith.select %and3A, %sub3A_16, %div3A : i32
    %add3A = arith.addi %mul3A_0, %select_n3A : i32
    %jit3A_17 = arith.constant 4 : i32
    %eq3A = arith.constant 0 : i32
    %eq3A_18 = arith.cmpi eq, %jit3A_17, %eq3A : i32
    %jit3A_19 = arith.constant 1 : i32
    %select_n3A_20 = arith.select %eq3A_18, %jit3A_19, %jit3A_17 : i32
    %rem3A_21 = arith.remsi %arg1, %select_n3A_20 : i32
    %ne3A_22 = arith.constant 0 : i32
    %ne3A_23 = arith.cmpi ne, %rem3A_21, %ne3A_22 : i32
    %lt3A = arith.constant 0 : i32
    %lt3A_24 = arith.cmpi slt, %rem3A_21, %lt3A : i32
    %lt3A_25 = arith.constant 0 : i32
    %lt3A_26 = arith.cmpi slt, %select_n3A_20, %lt3A_25 : i32
    %ne3A_27 = arith.xori %lt3A_24, %lt3A_26 : i1
    %and3A_28 = arith.andi %ne3A_27, %ne3A_23 : i1
    %add3A_29 = arith.addi %rem3A_21, %select_n3A_20 : i32
    %select_n3A_30 = arith.select %and3A_28, %add3A_29, %rem3A_21 : i32
    %iota3A = tpu.iota {dimensions = array<i32: 0>} : vector<16xi32>
    %broadcast_in_dim3A = arith.constant 1 : i32
    %broadcast_in_dim3A_31 = vector.broadcast %broadcast_in_dim3A : i32 to vector<16xi32>
    %mul3A_32 = arith.constant 36864 : i32
    %mul3A_33 = arith.muli %select_n3A_30, %mul3A_32 : i32
    "tpu.region"() ({
      %run_scoped3A = tpu.sem_alloc : memref<!tpu.dma_semaphore, #tpu.memory_space<semaphore_mem>>
      %dma_start3A = tpu.memref_slice %arg2[%add3A, %mul3A_33] : memref<8x147456xf32, #tpu.memory_space<hbm>> -> memref<1x36864xf32, #tpu.memory_space<hbm>>
      %dma_start3A_500 = tpu.memref_squeeze %dma_start3A : memref<1x36864xf32, #tpu.memory_space<hbm>> -> memref<36864xf32, #tpu.memory_space<hbm>>
      %dma_start3A_501 = tpu.memref_slice %arg2[%add3A, %mul3A_33] : memref<8x147456xf32, #tpu.memory_space<hbm>> -> memref<1x36864xf32, #tpu.memory_space<hbm>>
      %dma_start3A_502 = tpu.memref_squeeze %dma_start3A_501 : memref<1x36864xf32, #tpu.memory_space<hbm>> -> memref<36864xf32, #tpu.memory_space<hbm>>
      tpu.enqueue_dma source(%dma_start3A_502 : memref<36864xf32, #tpu.memory_space<hbm>>) target(%arg4 : memref<36864xf32, #tpu.memory_space<vmem>>) target_semaphore(%run_scoped3A : memref<!tpu.dma_semaphore, #tpu.memory_space<semaphore_mem>>)
      %dma_wait3A = tpu.memref_slice %arg2[%add3A, %mul3A_33] : memref<8x147456xf32, #tpu.memory_space<hbm>> -> memref<1x36864xf32, #tpu.memory_space<hbm>>
      %dma_wait3A_503 = tpu.memref_squeeze %dma_wait3A : memref<1x36864xf32, #tpu.memory_space<hbm>> -> memref<36864xf32, #tpu.memory_space<hbm>>
      %dma_wait3A_504 = tpu.memref_slice %arg2[%add3A, %mul3A_33] : memref<8x147456xf32, #tpu.memory_space<hbm>> -> memref<1x36864xf32, #tpu.memory_space<hbm>>
      %dma_wait3A_505 = tpu.memref_squeeze %dma_wait3A_504 : memref<1x36864xf32, #tpu.memory_space<hbm>> -> memref<36864xf32, #tpu.memory_space<hbm>>
      tpu.wait_dma2 semaphore(%run_scoped3A : memref<!tpu.dma_semaphore, #tpu.memory_space<semaphore_mem>>) src(%dma_wait3A_505 : memref<36864xf32, #tpu.memory_space<hbm>>) dst(%arg4 : memref<36864xf32, #tpu.memory_space<vmem>>)
      tpu.yield
    }) : () -> ()
    %scan3A = arith.constant 0 : i32
    %scan3A_34 = arith.constant 0 : i32
    %scan3A_35 = arith.constant 16 : i32
    %scan3A_36 = arith.addi %scan3A_34, %scan3A_35 : i32
    %scan3A_37 = arith.constant 1 : i32
    %scan3A_38 = scf.for %scan3A_500 = %scan3A_34 to %scan3A_36 step %scan3A_37 iter_args(%scan3A_501 = %scan3A) -> (i32)  : i32 {
      %broadcast_in_dim3A_502 = arith.constant 0 : i32
      %broadcast_in_dim3A_503 = vector.broadcast %broadcast_in_dim3A_502 : i32 to vector<16xi32>
      %swap3A = arith.index_cast %scan3A_500 : i32 to index
      %swap3A_504 = arith.constant 0 : index
      %swap3A_505 = tpu.vector_load %arg7[%swap3A, %swap3A_504] {strides = array<i32>} : memref<16x256xi32, #tpu.memory_space<vmem>>, vector<16xi32>,
      tpu.vector_store %arg7[%swap3A, %swap3A_504], %broadcast_in_dim3A_503 {strides = array<i32>} : memref<16x256xi32, #tpu.memory_space<vmem>>, vector<16xi32>,
      %broadcast_in_dim3A_506 = arith.constant 0 : i32
      %broadcast_in_dim3A_507 = vector.broadcast %broadcast_in_dim3A_506 : i32 to vector<16xi32>
      %swap3A_508 = arith.index_cast %scan3A_500 : i32 to index
      %swap3A_509 = arith.constant 16 : index
      %swap3A_510 = tpu.vector_load %arg7[%swap3A_508, %swap3A_509] {strides = array<i32>} : memref<16x256xi32, #tpu.memory_space<vmem>>, vector<16xi32>,
      tpu.vector_store %arg7[%swap3A_508, %swap3A_509], %broadcast_in_dim3A_507 {strides = array<i32>} : memref<16x256xi32, #tpu.memory_space<vmem>>, vector<16xi32>,
      %broadcast_in_dim3A_511 = arith.constant 0 : i32
      %broadcast_in_dim3A_512 = vector.broadcast %broadcast_in_dim3A_511 : i32 to vector<16xi32>
      %swap3A_513 = arith.index_cast %scan3A_500 : i32 to index
      %swap3A_514 = arith.constant 32 : index
      %swap3A_515 = tpu.vector_load %arg7[%swap3A_513, %swap3A_514] {strides = array<i32>} : memref<16x256xi32, #tpu.memory_space<vmem>>, vector<16xi32>,
      tpu.vector_store %arg7[%swap3A_513, %swap3A_514], %broadcast_in_dim3A_512 {strides = array<i32>} : memref<16x256xi32, #tpu.memory_space<vmem>>, vector<16xi32>,
      %broadcast_in_dim3A_516 = arith.constant 0 : i32
      %broadcast_in_dim3A_517 = vector.broadcast %broadcast_in_dim3A_516 : i32 to vector<16xi32>
      %swap3A_518 = arith.index_cast %scan3A_500 : i32 to index
      %swap3A_519 = arith.constant 48 : index
      %swap3A_520 = tpu.vector_load %arg7[%swap3A_518, %swap3A_519] {strides = array<i32>} : memref<16x256xi32, #tpu.memory_space<vmem>>, vector<16xi32>,
      tpu.vector_store %arg7[%swap3A_518, %swap3A_519], %broadcast_in_dim3A_517 {strides = array<i32>} : memref<16x256xi32, #tpu.memory_space<vmem>>, vector<16xi32>,
      %broadcast_in_dim3A_521 = arith.constant 0 : i32
      %broadcast_in_dim3A_522 = vector.broadcast %broadcast_in_dim3A_521 : i32 to vector<16xi32>
      %swap3A_523 = arith.index_cast %scan3A_500 : i32 to index
      %swap3A_524 = arith.constant 64 : index
      %swap3A_525 = tpu.vector_load %arg7[%swap3A_523, %swap3A_524] {strides = array<i32>} : memref<16x256xi32, #tpu.memory_space<vmem>>, vector<16xi32>,
      tpu.vector_store %arg7[%swap3A_523, %swap3A_524], %broadcast_in_dim3A_522 {strides = array<i32>} : memref<16x256xi32, #tpu.memory_space<vmem>>, vector<16xi32>,
      %broadcast_in_dim3A_526 = arith.constant 0 : i32
      %broadcast_in_dim3A_527 = vector.broadcast %broadcast_in_dim3A_526 : i32 to vector<16xi32>
      %swap3A_528 = arith.index_cast %scan3A_500 : i32 to index
      %swap3A_529 = arith.constant 80 : index
      %swap3A_530 = tpu.vector_load %arg7[%swap3A_528, %swap3A_529] {strides = array<i32>} : memref<16x256xi32, #tpu.memory_space<vmem>>, vector<16xi32>,
      tpu.vector_store %arg7[%swap3A_528, %swap3A_529], %broadcast_in_dim3A_527 {strides = array<i32>} : memref<16x256xi32, #tpu.memory_space<vmem>>, vector<16xi32>,
      %broadcast_in_dim3A_531 = arith.constant 0 : i32
      %broadcast_in_dim3A_532 = vector.broadcast %broadcast_in_dim3A_531 : i32 to vector<16xi32>
      %swap3A_533 = arith.index_cast %scan3A_500 : i32 to index
      %swap3A_534 = arith.constant 96 : index
      %swap3A_535 = tpu.vector_load %arg7[%swap3A_533, %swap3A_534] {strides = array<i32>} : memref<16x256xi32, #tpu.memory_space<vmem>>, vector<16xi32>,
      tpu.vector_store %arg7[%swap3A_533, %swap3A_534], %broadcast_in_dim3A_532 {strides = array<i32>} : memref<16x256xi32, #tpu.memory_space<vmem>>, vector<16xi32>,
      %broadcast_in_dim3A_536 = arith.constant 0 : i32
      %broadcast_in_dim3A_537 = vector.broadcast %broadcast_in_dim3A_536 : i32 to vector<16xi32>
      %swap3A_538 = arith.index_cast %scan3A_500 : i32 to index
      %swap3A_539 = arith.constant 112 : index
      %swap3A_540 = tpu.vector_load %arg7[%swap3A_538, %swap3A_539] {strides = array<i32>} : memref<16x256xi32, #tpu.memory_space<vmem>>, vector<16xi32>,
      tpu.vector_store %arg7[%swap3A_538, %swap3A_539], %broadcast_in_dim3A_537 {strides = array<i32>} : memref<16x256xi32, #tpu.memory_space<vmem>>, vector<16xi32>,
      %broadcast_in_dim3A_541 = arith.constant 0 : i32
      %broadcast_in_dim3A_542 = vector.broadcast %broadcast_in_dim3A_541 : i32 to vector<16xi32>
      %swap3A_543 = arith.index_cast %scan3A_500 : i32 to index
      %swap3A_544 = arith.constant 128 : index
      %swap3A_545 = tpu.vector_load %arg7[%swap3A_543, %swap3A_544] {strides = array<i32>} : memref<16x256xi32, #tpu.memory_space<vmem>>, vector<16xi32>,
      tpu.vector_store %arg7[%swap3A_543, %swap3A_544], %broadcast_in_dim3A_542 {strides = array<i32>} : memref<16x256xi32, #tpu.memory_space<vmem>>, vector<16xi32>,
      %broadcast_in_dim3A_546 = arith.constant 0 : i32
      %broadcast_in_dim3A_547 = vector.broadcast %broadcast_in_dim3A_546 : i32 to vector<16xi32>
      %swap3A_548 = arith.index_cast %scan3A_500 : i32 to index
      %swap3A_549 = arith.constant 144 : index
      %swap3A_550 = tpu.vector_load %arg7[%swap3A_548, %swap3A_549] {strides = array<i32>} : memref<16x256xi32, #tpu.memory_space<vmem>>, vector<16xi32>,
      tpu.vector_store %arg7[%swap3A_548, %swap3A_549], %broadcast_in_dim3A_547 {strides = array<i32>} : memref<16x256xi32, #tpu.memory_space<vmem>>, vector<16xi32>,
      %broadcast_in_dim3A_551 = arith.constant 0 : i32
      %broadcast_in_dim3A_552 = vector.broadcast %broadcast_in_dim3A_551 : i32 to vector<16xi32>
      %swap3A_553 = arith.index_cast %scan3A_500 : i32 to index
      %swap3A_554 = arith.constant 160 : index
      %swap3A_555 = tpu.vector_load %arg7[%swap3A_553, %swap3A_554] {strides = array<i32>} : memref<16x256xi32, #tpu.memory_space<vmem>>, vector<16xi32>,
      tpu.vector_store %arg7[%swap3A_553, %swap3A_554], %broadcast_in_dim3A_552 {strides = array<i32>} : memref<16x256xi32, #tpu.memory_space<vmem>>, vector<16xi32>,
      %broadcast_in_dim3A_556 = arith.constant 0 : i32
      %broadcast_in_dim3A_557 = vector.broadcast %broadcast_in_dim3A_556 : i32 to vector<16xi32>
      %swap3A_558 = arith.index_cast %scan3A_500 : i32 to index
      %swap3A_559 = arith.constant 176 : index
      %swap3A_560 = tpu.vector_load %arg7[%swap3A_558, %swap3A_559] {strides = array<i32>} : memref<16x256xi32, #tpu.memory_space<vmem>>, vector<16xi32>,
      tpu.vector_store %arg7[%swap3A_558, %swap3A_559], %broadcast_in_dim3A_557 {strides = array<i32>} : memref<16x256xi32, #tpu.memory_space<vmem>>, vector<16xi32>,
      %broadcast_in_dim3A_561 = arith.constant 0 : i32
      %broadcast_in_dim3A_562 = vector.broadcast %broadcast_in_dim3A_561 : i32 to vector<16xi32>
      %swap3A_563 = arith.index_cast %scan3A_500 : i32 to index
      %swap3A_564 = arith.constant 192 : index
      %swap3A_565 = tpu.vector_load %arg7[%swap3A_563, %swap3A_564] {strides = array<i32>} : memref<16x256xi32, #tpu.memory_space<vmem>>, vector<16xi32>,
      tpu.vector_store %arg7[%swap3A_563, %swap3A_564], %broadcast_in_dim3A_562 {strides = array<i32>} : memref<16x256xi32, #tpu.memory_space<vmem>>, vector<16xi32>,
      %broadcast_in_dim3A_566 = arith.constant 0 : i32
      %broadcast_in_dim3A_567 = vector.broadcast %broadcast_in_dim3A_566 : i32 to vector<16xi32>
      %swap3A_568 = arith.index_cast %scan3A_500 : i32 to index
      %swap3A_569 = arith.constant 208 : index
      %swap3A_570 = tpu.vector_load %arg7[%swap3A_568, %swap3A_569] {strides = array<i32>} : memref<16x256xi32, #tpu.memory_space<vmem>>, vector<16xi32>,
      tpu.vector_store %arg7[%swap3A_568, %swap3A_569], %broadcast_in_dim3A_567 {strides = array<i32>} : memref<16x256xi32, #tpu.memory_space<vmem>>, vector<16xi32>,
      %broadcast_in_dim3A_571 = arith.constant 0 : i32
      %broadcast_in_dim3A_572 = vector.broadcast %broadcast_in_dim3A_571 : i32 to vector<16xi32>
      %swap3A_573 = arith.index_cast %scan3A_500 : i32 to index
      %swap3A_574 = arith.constant 224 : index
      %swap3A_575 = tpu.vector_load %arg7[%swap3A_573, %swap3A_574] {strides = array<i32>} : memref<16x256xi32, #tpu.memory_space<vmem>>, vector<16xi32>,
      tpu.vector_store %arg7[%swap3A_573, %swap3A_574], %broadcast_in_dim3A_572 {strides = array<i32>} : memref<16x256xi32, #tpu.memory_space<vmem>>, vector<16xi32>,
      %broadcast_in_dim3A_576 = arith.constant 0 : i32
      %broadcast_in_dim3A_577 = vector.broadcast %broadcast_in_dim3A_576 : i32 to vector<16xi32>
      %swap3A_578 = arith.index_cast %scan3A_500 : i32 to index
      %swap3A_579 = arith.constant 240 : index
      %swap3A_580 = tpu.vector_load %arg7[%swap3A_578, %swap3A_579] {strides = array<i32>} : memref<16x256xi32, #tpu.memory_space<vmem>>, vector<16xi32>,
      tpu.vector_store %arg7[%swap3A_578, %swap3A_579], %broadcast_in_dim3A_577 {strides = array<i32>} : memref<16x256xi32, #tpu.memory_space<vmem>>, vector<16xi32>,
      %scan3A_581 = arith.constant 0 : i32
      scf.yield %scan3A_581 : i32
    }
    %scan3A_39 = arith.constant 16 : i32
    %scan3A_40 = arith.constant 0 : i32
    %scan3A_41 = arith.constant 0 : i32
    %scan3A_42 = arith.constant 288 : i32
    %scan3A_43 = arith.addi %scan3A_41, %scan3A_42 : i32
    %scan3A_44 = arith.constant 1 : i32
    %scan3A_45 = scf.for %scan3A_500 = %scan3A_41 to %scan3A_43 step %scan3A_44 iter_args(%scan3A_501 = %scan3A_40) -> (i32)  : i32 {
      %mul3A_502 = arith.constant 128 : i32
      %mul3A_503 = arith.muli %scan3A_500, %mul3A_502 : i32
      %add3A_504 = arith.constant 0 : i32
      %add3A_505 = arith.addi %mul3A_503, %add3A_504 : i32
      %get3A = arith.index_cast %add3A_505 : i32 to index
      %get3A_506 = tpu.vector_load %arg4[%get3A] {strides = array<i32>} : memref<36864xf32, #tpu.memory_space<vmem>>, vector<16xf32>,
      %bitcast3A = vector.bitcast %get3A_506 : vector<16xf32> to vector<16xi32>
      %ge3A_507 = arith.constant -2147483648 : i32
      %ge3A_508 = vector.broadcast %ge3A_507 : i32 to vector<16xi32>
      %ge3A_509 = arith.cmpi uge, %bitcast3A, %ge3A_508 : vector<16xi32>
      %not3A_510 = arith.constant dense<-1> : vector<16xi32>
      %not3A_511 = arith.xori %bitcast3A, %not3A_510 : vector<16xi32>
      %or3A_512 = arith.constant -2147483648 : i32
      %or3A_513 = vector.broadcast %or3A_512 : i32 to vector<16xi32>
      %or3A_514 = arith.ori %bitcast3A, %or3A_513 : vector<16xi32>
      %select_n3A_515 = arith.select %ge3A_509, %not3A_511, %or3A_514 : vector<16xi1>, vector<16xi32>
      %swap3A = arith.index_cast %add3A_505 : i32 to index
      %swap3A_516 = tpu.vector_load %arg5[%swap3A] {strides = array<i32>} : memref<36880xi32, #tpu.memory_space<vmem>>, vector<16xi32>,
      tpu.vector_store %arg5[%swap3A], %select_n3A_515 {strides = array<i32>} : memref<36880xi32, #tpu.memory_space<vmem>>, vector<16xi32>,
      %shift_right_logical3A_517 = arith.constant 24 : i32
      %shift_right_logical3A_518 = vector.broadcast %shift_right_logical3A_517 : i32 to vector<16xi32>
      %shift_right_logical3A_519 = arith.shrui %select_n3A_515, %shift_right_logical3A_518 : vector<16xi32>
      tpu.vector_store_idx %arg7[%iota3A, %shift_right_logical3A_519], %broadcast_in_dim3A_31 {add = true} : memref<16x256xi32, #tpu.memory_space<vmem>>[vector<16xi32>, vector<16xi32>], vector<16xi32>,
      %mul3A_520 = arith.constant 128 : i32
      %mul3A_521 = arith.muli %scan3A_500, %mul3A_520 : i32
      %add3A_522 = arith.constant 16 : i32
      %add3A_523 = arith.addi %mul3A_521, %add3A_522 : i32
      %get3A_524 = arith.index_cast %add3A_523 : i32 to index
      %get3A_525 = tpu.vector_load %arg4[%get3A_524] {strides = array<i32>} : memref<36864xf32, #tpu.memory_space<vmem>>, vector<16xf32>,
      %bitcast3A_526 = vector.bitcast %get3A_525 : vector<16xf32> to vector<16xi32>
      %ge3A_527 = arith.constant -2147483648 : i32
      %ge3A_528 = vector.broadcast %ge3A_527 : i32 to vector<16xi32>
      %ge3A_529 = arith.cmpi uge, %bitcast3A_526, %ge3A_528 : vector<16xi32>
      %not3A_530 = arith.constant dense<-1> : vector<16xi32>
      %not3A_531 = arith.xori %bitcast3A_526, %not3A_530 : vector<16xi32>
      %or3A_532 = arith.constant -2147483648 : i32
      %or3A_533 = vector.broadcast %or3A_532 : i32 to vector<16xi32>
      %or3A_534 = arith.ori %bitcast3A_526, %or3A_533 : vector<16xi32>
      %select_n3A_535 = arith.select %ge3A_529, %not3A_531, %or3A_534 : vector<16xi1>, vector<16xi32>
      %swap3A_536 = arith.index_cast %add3A_523 : i32 to index
      %swap3A_537 = tpu.vector_load %arg5[%swap3A_536] {strides = array<i32>} : memref<36880xi32, #tpu.memory_space<vmem>>, vector<16xi32>,
      tpu.vector_store %arg5[%swap3A_536], %select_n3A_535 {strides = array<i32>} : memref<36880xi32, #tpu.memory_space<vmem>>, vector<16xi32>,
      %shift_right_logical3A_538 = arith.constant 24 : i32
      %shift_right_logical3A_539 = vector.broadcast %shift_right_logical3A_538 : i32 to vector<16xi32>
      %shift_right_logical3A_540 = arith.shrui %select_n3A_535, %shift_right_logical3A_539 : vector<16xi32>
      tpu.vector_store_idx %arg7[%iota3A, %shift_right_logical3A_540], %broadcast_in_dim3A_31 {add = true} : memref<16x256xi32, #tpu.memory_space<vmem>>[vector<16xi32>, vector<16xi32>], vector<16xi32>,
      %mul3A_541 = arith.constant 128 : i32
      %mul3A_542 = arith.muli %scan3A_500, %mul3A_541 : i32
      %add3A_543 = arith.constant 32 : i32
      %add3A_544 = arith.addi %mul3A_542, %add3A_543 : i32
      %get3A_545 = arith.index_cast %add3A_544 : i32 to index
      %get3A_546 = tpu.vector_load %arg4[%get3A_545] {strides = array<i32>} : memref<36864xf32, #tpu.memory_space<vmem>>, vector<16xf32>,
      %bitcast3A_547 = vector.bitcast %get3A_546 : vector<16xf32> to vector<16xi32>
      %ge3A_548 = arith.constant -2147483648 : i32
      %ge3A_549 = vector.broadcast %ge3A_548 : i32 to vector<16xi32>
      %ge3A_550 = arith.cmpi uge, %bitcast3A_547, %ge3A_549 : vector<16xi32>
      %not3A_551 = arith.constant dense<-1> : vector<16xi32>
      %not3A_552 = arith.xori %bitcast3A_547, %not3A_551 : vector<16xi32>
      %or3A_553 = arith.constant -2147483648 : i32
      %or3A_554 = vector.broadcast %or3A_553 : i32 to vector<16xi32>
      %or3A_555 = arith.ori %bitcast3A_547, %or3A_554 : vector<16xi32>
      %select_n3A_556 = arith.select %ge3A_550, %not3A_552, %or3A_555 : vector<16xi1>, vector<16xi32>
      %swap3A_557 = arith.index_cast %add3A_544 : i32 to index
      %swap3A_558 = tpu.vector_load %arg5[%swap3A_557] {strides = array<i32>} : memref<36880xi32, #tpu.memory_space<vmem>>, vector<16xi32>,
      tpu.vector_store %arg5[%swap3A_557], %select_n3A_556 {strides = array<i32>} : memref<36880xi32, #tpu.memory_space<vmem>>, vector<16xi32>,
      %shift_right_logical3A_559 = arith.constant 24 : i32
      %shift_right_logical3A_560 = vector.broadcast %shift_right_logical3A_559 : i32 to vector<16xi32>
      %shift_right_logical3A_561 = arith.shrui %select_n3A_556, %shift_right_logical3A_560 : vector<16xi32>
      tpu.vector_store_idx %arg7[%iota3A, %shift_right_logical3A_561], %broadcast_in_dim3A_31 {add = true} : memref<16x256xi32, #tpu.memory_space<vmem>>[vector<16xi32>, vector<16xi32>], vector<16xi32>,
      %mul3A_562 = arith.constant 128 : i32
      %mul3A_563 = arith.muli %scan3A_500, %mul3A_562 : i32
      %add3A_564 = arith.constant 48 : i32
      %add3A_565 = arith.addi %mul3A_563, %add3A_564 : i32
      %get3A_566 = arith.index_cast %add3A_565 : i32 to index
      %get3A_567 = tpu.vector_load %arg4[%get3A_566] {strides = array<i32>} : memref<36864xf32, #tpu.memory_space<vmem>>, vector<16xf32>,
      %bitcast3A_568 = vector.bitcast %get3A_567 : vector<16xf32> to vector<16xi32>
      %ge3A_569 = arith.constant -2147483648 : i32
      %ge3A_570 = vector.broadcast %ge3A_569 : i32 to vector<16xi32>
      %ge3A_571 = arith.cmpi uge, %bitcast3A_568, %ge3A_570 : vector<16xi32>
      %not3A_572 = arith.constant dense<-1> : vector<16xi32>
      %not3A_573 = arith.xori %bitcast3A_568, %not3A_572 : vector<16xi32>
      %or3A_574 = arith.constant -2147483648 : i32
      %or3A_575 = vector.broadcast %or3A_574 : i32 to vector<16xi32>
      %or3A_576 = arith.ori %bitcast3A_568, %or3A_575 : vector<16xi32>
      %select_n3A_577 = arith.select %ge3A_571, %not3A_573, %or3A_576 : vector<16xi1>, vector<16xi32>
      %swap3A_578 = arith.index_cast %add3A_565 : i32 to index
      %swap3A_579 = tpu.vector_load %arg5[%swap3A_578] {strides = array<i32>} : memref<36880xi32, #tpu.memory_space<vmem>>, vector<16xi32>,
      tpu.vector_store %arg5[%swap3A_578], %select_n3A_577 {strides = array<i32>} : memref<36880xi32, #tpu.memory_space<vmem>>, vector<16xi32>,
      %shift_right_logical3A_580 = arith.constant 24 : i32
      %shift_right_logical3A_581 = vector.broadcast %shift_right_logical3A_580 : i32 to vector<16xi32>
      %shift_right_logical3A_582 = arith.shrui %select_n3A_577, %shift_right_logical3A_581 : vector<16xi32>
      tpu.vector_store_idx %arg7[%iota3A, %shift_right_logical3A_582], %broadcast_in_dim3A_31 {add = true} : memref<16x256xi32, #tpu.memory_space<vmem>>[vector<16xi32>, vector<16xi32>], vector<16xi32>,
      %mul3A_583 = arith.constant 128 : i32
      %mul3A_584 = arith.muli %scan3A_500, %mul3A_583 : i32
      %add3A_585 = arith.constant 64 : i32
      %add3A_586 = arith.addi %mul3A_584, %add3A_585 : i32
      %get3A_587 = arith.index_cast %add3A_586 : i32 to index
      %get3A_588 = tpu.vector_load %arg4[%get3A_587] {strides = array<i32>} : memref<36864xf32, #tpu.memory_space<vmem>>, vector<16xf32>,
      %bitcast3A_589 = vector.bitcast %get3A_588 : vector<16xf32> to vector<16xi32>
      %ge3A_590 = arith.constant -2147483648 : i32
      %ge3A_591 = vector.broadcast %ge3A_590 : i32 to vector<16xi32>
      %ge3A_592 = arith.cmpi uge, %bitcast3A_589, %ge3A_591 : vector<16xi32>
      %not3A_593 = arith.constant dense<-1> : vector<16xi32>
      %not3A_594 = arith.xori %bitcast3A_589, %not3A_593 : vector<16xi32>
      %or3A_595 = arith.constant -2147483648 : i32
      %or3A_596 = vector.broadcast %or3A_595 : i32 to vector<16xi32>
      %or3A_597 = arith.ori %bitcast3A_589, %or3A_596 : vector<16xi32>
      %select_n3A_598 = arith.select %ge3A_592, %not3A_594, %or3A_597 : vector<16xi1>, vector<16xi32>
      %swap3A_599 = arith.index_cast %add3A_586 : i32 to index
      %swap3A_600 = tpu.vector_load %arg5[%swap3A_599] {strides = array<i32>} : memref<36880xi32, #tpu.memory_space<vmem>>, vector<16xi32>,
      tpu.vector_store %arg5[%swap3A_599], %select_n3A_598 {strides = array<i32>} : memref<36880xi32, #tpu.memory_space<vmem>>, vector<16xi32>,
      %shift_right_logical3A_601 = arith.constant 24 : i32
      %shift_right_logical3A_602 = vector.broadcast %shift_right_logical3A_601 : i32 to vector<16xi32>
      %shift_right_logical3A_603 = arith.shrui %select_n3A_598, %shift_right_logical3A_602 : vector<16xi32>
      tpu.vector_store_idx %arg7[%iota3A, %shift_right_logical3A_603], %broadcast_in_dim3A_31 {add = true} : memref<16x256xi32, #tpu.memory_space<vmem>>[vector<16xi32>, vector<16xi32>], vector<16xi32>,
      %mul3A_604 = arith.constant 128 : i32
      %mul3A_605 = arith.muli %scan3A_500, %mul3A_604 : i32
      %add3A_606 = arith.constant 80 : i32
      %add3A_607 = arith.addi %mul3A_605, %add3A_606 : i32
      %get3A_608 = arith.index_cast %add3A_607 : i32 to index
      %get3A_609 = tpu.vector_load %arg4[%get3A_608] {strides = array<i32>} : memref<36864xf32, #tpu.memory_space<vmem>>, vector<16xf32>,
      %bitcast3A_610 = vector.bitcast %get3A_609 : vector<16xf32> to vector<16xi32>
      %ge3A_611 = arith.constant -2147483648 : i32
      %ge3A_612 = vector.broadcast %ge3A_611 : i32 to vector<16xi32>
      %ge3A_613 = arith.cmpi uge, %bitcast3A_610, %ge3A_612 : vector<16xi32>
      %not3A_614 = arith.constant dense<-1> : vector<16xi32>
      %not3A_615 = arith.xori %bitcast3A_610, %not3A_614 : vector<16xi32>
      %or3A_616 = arith.constant -2147483648 : i32
      %or3A_617 = vector.broadcast %or3A_616 : i32 to vector<16xi32>
      %or3A_618 = arith.ori %bitcast3A_610, %or3A_617 : vector<16xi32>
      %select_n3A_619 = arith.select %ge3A_613, %not3A_615, %or3A_618 : vector<16xi1>, vector<16xi32>
      %swap3A_620 = arith.index_cast %add3A_607 : i32 to index
      %swap3A_621 = tpu.vector_load %arg5[%swap3A_620] {strides = array<i32>} : memref<36880xi32, #tpu.memory_space<vmem>>, vector<16xi32>,
      tpu.vector_store %arg5[%swap3A_620], %select_n3A_619 {strides = array<i32>} : memref<36880xi32, #tpu.memory_space<vmem>>, vector<16xi32>,
      %shift_right_logical3A_622 = arith.constant 24 : i32
      %shift_right_logical3A_623 = vector.broadcast %shift_right_logical3A_622 : i32 to vector<16xi32>
      %shift_right_logical3A_624 = arith.shrui %select_n3A_619, %shift_right_logical3A_623 : vector<16xi32>
      tpu.vector_store_idx %arg7[%iota3A, %shift_right_logical3A_624], %broadcast_in_dim3A_31 {add = true} : memref<16x256xi32, #tpu.memory_space<vmem>>[vector<16xi32>, vector<16xi32>], vector<16xi32>,
      %mul3A_625 = arith.constant 128 : i32
      %mul3A_626 = arith.muli %scan3A_500, %mul3A_625 : i32
      %add3A_627 = arith.constant 96 : i32
      %add3A_628 = arith.addi %mul3A_626, %add3A_627 : i32
      %get3A_629 = arith.index_cast %add3A_628 : i32 to index
      %get3A_630 = tpu.vector_load %arg4[%get3A_629] {strides = array<i32>} : memref<36864xf32, #tpu.memory_space<vmem>>, vector<16xf32>,
      %bitcast3A_631 = vector.bitcast %get3A_630 : vector<16xf32> to vector<16xi32>
      %ge3A_632 = arith.constant -2147483648 : i32
      %ge3A_633 = vector.broadcast %ge3A_632 : i32 to vector<16xi32>
      %ge3A_634 = arith.cmpi uge, %bitcast3A_631, %ge3A_633 : vector<16xi32>
      %not3A_635 = arith.constant dense<-1> : vector<16xi32>
      %not3A_636 = arith.xori %bitcast3A_631, %not3A_635 : vector<16xi32>
      %or3A_637 = arith.constant -2147483648 : i32
      %or3A_638 = vector.broadcast %or3A_637 : i32 to vector<16xi32>
      %or3A_639 = arith.ori %bitcast3A_631, %or3A_638 : vector<16xi32>
      %select_n3A_640 = arith.select %ge3A_634, %not3A_636, %or3A_639 : vector<16xi1>, vector<16xi32>
      %swap3A_641 = arith.index_cast %add3A_628 : i32 to index
      %swap3A_642 = tpu.vector_load %arg5[%swap3A_641] {strides = array<i32>} : memref<36880xi32, #tpu.memory_space<vmem>>, vector<16xi32>,
      tpu.vector_store %arg5[%swap3A_641], %select_n3A_640 {strides = array<i32>} : memref<36880xi32, #tpu.memory_space<vmem>>, vector<16xi32>,
      %shift_right_logical3A_643 = arith.constant 24 : i32
      %shift_right_logical3A_644 = vector.broadcast %shift_right_logical3A_643 : i32 to vector<16xi32>
      %shift_right_logical3A_645 = arith.shrui %select_n3A_640, %shift_right_logical3A_644 : vector<16xi32>
      tpu.vector_store_idx %arg7[%iota3A, %shift_right_logical3A_645], %broadcast_in_dim3A_31 {add = true} : memref<16x256xi32, #tpu.memory_space<vmem>>[vector<16xi32>, vector<16xi32>], vector<16xi32>,
      %mul3A_646 = arith.constant 128 : i32
      %mul3A_647 = arith.muli %scan3A_500, %mul3A_646 : i32
      %add3A_648 = arith.constant 112 : i32
      %add3A_649 = arith.addi %mul3A_647, %add3A_648 : i32
      %get3A_650 = arith.index_cast %add3A_649 : i32 to index
      %get3A_651 = tpu.vector_load %arg4[%get3A_650] {strides = array<i32>} : memref<36864xf32, #tpu.memory_space<vmem>>, vector<16xf32>,
      %bitcast3A_652 = vector.bitcast %get3A_651 : vector<16xf32> to vector<16xi32>
      %ge3A_653 = arith.constant -2147483648 : i32
      %ge3A_654 = vector.broadcast %ge3A_653 : i32 to vector<16xi32>
      %ge3A_655 = arith.cmpi uge, %bitcast3A_652, %ge3A_654 : vector<16xi32>
      %not3A_656 = arith.constant dense<-1> : vector<16xi32>
      %not3A_657 = arith.xori %bitcast3A_652, %not3A_656 : vector<16xi32>
      %or3A_658 = arith.constant -2147483648 : i32
      %or3A_659 = vector.broadcast %or3A_658 : i32 to vector<16xi32>
      %or3A_660 = arith.ori %bitcast3A_652, %or3A_659 : vector<16xi32>
      %select_n3A_661 = arith.select %ge3A_655, %not3A_657, %or3A_660 : vector<16xi1>, vector<16xi32>
      %swap3A_662 = arith.index_cast %add3A_649 : i32 to index
      %swap3A_663 = tpu.vector_load %arg5[%swap3A_662] {strides = array<i32>} : memref<36880xi32, #tpu.memory_space<vmem>>, vector<16xi32>,
      tpu.vector_store %arg5[%swap3A_662], %select_n3A_661 {strides = array<i32>} : memref<36880xi32, #tpu.memory_space<vmem>>, vector<16xi32>,
      %shift_right_logical3A_664 = arith.constant 24 : i32
      %shift_right_logical3A_665 = vector.broadcast %shift_right_logical3A_664 : i32 to vector<16xi32>
      %shift_right_logical3A_666 = arith.shrui %select_n3A_661, %shift_right_logical3A_665 : vector<16xi32>
      tpu.vector_store_idx %arg7[%iota3A, %shift_right_logical3A_666], %broadcast_in_dim3A_31 {add = true} : memref<16x256xi32, #tpu.memory_space<vmem>>[vector<16xi32>, vector<16xi32>], vector<16xi32>,
      %scan3A_667 = arith.constant 0 : i32
      scf.yield %scan3A_667 : i32
    }
    %scan3A_46 = arith.constant 288 : i32
    %scan3A_47 = arith.constant 0 : i32
    %scan3A_48 = arith.constant 0 : i32
    %scan3A_49 = arith.constant 16 : i32
    %scan3A_50 = arith.addi %scan3A_48, %scan3A_49 : i32
    %scan3A_51 = arith.constant 1 : i32
    %scan3A_52 = scf.for %scan3A_500 = %scan3A_48 to %scan3A_50 step %scan3A_51 iter_args(%scan3A_501 = %scan3A_47) -> (i32)  : i32 {
      %mul3A_502 = arith.constant 16 : i32
      %mul3A_503 = arith.muli %scan3A_500, %mul3A_502 : i32
      %get3A = arith.constant 0 : i32
      %get3A_504 = arith.index_cast %get3A : i32 to index
      %get3A_505 = arith.index_cast %mul3A_503 : i32 to index
      %get3A_506 = tpu.vector_load %arg7[%get3A_504, %get3A_505] {strides = array<i32>} : memref<16x256xi32, #tpu.memory_space<vmem>>, vector<16xi32>,
      %mul3A_507 = arith.constant 16 : i32
      %mul3A_508 = arith.muli %scan3A_500, %mul3A_507 : i32
      %get3A_509 = arith.constant 1 : i32
      %get3A_510 = arith.index_cast %get3A_509 : i32 to index
      %get3A_511 = arith.index_cast %mul3A_508 : i32 to index
      %get3A_512 = tpu.vector_load %arg7[%get3A_510, %get3A_511] {strides = array<i32>} : memref<16x256xi32, #tpu.memory_space<vmem>>, vector<16xi32>,
      %add3A_513 = arith.addi %get3A_506, %get3A_512 : vector<16xi32>
      %mul3A_514 = arith.constant 16 : i32
      %mul3A_515 = arith.muli %scan3A_500, %mul3A_514 : i32
      %get3A_516 = arith.constant 2 : i32
      %get3A_517 = arith.index_cast %get3A_516 : i32 to index
      %get3A_518 = arith.index_cast %mul3A_515 : i32 to index
      %get3A_519 = tpu.vector_load %arg7[%get3A_517, %get3A_518] {strides = array<i32>} : memref<16x256xi32, #tpu.memory_space<vmem>>, vector<16xi32>,
      %add3A_520 = arith.addi %add3A_513, %get3A_519 : vector<16xi32>
      %mul3A_521 = arith.constant 16 : i32
      %mul3A_522 = arith.muli %scan3A_500, %mul3A_521 : i32
      %get3A_523 = arith.constant 3 : i32
      %get3A_524 = arith.index_cast %get3A_523 : i32 to index
      %get3A_525 = arith.index_cast %mul3A_522 : i32 to index
      %get3A_526 = tpu.vector_load %arg7[%get3A_524, %get3A_525] {strides = array<i32>} : memref<16x256xi32, #tpu.memory_space<vmem>>, vector<16xi32>,
      %add3A_527 = arith.addi %add3A_520, %get3A_526 : vector<16xi32>
      %mul3A_528 = arith.constant 16 : i32
      %mul3A_529 = arith.muli %scan3A_500, %mul3A_528 : i32
      %get3A_530 = arith.constant 4 : i32
      %get3A_531 = arith.index_cast %get3A_530 : i32 to index
      %get3A_532 = arith.index_cast %mul3A_529 : i32 to index
      %get3A_533 = tpu.vector_load %arg7[%get3A_531, %get3A_532] {strides = array<i32>} : memref<16x256xi32, #tpu.memory_space<vmem>>, vector<16xi32>,
      %add3A_534 = arith.addi %add3A_527, %get3A_533 : vector<16xi32>
      %mul3A_535 = arith.constant 16 : i32
      %mul3A_536 = arith.muli %scan3A_500, %mul3A_535 : i32
      %get3A_537 = arith.constant 5 : i32
      %get3A_538 = arith.index_cast %get3A_537 : i32 to index
      %get3A_539 = arith.index_cast %mul3A_536 : i32 to index
      %get3A_540 = tpu.vector_load %arg7[%get3A_538, %get3A_539] {strides = array<i32>} : memref<16x256xi32, #tpu.memory_space<vmem>>, vector<16xi32>,
      %add3A_541 = arith.addi %add3A_534, %get3A_540 : vector<16xi32>
      %mul3A_542 = arith.constant 16 : i32
      %mul3A_543 = arith.muli %scan3A_500, %mul3A_542 : i32
      %get3A_544 = arith.constant 6 : i32
      %get3A_545 = arith.index_cast %get3A_544 : i32 to index
      %get3A_546 = arith.index_cast %mul3A_543 : i32 to index
      %get3A_547 = tpu.vector_load %arg7[%get3A_545, %get3A_546] {strides = array<i32>} : memref<16x256xi32, #tpu.memory_space<vmem>>, vector<16xi32>,
      %add3A_548 = arith.addi %add3A_541, %get3A_547 : vector<16xi32>
      %mul3A_549 = arith.constant 16 : i32
      %mul3A_550 = arith.muli %scan3A_500, %mul3A_549 : i32
      %get3A_551 = arith.constant 7 : i32
      %get3A_552 = arith.index_cast %get3A_551 : i32 to index
      %get3A_553 = arith.index_cast %mul3A_550 : i32 to index
      %get3A_554 = tpu.vector_load %arg7[%get3A_552, %get3A_553] {strides = array<i32>} : memref<16x256xi32, #tpu.memory_space<vmem>>, vector<16xi32>,
      %add3A_555 = arith.addi %add3A_548, %get3A_554 : vector<16xi32>
      %mul3A_556 = arith.constant 16 : i32
      %mul3A_557 = arith.muli %scan3A_500, %mul3A_556 : i32
      %get3A_558 = arith.constant 8 : i32
      %get3A_559 = arith.index_cast %get3A_558 : i32 to index
      %get3A_560 = arith.index_cast %mul3A_557 : i32 to index
      %get3A_561 = tpu.vector_load %arg7[%get3A_559, %get3A_560] {strides = array<i32>} : memref<16x256xi32, #tpu.memory_space<vmem>>, vector<16xi32>,
      %add3A_562 = arith.addi %add3A_555, %get3A_561 : vector<16xi32>
      %mul3A_563 = arith.constant 16 : i32
      %mul3A_564 = arith.muli %scan3A_500, %mul3A_563 : i32
      %get3A_565 = arith.constant 9 : i32
      %get3A_566 = arith.index_cast %get3A_565 : i32 to index
      %get3A_567 = arith.index_cast %mul3A_564 : i32 to index
      %get3A_568 = tpu.vector_load %arg7[%get3A_566, %get3A_567] {strides = array<i32>} : memref<16x256xi32, #tpu.memory_space<vmem>>, vector<16xi32>,
      %add3A_569 = arith.addi %add3A_562, %get3A_568 : vector<16xi32>
      %mul3A_570 = arith.constant 16 : i32
      %mul3A_571 = arith.muli %scan3A_500, %mul3A_570 : i32
      %get3A_572 = arith.constant 10 : i32
      %get3A_573 = arith.index_cast %get3A_572 : i32 to index
      %get3A_574 = arith.index_cast %mul3A_571 : i32 to index
      %get3A_575 = tpu.vector_load %arg7[%get3A_573, %get3A_574] {strides = array<i32>} : memref<16x256xi32, #tpu.memory_space<vmem>>, vector<16xi32>,
      %add3A_576 = arith.addi %add3A_569, %get3A_575 : vector<16xi32>
      %mul3A_577 = arith.constant 16 : i32
      %mul3A_578 = arith.muli %scan3A_500, %mul3A_577 : i32
      %get3A_579 = arith.constant 11 : i32
      %get3A_580 = arith.index_cast %get3A_579 : i32 to index
      %get3A_581 = arith.index_cast %mul3A_578 : i32 to index
      %get3A_582 = tpu.vector_load %arg7[%get3A_580, %get3A_581] {strides = array<i32>} : memref<16x256xi32, #tpu.memory_space<vmem>>, vector<16xi32>,
      %add3A_583 = arith.addi %add3A_576, %get3A_582 : vector<16xi32>
      %mul3A_584 = arith.constant 16 : i32
      %mul3A_585 = arith.muli %scan3A_500, %mul3A_584 : i32
      %get3A_586 = arith.constant 12 : i32
      %get3A_587 = arith.index_cast %get3A_586 : i32 to index
      %get3A_588 = arith.index_cast %mul3A_585 : i32 to index
      %get3A_589 = tpu.vector_load %arg7[%get3A_587, %get3A_588] {strides = array<i32>} : memref<16x256xi32, #tpu.memory_space<vmem>>, vector<16xi32>,
      %add3A_590 = arith.addi %add3A_583, %get3A_589 : vector<16xi32>
      %mul3A_591 = arith.constant 16 : i32
      %mul3A_592 = arith.muli %scan3A_500, %mul3A_591 : i32
      %get3A_593 = arith.constant 13 : i32
      %get3A_594 = arith.index_cast %get3A_593 : i32 to index
      %get3A_595 = arith.index_cast %mul3A_592 : i32 to index
      %get3A_596 = tpu.vector_load %arg7[%get3A_594, %get3A_595] {strides = array<i32>} : memref<16x256xi32, #tpu.memory_space<vmem>>, vector<16xi32>,
      %add3A_597 = arith.addi %add3A_590, %get3A_596 : vector<16xi32>
      %mul3A_598 = arith.constant 16 : i32
      %mul3A_599 = arith.muli %scan3A_500, %mul3A_598 : i32
      %get3A_600 = arith.constant 14 : i32
      %get3A_601 = arith.index_cast %get3A_600 : i32 to index
      %get3A_602 = arith.index_cast %mul3A_599 : i32 to index
      %get3A_603 = tpu.vector_load %arg7[%get3A_601, %get3A_602] {strides = array<i32>} : memref<16x256xi32, #tpu.memory_space<vmem>>, vector<16xi32>,
      %add3A_604 = arith.addi %add3A_597, %get3A_603 : vector<16xi32>
      %mul3A_605 = arith.constant 16 : i32
      %mul3A_606 = arith.muli %scan3A_500, %mul3A_605 : i32
      %get3A_607 = arith.constant 15 : i32
      %get3A_608 = arith.index_cast %get3A_607 : i32 to index
      %get3A_609 = arith.index_cast %mul3A_606 : i32 to index
      %get3A_610 = tpu.vector_load %arg7[%get3A_608, %get3A_609] {strides = array<i32>} : memref<16x256xi32, #tpu.memory_space<vmem>>, vector<16xi32>,
      %add3A_611 = arith.addi %add3A_604, %get3A_610 : vector<16xi32>
      %mul3A_612 = arith.constant 16 : i32
      %mul3A_613 = arith.muli %scan3A_500, %mul3A_612 : i32
      %swap3A = arith.index_cast %mul3A_613 : i32 to index
      %swap3A_614 = tpu.vector_load %arg8[%swap3A] {strides = array<i32>} : memref<256xi32, #tpu.memory_space<vmem>>, vector<16xi32>,
      tpu.vector_store %arg8[%swap3A], %add3A_611 {strides = array<i32>} : memref<256xi32, #tpu.memory_space<vmem>>, vector<16xi32>,
      %scan3A_615 = arith.constant 0 : i32
      scf.yield %scan3A_615 : i32
    }
    %scan3A_53 = arith.constant 16 : i32
    "tpu.region"() ({
      %run_scoped3A = tpu.sem_alloc : memref<!tpu.dma_semaphore, #tpu.memory_space<semaphore_mem>>
      %dma_start3A = arith.constant 0 : i32
      %dma_start3A_500 = tpu.memref_slice %arg12[%arg1, %dma_start3A] : memref<16x256xi32, #tpu.memory_space<vmem_shared>> -> memref<1x256xi32, #tpu.memory_space<vmem_shared>>
      %dma_start3A_501 = tpu.memref_squeeze %dma_start3A_500 : memref<1x256xi32, #tpu.memory_space<vmem_shared>> -> memref<256xi32, #tpu.memory_space<vmem_shared>>
      %dma_start3A_502 = arith.constant 0 : i32
      %dma_start3A_503 = tpu.memref_slice %arg12[%arg1, %dma_start3A_502] : memref<16x256xi32, #tpu.memory_space<vmem_shared>> -> memref<1x256xi32, #tpu.memory_space<vmem_shared>>
      %dma_start3A_504 = tpu.memref_squeeze %dma_start3A_503 : memref<1x256xi32, #tpu.memory_space<vmem_shared>> -> memref<256xi32, #tpu.memory_space<vmem_shared>>
      tpu.enqueue_dma source(%arg8 : memref<256xi32, #tpu.memory_space<vmem>>) target(%dma_start3A_504 : memref<256xi32, #tpu.memory_space<vmem_shared>>) target_semaphore(%run_scoped3A : memref<!tpu.dma_semaphore, #tpu.memory_space<semaphore_mem>>)
      %dma_wait3A = arith.constant 0 : i32
      %dma_wait3A_505 = tpu.memref_slice %arg12[%arg1, %dma_wait3A] : memref<16x256xi32, #tpu.memory_space<vmem_shared>> -> memref<1x256xi32, #tpu.memory_space<vmem_shared>>
      %dma_wait3A_506 = tpu.memref_squeeze %dma_wait3A_505 : memref<1x256xi32, #tpu.memory_space<vmem_shared>> -> memref<256xi32, #tpu.memory_space<vmem_shared>>
      %dma_wait3A_507 = arith.constant 0 : i32
      %dma_wait3A_508 = tpu.memref_slice %arg12[%arg1, %dma_wait3A_507] : memref<16x256xi32, #tpu.memory_space<vmem_shared>> -> memref<1x256xi32, #tpu.memory_space<vmem_shared>>
      %dma_wait3A_509 = tpu.memref_squeeze %dma_wait3A_508 : memref<1x256xi32, #tpu.memory_space<vmem_shared>> -> memref<256xi32, #tpu.memory_space<vmem_shared>>
      tpu.wait_dma2 semaphore(%run_scoped3A : memref<!tpu.dma_semaphore, #tpu.memory_space<semaphore_mem>>) src(%arg8 : memref<256xi32, #tpu.memory_space<vmem>>) dst(%dma_wait3A_509 : memref<256xi32, #tpu.memory_space<vmem_shared>>)
      tpu.yield
    }) : () -> ()
    %barrier3A = arith.constant 0 : index
    tpu.barrier barrier_id(%barrier3A)
    %jit3A_54 = arith.constant 4 : i32
    %div3A_55 = arith.divsi %arg1, %jit3A_54 : i32
    %sign3A_56 = arith.constant 0 : i32
    %sign3A_57 = arith.cmpi sgt, %arg1, %sign3A_56 : i32
    %sign3A_58 = arith.extui %sign3A_57 : i1 to i32
    %sign3A_59 = arith.constant 0 : i32
    %sign3A_60 = arith.cmpi slt, %arg1, %sign3A_59 : i32
    %sign3A_61 = arith.extui %sign3A_60 : i1 to i32
    %sign3A_62 = arith.subi %sign3A_58, %sign3A_61 : i32
    %sign3A_63 = arith.constant 0 : i32
    %sign3A_64 = arith.cmpi sgt, %jit3A_54, %sign3A_63 : i32
    %sign3A_65 = arith.extui %sign3A_64 : i1 to i32
    %sign3A_66 = arith.constant 0 : i32
    %sign3A_67 = arith.cmpi slt, %jit3A_54, %sign3A_66 : i32
    %sign3A_68 = arith.extui %sign3A_67 : i1 to i32
    %sign3A_69 = arith.subi %sign3A_65, %sign3A_68 : i32
    %ne3A_70 = arith.cmpi ne, %sign3A_62, %sign3A_69 : i32
    %rem3A_71 = arith.remsi %arg1, %jit3A_54 : i32
    %ne3A_72 = arith.constant 0 : i32
    %ne3A_73 = arith.cmpi ne, %rem3A_71, %ne3A_72 : i32
    %and3A_74 = arith.andi %ne3A_70, %ne3A_73 : i1
    %sub3A_75 = arith.constant 1 : i32
    %sub3A_76 = arith.subi %div3A_55, %sub3A_75 : i32
    %select_n3A_77 = arith.select %and3A_74, %sub3A_76, %div3A_55 : i32
    %mul3A_78 = arith.constant 4 : i32
    %mul3A_79 = arith.muli %select_n3A_77, %mul3A_78 : i32
    %add3A_80 = arith.constant 0 : i32
    %add3A_81 = arith.addi %mul3A_79, %add3A_80 : i32
    "tpu.region"() ({
      %run_scoped3A = tpu.sem_alloc : memref<!tpu.dma_semaphore, #tpu.memory_space<semaphore_mem>>
      %dma_start3A = arith.constant 0 : i32
      %dma_start3A_500 = tpu.memref_slice %arg12[%add3A_81, %dma_start3A] : memref<16x256xi32, #tpu.memory_space<vmem_shared>> -> memref<1x256xi32, #tpu.memory_space<vmem_shared>>
      %dma_start3A_501 = tpu.memref_squeeze %dma_start3A_500 : memref<1x256xi32, #tpu.memory_space<vmem_shared>> -> memref<256xi32, #tpu.memory_space<vmem_shared>>
      %dma_start3A_502 = arith.constant 0 : i32
      %dma_start3A_503 = tpu.memref_slice %arg12[%add3A_81, %dma_start3A_502] : memref<16x256xi32, #tpu.memory_space<vmem_shared>> -> memref<1x256xi32, #tpu.memory_space<vmem_shared>>
      %dma_start3A_504 = tpu.memref_squeeze %dma_start3A_503 : memref<1x256xi32, #tpu.memory_space<vmem_shared>> -> memref<256xi32, #tpu.memory_space<vmem_shared>>
      tpu.enqueue_dma source(%dma_start3A_504 : memref<256xi32, #tpu.memory_space<vmem_shared>>) target(%arg9 : memref<256xi32, #tpu.memory_space<vmem>>) target_semaphore(%run_scoped3A : memref<!tpu.dma_semaphore, #tpu.memory_space<semaphore_mem>>)
      %dma_wait3A = arith.constant 0 : i32
      %dma_wait3A_505 = tpu.memref_slice %arg12[%add3A_81, %dma_wait3A] : memref<16x256xi32, #tpu.memory_space<vmem_shared>> -> memref<1x256xi32, #tpu.memory_space<vmem_shared>>
      %dma_wait3A_506 = tpu.memref_squeeze %dma_wait3A_505 : memref<1x256xi32, #tpu.memory_space<vmem_shared>> -> memref<256xi32, #tpu.memory_space<vmem_shared>>
      %dma_wait3A_507 = arith.constant 0 : i32
      %dma_wait3A_508 = tpu.memref_slice %arg12[%add3A_81, %dma_wait3A_507] : memref<16x256xi32, #tpu.memory_space<vmem_shared>> -> memref<1x256xi32, #tpu.memory_space<vmem_shared>>
      %dma_wait3A_509 = tpu.memref_squeeze %dma_wait3A_508 : memref<1x256xi32, #tpu.memory_space<vmem_shared>> -> memref<256xi32, #tpu.memory_space<vmem_shared>>
      tpu.wait_dma2 semaphore(%run_scoped3A : memref<!tpu.dma_semaphore, #tpu.memory_space<semaphore_mem>>) src(%dma_wait3A_509 : memref<256xi32, #tpu.memory_space<vmem_shared>>) dst(%arg9 : memref<256xi32, #tpu.memory_space<vmem>>)
      tpu.yield
    }) : () -> ()
    %scan3A_82 = arith.constant 0 : i32
    %scan3A_83 = arith.constant 0 : i32
    %scan3A_84 = arith.constant 16 : i32
    %scan3A_85 = arith.addi %scan3A_83, %scan3A_84 : i32
    %scan3A_86 = arith.constant 1 : i32
    %scan3A_87 = scf.for %scan3A_500 = %scan3A_83 to %scan3A_85 step %scan3A_86 iter_args(%scan3A_501 = %scan3A_82) -> (i32)  : i32 {
      %mul3A_502 = arith.constant 16 : i32
      %mul3A_503 = arith.muli %scan3A_500, %mul3A_502 : i32
      %get3A = arith.index_cast %mul3A_503 : i32 to index
      %get3A_504 = tpu.vector_load %arg9[%get3A] {strides = array<i32>} : memref<256xi32, #tpu.memory_space<vmem>>, vector<16xi32>,
      %mul3A_505 = arith.constant 16 : i32
      %mul3A_506 = arith.muli %scan3A_500, %mul3A_505 : i32
      %swap3A = arith.index_cast %mul3A_506 : i32 to index
      %swap3A_507 = tpu.vector_load %arg10[%swap3A] {strides = array<i32>} : memref<256xi32, #tpu.memory_space<vmem>>, vector<16xi32>,
      tpu.vector_store %arg10[%swap3A], %get3A_504 {strides = array<i32>} : memref<256xi32, #tpu.memory_space<vmem>>, vector<16xi32>,
      %scan3A_508 = arith.constant 0 : i32
      scf.yield %scan3A_508 : i32
    }
    %scan3A_88 = arith.constant 16 : i32
    %add3A_89 = arith.constant 1 : i32
    %add3A_90 = arith.addi %mul3A_79, %add3A_89 : i32
    "tpu.region"() ({
      %run_scoped3A = tpu.sem_alloc : memref<!tpu.dma_semaphore, #tpu.memory_space<semaphore_mem>>
      %dma_start3A = arith.constant 0 : i32
      %dma_start3A_500 = tpu.memref_slice %arg12[%add3A_90, %dma_start3A] : memref<16x256xi32, #tpu.memory_space<vmem_shared>> -> memref<1x256xi32, #tpu.memory_space<vmem_shared>>
      %dma_start3A_501 = tpu.memref_squeeze %dma_start3A_500 : memref<1x256xi32, #tpu.memory_space<vmem_shared>> -> memref<256xi32, #tpu.memory_space<vmem_shared>>
      %dma_start3A_502 = arith.constant 0 : i32
      %dma_start3A_503 = tpu.memref_slice %arg12[%add3A_90, %dma_start3A_502] : memref<16x256xi32, #tpu.memory_space<vmem_shared>> -> memref<1x256xi32, #tpu.memory_space<vmem_shared>>
      %dma_start3A_504 = tpu.memref_squeeze %dma_start3A_503 : memref<1x256xi32, #tpu.memory_space<vmem_shared>> -> memref<256xi32, #tpu.memory_space<vmem_shared>>
      tpu.enqueue_dma source(%dma_start3A_504 : memref<256xi32, #tpu.memory_space<vmem_shared>>) target(%arg9 : memref<256xi32, #tpu.memory_space<vmem>>) target_semaphore(%run_scoped3A : memref<!tpu.dma_semaphore, #tpu.memory_space<semaphore_mem>>)
      %dma_wait3A = arith.constant 0 : i32
      %dma_wait3A_505 = tpu.memref_slice %arg12[%add3A_90, %dma_wait3A] : memref<16x256xi32, #tpu.memory_space<vmem_shared>> -> memref<1x256xi32, #tpu.memory_space<vmem_shared>>
      %dma_wait3A_506 = tpu.memref_squeeze %dma_wait3A_505 : memref<1x256xi32, #tpu.memory_space<vmem_shared>> -> memref<256xi32, #tpu.memory_space<vmem_shared>>
      %dma_wait3A_507 = arith.constant 0 : i32
      %dma_wait3A_508 = tpu.memref_slice %arg12[%add3A_90, %dma_wait3A_507] : memref<16x256xi32, #tpu.memory_space<vmem_shared>> -> memref<1x256xi32, #tpu.memory_space<vmem_shared>>
      %dma_wait3A_509 = tpu.memref_squeeze %dma_wait3A_508 : memref<1x256xi32, #tpu.memory_space<vmem_shared>> -> memref<256xi32, #tpu.memory_space<vmem_shared>>
      tpu.wait_dma2 semaphore(%run_scoped3A : memref<!tpu.dma_semaphore, #tpu.memory_space<semaphore_mem>>) src(%dma_wait3A_509 : memref<256xi32, #tpu.memory_space<vmem_shared>>) dst(%arg9 : memref<256xi32, #tpu.memory_space<vmem>>)
      tpu.yield
    }) : () -> ()
    %scan3A_91 = arith.constant 0 : i32
    %scan3A_92 = arith.constant 0 : i32
    %scan3A_93 = arith.constant 16 : i32
    %scan3A_94 = arith.addi %scan3A_92, %scan3A_93 : i32
    %scan3A_95 = arith.constant 1 : i32
    %scan3A_96 = scf.for %scan3A_500 = %scan3A_92 to %scan3A_94 step %scan3A_95 iter_args(%scan3A_501 = %scan3A_91) -> (i32)  : i32 {
      %mul3A_502 = arith.constant 16 : i32
      %mul3A_503 = arith.muli %scan3A_500, %mul3A_502 : i32
      %get3A = arith.index_cast %mul3A_503 : i32 to index
      %get3A_504 = tpu.vector_load %arg9[%get3A] {strides = array<i32>} : memref<256xi32, #tpu.memory_space<vmem>>, vector<16xi32>,
      %mul3A_505 = arith.constant 16 : i32
      %mul3A_506 = arith.muli %scan3A_500, %mul3A_505 : i32
      %get3A_507 = arith.index_cast %mul3A_506 : i32 to index
      %get3A_508 = tpu.vector_load %arg10[%get3A_507] {strides = array<i32>} : memref<256xi32, #tpu.memory_space<vmem>>, vector<16xi32>,
      %add3A_509 = arith.addi %get3A_508, %get3A_504 : vector<16xi32>
      %mul3A_510 = arith.constant 16 : i32
      %mul3A_511 = arith.muli %scan3A_500, %mul3A_510 : i32
      %swap3A = arith.index_cast %mul3A_511 : i32 to index
      %swap3A_512 = tpu.vector_load %arg10[%swap3A] {strides = array<i32>} : memref<256xi32, #tpu.memory_space<vmem>>, vector<16xi32>,
      tpu.vector_store %arg10[%swap3A], %add3A_509 {strides = array<i32>} : memref<256xi32, #tpu.memory_space<vmem>>, vector<16xi32>,
      %scan3A_513 = arith.constant 0 : i32
      scf.yield %scan3A_513 : i32
    }
    %scan3A_97 = arith.constant 16 : i32
    %add3A_98 = arith.constant 2 : i32
    %add3A_99 = arith.addi %mul3A_79, %add3A_98 : i32
    "tpu.region"() ({
      %run_scoped3A = tpu.sem_alloc : memref<!tpu.dma_semaphore, #tpu.memory_space<semaphore_mem>>
      %dma_start3A = arith.constant 0 : i32
      %dma_start3A_500 = tpu.memref_slice %arg12[%add3A_99, %dma_start3A] : memref<16x256xi32, #tpu.memory_space<vmem_shared>> -> memref<1x256xi32, #tpu.memory_space<vmem_shared>>
      %dma_start3A_501 = tpu.memref_squeeze %dma_start3A_500 : memref<1x256xi32, #tpu.memory_space<vmem_shared>> -> memref<256xi32, #tpu.memory_space<vmem_shared>>
      %dma_start3A_502 = arith.constant 0 : i32
      %dma_start3A_503 = tpu.memref_slice %arg12[%add3A_99, %dma_start3A_502] : memref<16x256xi32, #tpu.memory_space<vmem_shared>> -> memref<1x256xi32, #tpu.memory_space<vmem_shared>>
      %dma_start3A_504 = tpu.memref_squeeze %dma_start3A_503 : memref<1x256xi32, #tpu.memory_space<vmem_shared>> -> memref<256xi32, #tpu.memory_space<vmem_shared>>
      tpu.enqueue_dma source(%dma_start3A_504 : memref<256xi32, #tpu.memory_space<vmem_shared>>) target(%arg9 : memref<256xi32, #tpu.memory_space<vmem>>) target_semaphore(%run_scoped3A : memref<!tpu.dma_semaphore, #tpu.memory_space<semaphore_mem>>)
      %dma_wait3A = arith.constant 0 : i32
      %dma_wait3A_505 = tpu.memref_slice %arg12[%add3A_99, %dma_wait3A] : memref<16x256xi32, #tpu.memory_space<vmem_shared>> -> memref<1x256xi32, #tpu.memory_space<vmem_shared>>
      %dma_wait3A_506 = tpu.memref_squeeze %dma_wait3A_505 : memref<1x256xi32, #tpu.memory_space<vmem_shared>> -> memref<256xi32, #tpu.memory_space<vmem_shared>>
      %dma_wait3A_507 = arith.constant 0 : i32
      %dma_wait3A_508 = tpu.memref_slice %arg12[%add3A_99, %dma_wait3A_507] : memref<16x256xi32, #tpu.memory_space<vmem_shared>> -> memref<1x256xi32, #tpu.memory_space<vmem_shared>>
      %dma_wait3A_509 = tpu.memref_squeeze %dma_wait3A_508 : memref<1x256xi32, #tpu.memory_space<vmem_shared>> -> memref<256xi32, #tpu.memory_space<vmem_shared>>
      tpu.wait_dma2 semaphore(%run_scoped3A : memref<!tpu.dma_semaphore, #tpu.memory_space<semaphore_mem>>) src(%dma_wait3A_509 : memref<256xi32, #tpu.memory_space<vmem_shared>>) dst(%arg9 : memref<256xi32, #tpu.memory_space<vmem>>)
      tpu.yield
    }) : () -> ()
    %scan3A_100 = arith.constant 0 : i32
    %scan3A_101 = arith.constant 0 : i32
    %scan3A_102 = arith.constant 16 : i32
    %scan3A_103 = arith.addi %scan3A_101, %scan3A_102 : i32
    %scan3A_104 = arith.constant 1 : i32
    %scan3A_105 = scf.for %scan3A_500 = %scan3A_101 to %scan3A_103 step %scan3A_104 iter_args(%scan3A_501 = %scan3A_100) -> (i32)  : i32 {
      %mul3A_502 = arith.constant 16 : i32
      %mul3A_503 = arith.muli %scan3A_500, %mul3A_502 : i32
      %get3A = arith.index_cast %mul3A_503 : i32 to index
      %get3A_504 = tpu.vector_load %arg9[%get3A] {strides = array<i32>} : memref<256xi32, #tpu.memory_space<vmem>>, vector<16xi32>,
      %mul3A_505 = arith.constant 16 : i32
      %mul3A_506 = arith.muli %scan3A_500, %mul3A_505 : i32
      %get3A_507 = arith.index_cast %mul3A_506 : i32 to index
      %get3A_508 = tpu.vector_load %arg10[%get3A_507] {strides = array<i32>} : memref<256xi32, #tpu.memory_space<vmem>>, vector<16xi32>,
      %add3A_509 = arith.addi %get3A_508, %get3A_504 : vector<16xi32>
      %mul3A_510 = arith.constant 16 : i32
      %mul3A_511 = arith.muli %scan3A_500, %mul3A_510 : i32
      %swap3A = arith.index_cast %mul3A_511 : i32 to index
      %swap3A_512 = tpu.vector_load %arg10[%swap3A] {strides = array<i32>} : memref<256xi32, #tpu.memory_space<vmem>>, vector<16xi32>,
      tpu.vector_store %arg10[%swap3A], %add3A_509 {strides = array<i32>} : memref<256xi32, #tpu.memory_space<vmem>>, vector<16xi32>,
      %scan3A_513 = arith.constant 0 : i32
      scf.yield %scan3A_513 : i32
    }
    %scan3A_106 = arith.constant 16 : i32
    %add3A_107 = arith.constant 3 : i32
    %add3A_108 = arith.addi %mul3A_79, %add3A_107 : i32
    "tpu.region"() ({
      %run_scoped3A = tpu.sem_alloc : memref<!tpu.dma_semaphore, #tpu.memory_space<semaphore_mem>>
      %dma_start3A = arith.constant 0 : i32
      %dma_start3A_500 = tpu.memref_slice %arg12[%add3A_108, %dma_start3A] : memref<16x256xi32, #tpu.memory_space<vmem_shared>> -> memref<1x256xi32, #tpu.memory_space<vmem_shared>>
      %dma_start3A_501 = tpu.memref_squeeze %dma_start3A_500 : memref<1x256xi32, #tpu.memory_space<vmem_shared>> -> memref<256xi32, #tpu.memory_space<vmem_shared>>
      %dma_start3A_502 = arith.constant 0 : i32
      %dma_start3A_503 = tpu.memref_slice %arg12[%add3A_108, %dma_start3A_502] : memref<16x256xi32, #tpu.memory_space<vmem_shared>> -> memref<1x256xi32, #tpu.memory_space<vmem_shared>>
      %dma_start3A_504 = tpu.memref_squeeze %dma_start3A_503 : memref<1x256xi32, #tpu.memory_space<vmem_shared>> -> memref<256xi32, #tpu.memory_space<vmem_shared>>
      tpu.enqueue_dma source(%dma_start3A_504 : memref<256xi32, #tpu.memory_space<vmem_shared>>) target(%arg9 : memref<256xi32, #tpu.memory_space<vmem>>) target_semaphore(%run_scoped3A : memref<!tpu.dma_semaphore, #tpu.memory_space<semaphore_mem>>)
      %dma_wait3A = arith.constant 0 : i32
      %dma_wait3A_505 = tpu.memref_slice %arg12[%add3A_108, %dma_wait3A] : memref<16x256xi32, #tpu.memory_space<vmem_shared>> -> memref<1x256xi32, #tpu.memory_space<vmem_shared>>
      %dma_wait3A_506 = tpu.memref_squeeze %dma_wait3A_505 : memref<1x256xi32, #tpu.memory_space<vmem_shared>> -> memref<256xi32, #tpu.memory_space<vmem_shared>>
      %dma_wait3A_507 = arith.constant 0 : i32
      %dma_wait3A_508 = tpu.memref_slice %arg12[%add3A_108, %dma_wait3A_507] : memref<16x256xi32, #tpu.memory_space<vmem_shared>> -> memref<1x256xi32, #tpu.memory_space<vmem_shared>>
      %dma_wait3A_509 = tpu.memref_squeeze %dma_wait3A_508 : memref<1x256xi32, #tpu.memory_space<vmem_shared>> -> memref<256xi32, #tpu.memory_space<vmem_shared>>
      tpu.wait_dma2 semaphore(%run_scoped3A : memref<!tpu.dma_semaphore, #tpu.memory_space<semaphore_mem>>) src(%dma_wait3A_509 : memref<256xi32, #tpu.memory_space<vmem_shared>>) dst(%arg9 : memref<256xi32, #tpu.memory_space<vmem>>)
      tpu.yield
    }) : () -> ()
    %scan3A_109 = arith.constant 0 : i32
    %scan3A_110 = arith.constant 0 : i32
    %scan3A_111 = arith.constant 16 : i32
    %scan3A_112 = arith.addi %scan3A_110, %scan3A_111 : i32
    %scan3A_113 = arith.constant 1 : i32
    %scan3A_114 = scf.for %scan3A_500 = %scan3A_110 to %scan3A_112 step %scan3A_113 iter_args(%scan3A_501 = %scan3A_109) -> (i32)  : i32 {
      %mul3A_502 = arith.constant 16 : i32
      %mul3A_503 = arith.muli %scan3A_500, %mul3A_502 : i32
      %get3A = arith.index_cast %mul3A_503 : i32 to index
      %get3A_504 = tpu.vector_load %arg9[%get3A] {strides = array<i32>} : memref<256xi32, #tpu.memory_space<vmem>>, vector<16xi32>,
      %mul3A_505 = arith.constant 16 : i32
      %mul3A_506 = arith.muli %scan3A_500, %mul3A_505 : i32
      %get3A_507 = arith.index_cast %mul3A_506 : i32 to index
      %get3A_508 = tpu.vector_load %arg10[%get3A_507] {strides = array<i32>} : memref<256xi32, #tpu.memory_space<vmem>>, vector<16xi32>,
      %add3A_509 = arith.addi %get3A_508, %get3A_504 : vector<16xi32>
      %mul3A_510 = arith.constant 16 : i32
      %mul3A_511 = arith.muli %scan3A_500, %mul3A_510 : i32
      %swap3A = arith.index_cast %mul3A_511 : i32 to index
      %swap3A_512 = tpu.vector_load %arg10[%swap3A] {strides = array<i32>} : memref<256xi32, #tpu.memory_space<vmem>>, vector<16xi32>,
      tpu.vector_store %arg10[%swap3A], %add3A_509 {strides = array<i32>} : memref<256xi32, #tpu.memory_space<vmem>>, vector<16xi32>,
      %scan3A_513 = arith.constant 0 : i32
      scf.yield %scan3A_513 : i32
    }
    %scan3A_115 = arith.constant 16 : i32
    %barrier3A_116 = arith.constant 0 : index
    tpu.barrier barrier_id(%barrier3A_116)
    %scan3A_117 = arith.constant 73728 : i32
    %scan3A_118 = arith.constant 0 : i32
    %scan3A_119 = arith.constant 0 : i32
    %scan3A_120 = arith.constant 0 : i32
    %scan3A_121 = arith.constant 0 : i32
    %scan3A_122 = arith.constant 0 : i32
    %scan3A_123 = arith.constant 16 : i32
    %scan3A_124 = arith.addi %scan3A_122, %scan3A_123 : i32
    %scan3A_125 = arith.constant 1 : i32
    %scan3A_126:4 = scf.for %scan3A_500 = %scan3A_122 to %scan3A_124 step %scan3A_125 iter_args(%scan3A_501 = %scan3A_118, %scan3A_502 = %scan3A_119, %scan3A_503 = %scan3A_120, %scan3A_504 = %scan3A_121) -> (i32, i32, i32, i32)  : i32 {
      %sub3A_505 = arith.constant 15 : i32
      %sub3A_506 = arith.subi %sub3A_505, %scan3A_500 : i32
      %mul3A_507 = arith.constant 16 : i32
      %mul3A_508 = arith.muli %sub3A_506, %mul3A_507 : i32
      %get3A = arith.index_cast %mul3A_508 : i32 to index
      %get3A_509 = tpu.vector_load %arg10[%get3A] {strides = array<i32>} : memref<256xi32, #tpu.memory_space<vmem>>, vector<16xi32>,
      %reduce_sum3A = arith.constant true
      %reduce_sum3A_510 = vector.broadcast %reduce_sum3A : i1 to vector<16xi1>
      %reduce_sum3A_511 = tpu.scan <sum>, %get3A_509 masked %reduce_sum3A_510 : vector<16xi32>, vector<16xi1> -> vector<16xi32>
      %reduce_sum3A_512 = vector.extract %reduce_sum3A_511[15] : i32 from vector<16xi32>
      %broadcast_in_dim3A_513 = arith.constant true
      %broadcast_in_dim3A_514 = vector.broadcast %broadcast_in_dim3A_513 : i1 to vector<16xi1>
      %masked_cumsum3A = tpu.scan <sum>, %get3A_509 masked %broadcast_in_dim3A_514 : vector<16xi32>, vector<16xi1> -> vector<16xi32>
      %sub3A_515 = vector.broadcast %reduce_sum3A_512 : i32 to vector<16xi32>
      %sub3A_516 = arith.subi %sub3A_515, %masked_cumsum3A : vector<16xi32>
      %add3A_517 = arith.addi %sub3A_516, %get3A_509 : vector<16xi32>
      %add3A_518 = vector.broadcast %scan3A_501 : i32 to vector<16xi32>
      %add3A_519 = arith.addi %add3A_518, %add3A_517 : vector<16xi32>
      %ge3A_520 = vector.broadcast %scan3A_117 : i32 to vector<16xi32>
      %ge3A_521 = arith.cmpi sge, %add3A_519, %ge3A_520 : vector<16xi32>
      %convert_element_type3A_522 = arith.extui %ge3A_521 : vector<16xi1> to vector<16xi32>
      %reduce_max3A = arith.constant true
      %reduce_max3A_523 = vector.broadcast %reduce_max3A : i1 to vector<16xi1>
      %reduce_max3A_524 = arith.constant -2147483648 : i32
      %reduce_max3A_525 = vector.broadcast %reduce_max3A_524 : i32 to vector<16xi32>
      %reduce_max3A_526 = arith.xori %convert_element_type3A_522, %reduce_max3A_525 : vector<16xi32>
      %reduce_max3A_527 = tpu.scan <max>, %reduce_max3A_526 masked %reduce_max3A_523 : vector<16xi32>, vector<16xi1> -> vector<16xi32>
      %reduce_max3A_528 = arith.xori %reduce_max3A_527, %reduce_max3A_525 : vector<16xi32>
      %reduce_max3A_529 = vector.extract %reduce_max3A_528[15] : i32 from vector<16xi32>
      %jit3A_530 = arith.constant -1 : i32
      %broadcast_in_dim3A_531 = vector.broadcast %jit3A_530 : i32 to vector<16xi32>
      %select_n3A_532 = arith.select %ge3A_521, %iota3A, %broadcast_in_dim3A_531 : vector<16xi1>, vector<16xi32>
      %reduce_max3A_533 = arith.constant true
      %reduce_max3A_534 = vector.broadcast %reduce_max3A_533 : i1 to vector<16xi1>
      %reduce_max3A_535 = arith.constant -2147483648 : i32
      %reduce_max3A_536 = vector.broadcast %reduce_max3A_535 : i32 to vector<16xi32>
      %reduce_max3A_537 = arith.xori %select_n3A_532, %reduce_max3A_536 : vector<16xi32>
      %reduce_max3A_538 = tpu.scan <max>, %reduce_max3A_537 masked %reduce_max3A_534 : vector<16xi32>, vector<16xi1> -> vector<16xi32>
      %reduce_max3A_539 = arith.xori %reduce_max3A_538, %reduce_max3A_536 : vector<16xi32>
      %reduce_max3A_540 = vector.extract %reduce_max3A_539[15] : i32 from vector<16xi32>
      %eq3A_541 = vector.broadcast %reduce_max3A_540 : i32 to vector<16xi32>
      %eq3A_542 = arith.cmpi eq, %iota3A, %eq3A_541 : vector<16xi32>
      %jit3A_543 = arith.constant 0 : i32
      %broadcast_in_dim3A_544 = vector.broadcast %jit3A_543 : i32 to vector<16xi32>
      %select_n3A_545 = arith.select %eq3A_542, %add3A_517, %broadcast_in_dim3A_544 : vector<16xi1>, vector<16xi32>
      %reduce_sum3A_546 = arith.constant true
      %reduce_sum3A_547 = vector.broadcast %reduce_sum3A_546 : i1 to vector<16xi1>
      %reduce_sum3A_548 = tpu.scan <sum>, %select_n3A_545 masked %reduce_sum3A_547 : vector<16xi32>, vector<16xi1> -> vector<16xi32>
      %reduce_sum3A_549 = vector.extract %reduce_sum3A_548[15] : i32 from vector<16xi32>
      %eq3A_550 = vector.broadcast %reduce_max3A_540 : i32 to vector<16xi32>
      %eq3A_551 = arith.cmpi eq, %iota3A, %eq3A_550 : vector<16xi32>
      %jit3A_552 = arith.constant 0 : i32
      %broadcast_in_dim3A_553 = vector.broadcast %jit3A_552 : i32 to vector<16xi32>
      %select_n3A_554 = arith.select %eq3A_551, %get3A_509, %broadcast_in_dim3A_553 : vector<16xi1>, vector<16xi32>
      %reduce_sum3A_555 = arith.constant true
      %reduce_sum3A_556 = vector.broadcast %reduce_sum3A_555 : i1 to vector<16xi1>
      %reduce_sum3A_557 = tpu.scan <sum>, %select_n3A_554 masked %reduce_sum3A_556 : vector<16xi32>, vector<16xi1> -> vector<16xi32>
      %reduce_sum3A_558 = vector.extract %reduce_sum3A_557[15] : i32 from vector<16xi32>
      %eq3A_559 = arith.constant 0 : i32
      %eq3A_560 = arith.cmpi eq, %scan3A_502, %eq3A_559 : i32
      %eq3A_561 = arith.constant 1 : i32
      %eq3A_562 = arith.cmpi eq, %reduce_max3A_529, %eq3A_561 : i32
      %and3A_563 = arith.andi %eq3A_560, %eq3A_562 : i1
      %mul3A_564 = arith.constant 16 : i32
      %mul3A_565 = arith.muli %sub3A_506, %mul3A_564 : i32
      %add3A_566 = arith.addi %mul3A_565, %reduce_max3A_540 : i32
      %select_n3A_567 = arith.select %and3A_563, %add3A_566, %scan3A_503 : i32
      %add3A_568 = arith.addi %scan3A_501, %reduce_sum3A_549 : i32
      %sub3A_569 = arith.subi %add3A_568, %reduce_sum3A_558 : i32
      %select_n3A_570 = arith.select %and3A_563, %sub3A_569, %scan3A_504 : i32
      %jit3A_571 = arith.constant 1 : i32
      %select_n3A_572 = arith.select %and3A_563, %jit3A_571, %scan3A_502 : i32
      %add3A_573 = arith.addi %scan3A_501, %reduce_sum3A_512 : i32
      scf.yield %add3A_573, %select_n3A_572, %select_n3A_567, %select_n3A_570 : i32, i32, i32, i32
    }
    %scan3A_127 = arith.constant 16 : i32
    %sub3A_128 = arith.constant 73728 : i32
    %sub3A_129 = arith.subi %sub3A_128, %scan3A_126#3 : i32
    %shift_left3A = arith.constant 24 : i32
    %shift_left3A_130 = arith.shli %scan3A_126#2, %shift_left3A : i32
    %scan3A_131 = arith.constant 0 : i32
    %scan3A_132 = arith.constant 0 : i32
    %scan3A_133 = arith.constant 16 : i32
    %scan3A_134 = arith.addi %scan3A_132, %scan3A_133 : i32
    %scan3A_135 = arith.constant 1 : i32
    %scan3A_136 = scf.for %scan3A_500 = %scan3A_132 to %scan3A_134 step %scan3A_135 iter_args(%scan3A_501 = %scan3A_131) -> (i32)  : i32 {
      %broadcast_in_dim3A_502 = arith.constant 0 : i32
      %broadcast_in_dim3A_503 = vector.broadcast %broadcast_in_dim3A_502 : i32 to vector<16xi32>
      %swap3A = arith.index_cast %scan3A_500 : i32 to index
      %swap3A_504 = arith.constant 0 : index
      %swap3A_505 = tpu.vector_load %arg7[%swap3A, %swap3A_504] {strides = array<i32>} : memref<16x256xi32, #tpu.memory_space<vmem>>, vector<16xi32>,
      tpu.vector_store %arg7[%swap3A, %swap3A_504], %broadcast_in_dim3A_503 {strides = array<i32>} : memref<16x256xi32, #tpu.memory_space<vmem>>, vector<16xi32>,
      %broadcast_in_dim3A_506 = arith.constant 0 : i32
      %broadcast_in_dim3A_507 = vector.broadcast %broadcast_in_dim3A_506 : i32 to vector<16xi32>
      %swap3A_508 = arith.index_cast %scan3A_500 : i32 to index
      %swap3A_509 = arith.constant 16 : index
      %swap3A_510 = tpu.vector_load %arg7[%swap3A_508, %swap3A_509] {strides = array<i32>} : memref<16x256xi32, #tpu.memory_space<vmem>>, vector<16xi32>,
      tpu.vector_store %arg7[%swap3A_508, %swap3A_509], %broadcast_in_dim3A_507 {strides = array<i32>} : memref<16x256xi32, #tpu.memory_space<vmem>>, vector<16xi32>,
      %broadcast_in_dim3A_511 = arith.constant 0 : i32
      %broadcast_in_dim3A_512 = vector.broadcast %broadcast_in_dim3A_511 : i32 to vector<16xi32>
      %swap3A_513 = arith.index_cast %scan3A_500 : i32 to index
      %swap3A_514 = arith.constant 32 : index
      %swap3A_515 = tpu.vector_load %arg7[%swap3A_513, %swap3A_514] {strides = array<i32>} : memref<16x256xi32, #tpu.memory_space<vmem>>, vector<16xi32>,
      tpu.vector_store %arg7[%swap3A_513, %swap3A_514], %broadcast_in_dim3A_512 {strides = array<i32>} : memref<16x256xi32, #tpu.memory_space<vmem>>, vector<16xi32>,
      %broadcast_in_dim3A_516 = arith.constant 0 : i32
      %broadcast_in_dim3A_517 = vector.broadcast %broadcast_in_dim3A_516 : i32 to vector<16xi32>
      %swap3A_518 = arith.index_cast %scan3A_500 : i32 to index
      %swap3A_519 = arith.constant 48 : index
      %swap3A_520 = tpu.vector_load %arg7[%swap3A_518, %swap3A_519] {strides = array<i32>} : memref<16x256xi32, #tpu.memory_space<vmem>>, vector<16xi32>,
      tpu.vector_store %arg7[%swap3A_518, %swap3A_519], %broadcast_in_dim3A_517 {strides = array<i32>} : memref<16x256xi32, #tpu.memory_space<vmem>>, vector<16xi32>,
      %broadcast_in_dim3A_521 = arith.constant 0 : i32
      %broadcast_in_dim3A_522 = vector.broadcast %broadcast_in_dim3A_521 : i32 to vector<16xi32>
      %swap3A_523 = arith.index_cast %scan3A_500 : i32 to index
      %swap3A_524 = arith.constant 64 : index
      %swap3A_525 = tpu.vector_load %arg7[%swap3A_523, %swap3A_524] {strides = array<i32>} : memref<16x256xi32, #tpu.memory_space<vmem>>, vector<16xi32>,
      tpu.vector_store %arg7[%swap3A_523, %swap3A_524], %broadcast_in_dim3A_522 {strides = array<i32>} : memref<16x256xi32, #tpu.memory_space<vmem>>, vector<16xi32>,
      %broadcast_in_dim3A_526 = arith.constant 0 : i32
      %broadcast_in_dim3A_527 = vector.broadcast %broadcast_in_dim3A_526 : i32 to vector<16xi32>
      %swap3A_528 = arith.index_cast %scan3A_500 : i32 to index
      %swap3A_529 = arith.constant 80 : index
      %swap3A_530 = tpu.vector_load %arg7[%swap3A_528, %swap3A_529] {strides = array<i32>} : memref<16x256xi32, #tpu.memory_space<vmem>>, vector<16xi32>,
      tpu.vector_store %arg7[%swap3A_528, %swap3A_529], %broadcast_in_dim3A_527 {strides = array<i32>} : memref<16x256xi32, #tpu.memory_space<vmem>>, vector<16xi32>,
      %broadcast_in_dim3A_531 = arith.constant 0 : i32
      %broadcast_in_dim3A_532 = vector.broadcast %broadcast_in_dim3A_531 : i32 to vector<16xi32>
      %swap3A_533 = arith.index_cast %scan3A_500 : i32 to index
      %swap3A_534 = arith.constant 96 : index
      %swap3A_535 = tpu.vector_load %arg7[%swap3A_533, %swap3A_534] {strides = array<i32>} : memref<16x256xi32, #tpu.memory_space<vmem>>, vector<16xi32>,
      tpu.vector_store %arg7[%swap3A_533, %swap3A_534], %broadcast_in_dim3A_532 {strides = array<i32>} : memref<16x256xi32, #tpu.memory_space<vmem>>, vector<16xi32>,
      %broadcast_in_dim3A_536 = arith.constant 0 : i32
      %broadcast_in_dim3A_537 = vector.broadcast %broadcast_in_dim3A_536 : i32 to vector<16xi32>
      %swap3A_538 = arith.index_cast %scan3A_500 : i32 to index
      %swap3A_539 = arith.constant 112 : index
      %swap3A_540 = tpu.vector_load %arg7[%swap3A_538, %swap3A_539] {strides = array<i32>} : memref<16x256xi32, #tpu.memory_space<vmem>>, vector<16xi32>,
      tpu.vector_store %arg7[%swap3A_538, %swap3A_539], %broadcast_in_dim3A_537 {strides = array<i32>} : memref<16x256xi32, #tpu.memory_space<vmem>>, vector<16xi32>,
      %broadcast_in_dim3A_541 = arith.constant 0 : i32
      %broadcast_in_dim3A_542 = vector.broadcast %broadcast_in_dim3A_541 : i32 to vector<16xi32>
      %swap3A_543 = arith.index_cast %scan3A_500 : i32 to index
      %swap3A_544 = arith.constant 128 : index
      %swap3A_545 = tpu.vector_load %arg7[%swap3A_543, %swap3A_544] {strides = array<i32>} : memref<16x256xi32, #tpu.memory_space<vmem>>, vector<16xi32>,
      tpu.vector_store %arg7[%swap3A_543, %swap3A_544], %broadcast_in_dim3A_542 {strides = array<i32>} : memref<16x256xi32, #tpu.memory_space<vmem>>, vector<16xi32>,
      %broadcast_in_dim3A_546 = arith.constant 0 : i32
      %broadcast_in_dim3A_547 = vector.broadcast %broadcast_in_dim3A_546 : i32 to vector<16xi32>
      %swap3A_548 = arith.index_cast %scan3A_500 : i32 to index
      %swap3A_549 = arith.constant 144 : index
      %swap3A_550 = tpu.vector_load %arg7[%swap3A_548, %swap3A_549] {strides = array<i32>} : memref<16x256xi32, #tpu.memory_space<vmem>>, vector<16xi32>,
      tpu.vector_store %arg7[%swap3A_548, %swap3A_549], %broadcast_in_dim3A_547 {strides = array<i32>} : memref<16x256xi32, #tpu.memory_space<vmem>>, vector<16xi32>,
      %broadcast_in_dim3A_551 = arith.constant 0 : i32
      %broadcast_in_dim3A_552 = vector.broadcast %broadcast_in_dim3A_551 : i32 to vector<16xi32>
      %swap3A_553 = arith.index_cast %scan3A_500 : i32 to index
      %swap3A_554 = arith.constant 160 : index
      %swap3A_555 = tpu.vector_load %arg7[%swap3A_553, %swap3A_554] {strides = array<i32>} : memref<16x256xi32, #tpu.memory_space<vmem>>, vector<16xi32>,
      tpu.vector_store %arg7[%swap3A_553, %swap3A_554], %broadcast_in_dim3A_552 {strides = array<i32>} : memref<16x256xi32, #tpu.memory_space<vmem>>, vector<16xi32>,
      %broadcast_in_dim3A_556 = arith.constant 0 : i32
      %broadcast_in_dim3A_557 = vector.broadcast %broadcast_in_dim3A_556 : i32 to vector<16xi32>
      %swap3A_558 = arith.index_cast %scan3A_500 : i32 to index
      %swap3A_559 = arith.constant 176 : index
      %swap3A_560 = tpu.vector_load %arg7[%swap3A_558, %swap3A_559] {strides = array<i32>} : memref<16x256xi32, #tpu.memory_space<vmem>>, vector<16xi32>,
      tpu.vector_store %arg7[%swap3A_558, %swap3A_559], %broadcast_in_dim3A_557 {strides = array<i32>} : memref<16x256xi32, #tpu.memory_space<vmem>>, vector<16xi32>,
      %broadcast_in_dim3A_561 = arith.constant 0 : i32
      %broadcast_in_dim3A_562 = vector.broadcast %broadcast_in_dim3A_561 : i32 to vector<16xi32>
      %swap3A_563 = arith.index_cast %scan3A_500 : i32 to index
      %swap3A_564 = arith.constant 192 : index
      %swap3A_565 = tpu.vector_load %arg7[%swap3A_563, %swap3A_564] {strides = array<i32>} : memref<16x256xi32, #tpu.memory_space<vmem>>, vector<16xi32>,
      tpu.vector_store %arg7[%swap3A_563, %swap3A_564], %broadcast_in_dim3A_562 {strides = array<i32>} : memref<16x256xi32, #tpu.memory_space<vmem>>, vector<16xi32>,
      %broadcast_in_dim3A_566 = arith.constant 0 : i32
      %broadcast_in_dim3A_567 = vector.broadcast %broadcast_in_dim3A_566 : i32 to vector<16xi32>
      %swap3A_568 = arith.index_cast %scan3A_500 : i32 to index
      %swap3A_569 = arith.constant 208 : index
      %swap3A_570 = tpu.vector_load %arg7[%swap3A_568, %swap3A_569] {strides = array<i32>} : memref<16x256xi32, #tpu.memory_space<vmem>>, vector<16xi32>,
      tpu.vector_store %arg7[%swap3A_568, %swap3A_569], %broadcast_in_dim3A_567 {strides = array<i32>} : memref<16x256xi32, #tpu.memory_space<vmem>>, vector<16xi32>,
      %broadcast_in_dim3A_571 = arith.constant 0 : i32
      %broadcast_in_dim3A_572 = vector.broadcast %broadcast_in_dim3A_571 : i32 to vector<16xi32>
      %swap3A_573 = arith.index_cast %scan3A_500 : i32 to index
      %swap3A_574 = arith.constant 224 : index
      %swap3A_575 = tpu.vector_load %arg7[%swap3A_573, %swap3A_574] {strides = array<i32>} : memref<16x256xi32, #tpu.memory_space<vmem>>, vector<16xi32>,
      tpu.vector_store %arg7[%swap3A_573, %swap3A_574], %broadcast_in_dim3A_572 {strides = array<i32>} : memref<16x256xi32, #tpu.memory_space<vmem>>, vector<16xi32>,
      %broadcast_in_dim3A_576 = arith.constant 0 : i32
      %broadcast_in_dim3A_577 = vector.broadcast %broadcast_in_dim3A_576 : i32 to vector<16xi32>
      %swap3A_578 = arith.index_cast %scan3A_500 : i32 to index
      %swap3A_579 = arith.constant 240 : index
      %swap3A_580 = tpu.vector_load %arg7[%swap3A_578, %swap3A_579] {strides = array<i32>} : memref<16x256xi32, #tpu.memory_space<vmem>>, vector<16xi32>,
      tpu.vector_store %arg7[%swap3A_578, %swap3A_579], %broadcast_in_dim3A_577 {strides = array<i32>} : memref<16x256xi32, #tpu.memory_space<vmem>>, vector<16xi32>,
      %scan3A_581 = arith.constant 0 : i32
      scf.yield %scan3A_581 : i32
    }
    %scan3A_137 = arith.constant 16 : i32
    %shift_right_logical3A = arith.constant 24 : i32
    %shift_right_logical3A_138 = arith.shrui %shift_left3A_130, %shift_right_logical3A : i32
    %scan3A_139 = arith.constant 0 : i32
    %scan3A_140 = arith.constant 0 : i32
    %scan3A_141 = arith.constant 288 : i32
    %scan3A_142 = arith.addi %scan3A_140, %scan3A_141 : i32
    %scan3A_143 = arith.constant 1 : i32
    %scan3A_144 = scf.for %scan3A_500 = %scan3A_140 to %scan3A_142 step %scan3A_143 iter_args(%scan3A_501 = %scan3A_139) -> (i32)  : i32 {
      %mul3A_502 = arith.constant 128 : i32
      %mul3A_503 = arith.muli %scan3A_500, %mul3A_502 : i32
      %add3A_504 = arith.constant 0 : i32
      %add3A_505 = arith.addi %mul3A_503, %add3A_504 : i32
      %get3A = arith.index_cast %add3A_505 : i32 to index
      %get3A_506 = tpu.vector_load %arg5[%get3A] {strides = array<i32>} : memref<36880xi32, #tpu.memory_space<vmem>>, vector<16xi32>,
      %shift_right_logical3A_507 = arith.constant 24 : i32
      %shift_right_logical3A_508 = vector.broadcast %shift_right_logical3A_507 : i32 to vector<16xi32>
      %shift_right_logical3A_509 = arith.shrui %get3A_506, %shift_right_logical3A_508 : vector<16xi32>
      %eq3A_510 = vector.broadcast %shift_right_logical3A_138 : i32 to vector<16xi32>
      %eq3A_511 = arith.cmpi eq, %shift_right_logical3A_509, %eq3A_510 : vector<16xi32>
      %shift_right_logical3A_512 = arith.constant 16 : i32
      %shift_right_logical3A_513 = vector.broadcast %shift_right_logical3A_512 : i32 to vector<16xi32>
      %shift_right_logical3A_514 = arith.shrui %get3A_506, %shift_right_logical3A_513 : vector<16xi32>
      %and3A_515 = arith.constant 255 : i32
      %and3A_516 = vector.broadcast %and3A_515 : i32 to vector<16xi32>
      %and3A_517 = arith.andi %shift_right_logical3A_514, %and3A_516 : vector<16xi32>
      tpu.vector_store_idx %arg7[%iota3A, %and3A_517], %broadcast_in_dim3A_31 masked %eq3A_511 {add = true} : memref<16x256xi32, #tpu.memory_space<vmem>>[vector<16xi32>, vector<16xi32>], vector<16xi32>, vector<16xi1>
      %swap3A = arith.index_cast %scan3A_501 : i32 to index
      %swap3A_518 = tpu.vector_load %arg6[%swap3A] masked %eq3A_511 {strides = array<i32>} : memref<36880xi32, #tpu.memory_space<vmem>>, vector<16xi32>, vector<16xi1>
      tpu.vector_store %arg6[%swap3A], %get3A_506 masked %eq3A_511 {strides = array<i32>} : memref<36880xi32, #tpu.memory_space<vmem>>, vector<16xi32>, vector<16xi1>
      %convert_element_type3A_519 = arith.extui %eq3A_511 : vector<16xi1> to vector<16xi32>
      %reduce_sum3A = arith.constant true
      %reduce_sum3A_520 = vector.broadcast %reduce_sum3A : i1 to vector<16xi1>
      %reduce_sum3A_521 = tpu.scan <sum>, %convert_element_type3A_519 masked %reduce_sum3A_520 : vector<16xi32>, vector<16xi1> -> vector<16xi32>
      %reduce_sum3A_522 = vector.extract %reduce_sum3A_521[15] : i32 from vector<16xi32>
      %add3A_523 = arith.addi %scan3A_501, %reduce_sum3A_522 : i32
      %mul3A_524 = arith.constant 128 : i32
      %mul3A_525 = arith.muli %scan3A_500, %mul3A_524 : i32
      %add3A_526 = arith.constant 16 : i32
      %add3A_527 = arith.addi %mul3A_525, %add3A_526 : i32
      %get3A_528 = arith.index_cast %add3A_527 : i32 to index
      %get3A_529 = tpu.vector_load %arg5[%get3A_528] {strides = array<i32>} : memref<36880xi32, #tpu.memory_space<vmem>>, vector<16xi32>,
      %shift_right_logical3A_530 = arith.constant 24 : i32
      %shift_right_logical3A_531 = vector.broadcast %shift_right_logical3A_530 : i32 to vector<16xi32>
      %shift_right_logical3A_532 = arith.shrui %get3A_529, %shift_right_logical3A_531 : vector<16xi32>
      %eq3A_533 = vector.broadcast %shift_right_logical3A_138 : i32 to vector<16xi32>
      %eq3A_534 = arith.cmpi eq, %shift_right_logical3A_532, %eq3A_533 : vector<16xi32>
      %shift_right_logical3A_535 = arith.constant 16 : i32
      %shift_right_logical3A_536 = vector.broadcast %shift_right_logical3A_535 : i32 to vector<16xi32>
      %shift_right_logical3A_537 = arith.shrui %get3A_529, %shift_right_logical3A_536 : vector<16xi32>
      %and3A_538 = arith.constant 255 : i32
      %and3A_539 = vector.broadcast %and3A_538 : i32 to vector<16xi32>
      %and3A_540 = arith.andi %shift_right_logical3A_537, %and3A_539 : vector<16xi32>
      tpu.vector_store_idx %arg7[%iota3A, %and3A_540], %broadcast_in_dim3A_31 masked %eq3A_534 {add = true} : memref<16x256xi32, #tpu.memory_space<vmem>>[vector<16xi32>, vector<16xi32>], vector<16xi32>, vector<16xi1>
      %swap3A_541 = arith.index_cast %add3A_523 : i32 to index
      %swap3A_542 = tpu.vector_load %arg6[%swap3A_541] masked %eq3A_534 {strides = array<i32>} : memref<36880xi32, #tpu.memory_space<vmem>>, vector<16xi32>, vector<16xi1>
      tpu.vector_store %arg6[%swap3A_541], %get3A_529 masked %eq3A_534 {strides = array<i32>} : memref<36880xi32, #tpu.memory_space<vmem>>, vector<16xi32>, vector<16xi1>
      %convert_element_type3A_543 = arith.extui %eq3A_534 : vector<16xi1> to vector<16xi32>
      %reduce_sum3A_544 = arith.constant true
      %reduce_sum3A_545 = vector.broadcast %reduce_sum3A_544 : i1 to vector<16xi1>
      %reduce_sum3A_546 = tpu.scan <sum>, %convert_element_type3A_543 masked %reduce_sum3A_545 : vector<16xi32>, vector<16xi1> -> vector<16xi32>
      %reduce_sum3A_547 = vector.extract %reduce_sum3A_546[15] : i32 from vector<16xi32>
      %add3A_548 = arith.addi %add3A_523, %reduce_sum3A_547 : i32
      %mul3A_549 = arith.constant 128 : i32
      %mul3A_550 = arith.muli %scan3A_500, %mul3A_549 : i32
      %add3A_551 = arith.constant 32 : i32
      %add3A_552 = arith.addi %mul3A_550, %add3A_551 : i32
      %get3A_553 = arith.index_cast %add3A_552 : i32 to index
      %get3A_554 = tpu.vector_load %arg5[%get3A_553] {strides = array<i32>} : memref<36880xi32, #tpu.memory_space<vmem>>, vector<16xi32>,
      %shift_right_logical3A_555 = arith.constant 24 : i32
      %shift_right_logical3A_556 = vector.broadcast %shift_right_logical3A_555 : i32 to vector<16xi32>
      %shift_right_logical3A_557 = arith.shrui %get3A_554, %shift_right_logical3A_556 : vector<16xi32>
      %eq3A_558 = vector.broadcast %shift_right_logical3A_138 : i32 to vector<16xi32>
      %eq3A_559 = arith.cmpi eq, %shift_right_logical3A_557, %eq3A_558 : vector<16xi32>
      %shift_right_logical3A_560 = arith.constant 16 : i32
      %shift_right_logical3A_561 = vector.broadcast %shift_right_logical3A_560 : i32 to vector<16xi32>
      %shift_right_logical3A_562 = arith.shrui %get3A_554, %shift_right_logical3A_561 : vector<16xi32>
      %and3A_563 = arith.constant 255 : i32
      %and3A_564 = vector.broadcast %and3A_563 : i32 to vector<16xi32>
      %and3A_565 = arith.andi %shift_right_logical3A_562, %and3A_564 : vector<16xi32>
      tpu.vector_store_idx %arg7[%iota3A, %and3A_565], %broadcast_in_dim3A_31 masked %eq3A_559 {add = true} : memref<16x256xi32, #tpu.memory_space<vmem>>[vector<16xi32>, vector<16xi32>], vector<16xi32>, vector<16xi1>
      %swap3A_566 = arith.index_cast %add3A_548 : i32 to index
      %swap3A_567 = tpu.vector_load %arg6[%swap3A_566] masked %eq3A_559 {strides = array<i32>} : memref<36880xi32, #tpu.memory_space<vmem>>, vector<16xi32>, vector<16xi1>
      tpu.vector_store %arg6[%swap3A_566], %get3A_554 masked %eq3A_559 {strides = array<i32>} : memref<36880xi32, #tpu.memory_space<vmem>>, vector<16xi32>, vector<16xi1>
      %convert_element_type3A_568 = arith.extui %eq3A_559 : vector<16xi1> to vector<16xi32>
      %reduce_sum3A_569 = arith.constant true
      %reduce_sum3A_570 = vector.broadcast %reduce_sum3A_569 : i1 to vector<16xi1>
      %reduce_sum3A_571 = tpu.scan <sum>, %convert_element_type3A_568 masked %reduce_sum3A_570 : vector<16xi32>, vector<16xi1> -> vector<16xi32>
      %reduce_sum3A_572 = vector.extract %reduce_sum3A_571[15] : i32 from vector<16xi32>
      %add3A_573 = arith.addi %add3A_548, %reduce_sum3A_572 : i32
      %mul3A_574 = arith.constant 128 : i32
      %mul3A_575 = arith.muli %scan3A_500, %mul3A_574 : i32
      %add3A_576 = arith.constant 48 : i32
      %add3A_577 = arith.addi %mul3A_575, %add3A_576 : i32
      %get3A_578 = arith.index_cast %add3A_577 : i32 to index
      %get3A_579 = tpu.vector_load %arg5[%get3A_578] {strides = array<i32>} : memref<36880xi32, #tpu.memory_space<vmem>>, vector<16xi32>,
      %shift_right_logical3A_580 = arith.constant 24 : i32
      %shift_right_logical3A_581 = vector.broadcast %shift_right_logical3A_580 : i32 to vector<16xi32>
      %shift_right_logical3A_582 = arith.shrui %get3A_579, %shift_right_logical3A_581 : vector<16xi32>
      %eq3A_583 = vector.broadcast %shift_right_logical3A_138 : i32 to vector<16xi32>
      %eq3A_584 = arith.cmpi eq, %shift_right_logical3A_582, %eq3A_583 : vector<16xi32>
      %shift_right_logical3A_585 = arith.constant 16 : i32
      %shift_right_logical3A_586 = vector.broadcast %shift_right_logical3A_585 : i32 to vector<16xi32>
      %shift_right_logical3A_587 = arith.shrui %get3A_579, %shift_right_logical3A_586 : vector<16xi32>
      %and3A_588 = arith.constant 255 : i32
      %and3A_589 = vector.broadcast %and3A_588 : i32 to vector<16xi32>
      %and3A_590 = arith.andi %shift_right_logical3A_587, %and3A_589 : vector<16xi32>
      tpu.vector_store_idx %arg7[%iota3A, %and3A_590], %broadcast_in_dim3A_31 masked %eq3A_584 {add = true} : memref<16x256xi32, #tpu.memory_space<vmem>>[vector<16xi32>, vector<16xi32>], vector<16xi32>, vector<16xi1>
      %swap3A_591 = arith.index_cast %add3A_573 : i32 to index
      %swap3A_592 = tpu.vector_load %arg6[%swap3A_591] masked %eq3A_584 {strides = array<i32>} : memref<36880xi32, #tpu.memory_space<vmem>>, vector<16xi32>, vector<16xi1>
      tpu.vector_store %arg6[%swap3A_591], %get3A_579 masked %eq3A_584 {strides = array<i32>} : memref<36880xi32, #tpu.memory_space<vmem>>, vector<16xi32>, vector<16xi1>
      %convert_element_type3A_593 = arith.extui %eq3A_584 : vector<16xi1> to vector<16xi32>
      %reduce_sum3A_594 = arith.constant true
      %reduce_sum3A_595 = vector.broadcast %reduce_sum3A_594 : i1 to vector<16xi1>
      %reduce_sum3A_596 = tpu.scan <sum>, %convert_element_type3A_593 masked %reduce_sum3A_595 : vector<16xi32>, vector<16xi1> -> vector<16xi32>
      %reduce_sum3A_597 = vector.extract %reduce_sum3A_596[15] : i32 from vector<16xi32>
      %add3A_598 = arith.addi %add3A_573, %reduce_sum3A_597 : i32
      %mul3A_599 = arith.constant 128 : i32
      %mul3A_600 = arith.muli %scan3A_500, %mul3A_599 : i32
      %add3A_601 = arith.constant 64 : i32
      %add3A_602 = arith.addi %mul3A_600, %add3A_601 : i32
      %get3A_603 = arith.index_cast %add3A_602 : i32 to index
      %get3A_604 = tpu.vector_load %arg5[%get3A_603] {strides = array<i32>} : memref<36880xi32, #tpu.memory_space<vmem>>, vector<16xi32>,
      %shift_right_logical3A_605 = arith.constant 24 : i32
      %shift_right_logical3A_606 = vector.broadcast %shift_right_logical3A_605 : i32 to vector<16xi32>
      %shift_right_logical3A_607 = arith.shrui %get3A_604, %shift_right_logical3A_606 : vector<16xi32>
      %eq3A_608 = vector.broadcast %shift_right_logical3A_138 : i32 to vector<16xi32>
      %eq3A_609 = arith.cmpi eq, %shift_right_logical3A_607, %eq3A_608 : vector<16xi32>
      %shift_right_logical3A_610 = arith.constant 16 : i32
      %shift_right_logical3A_611 = vector.broadcast %shift_right_logical3A_610 : i32 to vector<16xi32>
      %shift_right_logical3A_612 = arith.shrui %get3A_604, %shift_right_logical3A_611 : vector<16xi32>
      %and3A_613 = arith.constant 255 : i32
      %and3A_614 = vector.broadcast %and3A_613 : i32 to vector<16xi32>
      %and3A_615 = arith.andi %shift_right_logical3A_612, %and3A_614 : vector<16xi32>
      tpu.vector_store_idx %arg7[%iota3A, %and3A_615], %broadcast_in_dim3A_31 masked %eq3A_609 {add = true} : memref<16x256xi32, #tpu.memory_space<vmem>>[vector<16xi32>, vector<16xi32>], vector<16xi32>, vector<16xi1>
      %swap3A_616 = arith.index_cast %add3A_598 : i32 to index
      %swap3A_617 = tpu.vector_load %arg6[%swap3A_616] masked %eq3A_609 {strides = array<i32>} : memref<36880xi32, #tpu.memory_space<vmem>>, vector<16xi32>, vector<16xi1>
      tpu.vector_store %arg6[%swap3A_616], %get3A_604 masked %eq3A_609 {strides = array<i32>} : memref<36880xi32, #tpu.memory_space<vmem>>, vector<16xi32>, vector<16xi1>
      %convert_element_type3A_618 = arith.extui %eq3A_609 : vector<16xi1> to vector<16xi32>
      %reduce_sum3A_619 = arith.constant true
      %reduce_sum3A_620 = vector.broadcast %reduce_sum3A_619 : i1 to vector<16xi1>
      %reduce_sum3A_621 = tpu.scan <sum>, %convert_element_type3A_618 masked %reduce_sum3A_620 : vector<16xi32>, vector<16xi1> -> vector<16xi32>
      %reduce_sum3A_622 = vector.extract %reduce_sum3A_621[15] : i32 from vector<16xi32>
      %add3A_623 = arith.addi %add3A_598, %reduce_sum3A_622 : i32
      %mul3A_624 = arith.constant 128 : i32
      %mul3A_625 = arith.muli %scan3A_500, %mul3A_624 : i32
      %add3A_626 = arith.constant 80 : i32
      %add3A_627 = arith.addi %mul3A_625, %add3A_626 : i32
      %get3A_628 = arith.index_cast %add3A_627 : i32 to index
      %get3A_629 = tpu.vector_load %arg5[%get3A_628] {strides = array<i32>} : memref<36880xi32, #tpu.memory_space<vmem>>, vector<16xi32>,
      %shift_right_logical3A_630 = arith.constant 24 : i32
      %shift_right_logical3A_631 = vector.broadcast %shift_right_logical3A_630 : i32 to vector<16xi32>
      %shift_right_logical3A_632 = arith.shrui %get3A_629, %shift_right_logical3A_631 : vector<16xi32>
      %eq3A_633 = vector.broadcast %shift_right_logical3A_138 : i32 to vector<16xi32>
      %eq3A_634 = arith.cmpi eq, %shift_right_logical3A_632, %eq3A_633 : vector<16xi32>
      %shift_right_logical3A_635 = arith.constant 16 : i32
      %shift_right_logical3A_636 = vector.broadcast %shift_right_logical3A_635 : i32 to vector<16xi32>
      %shift_right_logical3A_637 = arith.shrui %get3A_629, %shift_right_logical3A_636 : vector<16xi32>
      %and3A_638 = arith.constant 255 : i32
      %and3A_639 = vector.broadcast %and3A_638 : i32 to vector<16xi32>
      %and3A_640 = arith.andi %shift_right_logical3A_637, %and3A_639 : vector<16xi32>
      tpu.vector_store_idx %arg7[%iota3A, %and3A_640], %broadcast_in_dim3A_31 masked %eq3A_634 {add = true} : memref<16x256xi32, #tpu.memory_space<vmem>>[vector<16xi32>, vector<16xi32>], vector<16xi32>, vector<16xi1>
      %swap3A_641 = arith.index_cast %add3A_623 : i32 to index
      %swap3A_642 = tpu.vector_load %arg6[%swap3A_641] masked %eq3A_634 {strides = array<i32>} : memref<36880xi32, #tpu.memory_space<vmem>>, vector<16xi32>, vector<16xi1>
      tpu.vector_store %arg6[%swap3A_641], %get3A_629 masked %eq3A_634 {strides = array<i32>} : memref<36880xi32, #tpu.memory_space<vmem>>, vector<16xi32>, vector<16xi1>
      %convert_element_type3A_643 = arith.extui %eq3A_634 : vector<16xi1> to vector<16xi32>
      %reduce_sum3A_644 = arith.constant true
      %reduce_sum3A_645 = vector.broadcast %reduce_sum3A_644 : i1 to vector<16xi1>
      %reduce_sum3A_646 = tpu.scan <sum>, %convert_element_type3A_643 masked %reduce_sum3A_645 : vector<16xi32>, vector<16xi1> -> vector<16xi32>
      %reduce_sum3A_647 = vector.extract %reduce_sum3A_646[15] : i32 from vector<16xi32>
      %add3A_648 = arith.addi %add3A_623, %reduce_sum3A_647 : i32
      %mul3A_649 = arith.constant 128 : i32
      %mul3A_650 = arith.muli %scan3A_500, %mul3A_649 : i32
      %add3A_651 = arith.constant 96 : i32
      %add3A_652 = arith.addi %mul3A_650, %add3A_651 : i32
      %get3A_653 = arith.index_cast %add3A_652 : i32 to index
      %get3A_654 = tpu.vector_load %arg5[%get3A_653] {strides = array<i32>} : memref<36880xi32, #tpu.memory_space<vmem>>, vector<16xi32>,
      %shift_right_logical3A_655 = arith.constant 24 : i32
      %shift_right_logical3A_656 = vector.broadcast %shift_right_logical3A_655 : i32 to vector<16xi32>
      %shift_right_logical3A_657 = arith.shrui %get3A_654, %shift_right_logical3A_656 : vector<16xi32>
      %eq3A_658 = vector.broadcast %shift_right_logical3A_138 : i32 to vector<16xi32>
      %eq3A_659 = arith.cmpi eq, %shift_right_logical3A_657, %eq3A_658 : vector<16xi32>
      %shift_right_logical3A_660 = arith.constant 16 : i32
      %shift_right_logical3A_661 = vector.broadcast %shift_right_logical3A_660 : i32 to vector<16xi32>
      %shift_right_logical3A_662 = arith.shrui %get3A_654, %shift_right_logical3A_661 : vector<16xi32>
      %and3A_663 = arith.constant 255 : i32
      %and3A_664 = vector.broadcast %and3A_663 : i32 to vector<16xi32>
      %and3A_665 = arith.andi %shift_right_logical3A_662, %and3A_664 : vector<16xi32>
      tpu.vector_store_idx %arg7[%iota3A, %and3A_665], %broadcast_in_dim3A_31 masked %eq3A_659 {add = true} : memref<16x256xi32, #tpu.memory_space<vmem>>[vector<16xi32>, vector<16xi32>], vector<16xi32>, vector<16xi1>
      %swap3A_666 = arith.index_cast %add3A_648 : i32 to index
      %swap3A_667 = tpu.vector_load %arg6[%swap3A_666] masked %eq3A_659 {strides = array<i32>} : memref<36880xi32, #tpu.memory_space<vmem>>, vector<16xi32>, vector<16xi1>
      tpu.vector_store %arg6[%swap3A_666], %get3A_654 masked %eq3A_659 {strides = array<i32>} : memref<36880xi32, #tpu.memory_space<vmem>>, vector<16xi32>, vector<16xi1>
      %convert_element_type3A_668 = arith.extui %eq3A_659 : vector<16xi1> to vector<16xi32>
      %reduce_sum3A_669 = arith.constant true
      %reduce_sum3A_670 = vector.broadcast %reduce_sum3A_669 : i1 to vector<16xi1>
      %reduce_sum3A_671 = tpu.scan <sum>, %convert_element_type3A_668 masked %reduce_sum3A_670 : vector<16xi32>, vector<16xi1> -> vector<16xi32>
      %reduce_sum3A_672 = vector.extract %reduce_sum3A_671[15] : i32 from vector<16xi32>
      %add3A_673 = arith.addi %add3A_648, %reduce_sum3A_672 : i32
      %mul3A_674 = arith.constant 128 : i32
      %mul3A_675 = arith.muli %scan3A_500, %mul3A_674 : i32
      %add3A_676 = arith.constant 112 : i32
      %add3A_677 = arith.addi %mul3A_675, %add3A_676 : i32
      %get3A_678 = arith.index_cast %add3A_677 : i32 to index
      %get3A_679 = tpu.vector_load %arg5[%get3A_678] {strides = array<i32>} : memref<36880xi32, #tpu.memory_space<vmem>>, vector<16xi32>,
      %shift_right_logical3A_680 = arith.constant 24 : i32
      %shift_right_logical3A_681 = vector.broadcast %shift_right_logical3A_680 : i32 to vector<16xi32>
      %shift_right_logical3A_682 = arith.shrui %get3A_679, %shift_right_logical3A_681 : vector<16xi32>
      %eq3A_683 = vector.broadcast %shift_right_logical3A_138 : i32 to vector<16xi32>
      %eq3A_684 = arith.cmpi eq, %shift_right_logical3A_682, %eq3A_683 : vector<16xi32>
      %shift_right_logical3A_685 = arith.constant 16 : i32
      %shift_right_logical3A_686 = vector.broadcast %shift_right_logical3A_685 : i32 to vector<16xi32>
      %shift_right_logical3A_687 = arith.shrui %get3A_679, %shift_right_logical3A_686 : vector<16xi32>
      %and3A_688 = arith.constant 255 : i32
      %and3A_689 = vector.broadcast %and3A_688 : i32 to vector<16xi32>
      %and3A_690 = arith.andi %shift_right_logical3A_687, %and3A_689 : vector<16xi32>
      tpu.vector_store_idx %arg7[%iota3A, %and3A_690], %broadcast_in_dim3A_31 masked %eq3A_684 {add = true} : memref<16x256xi32, #tpu.memory_space<vmem>>[vector<16xi32>, vector<16xi32>], vector<16xi32>, vector<16xi1>
      %swap3A_691 = arith.index_cast %add3A_673 : i32 to index
      %swap3A_692 = tpu.vector_load %arg6[%swap3A_691] masked %eq3A_684 {strides = array<i32>} : memref<36880xi32, #tpu.memory_space<vmem>>, vector<16xi32>, vector<16xi1>
      tpu.vector_store %arg6[%swap3A_691], %get3A_679 masked %eq3A_684 {strides = array<i32>} : memref<36880xi32, #tpu.memory_space<vmem>>, vector<16xi32>, vector<16xi1>
      %convert_element_type3A_693 = arith.extui %eq3A_684 : vector<16xi1> to vector<16xi32>
      %reduce_sum3A_694 = arith.constant true
      %reduce_sum3A_695 = vector.broadcast %reduce_sum3A_694 : i1 to vector<16xi1>
      %reduce_sum3A_696 = tpu.scan <sum>, %convert_element_type3A_693 masked %reduce_sum3A_695 : vector<16xi32>, vector<16xi1> -> vector<16xi32>
      %reduce_sum3A_697 = vector.extract %reduce_sum3A_696[15] : i32 from vector<16xi32>
      %add3A_698 = arith.addi %add3A_673, %reduce_sum3A_697 : i32
      scf.yield %add3A_698 : i32
    }
    %scan3A_145 = arith.constant 288 : i32
    %scan3A_146 = arith.constant 0 : i32
    %scan3A_147 = arith.constant 0 : i32
    %scan3A_148 = arith.constant 16 : i32
    %scan3A_149 = arith.addi %scan3A_147, %scan3A_148 : i32
    %scan3A_150 = arith.constant 1 : i32
    %scan3A_151 = scf.for %scan3A_500 = %scan3A_147 to %scan3A_149 step %scan3A_150 iter_args(%scan3A_501 = %scan3A_146) -> (i32)  : i32 {
      %mul3A_502 = arith.constant 16 : i32
      %mul3A_503 = arith.muli %scan3A_500, %mul3A_502 : i32
      %get3A = arith.constant 0 : i32
      %get3A_504 = arith.index_cast %get3A : i32 to index
      %get3A_505 = arith.index_cast %mul3A_503 : i32 to index
      %get3A_506 = tpu.vector_load %arg7[%get3A_504, %get3A_505] {strides = array<i32>} : memref<16x256xi32, #tpu.memory_space<vmem>>, vector<16xi32>,
      %mul3A_507 = arith.constant 16 : i32
      %mul3A_508 = arith.muli %scan3A_500, %mul3A_507 : i32
      %get3A_509 = arith.constant 1 : i32
      %get3A_510 = arith.index_cast %get3A_509 : i32 to index
      %get3A_511 = arith.index_cast %mul3A_508 : i32 to index
      %get3A_512 = tpu.vector_load %arg7[%get3A_510, %get3A_511] {strides = array<i32>} : memref<16x256xi32, #tpu.memory_space<vmem>>, vector<16xi32>,
      %add3A_513 = arith.addi %get3A_506, %get3A_512 : vector<16xi32>
      %mul3A_514 = arith.constant 16 : i32
      %mul3A_515 = arith.muli %scan3A_500, %mul3A_514 : i32
      %get3A_516 = arith.constant 2 : i32
      %get3A_517 = arith.index_cast %get3A_516 : i32 to index
      %get3A_518 = arith.index_cast %mul3A_515 : i32 to index
      %get3A_519 = tpu.vector_load %arg7[%get3A_517, %get3A_518] {strides = array<i32>} : memref<16x256xi32, #tpu.memory_space<vmem>>, vector<16xi32>,
      %add3A_520 = arith.addi %add3A_513, %get3A_519 : vector<16xi32>
      %mul3A_521 = arith.constant 16 : i32
      %mul3A_522 = arith.muli %scan3A_500, %mul3A_521 : i32
      %get3A_523 = arith.constant 3 : i32
      %get3A_524 = arith.index_cast %get3A_523 : i32 to index
      %get3A_525 = arith.index_cast %mul3A_522 : i32 to index
      %get3A_526 = tpu.vector_load %arg7[%get3A_524, %get3A_525] {strides = array<i32>} : memref<16x256xi32, #tpu.memory_space<vmem>>, vector<16xi32>,
      %add3A_527 = arith.addi %add3A_520, %get3A_526 : vector<16xi32>
      %mul3A_528 = arith.constant 16 : i32
      %mul3A_529 = arith.muli %scan3A_500, %mul3A_528 : i32
      %get3A_530 = arith.constant 4 : i32
      %get3A_531 = arith.index_cast %get3A_530 : i32 to index
      %get3A_532 = arith.index_cast %mul3A_529 : i32 to index
      %get3A_533 = tpu.vector_load %arg7[%get3A_531, %get3A_532] {strides = array<i32>} : memref<16x256xi32, #tpu.memory_space<vmem>>, vector<16xi32>,
      %add3A_534 = arith.addi %add3A_527, %get3A_533 : vector<16xi32>
      %mul3A_535 = arith.constant 16 : i32
      %mul3A_536 = arith.muli %scan3A_500, %mul3A_535 : i32
      %get3A_537 = arith.constant 5 : i32
      %get3A_538 = arith.index_cast %get3A_537 : i32 to index
      %get3A_539 = arith.index_cast %mul3A_536 : i32 to index
      %get3A_540 = tpu.vector_load %arg7[%get3A_538, %get3A_539] {strides = array<i32>} : memref<16x256xi32, #tpu.memory_space<vmem>>, vector<16xi32>,
      %add3A_541 = arith.addi %add3A_534, %get3A_540 : vector<16xi32>
      %mul3A_542 = arith.constant 16 : i32
      %mul3A_543 = arith.muli %scan3A_500, %mul3A_542 : i32
      %get3A_544 = arith.constant 6 : i32
      %get3A_545 = arith.index_cast %get3A_544 : i32 to index
      %get3A_546 = arith.index_cast %mul3A_543 : i32 to index
      %get3A_547 = tpu.vector_load %arg7[%get3A_545, %get3A_546] {strides = array<i32>} : memref<16x256xi32, #tpu.memory_space<vmem>>, vector<16xi32>,
      %add3A_548 = arith.addi %add3A_541, %get3A_547 : vector<16xi32>
      %mul3A_549 = arith.constant 16 : i32
      %mul3A_550 = arith.muli %scan3A_500, %mul3A_549 : i32
      %get3A_551 = arith.constant 7 : i32
      %get3A_552 = arith.index_cast %get3A_551 : i32 to index
      %get3A_553 = arith.index_cast %mul3A_550 : i32 to index
      %get3A_554 = tpu.vector_load %arg7[%get3A_552, %get3A_553] {strides = array<i32>} : memref<16x256xi32, #tpu.memory_space<vmem>>, vector<16xi32>,
      %add3A_555 = arith.addi %add3A_548, %get3A_554 : vector<16xi32>
      %mul3A_556 = arith.constant 16 : i32
      %mul3A_557 = arith.muli %scan3A_500, %mul3A_556 : i32
      %get3A_558 = arith.constant 8 : i32
      %get3A_559 = arith.index_cast %get3A_558 : i32 to index
      %get3A_560 = arith.index_cast %mul3A_557 : i32 to index
      %get3A_561 = tpu.vector_load %arg7[%get3A_559, %get3A_560] {strides = array<i32>} : memref<16x256xi32, #tpu.memory_space<vmem>>, vector<16xi32>,
      %add3A_562 = arith.addi %add3A_555, %get3A_561 : vector<16xi32>
      %mul3A_563 = arith.constant 16 : i32
      %mul3A_564 = arith.muli %scan3A_500, %mul3A_563 : i32
      %get3A_565 = arith.constant 9 : i32
      %get3A_566 = arith.index_cast %get3A_565 : i32 to index
      %get3A_567 = arith.index_cast %mul3A_564 : i32 to index
      %get3A_568 = tpu.vector_load %arg7[%get3A_566, %get3A_567] {strides = array<i32>} : memref<16x256xi32, #tpu.memory_space<vmem>>, vector<16xi32>,
      %add3A_569 = arith.addi %add3A_562, %get3A_568 : vector<16xi32>
      %mul3A_570 = arith.constant 16 : i32
      %mul3A_571 = arith.muli %scan3A_500, %mul3A_570 : i32
      %get3A_572 = arith.constant 10 : i32
      %get3A_573 = arith.index_cast %get3A_572 : i32 to index
      %get3A_574 = arith.index_cast %mul3A_571 : i32 to index
      %get3A_575 = tpu.vector_load %arg7[%get3A_573, %get3A_574] {strides = array<i32>} : memref<16x256xi32, #tpu.memory_space<vmem>>, vector<16xi32>,
      %add3A_576 = arith.addi %add3A_569, %get3A_575 : vector<16xi32>
      %mul3A_577 = arith.constant 16 : i32
      %mul3A_578 = arith.muli %scan3A_500, %mul3A_577 : i32
      %get3A_579 = arith.constant 11 : i32
      %get3A_580 = arith.index_cast %get3A_579 : i32 to index
      %get3A_581 = arith.index_cast %mul3A_578 : i32 to index
      %get3A_582 = tpu.vector_load %arg7[%get3A_580, %get3A_581] {strides = array<i32>} : memref<16x256xi32, #tpu.memory_space<vmem>>, vector<16xi32>,
      %add3A_583 = arith.addi %add3A_576, %get3A_582 : vector<16xi32>
      %mul3A_584 = arith.constant 16 : i32
      %mul3A_585 = arith.muli %scan3A_500, %mul3A_584 : i32
      %get3A_586 = arith.constant 12 : i32
      %get3A_587 = arith.index_cast %get3A_586 : i32 to index
      %get3A_588 = arith.index_cast %mul3A_585 : i32 to index
      %get3A_589 = tpu.vector_load %arg7[%get3A_587, %get3A_588] {strides = array<i32>} : memref<16x256xi32, #tpu.memory_space<vmem>>, vector<16xi32>,
      %add3A_590 = arith.addi %add3A_583, %get3A_589 : vector<16xi32>
      %mul3A_591 = arith.constant 16 : i32
      %mul3A_592 = arith.muli %scan3A_500, %mul3A_591 : i32
      %get3A_593 = arith.constant 13 : i32
      %get3A_594 = arith.index_cast %get3A_593 : i32 to index
      %get3A_595 = arith.index_cast %mul3A_592 : i32 to index
      %get3A_596 = tpu.vector_load %arg7[%get3A_594, %get3A_595] {strides = array<i32>} : memref<16x256xi32, #tpu.memory_space<vmem>>, vector<16xi32>,
      %add3A_597 = arith.addi %add3A_590, %get3A_596 : vector<16xi32>
      %mul3A_598 = arith.constant 16 : i32
      %mul3A_599 = arith.muli %scan3A_500, %mul3A_598 : i32
      %get3A_600 = arith.constant 14 : i32
      %get3A_601 = arith.index_cast %get3A_600 : i32 to index
      %get3A_602 = arith.index_cast %mul3A_599 : i32 to index
      %get3A_603 = tpu.vector_load %arg7[%get3A_601, %get3A_602] {strides = array<i32>} : memref<16x256xi32, #tpu.memory_space<vmem>>, vector<16xi32>,
      %add3A_604 = arith.addi %add3A_597, %get3A_603 : vector<16xi32>
      %mul3A_605 = arith.constant 16 : i32
      %mul3A_606 = arith.muli %scan3A_500, %mul3A_605 : i32
      %get3A_607 = arith.constant 15 : i32
      %get3A_608 = arith.index_cast %get3A_607 : i32 to index
      %get3A_609 = arith.index_cast %mul3A_606 : i32 to index
      %get3A_610 = tpu.vector_load %arg7[%get3A_608, %get3A_609] {strides = array<i32>} : memref<16x256xi32, #tpu.memory_space<vmem>>, vector<16xi32>,
      %add3A_611 = arith.addi %add3A_604, %get3A_610 : vector<16xi32>
      %mul3A_612 = arith.constant 16 : i32
      %mul3A_613 = arith.muli %scan3A_500, %mul3A_612 : i32
      %swap3A = arith.index_cast %mul3A_613 : i32 to index
      %swap3A_614 = tpu.vector_load %arg8[%swap3A] {strides = array<i32>} : memref<256xi32, #tpu.memory_space<vmem>>, vector<16xi32>,
      tpu.vector_store %arg8[%swap3A], %add3A_611 {strides = array<i32>} : memref<256xi32, #tpu.memory_space<vmem>>, vector<16xi32>,
      %scan3A_615 = arith.constant 0 : i32
      scf.yield %scan3A_615 : i32
    }
    %scan3A_152 = arith.constant 16 : i32
    "tpu.region"() ({
      %run_scoped3A = tpu.sem_alloc : memref<!tpu.dma_semaphore, #tpu.memory_space<semaphore_mem>>
      %dma_start3A = arith.constant 0 : i32
      %dma_start3A_500 = tpu.memref_slice %arg12[%arg1, %dma_start3A] : memref<16x256xi32, #tpu.memory_space<vmem_shared>> -> memref<1x256xi32, #tpu.memory_space<vmem_shared>>
      %dma_start3A_501 = tpu.memref_squeeze %dma_start3A_500 : memref<1x256xi32, #tpu.memory_space<vmem_shared>> -> memref<256xi32, #tpu.memory_space<vmem_shared>>
      %dma_start3A_502 = arith.constant 0 : i32
      %dma_start3A_503 = tpu.memref_slice %arg12[%arg1, %dma_start3A_502] : memref<16x256xi32, #tpu.memory_space<vmem_shared>> -> memref<1x256xi32, #tpu.memory_space<vmem_shared>>
      %dma_start3A_504 = tpu.memref_squeeze %dma_start3A_503 : memref<1x256xi32, #tpu.memory_space<vmem_shared>> -> memref<256xi32, #tpu.memory_space<vmem_shared>>
      tpu.enqueue_dma source(%arg8 : memref<256xi32, #tpu.memory_space<vmem>>) target(%dma_start3A_504 : memref<256xi32, #tpu.memory_space<vmem_shared>>) target_semaphore(%run_scoped3A : memref<!tpu.dma_semaphore, #tpu.memory_space<semaphore_mem>>)
      %dma_wait3A = arith.constant 0 : i32
      %dma_wait3A_505 = tpu.memref_slice %arg12[%arg1, %dma_wait3A] : memref<16x256xi32, #tpu.memory_space<vmem_shared>> -> memref<1x256xi32, #tpu.memory_space<vmem_shared>>
      %dma_wait3A_506 = tpu.memref_squeeze %dma_wait3A_505 : memref<1x256xi32, #tpu.memory_space<vmem_shared>> -> memref<256xi32, #tpu.memory_space<vmem_shared>>
      %dma_wait3A_507 = arith.constant 0 : i32
      %dma_wait3A_508 = tpu.memref_slice %arg12[%arg1, %dma_wait3A_507] : memref<16x256xi32, #tpu.memory_space<vmem_shared>> -> memref<1x256xi32, #tpu.memory_space<vmem_shared>>
      %dma_wait3A_509 = tpu.memref_squeeze %dma_wait3A_508 : memref<1x256xi32, #tpu.memory_space<vmem_shared>> -> memref<256xi32, #tpu.memory_space<vmem_shared>>
      tpu.wait_dma2 semaphore(%run_scoped3A : memref<!tpu.dma_semaphore, #tpu.memory_space<semaphore_mem>>) src(%arg8 : memref<256xi32, #tpu.memory_space<vmem>>) dst(%dma_wait3A_509 : memref<256xi32, #tpu.memory_space<vmem_shared>>)
      tpu.yield
    }) : () -> ()
    %barrier3A_153 = arith.constant 0 : index
    tpu.barrier barrier_id(%barrier3A_153)
    %jit3A_154 = arith.constant 4 : i32
    %div3A_155 = arith.divsi %arg1, %jit3A_154 : i32
    %sign3A_156 = arith.constant 0 : i32
    %sign3A_157 = arith.cmpi sgt, %arg1, %sign3A_156 : i32
    %sign3A_158 = arith.extui %sign3A_157 : i1 to i32
    %sign3A_159 = arith.constant 0 : i32
    %sign3A_160 = arith.cmpi slt, %arg1, %sign3A_159 : i32
    %sign3A_161 = arith.extui %sign3A_160 : i1 to i32
    %sign3A_162 = arith.subi %sign3A_158, %sign3A_161 : i32
    %sign3A_163 = arith.constant 0 : i32
    %sign3A_164 = arith.cmpi sgt, %jit3A_154, %sign3A_163 : i32
    %sign3A_165 = arith.extui %sign3A_164 : i1 to i32
    %sign3A_166 = arith.constant 0 : i32
    %sign3A_167 = arith.cmpi slt, %jit3A_154, %sign3A_166 : i32
    %sign3A_168 = arith.extui %sign3A_167 : i1 to i32
    %sign3A_169 = arith.subi %sign3A_165, %sign3A_168 : i32
    %ne3A_170 = arith.cmpi ne, %sign3A_162, %sign3A_169 : i32
    %rem3A_171 = arith.remsi %arg1, %jit3A_154 : i32
    %ne3A_172 = arith.constant 0 : i32
    %ne3A_173 = arith.cmpi ne, %rem3A_171, %ne3A_172 : i32
    %and3A_174 = arith.andi %ne3A_170, %ne3A_173 : i1
    %sub3A_175 = arith.constant 1 : i32
    %sub3A_176 = arith.subi %div3A_155, %sub3A_175 : i32
    %select_n3A_177 = arith.select %and3A_174, %sub3A_176, %div3A_155 : i32
    %mul3A_178 = arith.constant 4 : i32
    %mul3A_179 = arith.muli %select_n3A_177, %mul3A_178 : i32
    %add3A_180 = arith.constant 0 : i32
    %add3A_181 = arith.addi %mul3A_179, %add3A_180 : i32
    "tpu.region"() ({
      %run_scoped3A = tpu.sem_alloc : memref<!tpu.dma_semaphore, #tpu.memory_space<semaphore_mem>>
      %dma_start3A = arith.constant 0 : i32
      %dma_start3A_500 = tpu.memref_slice %arg12[%add3A_181, %dma_start3A] : memref<16x256xi32, #tpu.memory_space<vmem_shared>> -> memref<1x256xi32, #tpu.memory_space<vmem_shared>>
      %dma_start3A_501 = tpu.memref_squeeze %dma_start3A_500 : memref<1x256xi32, #tpu.memory_space<vmem_shared>> -> memref<256xi32, #tpu.memory_space<vmem_shared>>
      %dma_start3A_502 = arith.constant 0 : i32
      %dma_start3A_503 = tpu.memref_slice %arg12[%add3A_181, %dma_start3A_502] : memref<16x256xi32, #tpu.memory_space<vmem_shared>> -> memref<1x256xi32, #tpu.memory_space<vmem_shared>>
      %dma_start3A_504 = tpu.memref_squeeze %dma_start3A_503 : memref<1x256xi32, #tpu.memory_space<vmem_shared>> -> memref<256xi32, #tpu.memory_space<vmem_shared>>
      tpu.enqueue_dma source(%dma_start3A_504 : memref<256xi32, #tpu.memory_space<vmem_shared>>) target(%arg9 : memref<256xi32, #tpu.memory_space<vmem>>) target_semaphore(%run_scoped3A : memref<!tpu.dma_semaphore, #tpu.memory_space<semaphore_mem>>)
      %dma_wait3A = arith.constant 0 : i32
      %dma_wait3A_505 = tpu.memref_slice %arg12[%add3A_181, %dma_wait3A] : memref<16x256xi32, #tpu.memory_space<vmem_shared>> -> memref<1x256xi32, #tpu.memory_space<vmem_shared>>
      %dma_wait3A_506 = tpu.memref_squeeze %dma_wait3A_505 : memref<1x256xi32, #tpu.memory_space<vmem_shared>> -> memref<256xi32, #tpu.memory_space<vmem_shared>>
      %dma_wait3A_507 = arith.constant 0 : i32
      %dma_wait3A_508 = tpu.memref_slice %arg12[%add3A_181, %dma_wait3A_507] : memref<16x256xi32, #tpu.memory_space<vmem_shared>> -> memref<1x256xi32, #tpu.memory_space<vmem_shared>>
      %dma_wait3A_509 = tpu.memref_squeeze %dma_wait3A_508 : memref<1x256xi32, #tpu.memory_space<vmem_shared>> -> memref<256xi32, #tpu.memory_space<vmem_shared>>
      tpu.wait_dma2 semaphore(%run_scoped3A : memref<!tpu.dma_semaphore, #tpu.memory_space<semaphore_mem>>) src(%dma_wait3A_509 : memref<256xi32, #tpu.memory_space<vmem_shared>>) dst(%arg9 : memref<256xi32, #tpu.memory_space<vmem>>)
      tpu.yield
    }) : () -> ()
    %scan3A_182 = arith.constant 0 : i32
    %scan3A_183 = arith.constant 0 : i32
    %scan3A_184 = arith.constant 16 : i32
    %scan3A_185 = arith.addi %scan3A_183, %scan3A_184 : i32
    %scan3A_186 = arith.constant 1 : i32
    %scan3A_187 = scf.for %scan3A_500 = %scan3A_183 to %scan3A_185 step %scan3A_186 iter_args(%scan3A_501 = %scan3A_182) -> (i32)  : i32 {
      %mul3A_502 = arith.constant 16 : i32
      %mul3A_503 = arith.muli %scan3A_500, %mul3A_502 : i32
      %get3A = arith.index_cast %mul3A_503 : i32 to index
      %get3A_504 = tpu.vector_load %arg9[%get3A] {strides = array<i32>} : memref<256xi32, #tpu.memory_space<vmem>>, vector<16xi32>,
      %mul3A_505 = arith.constant 16 : i32
      %mul3A_506 = arith.muli %scan3A_500, %mul3A_505 : i32
      %swap3A = arith.index_cast %mul3A_506 : i32 to index
      %swap3A_507 = tpu.vector_load %arg10[%swap3A] {strides = array<i32>} : memref<256xi32, #tpu.memory_space<vmem>>, vector<16xi32>,
      tpu.vector_store %arg10[%swap3A], %get3A_504 {strides = array<i32>} : memref<256xi32, #tpu.memory_space<vmem>>, vector<16xi32>,
      %scan3A_508 = arith.constant 0 : i32
      scf.yield %scan3A_508 : i32
    }
    %scan3A_188 = arith.constant 16 : i32
    %add3A_189 = arith.constant 1 : i32
    %add3A_190 = arith.addi %mul3A_179, %add3A_189 : i32
    "tpu.region"() ({
      %run_scoped3A = tpu.sem_alloc : memref<!tpu.dma_semaphore, #tpu.memory_space<semaphore_mem>>
      %dma_start3A = arith.constant 0 : i32
      %dma_start3A_500 = tpu.memref_slice %arg12[%add3A_190, %dma_start3A] : memref<16x256xi32, #tpu.memory_space<vmem_shared>> -> memref<1x256xi32, #tpu.memory_space<vmem_shared>>
      %dma_start3A_501 = tpu.memref_squeeze %dma_start3A_500 : memref<1x256xi32, #tpu.memory_space<vmem_shared>> -> memref<256xi32, #tpu.memory_space<vmem_shared>>
      %dma_start3A_502 = arith.constant 0 : i32
      %dma_start3A_503 = tpu.memref_slice %arg12[%add3A_190, %dma_start3A_502] : memref<16x256xi32, #tpu.memory_space<vmem_shared>> -> memref<1x256xi32, #tpu.memory_space<vmem_shared>>
      %dma_start3A_504 = tpu.memref_squeeze %dma_start3A_503 : memref<1x256xi32, #tpu.memory_space<vmem_shared>> -> memref<256xi32, #tpu.memory_space<vmem_shared>>
      tpu.enqueue_dma source(%dma_start3A_504 : memref<256xi32, #tpu.memory_space<vmem_shared>>) target(%arg9 : memref<256xi32, #tpu.memory_space<vmem>>) target_semaphore(%run_scoped3A : memref<!tpu.dma_semaphore, #tpu.memory_space<semaphore_mem>>)
      %dma_wait3A = arith.constant 0 : i32
      %dma_wait3A_505 = tpu.memref_slice %arg12[%add3A_190, %dma_wait3A] : memref<16x256xi32, #tpu.memory_space<vmem_shared>> -> memref<1x256xi32, #tpu.memory_space<vmem_shared>>
      %dma_wait3A_506 = tpu.memref_squeeze %dma_wait3A_505 : memref<1x256xi32, #tpu.memory_space<vmem_shared>> -> memref<256xi32, #tpu.memory_space<vmem_shared>>
      %dma_wait3A_507 = arith.constant 0 : i32
      %dma_wait3A_508 = tpu.memref_slice %arg12[%add3A_190, %dma_wait3A_507] : memref<16x256xi32, #tpu.memory_space<vmem_shared>> -> memref<1x256xi32, #tpu.memory_space<vmem_shared>>
      %dma_wait3A_509 = tpu.memref_squeeze %dma_wait3A_508 : memref<1x256xi32, #tpu.memory_space<vmem_shared>> -> memref<256xi32, #tpu.memory_space<vmem_shared>>
      tpu.wait_dma2 semaphore(%run_scoped3A : memref<!tpu.dma_semaphore, #tpu.memory_space<semaphore_mem>>) src(%dma_wait3A_509 : memref<256xi32, #tpu.memory_space<vmem_shared>>) dst(%arg9 : memref<256xi32, #tpu.memory_space<vmem>>)
      tpu.yield
    }) : () -> ()
    %scan3A_191 = arith.constant 0 : i32
    %scan3A_192 = arith.constant 0 : i32
    %scan3A_193 = arith.constant 16 : i32
    %scan3A_194 = arith.addi %scan3A_192, %scan3A_193 : i32
    %scan3A_195 = arith.constant 1 : i32
    %scan3A_196 = scf.for %scan3A_500 = %scan3A_192 to %scan3A_194 step %scan3A_195 iter_args(%scan3A_501 = %scan3A_191) -> (i32)  : i32 {
      %mul3A_502 = arith.constant 16 : i32
      %mul3A_503 = arith.muli %scan3A_500, %mul3A_502 : i32
      %get3A = arith.index_cast %mul3A_503 : i32 to index
      %get3A_504 = tpu.vector_load %arg9[%get3A] {strides = array<i32>} : memref<256xi32, #tpu.memory_space<vmem>>, vector<16xi32>,
      %mul3A_505 = arith.constant 16 : i32
      %mul3A_506 = arith.muli %scan3A_500, %mul3A_505 : i32
      %get3A_507 = arith.index_cast %mul3A_506 : i32 to index
      %get3A_508 = tpu.vector_load %arg10[%get3A_507] {strides = array<i32>} : memref<256xi32, #tpu.memory_space<vmem>>, vector<16xi32>,
      %add3A_509 = arith.addi %get3A_508, %get3A_504 : vector<16xi32>
      %mul3A_510 = arith.constant 16 : i32
      %mul3A_511 = arith.muli %scan3A_500, %mul3A_510 : i32
      %swap3A = arith.index_cast %mul3A_511 : i32 to index
      %swap3A_512 = tpu.vector_load %arg10[%swap3A] {strides = array<i32>} : memref<256xi32, #tpu.memory_space<vmem>>, vector<16xi32>,
      tpu.vector_store %arg10[%swap3A], %add3A_509 {strides = array<i32>} : memref<256xi32, #tpu.memory_space<vmem>>, vector<16xi32>,
      %scan3A_513 = arith.constant 0 : i32
      scf.yield %scan3A_513 : i32
    }
    %scan3A_197 = arith.constant 16 : i32
    %add3A_198 = arith.constant 2 : i32
    %add3A_199 = arith.addi %mul3A_179, %add3A_198 : i32
    "tpu.region"() ({
      %run_scoped3A = tpu.sem_alloc : memref<!tpu.dma_semaphore, #tpu.memory_space<semaphore_mem>>
      %dma_start3A = arith.constant 0 : i32
      %dma_start3A_500 = tpu.memref_slice %arg12[%add3A_199, %dma_start3A] : memref<16x256xi32, #tpu.memory_space<vmem_shared>> -> memref<1x256xi32, #tpu.memory_space<vmem_shared>>
      %dma_start3A_501 = tpu.memref_squeeze %dma_start3A_500 : memref<1x256xi32, #tpu.memory_space<vmem_shared>> -> memref<256xi32, #tpu.memory_space<vmem_shared>>
      %dma_start3A_502 = arith.constant 0 : i32
      %dma_start3A_503 = tpu.memref_slice %arg12[%add3A_199, %dma_start3A_502] : memref<16x256xi32, #tpu.memory_space<vmem_shared>> -> memref<1x256xi32, #tpu.memory_space<vmem_shared>>
      %dma_start3A_504 = tpu.memref_squeeze %dma_start3A_503 : memref<1x256xi32, #tpu.memory_space<vmem_shared>> -> memref<256xi32, #tpu.memory_space<vmem_shared>>
      tpu.enqueue_dma source(%dma_start3A_504 : memref<256xi32, #tpu.memory_space<vmem_shared>>) target(%arg9 : memref<256xi32, #tpu.memory_space<vmem>>) target_semaphore(%run_scoped3A : memref<!tpu.dma_semaphore, #tpu.memory_space<semaphore_mem>>)
      %dma_wait3A = arith.constant 0 : i32
      %dma_wait3A_505 = tpu.memref_slice %arg12[%add3A_199, %dma_wait3A] : memref<16x256xi32, #tpu.memory_space<vmem_shared>> -> memref<1x256xi32, #tpu.memory_space<vmem_shared>>
      %dma_wait3A_506 = tpu.memref_squeeze %dma_wait3A_505 : memref<1x256xi32, #tpu.memory_space<vmem_shared>> -> memref<256xi32, #tpu.memory_space<vmem_shared>>
      %dma_wait3A_507 = arith.constant 0 : i32
      %dma_wait3A_508 = tpu.memref_slice %arg12[%add3A_199, %dma_wait3A_507] : memref<16x256xi32, #tpu.memory_space<vmem_shared>> -> memref<1x256xi32, #tpu.memory_space<vmem_shared>>
      %dma_wait3A_509 = tpu.memref_squeeze %dma_wait3A_508 : memref<1x256xi32, #tpu.memory_space<vmem_shared>> -> memref<256xi32, #tpu.memory_space<vmem_shared>>
      tpu.wait_dma2 semaphore(%run_scoped3A : memref<!tpu.dma_semaphore, #tpu.memory_space<semaphore_mem>>) src(%dma_wait3A_509 : memref<256xi32, #tpu.memory_space<vmem_shared>>) dst(%arg9 : memref<256xi32, #tpu.memory_space<vmem>>)
      tpu.yield
    }) : () -> ()
    %scan3A_200 = arith.constant 0 : i32
    %scan3A_201 = arith.constant 0 : i32
    %scan3A_202 = arith.constant 16 : i32
    %scan3A_203 = arith.addi %scan3A_201, %scan3A_202 : i32
    %scan3A_204 = arith.constant 1 : i32
    %scan3A_205 = scf.for %scan3A_500 = %scan3A_201 to %scan3A_203 step %scan3A_204 iter_args(%scan3A_501 = %scan3A_200) -> (i32)  : i32 {
      %mul3A_502 = arith.constant 16 : i32
      %mul3A_503 = arith.muli %scan3A_500, %mul3A_502 : i32
      %get3A = arith.index_cast %mul3A_503 : i32 to index
      %get3A_504 = tpu.vector_load %arg9[%get3A] {strides = array<i32>} : memref<256xi32, #tpu.memory_space<vmem>>, vector<16xi32>,
      %mul3A_505 = arith.constant 16 : i32
      %mul3A_506 = arith.muli %scan3A_500, %mul3A_505 : i32
      %get3A_507 = arith.index_cast %mul3A_506 : i32 to index
      %get3A_508 = tpu.vector_load %arg10[%get3A_507] {strides = array<i32>} : memref<256xi32, #tpu.memory_space<vmem>>, vector<16xi32>,
      %add3A_509 = arith.addi %get3A_508, %get3A_504 : vector<16xi32>
      %mul3A_510 = arith.constant 16 : i32
      %mul3A_511 = arith.muli %scan3A_500, %mul3A_510 : i32
      %swap3A = arith.index_cast %mul3A_511 : i32 to index
      %swap3A_512 = tpu.vector_load %arg10[%swap3A] {strides = array<i32>} : memref<256xi32, #tpu.memory_space<vmem>>, vector<16xi32>,
      tpu.vector_store %arg10[%swap3A], %add3A_509 {strides = array<i32>} : memref<256xi32, #tpu.memory_space<vmem>>, vector<16xi32>,
      %scan3A_513 = arith.constant 0 : i32
      scf.yield %scan3A_513 : i32
    }
    %scan3A_206 = arith.constant 16 : i32
    %add3A_207 = arith.constant 3 : i32
    %add3A_208 = arith.addi %mul3A_179, %add3A_207 : i32
    "tpu.region"() ({
      %run_scoped3A = tpu.sem_alloc : memref<!tpu.dma_semaphore, #tpu.memory_space<semaphore_mem>>
      %dma_start3A = arith.constant 0 : i32
      %dma_start3A_500 = tpu.memref_slice %arg12[%add3A_208, %dma_start3A] : memref<16x256xi32, #tpu.memory_space<vmem_shared>> -> memref<1x256xi32, #tpu.memory_space<vmem_shared>>
      %dma_start3A_501 = tpu.memref_squeeze %dma_start3A_500 : memref<1x256xi32, #tpu.memory_space<vmem_shared>> -> memref<256xi32, #tpu.memory_space<vmem_shared>>
      %dma_start3A_502 = arith.constant 0 : i32
      %dma_start3A_503 = tpu.memref_slice %arg12[%add3A_208, %dma_start3A_502] : memref<16x256xi32, #tpu.memory_space<vmem_shared>> -> memref<1x256xi32, #tpu.memory_space<vmem_shared>>
      %dma_start3A_504 = tpu.memref_squeeze %dma_start3A_503 : memref<1x256xi32, #tpu.memory_space<vmem_shared>> -> memref<256xi32, #tpu.memory_space<vmem_shared>>
      tpu.enqueue_dma source(%dma_start3A_504 : memref<256xi32, #tpu.memory_space<vmem_shared>>) target(%arg9 : memref<256xi32, #tpu.memory_space<vmem>>) target_semaphore(%run_scoped3A : memref<!tpu.dma_semaphore, #tpu.memory_space<semaphore_mem>>)
      %dma_wait3A = arith.constant 0 : i32
      %dma_wait3A_505 = tpu.memref_slice %arg12[%add3A_208, %dma_wait3A] : memref<16x256xi32, #tpu.memory_space<vmem_shared>> -> memref<1x256xi32, #tpu.memory_space<vmem_shared>>
      %dma_wait3A_506 = tpu.memref_squeeze %dma_wait3A_505 : memref<1x256xi32, #tpu.memory_space<vmem_shared>> -> memref<256xi32, #tpu.memory_space<vmem_shared>>
      %dma_wait3A_507 = arith.constant 0 : i32
      %dma_wait3A_508 = tpu.memref_slice %arg12[%add3A_208, %dma_wait3A_507] : memref<16x256xi32, #tpu.memory_space<vmem_shared>> -> memref<1x256xi32, #tpu.memory_space<vmem_shared>>
      %dma_wait3A_509 = tpu.memref_squeeze %dma_wait3A_508 : memref<1x256xi32, #tpu.memory_space<vmem_shared>> -> memref<256xi32, #tpu.memory_space<vmem_shared>>
      tpu.wait_dma2 semaphore(%run_scoped3A : memref<!tpu.dma_semaphore, #tpu.memory_space<semaphore_mem>>) src(%dma_wait3A_509 : memref<256xi32, #tpu.memory_space<vmem_shared>>) dst(%arg9 : memref<256xi32, #tpu.memory_space<vmem>>)
      tpu.yield
    }) : () -> ()
    %scan3A_209 = arith.constant 0 : i32
    %scan3A_210 = arith.constant 0 : i32
    %scan3A_211 = arith.constant 16 : i32
    %scan3A_212 = arith.addi %scan3A_210, %scan3A_211 : i32
    %scan3A_213 = arith.constant 1 : i32
    %scan3A_214 = scf.for %scan3A_500 = %scan3A_210 to %scan3A_212 step %scan3A_213 iter_args(%scan3A_501 = %scan3A_209) -> (i32)  : i32 {
      %mul3A_502 = arith.constant 16 : i32
      %mul3A_503 = arith.muli %scan3A_500, %mul3A_502 : i32
      %get3A = arith.index_cast %mul3A_503 : i32 to index
      %get3A_504 = tpu.vector_load %arg9[%get3A] {strides = array<i32>} : memref<256xi32, #tpu.memory_space<vmem>>, vector<16xi32>,
      %mul3A_505 = arith.constant 16 : i32
      %mul3A_506 = arith.muli %scan3A_500, %mul3A_505 : i32
      %get3A_507 = arith.index_cast %mul3A_506 : i32 to index
      %get3A_508 = tpu.vector_load %arg10[%get3A_507] {strides = array<i32>} : memref<256xi32, #tpu.memory_space<vmem>>, vector<16xi32>,
      %add3A_509 = arith.addi %get3A_508, %get3A_504 : vector<16xi32>
      %mul3A_510 = arith.constant 16 : i32
      %mul3A_511 = arith.muli %scan3A_500, %mul3A_510 : i32
      %swap3A = arith.index_cast %mul3A_511 : i32 to index
      %swap3A_512 = tpu.vector_load %arg10[%swap3A] {strides = array<i32>} : memref<256xi32, #tpu.memory_space<vmem>>, vector<16xi32>,
      tpu.vector_store %arg10[%swap3A], %add3A_509 {strides = array<i32>} : memref<256xi32, #tpu.memory_space<vmem>>, vector<16xi32>,
      %scan3A_513 = arith.constant 0 : i32
      scf.yield %scan3A_513 : i32
    }
    %scan3A_215 = arith.constant 16 : i32
    %barrier3A_216 = arith.constant 0 : index
    tpu.barrier barrier_id(%barrier3A_216)
    %scan3A_217 = arith.constant 0 : i32
    %scan3A_218 = arith.constant 0 : i32
    %scan3A_219 = arith.constant 0 : i32
    %scan3A_220 = arith.constant 0 : i32
    %scan3A_221 = arith.constant 0 : i32
    %scan3A_222 = arith.constant 16 : i32
    %scan3A_223 = arith.addi %scan3A_221, %scan3A_222 : i32
    %scan3A_224 = arith.constant 1 : i32
    %scan3A_225:4 = scf.for %scan3A_500 = %scan3A_221 to %scan3A_223 step %scan3A_224 iter_args(%scan3A_501 = %scan3A_217, %scan3A_502 = %scan3A_218, %scan3A_503 = %scan3A_219, %scan3A_504 = %scan3A_220) -> (i32, i32, i32, i32)  : i32 {
      %sub3A_505 = arith.constant 15 : i32
      %sub3A_506 = arith.subi %sub3A_505, %scan3A_500 : i32
      %mul3A_507 = arith.constant 16 : i32
      %mul3A_508 = arith.muli %sub3A_506, %mul3A_507 : i32
      %get3A = arith.index_cast %mul3A_508 : i32 to index
      %get3A_509 = tpu.vector_load %arg10[%get3A] {strides = array<i32>} : memref<256xi32, #tpu.memory_space<vmem>>, vector<16xi32>,
      %reduce_sum3A = arith.constant true
      %reduce_sum3A_510 = vector.broadcast %reduce_sum3A : i1 to vector<16xi1>
      %reduce_sum3A_511 = tpu.scan <sum>, %get3A_509 masked %reduce_sum3A_510 : vector<16xi32>, vector<16xi1> -> vector<16xi32>
      %reduce_sum3A_512 = vector.extract %reduce_sum3A_511[15] : i32 from vector<16xi32>
      %broadcast_in_dim3A_513 = arith.constant true
      %broadcast_in_dim3A_514 = vector.broadcast %broadcast_in_dim3A_513 : i1 to vector<16xi1>
      %masked_cumsum3A = tpu.scan <sum>, %get3A_509 masked %broadcast_in_dim3A_514 : vector<16xi32>, vector<16xi1> -> vector<16xi32>
      %sub3A_515 = vector.broadcast %reduce_sum3A_512 : i32 to vector<16xi32>
      %sub3A_516 = arith.subi %sub3A_515, %masked_cumsum3A : vector<16xi32>
      %add3A_517 = arith.addi %sub3A_516, %get3A_509 : vector<16xi32>
      %add3A_518 = vector.broadcast %scan3A_501 : i32 to vector<16xi32>
      %add3A_519 = arith.addi %add3A_518, %add3A_517 : vector<16xi32>
      %ge3A_520 = vector.broadcast %sub3A_129 : i32 to vector<16xi32>
      %ge3A_521 = arith.cmpi sge, %add3A_519, %ge3A_520 : vector<16xi32>
      %convert_element_type3A_522 = arith.extui %ge3A_521 : vector<16xi1> to vector<16xi32>
      %reduce_max3A = arith.constant true
      %reduce_max3A_523 = vector.broadcast %reduce_max3A : i1 to vector<16xi1>
      %reduce_max3A_524 = arith.constant -2147483648 : i32
      %reduce_max3A_525 = vector.broadcast %reduce_max3A_524 : i32 to vector<16xi32>
      %reduce_max3A_526 = arith.xori %convert_element_type3A_522, %reduce_max3A_525 : vector<16xi32>
      %reduce_max3A_527 = tpu.scan <max>, %reduce_max3A_526 masked %reduce_max3A_523 : vector<16xi32>, vector<16xi1> -> vector<16xi32>
      %reduce_max3A_528 = arith.xori %reduce_max3A_527, %reduce_max3A_525 : vector<16xi32>
      %reduce_max3A_529 = vector.extract %reduce_max3A_528[15] : i32 from vector<16xi32>
      %jit3A_530 = arith.constant -1 : i32
      %broadcast_in_dim3A_531 = vector.broadcast %jit3A_530 : i32 to vector<16xi32>
      %select_n3A_532 = arith.select %ge3A_521, %iota3A, %broadcast_in_dim3A_531 : vector<16xi1>, vector<16xi32>
      %reduce_max3A_533 = arith.constant true
      %reduce_max3A_534 = vector.broadcast %reduce_max3A_533 : i1 to vector<16xi1>
      %reduce_max3A_535 = arith.constant -2147483648 : i32
      %reduce_max3A_536 = vector.broadcast %reduce_max3A_535 : i32 to vector<16xi32>
      %reduce_max3A_537 = arith.xori %select_n3A_532, %reduce_max3A_536 : vector<16xi32>
      %reduce_max3A_538 = tpu.scan <max>, %reduce_max3A_537 masked %reduce_max3A_534 : vector<16xi32>, vector<16xi1> -> vector<16xi32>
      %reduce_max3A_539 = arith.xori %reduce_max3A_538, %reduce_max3A_536 : vector<16xi32>
      %reduce_max3A_540 = vector.extract %reduce_max3A_539[15] : i32 from vector<16xi32>
      %eq3A_541 = vector.broadcast %reduce_max3A_540 : i32 to vector<16xi32>
      %eq3A_542 = arith.cmpi eq, %iota3A, %eq3A_541 : vector<16xi32>
      %jit3A_543 = arith.constant 0 : i32
      %broadcast_in_dim3A_544 = vector.broadcast %jit3A_543 : i32 to vector<16xi32>
      %select_n3A_545 = arith.select %eq3A_542, %add3A_517, %broadcast_in_dim3A_544 : vector<16xi1>, vector<16xi32>
      %reduce_sum3A_546 = arith.constant true
      %reduce_sum3A_547 = vector.broadcast %reduce_sum3A_546 : i1 to vector<16xi1>
      %reduce_sum3A_548 = tpu.scan <sum>, %select_n3A_545 masked %reduce_sum3A_547 : vector<16xi32>, vector<16xi1> -> vector<16xi32>
      %reduce_sum3A_549 = vector.extract %reduce_sum3A_548[15] : i32 from vector<16xi32>
      %eq3A_550 = vector.broadcast %reduce_max3A_540 : i32 to vector<16xi32>
      %eq3A_551 = arith.cmpi eq, %iota3A, %eq3A_550 : vector<16xi32>
      %jit3A_552 = arith.constant 0 : i32
      %broadcast_in_dim3A_553 = vector.broadcast %jit3A_552 : i32 to vector<16xi32>
      %select_n3A_554 = arith.select %eq3A_551, %get3A_509, %broadcast_in_dim3A_553 : vector<16xi1>, vector<16xi32>
      %reduce_sum3A_555 = arith.constant true
      %reduce_sum3A_556 = vector.broadcast %reduce_sum3A_555 : i1 to vector<16xi1>
      %reduce_sum3A_557 = tpu.scan <sum>, %select_n3A_554 masked %reduce_sum3A_556 : vector<16xi32>, vector<16xi1> -> vector<16xi32>
      %reduce_sum3A_558 = vector.extract %reduce_sum3A_557[15] : i32 from vector<16xi32>
      %eq3A_559 = arith.constant 0 : i32
      %eq3A_560 = arith.cmpi eq, %scan3A_502, %eq3A_559 : i32
      %eq3A_561 = arith.constant 1 : i32
      %eq3A_562 = arith.cmpi eq, %reduce_max3A_529, %eq3A_561 : i32
      %and3A_563 = arith.andi %eq3A_560, %eq3A_562 : i1
      %mul3A_564 = arith.constant 16 : i32
      %mul3A_565 = arith.muli %sub3A_506, %mul3A_564 : i32
      %add3A_566 = arith.addi %mul3A_565, %reduce_max3A_540 : i32
      %select_n3A_567 = arith.select %and3A_563, %add3A_566, %scan3A_503 : i32
      %add3A_568 = arith.addi %scan3A_501, %reduce_sum3A_549 : i32
      %sub3A_569 = arith.subi %add3A_568, %reduce_sum3A_558 : i32
      %select_n3A_570 = arith.select %and3A_563, %sub3A_569, %scan3A_504 : i32
      %jit3A_571 = arith.constant 1 : i32
      %select_n3A_572 = arith.select %and3A_563, %jit3A_571, %scan3A_502 : i32
      %add3A_573 = arith.addi %scan3A_501, %reduce_sum3A_512 : i32
      scf.yield %add3A_573, %select_n3A_572, %select_n3A_567, %select_n3A_570 : i32, i32, i32, i32
    }
    %scan3A_226 = arith.constant 16 : i32
    %sub3A_227 = arith.subi %sub3A_129, %scan3A_225#3 : i32
    %shift_left3A_228 = arith.constant 16 : i32
    %shift_left3A_229 = arith.shli %scan3A_225#2, %shift_left3A_228 : i32
    %or3A = arith.ori %shift_left3A_130, %shift_left3A_229 : i32
    %scan3A_230 = arith.constant 0 : i32
    %scan3A_231 = arith.constant 0 : i32
    %scan3A_232 = arith.constant 16 : i32
    %scan3A_233 = arith.addi %scan3A_231, %scan3A_232 : i32
    %scan3A_234 = arith.constant 1 : i32
    %scan3A_235 = scf.for %scan3A_500 = %scan3A_231 to %scan3A_233 step %scan3A_234 iter_args(%scan3A_501 = %scan3A_230) -> (i32)  : i32 {
      %broadcast_in_dim3A_502 = arith.constant 0 : i32
      %broadcast_in_dim3A_503 = vector.broadcast %broadcast_in_dim3A_502 : i32 to vector<16xi32>
      %swap3A = arith.index_cast %scan3A_500 : i32 to index
      %swap3A_504 = arith.constant 0 : index
      %swap3A_505 = tpu.vector_load %arg7[%swap3A, %swap3A_504] {strides = array<i32>} : memref<16x256xi32, #tpu.memory_space<vmem>>, vector<16xi32>,
      tpu.vector_store %arg7[%swap3A, %swap3A_504], %broadcast_in_dim3A_503 {strides = array<i32>} : memref<16x256xi32, #tpu.memory_space<vmem>>, vector<16xi32>,
      %broadcast_in_dim3A_506 = arith.constant 0 : i32
      %broadcast_in_dim3A_507 = vector.broadcast %broadcast_in_dim3A_506 : i32 to vector<16xi32>
      %swap3A_508 = arith.index_cast %scan3A_500 : i32 to index
      %swap3A_509 = arith.constant 16 : index
      %swap3A_510 = tpu.vector_load %arg7[%swap3A_508, %swap3A_509] {strides = array<i32>} : memref<16x256xi32, #tpu.memory_space<vmem>>, vector<16xi32>,
      tpu.vector_store %arg7[%swap3A_508, %swap3A_509], %broadcast_in_dim3A_507 {strides = array<i32>} : memref<16x256xi32, #tpu.memory_space<vmem>>, vector<16xi32>,
      %broadcast_in_dim3A_511 = arith.constant 0 : i32
      %broadcast_in_dim3A_512 = vector.broadcast %broadcast_in_dim3A_511 : i32 to vector<16xi32>
      %swap3A_513 = arith.index_cast %scan3A_500 : i32 to index
      %swap3A_514 = arith.constant 32 : index
      %swap3A_515 = tpu.vector_load %arg7[%swap3A_513, %swap3A_514] {strides = array<i32>} : memref<16x256xi32, #tpu.memory_space<vmem>>, vector<16xi32>,
      tpu.vector_store %arg7[%swap3A_513, %swap3A_514], %broadcast_in_dim3A_512 {strides = array<i32>} : memref<16x256xi32, #tpu.memory_space<vmem>>, vector<16xi32>,
      %broadcast_in_dim3A_516 = arith.constant 0 : i32
      %broadcast_in_dim3A_517 = vector.broadcast %broadcast_in_dim3A_516 : i32 to vector<16xi32>
      %swap3A_518 = arith.index_cast %scan3A_500 : i32 to index
      %swap3A_519 = arith.constant 48 : index
      %swap3A_520 = tpu.vector_load %arg7[%swap3A_518, %swap3A_519] {strides = array<i32>} : memref<16x256xi32, #tpu.memory_space<vmem>>, vector<16xi32>,
      tpu.vector_store %arg7[%swap3A_518, %swap3A_519], %broadcast_in_dim3A_517 {strides = array<i32>} : memref<16x256xi32, #tpu.memory_space<vmem>>, vector<16xi32>,
      %broadcast_in_dim3A_521 = arith.constant 0 : i32
      %broadcast_in_dim3A_522 = vector.broadcast %broadcast_in_dim3A_521 : i32 to vector<16xi32>
      %swap3A_523 = arith.index_cast %scan3A_500 : i32 to index
      %swap3A_524 = arith.constant 64 : index
      %swap3A_525 = tpu.vector_load %arg7[%swap3A_523, %swap3A_524] {strides = array<i32>} : memref<16x256xi32, #tpu.memory_space<vmem>>, vector<16xi32>,
      tpu.vector_store %arg7[%swap3A_523, %swap3A_524], %broadcast_in_dim3A_522 {strides = array<i32>} : memref<16x256xi32, #tpu.memory_space<vmem>>, vector<16xi32>,
      %broadcast_in_dim3A_526 = arith.constant 0 : i32
      %broadcast_in_dim3A_527 = vector.broadcast %broadcast_in_dim3A_526 : i32 to vector<16xi32>
      %swap3A_528 = arith.index_cast %scan3A_500 : i32 to index
      %swap3A_529 = arith.constant 80 : index
      %swap3A_530 = tpu.vector_load %arg7[%swap3A_528, %swap3A_529] {strides = array<i32>} : memref<16x256xi32, #tpu.memory_space<vmem>>, vector<16xi32>,
      tpu.vector_store %arg7[%swap3A_528, %swap3A_529], %broadcast_in_dim3A_527 {strides = array<i32>} : memref<16x256xi32, #tpu.memory_space<vmem>>, vector<16xi32>,
      %broadcast_in_dim3A_531 = arith.constant 0 : i32
      %broadcast_in_dim3A_532 = vector.broadcast %broadcast_in_dim3A_531 : i32 to vector<16xi32>
      %swap3A_533 = arith.index_cast %scan3A_500 : i32 to index
      %swap3A_534 = arith.constant 96 : index
      %swap3A_535 = tpu.vector_load %arg7[%swap3A_533, %swap3A_534] {strides = array<i32>} : memref<16x256xi32, #tpu.memory_space<vmem>>, vector<16xi32>,
      tpu.vector_store %arg7[%swap3A_533, %swap3A_534], %broadcast_in_dim3A_532 {strides = array<i32>} : memref<16x256xi32, #tpu.memory_space<vmem>>, vector<16xi32>,
      %broadcast_in_dim3A_536 = arith.constant 0 : i32
      %broadcast_in_dim3A_537 = vector.broadcast %broadcast_in_dim3A_536 : i32 to vector<16xi32>
      %swap3A_538 = arith.index_cast %scan3A_500 : i32 to index
      %swap3A_539 = arith.constant 112 : index
      %swap3A_540 = tpu.vector_load %arg7[%swap3A_538, %swap3A_539] {strides = array<i32>} : memref<16x256xi32, #tpu.memory_space<vmem>>, vector<16xi32>,
      tpu.vector_store %arg7[%swap3A_538, %swap3A_539], %broadcast_in_dim3A_537 {strides = array<i32>} : memref<16x256xi32, #tpu.memory_space<vmem>>, vector<16xi32>,
      %broadcast_in_dim3A_541 = arith.constant 0 : i32
      %broadcast_in_dim3A_542 = vector.broadcast %broadcast_in_dim3A_541 : i32 to vector<16xi32>
      %swap3A_543 = arith.index_cast %scan3A_500 : i32 to index
      %swap3A_544 = arith.constant 128 : index
      %swap3A_545 = tpu.vector_load %arg7[%swap3A_543, %swap3A_544] {strides = array<i32>} : memref<16x256xi32, #tpu.memory_space<vmem>>, vector<16xi32>,
      tpu.vector_store %arg7[%swap3A_543, %swap3A_544], %broadcast_in_dim3A_542 {strides = array<i32>} : memref<16x256xi32, #tpu.memory_space<vmem>>, vector<16xi32>,
      %broadcast_in_dim3A_546 = arith.constant 0 : i32
      %broadcast_in_dim3A_547 = vector.broadcast %broadcast_in_dim3A_546 : i32 to vector<16xi32>
      %swap3A_548 = arith.index_cast %scan3A_500 : i32 to index
      %swap3A_549 = arith.constant 144 : index
      %swap3A_550 = tpu.vector_load %arg7[%swap3A_548, %swap3A_549] {strides = array<i32>} : memref<16x256xi32, #tpu.memory_space<vmem>>, vector<16xi32>,
      tpu.vector_store %arg7[%swap3A_548, %swap3A_549], %broadcast_in_dim3A_547 {strides = array<i32>} : memref<16x256xi32, #tpu.memory_space<vmem>>, vector<16xi32>,
      %broadcast_in_dim3A_551 = arith.constant 0 : i32
      %broadcast_in_dim3A_552 = vector.broadcast %broadcast_in_dim3A_551 : i32 to vector<16xi32>
      %swap3A_553 = arith.index_cast %scan3A_500 : i32 to index
      %swap3A_554 = arith.constant 160 : index
      %swap3A_555 = tpu.vector_load %arg7[%swap3A_553, %swap3A_554] {strides = array<i32>} : memref<16x256xi32, #tpu.memory_space<vmem>>, vector<16xi32>,
      tpu.vector_store %arg7[%swap3A_553, %swap3A_554], %broadcast_in_dim3A_552 {strides = array<i32>} : memref<16x256xi32, #tpu.memory_space<vmem>>, vector<16xi32>,
      %broadcast_in_dim3A_556 = arith.constant 0 : i32
      %broadcast_in_dim3A_557 = vector.broadcast %broadcast_in_dim3A_556 : i32 to vector<16xi32>
      %swap3A_558 = arith.index_cast %scan3A_500 : i32 to index
      %swap3A_559 = arith.constant 176 : index
      %swap3A_560 = tpu.vector_load %arg7[%swap3A_558, %swap3A_559] {strides = array<i32>} : memref<16x256xi32, #tpu.memory_space<vmem>>, vector<16xi32>,
      tpu.vector_store %arg7[%swap3A_558, %swap3A_559], %broadcast_in_dim3A_557 {strides = array<i32>} : memref<16x256xi32, #tpu.memory_space<vmem>>, vector<16xi32>,
      %broadcast_in_dim3A_561 = arith.constant 0 : i32
      %broadcast_in_dim3A_562 = vector.broadcast %broadcast_in_dim3A_561 : i32 to vector<16xi32>
      %swap3A_563 = arith.index_cast %scan3A_500 : i32 to index
      %swap3A_564 = arith.constant 192 : index
      %swap3A_565 = tpu.vector_load %arg7[%swap3A_563, %swap3A_564] {strides = array<i32>} : memref<16x256xi32, #tpu.memory_space<vmem>>, vector<16xi32>,
      tpu.vector_store %arg7[%swap3A_563, %swap3A_564], %broadcast_in_dim3A_562 {strides = array<i32>} : memref<16x256xi32, #tpu.memory_space<vmem>>, vector<16xi32>,
      %broadcast_in_dim3A_566 = arith.constant 0 : i32
      %broadcast_in_dim3A_567 = vector.broadcast %broadcast_in_dim3A_566 : i32 to vector<16xi32>
      %swap3A_568 = arith.index_cast %scan3A_500 : i32 to index
      %swap3A_569 = arith.constant 208 : index
      %swap3A_570 = tpu.vector_load %arg7[%swap3A_568, %swap3A_569] {strides = array<i32>} : memref<16x256xi32, #tpu.memory_space<vmem>>, vector<16xi32>,
      tpu.vector_store %arg7[%swap3A_568, %swap3A_569], %broadcast_in_dim3A_567 {strides = array<i32>} : memref<16x256xi32, #tpu.memory_space<vmem>>, vector<16xi32>,
      %broadcast_in_dim3A_571 = arith.constant 0 : i32
      %broadcast_in_dim3A_572 = vector.broadcast %broadcast_in_dim3A_571 : i32 to vector<16xi32>
      %swap3A_573 = arith.index_cast %scan3A_500 : i32 to index
      %swap3A_574 = arith.constant 224 : index
      %swap3A_575 = tpu.vector_load %arg7[%swap3A_573, %swap3A_574] {strides = array<i32>} : memref<16x256xi32, #tpu.memory_space<vmem>>, vector<16xi32>,
      tpu.vector_store %arg7[%swap3A_573, %swap3A_574], %broadcast_in_dim3A_572 {strides = array<i32>} : memref<16x256xi32, #tpu.memory_space<vmem>>, vector<16xi32>,
      %broadcast_in_dim3A_576 = arith.constant 0 : i32
      %broadcast_in_dim3A_577 = vector.broadcast %broadcast_in_dim3A_576 : i32 to vector<16xi32>
      %swap3A_578 = arith.index_cast %scan3A_500 : i32 to index
      %swap3A_579 = arith.constant 240 : index
      %swap3A_580 = tpu.vector_load %arg7[%swap3A_578, %swap3A_579] {strides = array<i32>} : memref<16x256xi32, #tpu.memory_space<vmem>>, vector<16xi32>,
      tpu.vector_store %arg7[%swap3A_578, %swap3A_579], %broadcast_in_dim3A_577 {strides = array<i32>} : memref<16x256xi32, #tpu.memory_space<vmem>>, vector<16xi32>,
      %scan3A_581 = arith.constant 0 : i32
      scf.yield %scan3A_581 : i32
    }
    %scan3A_236 = arith.constant 16 : i32
    %shift_right_logical3A_237 = arith.constant 16 : i32
    %shift_right_logical3A_238 = arith.shrui %or3A, %shift_right_logical3A_237 : i32
    %add3A_239 = arith.constant 15 : i32
    %add3A_240 = arith.addi %scan3A_144, %add3A_239 : i32
    %jit3A_241 = arith.constant 16 : i32
    %div3A_242 = arith.divsi %add3A_240, %jit3A_241 : i32
    %sign3A_243 = arith.constant 0 : i32
    %sign3A_244 = arith.cmpi sgt, %add3A_240, %sign3A_243 : i32
    %sign3A_245 = arith.extui %sign3A_244 : i1 to i32
    %sign3A_246 = arith.constant 0 : i32
    %sign3A_247 = arith.cmpi slt, %add3A_240, %sign3A_246 : i32
    %sign3A_248 = arith.extui %sign3A_247 : i1 to i32
    %sign3A_249 = arith.subi %sign3A_245, %sign3A_248 : i32
    %sign3A_250 = arith.constant 0 : i32
    %sign3A_251 = arith.cmpi sgt, %jit3A_241, %sign3A_250 : i32
    %sign3A_252 = arith.extui %sign3A_251 : i1 to i32
    %sign3A_253 = arith.constant 0 : i32
    %sign3A_254 = arith.cmpi slt, %jit3A_241, %sign3A_253 : i32
    %sign3A_255 = arith.extui %sign3A_254 : i1 to i32
    %sign3A_256 = arith.subi %sign3A_252, %sign3A_255 : i32
    %ne3A_257 = arith.cmpi ne, %sign3A_249, %sign3A_256 : i32
    %rem3A_258 = arith.remsi %add3A_240, %jit3A_241 : i32
    %ne3A_259 = arith.constant 0 : i32
    %ne3A_260 = arith.cmpi ne, %rem3A_258, %ne3A_259 : i32
    %and3A_261 = arith.andi %ne3A_257, %ne3A_260 : i1
    %sub3A_262 = arith.constant 1 : i32
    %sub3A_263 = arith.subi %div3A_242, %sub3A_262 : i32
    %select_n3A_264 = arith.select %and3A_261, %sub3A_263, %div3A_242 : i32
    %while3A = arith.constant 0 : i32
    %while3A_265 = arith.constant 0 : i32
    %while3A_266 = arith.subi %select_n3A_264, %while3A : i32
    %while3A_267 = arith.addi %while3A, %while3A_266 : i32
    %while3A_268 = arith.constant 1 : i32
    %while3A_269 = arith.divsi %while3A_266, %while3A_268 : i32
    %while3A_270 = arith.muli %while3A_269, %while3A_268 : i32
    %while3A_271 = arith.addi %while3A, %while3A_270 : i32
    %while3A_272 = arith.constant 1 : i32
    %while3A_273 = scf.for %while3A_500 = %while3A to %while3A_271 step %while3A_272 iter_args(%while3A_501 = %while3A_265) -> (i32)  : i32 {
      %mul3A_502 = arith.constant 16 : i32
      %mul3A_503 = arith.muli %while3A_500, %mul3A_502 : i32
      %get3A = arith.index_cast %mul3A_503 : i32 to index
      %get3A_504 = tpu.vector_load %arg6[%get3A] {strides = array<i32>} : memref<36880xi32, #tpu.memory_space<vmem>>, vector<16xi32>,
      %add3A_505 = vector.broadcast %mul3A_503 : i32 to vector<16xi32>
      %add3A_506 = arith.addi %iota3A, %add3A_505 : vector<16xi32>
      %lt3A_507 = vector.broadcast %scan3A_144 : i32 to vector<16xi32>
      %lt3A_508 = arith.cmpi slt, %add3A_506, %lt3A_507 : vector<16xi32>
      %shift_right_logical3A_509 = arith.constant 16 : i32
      %shift_right_logical3A_510 = vector.broadcast %shift_right_logical3A_509 : i32 to vector<16xi32>
      %shift_right_logical3A_511 = arith.shrui %get3A_504, %shift_right_logical3A_510 : vector<16xi32>
      %eq3A_512 = vector.broadcast %shift_right_logical3A_238 : i32 to vector<16xi32>
      %eq3A_513 = arith.cmpi eq, %shift_right_logical3A_511, %eq3A_512 : vector<16xi32>
      %and3A_514 = arith.andi %eq3A_513, %lt3A_508 : vector<16xi1>
      %shift_right_logical3A_515 = arith.constant 8 : i32
      %shift_right_logical3A_516 = vector.broadcast %shift_right_logical3A_515 : i32 to vector<16xi32>
      %shift_right_logical3A_517 = arith.shrui %get3A_504, %shift_right_logical3A_516 : vector<16xi32>
      %and3A_518 = arith.constant 255 : i32
      %and3A_519 = vector.broadcast %and3A_518 : i32 to vector<16xi32>
      %and3A_520 = arith.andi %shift_right_logical3A_517, %and3A_519 : vector<16xi32>
      tpu.vector_store_idx %arg7[%iota3A, %and3A_520], %broadcast_in_dim3A_31 masked %and3A_514 {add = true} : memref<16x256xi32, #tpu.memory_space<vmem>>[vector<16xi32>, vector<16xi32>], vector<16xi32>, vector<16xi1>
      %swap3A = arith.index_cast %while3A_501 : i32 to index
      %swap3A_521 = tpu.vector_load %arg5[%swap3A] masked %and3A_514 {strides = array<i32>} : memref<36880xi32, #tpu.memory_space<vmem>>, vector<16xi32>, vector<16xi1>
      tpu.vector_store %arg5[%swap3A], %get3A_504 masked %and3A_514 {strides = array<i32>} : memref<36880xi32, #tpu.memory_space<vmem>>, vector<16xi32>, vector<16xi1>
      %convert_element_type3A_522 = arith.extui %and3A_514 : vector<16xi1> to vector<16xi32>
      %reduce_sum3A = arith.constant true
      %reduce_sum3A_523 = vector.broadcast %reduce_sum3A : i1 to vector<16xi1>
      %reduce_sum3A_524 = tpu.scan <sum>, %convert_element_type3A_522 masked %reduce_sum3A_523 : vector<16xi32>, vector<16xi1> -> vector<16xi32>
      %reduce_sum3A_525 = vector.extract %reduce_sum3A_524[15] : i32 from vector<16xi32>
      %add3A_526 = arith.addi %while3A_501, %reduce_sum3A_525 : i32
      scf.yield %add3A_526 : i32
    }
    %while3A_274 = arith.constant 1 : i32
    %while3A_275 = scf.for %while3A_500 = %while3A_271 to %while3A_267 step %while3A_274 iter_args(%while3A_501 = %while3A_273) -> (i32)  : i32 {
      %mul3A_502 = arith.constant 16 : i32
      %mul3A_503 = arith.muli %while3A_500, %mul3A_502 : i32
      %get3A = arith.index_cast %mul3A_503 : i32 to index
      %get3A_504 = tpu.vector_load %arg6[%get3A] {strides = array<i32>} : memref<36880xi32, #tpu.memory_space<vmem>>, vector<16xi32>,
      %add3A_505 = vector.broadcast %mul3A_503 : i32 to vector<16xi32>
      %add3A_506 = arith.addi %iota3A, %add3A_505 : vector<16xi32>
      %lt3A_507 = vector.broadcast %scan3A_144 : i32 to vector<16xi32>
      %lt3A_508 = arith.cmpi slt, %add3A_506, %lt3A_507 : vector<16xi32>
      %shift_right_logical3A_509 = arith.constant 16 : i32
      %shift_right_logical3A_510 = vector.broadcast %shift_right_logical3A_509 : i32 to vector<16xi32>
      %shift_right_logical3A_511 = arith.shrui %get3A_504, %shift_right_logical3A_510 : vector<16xi32>
      %eq3A_512 = vector.broadcast %shift_right_logical3A_238 : i32 to vector<16xi32>
      %eq3A_513 = arith.cmpi eq, %shift_right_logical3A_511, %eq3A_512 : vector<16xi32>
      %and3A_514 = arith.andi %eq3A_513, %lt3A_508 : vector<16xi1>
      %shift_right_logical3A_515 = arith.constant 8 : i32
      %shift_right_logical3A_516 = vector.broadcast %shift_right_logical3A_515 : i32 to vector<16xi32>
      %shift_right_logical3A_517 = arith.shrui %get3A_504, %shift_right_logical3A_516 : vector<16xi32>
      %and3A_518 = arith.constant 255 : i32
      %and3A_519 = vector.broadcast %and3A_518 : i32 to vector<16xi32>
      %and3A_520 = arith.andi %shift_right_logical3A_517, %and3A_519 : vector<16xi32>
      tpu.vector_store_idx %arg7[%iota3A, %and3A_520], %broadcast_in_dim3A_31 masked %and3A_514 {add = true} : memref<16x256xi32, #tpu.memory_space<vmem>>[vector<16xi32>, vector<16xi32>], vector<16xi32>, vector<16xi1>
      %swap3A = arith.index_cast %while3A_501 : i32 to index
      %swap3A_521 = tpu.vector_load %arg5[%swap3A] masked %and3A_514 {strides = array<i32>} : memref<36880xi32, #tpu.memory_space<vmem>>, vector<16xi32>, vector<16xi1>
      tpu.vector_store %arg5[%swap3A], %get3A_504 masked %and3A_514 {strides = array<i32>} : memref<36880xi32, #tpu.memory_space<vmem>>, vector<16xi32>, vector<16xi1>
      %convert_element_type3A_522 = arith.extui %and3A_514 : vector<16xi1> to vector<16xi32>
      %reduce_sum3A = arith.constant true
      %reduce_sum3A_523 = vector.broadcast %reduce_sum3A : i1 to vector<16xi1>
      %reduce_sum3A_524 = tpu.scan <sum>, %convert_element_type3A_522 masked %reduce_sum3A_523 : vector<16xi32>, vector<16xi1> -> vector<16xi32>
      %reduce_sum3A_525 = vector.extract %reduce_sum3A_524[15] : i32 from vector<16xi32>
      %add3A_526 = arith.addi %while3A_501, %reduce_sum3A_525 : i32
      scf.yield %add3A_526 : i32
    }
    %scan3A_276 = arith.constant 0 : i32
    %scan3A_277 = arith.constant 0 : i32
    %scan3A_278 = arith.constant 16 : i32
    %scan3A_279 = arith.addi %scan3A_277, %scan3A_278 : i32
    %scan3A_280 = arith.constant 1 : i32
    %scan3A_281 = scf.for %scan3A_500 = %scan3A_277 to %scan3A_279 step %scan3A_280 iter_args(%scan3A_501 = %scan3A_276) -> (i32)  : i32 {
      %mul3A_502 = arith.constant 16 : i32
      %mul3A_503 = arith.muli %scan3A_500, %mul3A_502 : i32
      %get3A = arith.constant 0 : i32
      %get3A_504 = arith.index_cast %get3A : i32 to index
      %get3A_505 = arith.index_cast %mul3A_503 : i32 to index
      %get3A_506 = tpu.vector_load %arg7[%get3A_504, %get3A_505] {strides = array<i32>} : memref<16x256xi32, #tpu.memory_space<vmem>>, vector<16xi32>,
      %mul3A_507 = arith.constant 16 : i32
      %mul3A_508 = arith.muli %scan3A_500, %mul3A_507 : i32
      %get3A_509 = arith.constant 1 : i32
      %get3A_510 = arith.index_cast %get3A_509 : i32 to index
      %get3A_511 = arith.index_cast %mul3A_508 : i32 to index
      %get3A_512 = tpu.vector_load %arg7[%get3A_510, %get3A_511] {strides = array<i32>} : memref<16x256xi32, #tpu.memory_space<vmem>>, vector<16xi32>,
      %add3A_513 = arith.addi %get3A_506, %get3A_512 : vector<16xi32>
      %mul3A_514 = arith.constant 16 : i32
      %mul3A_515 = arith.muli %scan3A_500, %mul3A_514 : i32
      %get3A_516 = arith.constant 2 : i32
      %get3A_517 = arith.index_cast %get3A_516 : i32 to index
      %get3A_518 = arith.index_cast %mul3A_515 : i32 to index
      %get3A_519 = tpu.vector_load %arg7[%get3A_517, %get3A_518] {strides = array<i32>} : memref<16x256xi32, #tpu.memory_space<vmem>>, vector<16xi32>,
      %add3A_520 = arith.addi %add3A_513, %get3A_519 : vector<16xi32>
      %mul3A_521 = arith.constant 16 : i32
      %mul3A_522 = arith.muli %scan3A_500, %mul3A_521 : i32
      %get3A_523 = arith.constant 3 : i32
      %get3A_524 = arith.index_cast %get3A_523 : i32 to index
      %get3A_525 = arith.index_cast %mul3A_522 : i32 to index
      %get3A_526 = tpu.vector_load %arg7[%get3A_524, %get3A_525] {strides = array<i32>} : memref<16x256xi32, #tpu.memory_space<vmem>>, vector<16xi32>,
      %add3A_527 = arith.addi %add3A_520, %get3A_526 : vector<16xi32>
      %mul3A_528 = arith.constant 16 : i32
      %mul3A_529 = arith.muli %scan3A_500, %mul3A_528 : i32
      %get3A_530 = arith.constant 4 : i32
      %get3A_531 = arith.index_cast %get3A_530 : i32 to index
      %get3A_532 = arith.index_cast %mul3A_529 : i32 to index
      %get3A_533 = tpu.vector_load %arg7[%get3A_531, %get3A_532] {strides = array<i32>} : memref<16x256xi32, #tpu.memory_space<vmem>>, vector<16xi32>,
      %add3A_534 = arith.addi %add3A_527, %get3A_533 : vector<16xi32>
      %mul3A_535 = arith.constant 16 : i32
      %mul3A_536 = arith.muli %scan3A_500, %mul3A_535 : i32
      %get3A_537 = arith.constant 5 : i32
      %get3A_538 = arith.index_cast %get3A_537 : i32 to index
      %get3A_539 = arith.index_cast %mul3A_536 : i32 to index
      %get3A_540 = tpu.vector_load %arg7[%get3A_538, %get3A_539] {strides = array<i32>} : memref<16x256xi32, #tpu.memory_space<vmem>>, vector<16xi32>,
      %add3A_541 = arith.addi %add3A_534, %get3A_540 : vector<16xi32>
      %mul3A_542 = arith.constant 16 : i32
      %mul3A_543 = arith.muli %scan3A_500, %mul3A_542 : i32
      %get3A_544 = arith.constant 6 : i32
      %get3A_545 = arith.index_cast %get3A_544 : i32 to index
      %get3A_546 = arith.index_cast %mul3A_543 : i32 to index
      %get3A_547 = tpu.vector_load %arg7[%get3A_545, %get3A_546] {strides = array<i32>} : memref<16x256xi32, #tpu.memory_space<vmem>>, vector<16xi32>,
      %add3A_548 = arith.addi %add3A_541, %get3A_547 : vector<16xi32>
      %mul3A_549 = arith.constant 16 : i32
      %mul3A_550 = arith.muli %scan3A_500, %mul3A_549 : i32
      %get3A_551 = arith.constant 7 : i32
      %get3A_552 = arith.index_cast %get3A_551 : i32 to index
      %get3A_553 = arith.index_cast %mul3A_550 : i32 to index
      %get3A_554 = tpu.vector_load %arg7[%get3A_552, %get3A_553] {strides = array<i32>} : memref<16x256xi32, #tpu.memory_space<vmem>>, vector<16xi32>,
      %add3A_555 = arith.addi %add3A_548, %get3A_554 : vector<16xi32>
      %mul3A_556 = arith.constant 16 : i32
      %mul3A_557 = arith.muli %scan3A_500, %mul3A_556 : i32
      %get3A_558 = arith.constant 8 : i32
      %get3A_559 = arith.index_cast %get3A_558 : i32 to index
      %get3A_560 = arith.index_cast %mul3A_557 : i32 to index
      %get3A_561 = tpu.vector_load %arg7[%get3A_559, %get3A_560] {strides = array<i32>} : memref<16x256xi32, #tpu.memory_space<vmem>>, vector<16xi32>,
      %add3A_562 = arith.addi %add3A_555, %get3A_561 : vector<16xi32>
      %mul3A_563 = arith.constant 16 : i32
      %mul3A_564 = arith.muli %scan3A_500, %mul3A_563 : i32
      %get3A_565 = arith.constant 9 : i32
      %get3A_566 = arith.index_cast %get3A_565 : i32 to index
      %get3A_567 = arith.index_cast %mul3A_564 : i32 to index
      %get3A_568 = tpu.vector_load %arg7[%get3A_566, %get3A_567] {strides = array<i32>} : memref<16x256xi32, #tpu.memory_space<vmem>>, vector<16xi32>,
      %add3A_569 = arith.addi %add3A_562, %get3A_568 : vector<16xi32>
      %mul3A_570 = arith.constant 16 : i32
      %mul3A_571 = arith.muli %scan3A_500, %mul3A_570 : i32
      %get3A_572 = arith.constant 10 : i32
      %get3A_573 = arith.index_cast %get3A_572 : i32 to index
      %get3A_574 = arith.index_cast %mul3A_571 : i32 to index
      %get3A_575 = tpu.vector_load %arg7[%get3A_573, %get3A_574] {strides = array<i32>} : memref<16x256xi32, #tpu.memory_space<vmem>>, vector<16xi32>,
      %add3A_576 = arith.addi %add3A_569, %get3A_575 : vector<16xi32>
      %mul3A_577 = arith.constant 16 : i32
      %mul3A_578 = arith.muli %scan3A_500, %mul3A_577 : i32
      %get3A_579 = arith.constant 11 : i32
      %get3A_580 = arith.index_cast %get3A_579 : i32 to index
      %get3A_581 = arith.index_cast %mul3A_578 : i32 to index
      %get3A_582 = tpu.vector_load %arg7[%get3A_580, %get3A_581] {strides = array<i32>} : memref<16x256xi32, #tpu.memory_space<vmem>>, vector<16xi32>,
      %add3A_583 = arith.addi %add3A_576, %get3A_582 : vector<16xi32>
      %mul3A_584 = arith.constant 16 : i32
      %mul3A_585 = arith.muli %scan3A_500, %mul3A_584 : i32
      %get3A_586 = arith.constant 12 : i32
      %get3A_587 = arith.index_cast %get3A_586 : i32 to index
      %get3A_588 = arith.index_cast %mul3A_585 : i32 to index
      %get3A_589 = tpu.vector_load %arg7[%get3A_587, %get3A_588] {strides = array<i32>} : memref<16x256xi32, #tpu.memory_space<vmem>>, vector<16xi32>,
      %add3A_590 = arith.addi %add3A_583, %get3A_589 : vector<16xi32>
      %mul3A_591 = arith.constant 16 : i32
      %mul3A_592 = arith.muli %scan3A_500, %mul3A_591 : i32
      %get3A_593 = arith.constant 13 : i32
      %get3A_594 = arith.index_cast %get3A_593 : i32 to index
      %get3A_595 = arith.index_cast %mul3A_592 : i32 to index
      %get3A_596 = tpu.vector_load %arg7[%get3A_594, %get3A_595] {strides = array<i32>} : memref<16x256xi32, #tpu.memory_space<vmem>>, vector<16xi32>,
      %add3A_597 = arith.addi %add3A_590, %get3A_596 : vector<16xi32>
      %mul3A_598 = arith.constant 16 : i32
      %mul3A_599 = arith.muli %scan3A_500, %mul3A_598 : i32
      %get3A_600 = arith.constant 14 : i32
      %get3A_601 = arith.index_cast %get3A_600 : i32 to index
      %get3A_602 = arith.index_cast %mul3A_599 : i32 to index
      %get3A_603 = tpu.vector_load %arg7[%get3A_601, %get3A_602] {strides = array<i32>} : memref<16x256xi32, #tpu.memory_space<vmem>>, vector<16xi32>,
      %add3A_604 = arith.addi %add3A_597, %get3A_603 : vector<16xi32>
      %mul3A_605 = arith.constant 16 : i32
      %mul3A_606 = arith.muli %scan3A_500, %mul3A_605 : i32
      %get3A_607 = arith.constant 15 : i32
      %get3A_608 = arith.index_cast %get3A_607 : i32 to index
      %get3A_609 = arith.index_cast %mul3A_606 : i32 to index
      %get3A_610 = tpu.vector_load %arg7[%get3A_608, %get3A_609] {strides = array<i32>} : memref<16x256xi32, #tpu.memory_space<vmem>>, vector<16xi32>,
      %add3A_611 = arith.addi %add3A_604, %get3A_610 : vector<16xi32>
      %mul3A_612 = arith.constant 16 : i32
      %mul3A_613 = arith.muli %scan3A_500, %mul3A_612 : i32
      %swap3A = arith.index_cast %mul3A_613 : i32 to index
      %swap3A_614 = tpu.vector_load %arg8[%swap3A] {strides = array<i32>} : memref<256xi32, #tpu.memory_space<vmem>>, vector<16xi32>,
      tpu.vector_store %arg8[%swap3A], %add3A_611 {strides = array<i32>} : memref<256xi32, #tpu.memory_space<vmem>>, vector<16xi32>,
      %scan3A_615 = arith.constant 0 : i32
      scf.yield %scan3A_615 : i32
    }
    %scan3A_282 = arith.constant 16 : i32
    "tpu.region"() ({
      %run_scoped3A = tpu.sem_alloc : memref<!tpu.dma_semaphore, #tpu.memory_space<semaphore_mem>>
      %dma_start3A = arith.constant 0 : i32
      %dma_start3A_500 = tpu.memref_slice %arg12[%arg1, %dma_start3A] : memref<16x256xi32, #tpu.memory_space<vmem_shared>> -> memref<1x256xi32, #tpu.memory_space<vmem_shared>>
      %dma_start3A_501 = tpu.memref_squeeze %dma_start3A_500 : memref<1x256xi32, #tpu.memory_space<vmem_shared>> -> memref<256xi32, #tpu.memory_space<vmem_shared>>
      %dma_start3A_502 = arith.constant 0 : i32
      %dma_start3A_503 = tpu.memref_slice %arg12[%arg1, %dma_start3A_502] : memref<16x256xi32, #tpu.memory_space<vmem_shared>> -> memref<1x256xi32, #tpu.memory_space<vmem_shared>>
      %dma_start3A_504 = tpu.memref_squeeze %dma_start3A_503 : memref<1x256xi32, #tpu.memory_space<vmem_shared>> -> memref<256xi32, #tpu.memory_space<vmem_shared>>
      tpu.enqueue_dma source(%arg8 : memref<256xi32, #tpu.memory_space<vmem>>) target(%dma_start3A_504 : memref<256xi32, #tpu.memory_space<vmem_shared>>) target_semaphore(%run_scoped3A : memref<!tpu.dma_semaphore, #tpu.memory_space<semaphore_mem>>)
      %dma_wait3A = arith.constant 0 : i32
      %dma_wait3A_505 = tpu.memref_slice %arg12[%arg1, %dma_wait3A] : memref<16x256xi32, #tpu.memory_space<vmem_shared>> -> memref<1x256xi32, #tpu.memory_space<vmem_shared>>
      %dma_wait3A_506 = tpu.memref_squeeze %dma_wait3A_505 : memref<1x256xi32, #tpu.memory_space<vmem_shared>> -> memref<256xi32, #tpu.memory_space<vmem_shared>>
      %dma_wait3A_507 = arith.constant 0 : i32
      %dma_wait3A_508 = tpu.memref_slice %arg12[%arg1, %dma_wait3A_507] : memref<16x256xi32, #tpu.memory_space<vmem_shared>> -> memref<1x256xi32, #tpu.memory_space<vmem_shared>>
      %dma_wait3A_509 = tpu.memref_squeeze %dma_wait3A_508 : memref<1x256xi32, #tpu.memory_space<vmem_shared>> -> memref<256xi32, #tpu.memory_space<vmem_shared>>
      tpu.wait_dma2 semaphore(%run_scoped3A : memref<!tpu.dma_semaphore, #tpu.memory_space<semaphore_mem>>) src(%arg8 : memref<256xi32, #tpu.memory_space<vmem>>) dst(%dma_wait3A_509 : memref<256xi32, #tpu.memory_space<vmem_shared>>)
      tpu.yield
    }) : () -> ()
    %barrier3A_283 = arith.constant 0 : index
    tpu.barrier barrier_id(%barrier3A_283)
    %jit3A_284 = arith.constant 4 : i32
    %div3A_285 = arith.divsi %arg1, %jit3A_284 : i32
    %sign3A_286 = arith.constant 0 : i32
    %sign3A_287 = arith.cmpi sgt, %arg1, %sign3A_286 : i32
    %sign3A_288 = arith.extui %sign3A_287 : i1 to i32
    %sign3A_289 = arith.constant 0 : i32
    %sign3A_290 = arith.cmpi slt, %arg1, %sign3A_289 : i32
    %sign3A_291 = arith.extui %sign3A_290 : i1 to i32
    %sign3A_292 = arith.subi %sign3A_288, %sign3A_291 : i32
    %sign3A_293 = arith.constant 0 : i32
    %sign3A_294 = arith.cmpi sgt, %jit3A_284, %sign3A_293 : i32
    %sign3A_295 = arith.extui %sign3A_294 : i1 to i32
    %sign3A_296 = arith.constant 0 : i32
    %sign3A_297 = arith.cmpi slt, %jit3A_284, %sign3A_296 : i32
    %sign3A_298 = arith.extui %sign3A_297 : i1 to i32
    %sign3A_299 = arith.subi %sign3A_295, %sign3A_298 : i32
    %ne3A_300 = arith.cmpi ne, %sign3A_292, %sign3A_299 : i32
    %rem3A_301 = arith.remsi %arg1, %jit3A_284 : i32
    %ne3A_302 = arith.constant 0 : i32
    %ne3A_303 = arith.cmpi ne, %rem3A_301, %ne3A_302 : i32
    %and3A_304 = arith.andi %ne3A_300, %ne3A_303 : i1
    %sub3A_305 = arith.constant 1 : i32
    %sub3A_306 = arith.subi %div3A_285, %sub3A_305 : i32
    %select_n3A_307 = arith.select %and3A_304, %sub3A_306, %div3A_285 : i32
    %mul3A_308 = arith.constant 4 : i32
    %mul3A_309 = arith.muli %select_n3A_307, %mul3A_308 : i32
    %add3A_310 = arith.constant 0 : i32
    %add3A_311 = arith.addi %mul3A_309, %add3A_310 : i32
    "tpu.region"() ({
      %run_scoped3A = tpu.sem_alloc : memref<!tpu.dma_semaphore, #tpu.memory_space<semaphore_mem>>
      %dma_start3A = arith.constant 0 : i32
      %dma_start3A_500 = tpu.memref_slice %arg12[%add3A_311, %dma_start3A] : memref<16x256xi32, #tpu.memory_space<vmem_shared>> -> memref<1x256xi32, #tpu.memory_space<vmem_shared>>
      %dma_start3A_501 = tpu.memref_squeeze %dma_start3A_500 : memref<1x256xi32, #tpu.memory_space<vmem_shared>> -> memref<256xi32, #tpu.memory_space<vmem_shared>>
      %dma_start3A_502 = arith.constant 0 : i32
      %dma_start3A_503 = tpu.memref_slice %arg12[%add3A_311, %dma_start3A_502] : memref<16x256xi32, #tpu.memory_space<vmem_shared>> -> memref<1x256xi32, #tpu.memory_space<vmem_shared>>
      %dma_start3A_504 = tpu.memref_squeeze %dma_start3A_503 : memref<1x256xi32, #tpu.memory_space<vmem_shared>> -> memref<256xi32, #tpu.memory_space<vmem_shared>>
      tpu.enqueue_dma source(%dma_start3A_504 : memref<256xi32, #tpu.memory_space<vmem_shared>>) target(%arg9 : memref<256xi32, #tpu.memory_space<vmem>>) target_semaphore(%run_scoped3A : memref<!tpu.dma_semaphore, #tpu.memory_space<semaphore_mem>>)
      %dma_wait3A = arith.constant 0 : i32
      %dma_wait3A_505 = tpu.memref_slice %arg12[%add3A_311, %dma_wait3A] : memref<16x256xi32, #tpu.memory_space<vmem_shared>> -> memref<1x256xi32, #tpu.memory_space<vmem_shared>>
      %dma_wait3A_506 = tpu.memref_squeeze %dma_wait3A_505 : memref<1x256xi32, #tpu.memory_space<vmem_shared>> -> memref<256xi32, #tpu.memory_space<vmem_shared>>
      %dma_wait3A_507 = arith.constant 0 : i32
      %dma_wait3A_508 = tpu.memref_slice %arg12[%add3A_311, %dma_wait3A_507] : memref<16x256xi32, #tpu.memory_space<vmem_shared>> -> memref<1x256xi32, #tpu.memory_space<vmem_shared>>
      %dma_wait3A_509 = tpu.memref_squeeze %dma_wait3A_508 : memref<1x256xi32, #tpu.memory_space<vmem_shared>> -> memref<256xi32, #tpu.memory_space<vmem_shared>>
      tpu.wait_dma2 semaphore(%run_scoped3A : memref<!tpu.dma_semaphore, #tpu.memory_space<semaphore_mem>>) src(%dma_wait3A_509 : memref<256xi32, #tpu.memory_space<vmem_shared>>) dst(%arg9 : memref<256xi32, #tpu.memory_space<vmem>>)
      tpu.yield
    }) : () -> ()
    %scan3A_312 = arith.constant 0 : i32
    %scan3A_313 = arith.constant 0 : i32
    %scan3A_314 = arith.constant 16 : i32
    %scan3A_315 = arith.addi %scan3A_313, %scan3A_314 : i32
    %scan3A_316 = arith.constant 1 : i32
    %scan3A_317 = scf.for %scan3A_500 = %scan3A_313 to %scan3A_315 step %scan3A_316 iter_args(%scan3A_501 = %scan3A_312) -> (i32)  : i32 {
      %mul3A_502 = arith.constant 16 : i32
      %mul3A_503 = arith.muli %scan3A_500, %mul3A_502 : i32
      %get3A = arith.index_cast %mul3A_503 : i32 to index
      %get3A_504 = tpu.vector_load %arg9[%get3A] {strides = array<i32>} : memref<256xi32, #tpu.memory_space<vmem>>, vector<16xi32>,
      %mul3A_505 = arith.constant 16 : i32
      %mul3A_506 = arith.muli %scan3A_500, %mul3A_505 : i32
      %swap3A = arith.index_cast %mul3A_506 : i32 to index
      %swap3A_507 = tpu.vector_load %arg10[%swap3A] {strides = array<i32>} : memref<256xi32, #tpu.memory_space<vmem>>, vector<16xi32>,
      tpu.vector_store %arg10[%swap3A], %get3A_504 {strides = array<i32>} : memref<256xi32, #tpu.memory_space<vmem>>, vector<16xi32>,
      %scan3A_508 = arith.constant 0 : i32
      scf.yield %scan3A_508 : i32
    }
    %scan3A_318 = arith.constant 16 : i32
    %add3A_319 = arith.constant 1 : i32
    %add3A_320 = arith.addi %mul3A_309, %add3A_319 : i32
    "tpu.region"() ({
      %run_scoped3A = tpu.sem_alloc : memref<!tpu.dma_semaphore, #tpu.memory_space<semaphore_mem>>
      %dma_start3A = arith.constant 0 : i32
      %dma_start3A_500 = tpu.memref_slice %arg12[%add3A_320, %dma_start3A] : memref<16x256xi32, #tpu.memory_space<vmem_shared>> -> memref<1x256xi32, #tpu.memory_space<vmem_shared>>
      %dma_start3A_501 = tpu.memref_squeeze %dma_start3A_500 : memref<1x256xi32, #tpu.memory_space<vmem_shared>> -> memref<256xi32, #tpu.memory_space<vmem_shared>>
      %dma_start3A_502 = arith.constant 0 : i32
      %dma_start3A_503 = tpu.memref_slice %arg12[%add3A_320, %dma_start3A_502] : memref<16x256xi32, #tpu.memory_space<vmem_shared>> -> memref<1x256xi32, #tpu.memory_space<vmem_shared>>
      %dma_start3A_504 = tpu.memref_squeeze %dma_start3A_503 : memref<1x256xi32, #tpu.memory_space<vmem_shared>> -> memref<256xi32, #tpu.memory_space<vmem_shared>>
      tpu.enqueue_dma source(%dma_start3A_504 : memref<256xi32, #tpu.memory_space<vmem_shared>>) target(%arg9 : memref<256xi32, #tpu.memory_space<vmem>>) target_semaphore(%run_scoped3A : memref<!tpu.dma_semaphore, #tpu.memory_space<semaphore_mem>>)
      %dma_wait3A = arith.constant 0 : i32
      %dma_wait3A_505 = tpu.memref_slice %arg12[%add3A_320, %dma_wait3A] : memref<16x256xi32, #tpu.memory_space<vmem_shared>> -> memref<1x256xi32, #tpu.memory_space<vmem_shared>>
      %dma_wait3A_506 = tpu.memref_squeeze %dma_wait3A_505 : memref<1x256xi32, #tpu.memory_space<vmem_shared>> -> memref<256xi32, #tpu.memory_space<vmem_shared>>
      %dma_wait3A_507 = arith.constant 0 : i32
      %dma_wait3A_508 = tpu.memref_slice %arg12[%add3A_320, %dma_wait3A_507] : memref<16x256xi32, #tpu.memory_space<vmem_shared>> -> memref<1x256xi32, #tpu.memory_space<vmem_shared>>
      %dma_wait3A_509 = tpu.memref_squeeze %dma_wait3A_508 : memref<1x256xi32, #tpu.memory_space<vmem_shared>> -> memref<256xi32, #tpu.memory_space<vmem_shared>>
      tpu.wait_dma2 semaphore(%run_scoped3A : memref<!tpu.dma_semaphore, #tpu.memory_space<semaphore_mem>>) src(%dma_wait3A_509 : memref<256xi32, #tpu.memory_space<vmem_shared>>) dst(%arg9 : memref<256xi32, #tpu.memory_space<vmem>>)
      tpu.yield
    }) : () -> ()
    %scan3A_321 = arith.constant 0 : i32
    %scan3A_322 = arith.constant 0 : i32
    %scan3A_323 = arith.constant 16 : i32
    %scan3A_324 = arith.addi %scan3A_322, %scan3A_323 : i32
    %scan3A_325 = arith.constant 1 : i32
    %scan3A_326 = scf.for %scan3A_500 = %scan3A_322 to %scan3A_324 step %scan3A_325 iter_args(%scan3A_501 = %scan3A_321) -> (i32)  : i32 {
      %mul3A_502 = arith.constant 16 : i32
      %mul3A_503 = arith.muli %scan3A_500, %mul3A_502 : i32
      %get3A = arith.index_cast %mul3A_503 : i32 to index
      %get3A_504 = tpu.vector_load %arg9[%get3A] {strides = array<i32>} : memref<256xi32, #tpu.memory_space<vmem>>, vector<16xi32>,
      %mul3A_505 = arith.constant 16 : i32
      %mul3A_506 = arith.muli %scan3A_500, %mul3A_505 : i32
      %get3A_507 = arith.index_cast %mul3A_506 : i32 to index
      %get3A_508 = tpu.vector_load %arg10[%get3A_507] {strides = array<i32>} : memref<256xi32, #tpu.memory_space<vmem>>, vector<16xi32>,
      %add3A_509 = arith.addi %get3A_508, %get3A_504 : vector<16xi32>
      %mul3A_510 = arith.constant 16 : i32
      %mul3A_511 = arith.muli %scan3A_500, %mul3A_510 : i32
      %swap3A = arith.index_cast %mul3A_511 : i32 to index
      %swap3A_512 = tpu.vector_load %arg10[%swap3A] {strides = array<i32>} : memref<256xi32, #tpu.memory_space<vmem>>, vector<16xi32>,
      tpu.vector_store %arg10[%swap3A], %add3A_509 {strides = array<i32>} : memref<256xi32, #tpu.memory_space<vmem>>, vector<16xi32>,
      %scan3A_513 = arith.constant 0 : i32
      scf.yield %scan3A_513 : i32
    }
    %scan3A_327 = arith.constant 16 : i32
    %add3A_328 = arith.constant 2 : i32
    %add3A_329 = arith.addi %mul3A_309, %add3A_328 : i32
    "tpu.region"() ({
      %run_scoped3A = tpu.sem_alloc : memref<!tpu.dma_semaphore, #tpu.memory_space<semaphore_mem>>
      %dma_start3A = arith.constant 0 : i32
      %dma_start3A_500 = tpu.memref_slice %arg12[%add3A_329, %dma_start3A] : memref<16x256xi32, #tpu.memory_space<vmem_shared>> -> memref<1x256xi32, #tpu.memory_space<vmem_shared>>
      %dma_start3A_501 = tpu.memref_squeeze %dma_start3A_500 : memref<1x256xi32, #tpu.memory_space<vmem_shared>> -> memref<256xi32, #tpu.memory_space<vmem_shared>>
      %dma_start3A_502 = arith.constant 0 : i32
      %dma_start3A_503 = tpu.memref_slice %arg12[%add3A_329, %dma_start3A_502] : memref<16x256xi32, #tpu.memory_space<vmem_shared>> -> memref<1x256xi32, #tpu.memory_space<vmem_shared>>
      %dma_start3A_504 = tpu.memref_squeeze %dma_start3A_503 : memref<1x256xi32, #tpu.memory_space<vmem_shared>> -> memref<256xi32, #tpu.memory_space<vmem_shared>>
      tpu.enqueue_dma source(%dma_start3A_504 : memref<256xi32, #tpu.memory_space<vmem_shared>>) target(%arg9 : memref<256xi32, #tpu.memory_space<vmem>>) target_semaphore(%run_scoped3A : memref<!tpu.dma_semaphore, #tpu.memory_space<semaphore_mem>>)
      %dma_wait3A = arith.constant 0 : i32
      %dma_wait3A_505 = tpu.memref_slice %arg12[%add3A_329, %dma_wait3A] : memref<16x256xi32, #tpu.memory_space<vmem_shared>> -> memref<1x256xi32, #tpu.memory_space<vmem_shared>>
      %dma_wait3A_506 = tpu.memref_squeeze %dma_wait3A_505 : memref<1x256xi32, #tpu.memory_space<vmem_shared>> -> memref<256xi32, #tpu.memory_space<vmem_shared>>
      %dma_wait3A_507 = arith.constant 0 : i32
      %dma_wait3A_508 = tpu.memref_slice %arg12[%add3A_329, %dma_wait3A_507] : memref<16x256xi32, #tpu.memory_space<vmem_shared>> -> memref<1x256xi32, #tpu.memory_space<vmem_shared>>
      %dma_wait3A_509 = tpu.memref_squeeze %dma_wait3A_508 : memref<1x256xi32, #tpu.memory_space<vmem_shared>> -> memref<256xi32, #tpu.memory_space<vmem_shared>>
      tpu.wait_dma2 semaphore(%run_scoped3A : memref<!tpu.dma_semaphore, #tpu.memory_space<semaphore_mem>>) src(%dma_wait3A_509 : memref<256xi32, #tpu.memory_space<vmem_shared>>) dst(%arg9 : memref<256xi32, #tpu.memory_space<vmem>>)
      tpu.yield
    }) : () -> ()
    %scan3A_330 = arith.constant 0 : i32
    %scan3A_331 = arith.constant 0 : i32
    %scan3A_332 = arith.constant 16 : i32
    %scan3A_333 = arith.addi %scan3A_331, %scan3A_332 : i32
    %scan3A_334 = arith.constant 1 : i32
    %scan3A_335 = scf.for %scan3A_500 = %scan3A_331 to %scan3A_333 step %scan3A_334 iter_args(%scan3A_501 = %scan3A_330) -> (i32)  : i32 {
      %mul3A_502 = arith.constant 16 : i32
      %mul3A_503 = arith.muli %scan3A_500, %mul3A_502 : i32
      %get3A = arith.index_cast %mul3A_503 : i32 to index
      %get3A_504 = tpu.vector_load %arg9[%get3A] {strides = array<i32>} : memref<256xi32, #tpu.memory_space<vmem>>, vector<16xi32>,
      %mul3A_505 = arith.constant 16 : i32
      %mul3A_506 = arith.muli %scan3A_500, %mul3A_505 : i32
      %get3A_507 = arith.index_cast %mul3A_506 : i32 to index
      %get3A_508 = tpu.vector_load %arg10[%get3A_507] {strides = array<i32>} : memref<256xi32, #tpu.memory_space<vmem>>, vector<16xi32>,
      %add3A_509 = arith.addi %get3A_508, %get3A_504 : vector<16xi32>
      %mul3A_510 = arith.constant 16 : i32
      %mul3A_511 = arith.muli %scan3A_500, %mul3A_510 : i32
      %swap3A = arith.index_cast %mul3A_511 : i32 to index
      %swap3A_512 = tpu.vector_load %arg10[%swap3A] {strides = array<i32>} : memref<256xi32, #tpu.memory_space<vmem>>, vector<16xi32>,
      tpu.vector_store %arg10[%swap3A], %add3A_509 {strides = array<i32>} : memref<256xi32, #tpu.memory_space<vmem>>, vector<16xi32>,
      %scan3A_513 = arith.constant 0 : i32
      scf.yield %scan3A_513 : i32
    }
    %scan3A_336 = arith.constant 16 : i32
    %add3A_337 = arith.constant 3 : i32
    %add3A_338 = arith.addi %mul3A_309, %add3A_337 : i32
    "tpu.region"() ({
      %run_scoped3A = tpu.sem_alloc : memref<!tpu.dma_semaphore, #tpu.memory_space<semaphore_mem>>
      %dma_start3A = arith.constant 0 : i32
      %dma_start3A_500 = tpu.memref_slice %arg12[%add3A_338, %dma_start3A] : memref<16x256xi32, #tpu.memory_space<vmem_shared>> -> memref<1x256xi32, #tpu.memory_space<vmem_shared>>
      %dma_start3A_501 = tpu.memref_squeeze %dma_start3A_500 : memref<1x256xi32, #tpu.memory_space<vmem_shared>> -> memref<256xi32, #tpu.memory_space<vmem_shared>>
      %dma_start3A_502 = arith.constant 0 : i32
      %dma_start3A_503 = tpu.memref_slice %arg12[%add3A_338, %dma_start3A_502] : memref<16x256xi32, #tpu.memory_space<vmem_shared>> -> memref<1x256xi32, #tpu.memory_space<vmem_shared>>
      %dma_start3A_504 = tpu.memref_squeeze %dma_start3A_503 : memref<1x256xi32, #tpu.memory_space<vmem_shared>> -> memref<256xi32, #tpu.memory_space<vmem_shared>>
      tpu.enqueue_dma source(%dma_start3A_504 : memref<256xi32, #tpu.memory_space<vmem_shared>>) target(%arg9 : memref<256xi32, #tpu.memory_space<vmem>>) target_semaphore(%run_scoped3A : memref<!tpu.dma_semaphore, #tpu.memory_space<semaphore_mem>>)
      %dma_wait3A = arith.constant 0 : i32
      %dma_wait3A_505 = tpu.memref_slice %arg12[%add3A_338, %dma_wait3A] : memref<16x256xi32, #tpu.memory_space<vmem_shared>> -> memref<1x256xi32, #tpu.memory_space<vmem_shared>>
      %dma_wait3A_506 = tpu.memref_squeeze %dma_wait3A_505 : memref<1x256xi32, #tpu.memory_space<vmem_shared>> -> memref<256xi32, #tpu.memory_space<vmem_shared>>
      %dma_wait3A_507 = arith.constant 0 : i32
      %dma_wait3A_508 = tpu.memref_slice %arg12[%add3A_338, %dma_wait3A_507] : memref<16x256xi32, #tpu.memory_space<vmem_shared>> -> memref<1x256xi32, #tpu.memory_space<vmem_shared>>
      %dma_wait3A_509 = tpu.memref_squeeze %dma_wait3A_508 : memref<1x256xi32, #tpu.memory_space<vmem_shared>> -> memref<256xi32, #tpu.memory_space<vmem_shared>>
      tpu.wait_dma2 semaphore(%run_scoped3A : memref<!tpu.dma_semaphore, #tpu.memory_space<semaphore_mem>>) src(%dma_wait3A_509 : memref<256xi32, #tpu.memory_space<vmem_shared>>) dst(%arg9 : memref<256xi32, #tpu.memory_space<vmem>>)
      tpu.yield
    }) : () -> ()
    %scan3A_339 = arith.constant 0 : i32
    %scan3A_340 = arith.constant 0 : i32
    %scan3A_341 = arith.constant 16 : i32
    %scan3A_342 = arith.addi %scan3A_340, %scan3A_341 : i32
    %scan3A_343 = arith.constant 1 : i32
    %scan3A_344 = scf.for %scan3A_500 = %scan3A_340 to %scan3A_342 step %scan3A_343 iter_args(%scan3A_501 = %scan3A_339) -> (i32)  : i32 {
      %mul3A_502 = arith.constant 16 : i32
      %mul3A_503 = arith.muli %scan3A_500, %mul3A_502 : i32
      %get3A = arith.index_cast %mul3A_503 : i32 to index
      %get3A_504 = tpu.vector_load %arg9[%get3A] {strides = array<i32>} : memref<256xi32, #tpu.memory_space<vmem>>, vector<16xi32>,
      %mul3A_505 = arith.constant 16 : i32
      %mul3A_506 = arith.muli %scan3A_500, %mul3A_505 : i32
      %get3A_507 = arith.index_cast %mul3A_506 : i32 to index
      %get3A_508 = tpu.vector_load %arg10[%get3A_507] {strides = array<i32>} : memref<256xi32, #tpu.memory_space<vmem>>, vector<16xi32>,
      %add3A_509 = arith.addi %get3A_508, %get3A_504 : vector<16xi32>
      %mul3A_510 = arith.constant 16 : i32
      %mul3A_511 = arith.muli %scan3A_500, %mul3A_510 : i32
      %swap3A = arith.index_cast %mul3A_511 : i32 to index
      %swap3A_512 = tpu.vector_load %arg10[%swap3A] {strides = array<i32>} : memref<256xi32, #tpu.memory_space<vmem>>, vector<16xi32>,
      tpu.vector_store %arg10[%swap3A], %add3A_509 {strides = array<i32>} : memref<256xi32, #tpu.memory_space<vmem>>, vector<16xi32>,
      %scan3A_513 = arith.constant 0 : i32
      scf.yield %scan3A_513 : i32
    }
    %scan3A_345 = arith.constant 16 : i32
    %barrier3A_346 = arith.constant 0 : index
    tpu.barrier barrier_id(%barrier3A_346)
    %scan3A_347 = arith.constant 0 : i32
    %scan3A_348 = arith.constant 0 : i32
    %scan3A_349 = arith.constant 0 : i32
    %scan3A_350 = arith.constant 0 : i32
    %scan3A_351 = arith.constant 0 : i32
    %scan3A_352 = arith.constant 16 : i32
    %scan3A_353 = arith.addi %scan3A_351, %scan3A_352 : i32
    %scan3A_354 = arith.constant 1 : i32
    %scan3A_355:4 = scf.for %scan3A_500 = %scan3A_351 to %scan3A_353 step %scan3A_354 iter_args(%scan3A_501 = %scan3A_347, %scan3A_502 = %scan3A_348, %scan3A_503 = %scan3A_349, %scan3A_504 = %scan3A_350) -> (i32, i32, i32, i32)  : i32 {
      %sub3A_505 = arith.constant 15 : i32
      %sub3A_506 = arith.subi %sub3A_505, %scan3A_500 : i32
      %mul3A_507 = arith.constant 16 : i32
      %mul3A_508 = arith.muli %sub3A_506, %mul3A_507 : i32
      %get3A = arith.index_cast %mul3A_508 : i32 to index
      %get3A_509 = tpu.vector_load %arg10[%get3A] {strides = array<i32>} : memref<256xi32, #tpu.memory_space<vmem>>, vector<16xi32>,
      %reduce_sum3A = arith.constant true
      %reduce_sum3A_510 = vector.broadcast %reduce_sum3A : i1 to vector<16xi1>
      %reduce_sum3A_511 = tpu.scan <sum>, %get3A_509 masked %reduce_sum3A_510 : vector<16xi32>, vector<16xi1> -> vector<16xi32>
      %reduce_sum3A_512 = vector.extract %reduce_sum3A_511[15] : i32 from vector<16xi32>
      %broadcast_in_dim3A_513 = arith.constant true
      %broadcast_in_dim3A_514 = vector.broadcast %broadcast_in_dim3A_513 : i1 to vector<16xi1>
      %masked_cumsum3A = tpu.scan <sum>, %get3A_509 masked %broadcast_in_dim3A_514 : vector<16xi32>, vector<16xi1> -> vector<16xi32>
      %sub3A_515 = vector.broadcast %reduce_sum3A_512 : i32 to vector<16xi32>
      %sub3A_516 = arith.subi %sub3A_515, %masked_cumsum3A : vector<16xi32>
      %add3A_517 = arith.addi %sub3A_516, %get3A_509 : vector<16xi32>
      %add3A_518 = vector.broadcast %scan3A_501 : i32 to vector<16xi32>
      %add3A_519 = arith.addi %add3A_518, %add3A_517 : vector<16xi32>
      %ge3A_520 = vector.broadcast %sub3A_227 : i32 to vector<16xi32>
      %ge3A_521 = arith.cmpi sge, %add3A_519, %ge3A_520 : vector<16xi32>
      %convert_element_type3A_522 = arith.extui %ge3A_521 : vector<16xi1> to vector<16xi32>
      %reduce_max3A = arith.constant true
      %reduce_max3A_523 = vector.broadcast %reduce_max3A : i1 to vector<16xi1>
      %reduce_max3A_524 = arith.constant -2147483648 : i32
      %reduce_max3A_525 = vector.broadcast %reduce_max3A_524 : i32 to vector<16xi32>
      %reduce_max3A_526 = arith.xori %convert_element_type3A_522, %reduce_max3A_525 : vector<16xi32>
      %reduce_max3A_527 = tpu.scan <max>, %reduce_max3A_526 masked %reduce_max3A_523 : vector<16xi32>, vector<16xi1> -> vector<16xi32>
      %reduce_max3A_528 = arith.xori %reduce_max3A_527, %reduce_max3A_525 : vector<16xi32>
      %reduce_max3A_529 = vector.extract %reduce_max3A_528[15] : i32 from vector<16xi32>
      %jit3A_530 = arith.constant -1 : i32
      %broadcast_in_dim3A_531 = vector.broadcast %jit3A_530 : i32 to vector<16xi32>
      %select_n3A_532 = arith.select %ge3A_521, %iota3A, %broadcast_in_dim3A_531 : vector<16xi1>, vector<16xi32>
      %reduce_max3A_533 = arith.constant true
      %reduce_max3A_534 = vector.broadcast %reduce_max3A_533 : i1 to vector<16xi1>
      %reduce_max3A_535 = arith.constant -2147483648 : i32
      %reduce_max3A_536 = vector.broadcast %reduce_max3A_535 : i32 to vector<16xi32>
      %reduce_max3A_537 = arith.xori %select_n3A_532, %reduce_max3A_536 : vector<16xi32>
      %reduce_max3A_538 = tpu.scan <max>, %reduce_max3A_537 masked %reduce_max3A_534 : vector<16xi32>, vector<16xi1> -> vector<16xi32>
      %reduce_max3A_539 = arith.xori %reduce_max3A_538, %reduce_max3A_536 : vector<16xi32>
      %reduce_max3A_540 = vector.extract %reduce_max3A_539[15] : i32 from vector<16xi32>
      %eq3A_541 = vector.broadcast %reduce_max3A_540 : i32 to vector<16xi32>
      %eq3A_542 = arith.cmpi eq, %iota3A, %eq3A_541 : vector<16xi32>
      %jit3A_543 = arith.constant 0 : i32
      %broadcast_in_dim3A_544 = vector.broadcast %jit3A_543 : i32 to vector<16xi32>
      %select_n3A_545 = arith.select %eq3A_542, %add3A_517, %broadcast_in_dim3A_544 : vector<16xi1>, vector<16xi32>
      %reduce_sum3A_546 = arith.constant true
      %reduce_sum3A_547 = vector.broadcast %reduce_sum3A_546 : i1 to vector<16xi1>
      %reduce_sum3A_548 = tpu.scan <sum>, %select_n3A_545 masked %reduce_sum3A_547 : vector<16xi32>, vector<16xi1> -> vector<16xi32>
      %reduce_sum3A_549 = vector.extract %reduce_sum3A_548[15] : i32 from vector<16xi32>
      %eq3A_550 = vector.broadcast %reduce_max3A_540 : i32 to vector<16xi32>
      %eq3A_551 = arith.cmpi eq, %iota3A, %eq3A_550 : vector<16xi32>
      %jit3A_552 = arith.constant 0 : i32
      %broadcast_in_dim3A_553 = vector.broadcast %jit3A_552 : i32 to vector<16xi32>
      %select_n3A_554 = arith.select %eq3A_551, %get3A_509, %broadcast_in_dim3A_553 : vector<16xi1>, vector<16xi32>
      %reduce_sum3A_555 = arith.constant true
      %reduce_sum3A_556 = vector.broadcast %reduce_sum3A_555 : i1 to vector<16xi1>
      %reduce_sum3A_557 = tpu.scan <sum>, %select_n3A_554 masked %reduce_sum3A_556 : vector<16xi32>, vector<16xi1> -> vector<16xi32>
      %reduce_sum3A_558 = vector.extract %reduce_sum3A_557[15] : i32 from vector<16xi32>
      %eq3A_559 = arith.constant 0 : i32
      %eq3A_560 = arith.cmpi eq, %scan3A_502, %eq3A_559 : i32
      %eq3A_561 = arith.constant 1 : i32
      %eq3A_562 = arith.cmpi eq, %reduce_max3A_529, %eq3A_561 : i32
      %and3A_563 = arith.andi %eq3A_560, %eq3A_562 : i1
      %mul3A_564 = arith.constant 16 : i32
      %mul3A_565 = arith.muli %sub3A_506, %mul3A_564 : i32
      %add3A_566 = arith.addi %mul3A_565, %reduce_max3A_540 : i32
      %select_n3A_567 = arith.select %and3A_563, %add3A_566, %scan3A_503 : i32
      %add3A_568 = arith.addi %scan3A_501, %reduce_sum3A_549 : i32
      %sub3A_569 = arith.subi %add3A_568, %reduce_sum3A_558 : i32
      %select_n3A_570 = arith.select %and3A_563, %sub3A_569, %scan3A_504 : i32
      %jit3A_571 = arith.constant 1 : i32
      %select_n3A_572 = arith.select %and3A_563, %jit3A_571, %scan3A_502 : i32
      %add3A_573 = arith.addi %scan3A_501, %reduce_sum3A_512 : i32
      scf.yield %add3A_573, %select_n3A_572, %select_n3A_567, %select_n3A_570 : i32, i32, i32, i32
    }
    %scan3A_356 = arith.constant 16 : i32
    %sub3A_357 = arith.subi %sub3A_227, %scan3A_355#3 : i32
    %shift_left3A_358 = arith.constant 8 : i32
    %shift_left3A_359 = arith.shli %scan3A_355#2, %shift_left3A_358 : i32
    %or3A_360 = arith.ori %or3A, %shift_left3A_359 : i32
    %scan3A_361 = arith.constant 0 : i32
    %scan3A_362 = arith.constant 0 : i32
    %scan3A_363 = arith.constant 16 : i32
    %scan3A_364 = arith.addi %scan3A_362, %scan3A_363 : i32
    %scan3A_365 = arith.constant 1 : i32
    %scan3A_366 = scf.for %scan3A_500 = %scan3A_362 to %scan3A_364 step %scan3A_365 iter_args(%scan3A_501 = %scan3A_361) -> (i32)  : i32 {
      %broadcast_in_dim3A_502 = arith.constant 0 : i32
      %broadcast_in_dim3A_503 = vector.broadcast %broadcast_in_dim3A_502 : i32 to vector<16xi32>
      %swap3A = arith.index_cast %scan3A_500 : i32 to index
      %swap3A_504 = arith.constant 0 : index
      %swap3A_505 = tpu.vector_load %arg7[%swap3A, %swap3A_504] {strides = array<i32>} : memref<16x256xi32, #tpu.memory_space<vmem>>, vector<16xi32>,
      tpu.vector_store %arg7[%swap3A, %swap3A_504], %broadcast_in_dim3A_503 {strides = array<i32>} : memref<16x256xi32, #tpu.memory_space<vmem>>, vector<16xi32>,
      %broadcast_in_dim3A_506 = arith.constant 0 : i32
      %broadcast_in_dim3A_507 = vector.broadcast %broadcast_in_dim3A_506 : i32 to vector<16xi32>
      %swap3A_508 = arith.index_cast %scan3A_500 : i32 to index
      %swap3A_509 = arith.constant 16 : index
      %swap3A_510 = tpu.vector_load %arg7[%swap3A_508, %swap3A_509] {strides = array<i32>} : memref<16x256xi32, #tpu.memory_space<vmem>>, vector<16xi32>,
      tpu.vector_store %arg7[%swap3A_508, %swap3A_509], %broadcast_in_dim3A_507 {strides = array<i32>} : memref<16x256xi32, #tpu.memory_space<vmem>>, vector<16xi32>,
      %broadcast_in_dim3A_511 = arith.constant 0 : i32
      %broadcast_in_dim3A_512 = vector.broadcast %broadcast_in_dim3A_511 : i32 to vector<16xi32>
      %swap3A_513 = arith.index_cast %scan3A_500 : i32 to index
      %swap3A_514 = arith.constant 32 : index
      %swap3A_515 = tpu.vector_load %arg7[%swap3A_513, %swap3A_514] {strides = array<i32>} : memref<16x256xi32, #tpu.memory_space<vmem>>, vector<16xi32>,
      tpu.vector_store %arg7[%swap3A_513, %swap3A_514], %broadcast_in_dim3A_512 {strides = array<i32>} : memref<16x256xi32, #tpu.memory_space<vmem>>, vector<16xi32>,
      %broadcast_in_dim3A_516 = arith.constant 0 : i32
      %broadcast_in_dim3A_517 = vector.broadcast %broadcast_in_dim3A_516 : i32 to vector<16xi32>
      %swap3A_518 = arith.index_cast %scan3A_500 : i32 to index
      %swap3A_519 = arith.constant 48 : index
      %swap3A_520 = tpu.vector_load %arg7[%swap3A_518, %swap3A_519] {strides = array<i32>} : memref<16x256xi32, #tpu.memory_space<vmem>>, vector<16xi32>,
      tpu.vector_store %arg7[%swap3A_518, %swap3A_519], %broadcast_in_dim3A_517 {strides = array<i32>} : memref<16x256xi32, #tpu.memory_space<vmem>>, vector<16xi32>,
      %broadcast_in_dim3A_521 = arith.constant 0 : i32
      %broadcast_in_dim3A_522 = vector.broadcast %broadcast_in_dim3A_521 : i32 to vector<16xi32>
      %swap3A_523 = arith.index_cast %scan3A_500 : i32 to index
      %swap3A_524 = arith.constant 64 : index
      %swap3A_525 = tpu.vector_load %arg7[%swap3A_523, %swap3A_524] {strides = array<i32>} : memref<16x256xi32, #tpu.memory_space<vmem>>, vector<16xi32>,
      tpu.vector_store %arg7[%swap3A_523, %swap3A_524], %broadcast_in_dim3A_522 {strides = array<i32>} : memref<16x256xi32, #tpu.memory_space<vmem>>, vector<16xi32>,
      %broadcast_in_dim3A_526 = arith.constant 0 : i32
      %broadcast_in_dim3A_527 = vector.broadcast %broadcast_in_dim3A_526 : i32 to vector<16xi32>
      %swap3A_528 = arith.index_cast %scan3A_500 : i32 to index
      %swap3A_529 = arith.constant 80 : index
      %swap3A_530 = tpu.vector_load %arg7[%swap3A_528, %swap3A_529] {strides = array<i32>} : memref<16x256xi32, #tpu.memory_space<vmem>>, vector<16xi32>,
      tpu.vector_store %arg7[%swap3A_528, %swap3A_529], %broadcast_in_dim3A_527 {strides = array<i32>} : memref<16x256xi32, #tpu.memory_space<vmem>>, vector<16xi32>,
      %broadcast_in_dim3A_531 = arith.constant 0 : i32
      %broadcast_in_dim3A_532 = vector.broadcast %broadcast_in_dim3A_531 : i32 to vector<16xi32>
      %swap3A_533 = arith.index_cast %scan3A_500 : i32 to index
      %swap3A_534 = arith.constant 96 : index
      %swap3A_535 = tpu.vector_load %arg7[%swap3A_533, %swap3A_534] {strides = array<i32>} : memref<16x256xi32, #tpu.memory_space<vmem>>, vector<16xi32>,
      tpu.vector_store %arg7[%swap3A_533, %swap3A_534], %broadcast_in_dim3A_532 {strides = array<i32>} : memref<16x256xi32, #tpu.memory_space<vmem>>, vector<16xi32>,
      %broadcast_in_dim3A_536 = arith.constant 0 : i32
      %broadcast_in_dim3A_537 = vector.broadcast %broadcast_in_dim3A_536 : i32 to vector<16xi32>
      %swap3A_538 = arith.index_cast %scan3A_500 : i32 to index
      %swap3A_539 = arith.constant 112 : index
      %swap3A_540 = tpu.vector_load %arg7[%swap3A_538, %swap3A_539] {strides = array<i32>} : memref<16x256xi32, #tpu.memory_space<vmem>>, vector<16xi32>,
      tpu.vector_store %arg7[%swap3A_538, %swap3A_539], %broadcast_in_dim3A_537 {strides = array<i32>} : memref<16x256xi32, #tpu.memory_space<vmem>>, vector<16xi32>,
      %broadcast_in_dim3A_541 = arith.constant 0 : i32
      %broadcast_in_dim3A_542 = vector.broadcast %broadcast_in_dim3A_541 : i32 to vector<16xi32>
      %swap3A_543 = arith.index_cast %scan3A_500 : i32 to index
      %swap3A_544 = arith.constant 128 : index
      %swap3A_545 = tpu.vector_load %arg7[%swap3A_543, %swap3A_544] {strides = array<i32>} : memref<16x256xi32, #tpu.memory_space<vmem>>, vector<16xi32>,
      tpu.vector_store %arg7[%swap3A_543, %swap3A_544], %broadcast_in_dim3A_542 {strides = array<i32>} : memref<16x256xi32, #tpu.memory_space<vmem>>, vector<16xi32>,
      %broadcast_in_dim3A_546 = arith.constant 0 : i32
      %broadcast_in_dim3A_547 = vector.broadcast %broadcast_in_dim3A_546 : i32 to vector<16xi32>
      %swap3A_548 = arith.index_cast %scan3A_500 : i32 to index
      %swap3A_549 = arith.constant 144 : index
      %swap3A_550 = tpu.vector_load %arg7[%swap3A_548, %swap3A_549] {strides = array<i32>} : memref<16x256xi32, #tpu.memory_space<vmem>>, vector<16xi32>,
      tpu.vector_store %arg7[%swap3A_548, %swap3A_549], %broadcast_in_dim3A_547 {strides = array<i32>} : memref<16x256xi32, #tpu.memory_space<vmem>>, vector<16xi32>,
      %broadcast_in_dim3A_551 = arith.constant 0 : i32
      %broadcast_in_dim3A_552 = vector.broadcast %broadcast_in_dim3A_551 : i32 to vector<16xi32>
      %swap3A_553 = arith.index_cast %scan3A_500 : i32 to index
      %swap3A_554 = arith.constant 160 : index
      %swap3A_555 = tpu.vector_load %arg7[%swap3A_553, %swap3A_554] {strides = array<i32>} : memref<16x256xi32, #tpu.memory_space<vmem>>, vector<16xi32>,
      tpu.vector_store %arg7[%swap3A_553, %swap3A_554], %broadcast_in_dim3A_552 {strides = array<i32>} : memref<16x256xi32, #tpu.memory_space<vmem>>, vector<16xi32>,
      %broadcast_in_dim3A_556 = arith.constant 0 : i32
      %broadcast_in_dim3A_557 = vector.broadcast %broadcast_in_dim3A_556 : i32 to vector<16xi32>
      %swap3A_558 = arith.index_cast %scan3A_500 : i32 to index
      %swap3A_559 = arith.constant 176 : index
      %swap3A_560 = tpu.vector_load %arg7[%swap3A_558, %swap3A_559] {strides = array<i32>} : memref<16x256xi32, #tpu.memory_space<vmem>>, vector<16xi32>,
      tpu.vector_store %arg7[%swap3A_558, %swap3A_559], %broadcast_in_dim3A_557 {strides = array<i32>} : memref<16x256xi32, #tpu.memory_space<vmem>>, vector<16xi32>,
      %broadcast_in_dim3A_561 = arith.constant 0 : i32
      %broadcast_in_dim3A_562 = vector.broadcast %broadcast_in_dim3A_561 : i32 to vector<16xi32>
      %swap3A_563 = arith.index_cast %scan3A_500 : i32 to index
      %swap3A_564 = arith.constant 192 : index
      %swap3A_565 = tpu.vector_load %arg7[%swap3A_563, %swap3A_564] {strides = array<i32>} : memref<16x256xi32, #tpu.memory_space<vmem>>, vector<16xi32>,
      tpu.vector_store %arg7[%swap3A_563, %swap3A_564], %broadcast_in_dim3A_562 {strides = array<i32>} : memref<16x256xi32, #tpu.memory_space<vmem>>, vector<16xi32>,
      %broadcast_in_dim3A_566 = arith.constant 0 : i32
      %broadcast_in_dim3A_567 = vector.broadcast %broadcast_in_dim3A_566 : i32 to vector<16xi32>
      %swap3A_568 = arith.index_cast %scan3A_500 : i32 to index
      %swap3A_569 = arith.constant 208 : index
      %swap3A_570 = tpu.vector_load %arg7[%swap3A_568, %swap3A_569] {strides = array<i32>} : memref<16x256xi32, #tpu.memory_space<vmem>>, vector<16xi32>,
      tpu.vector_store %arg7[%swap3A_568, %swap3A_569], %broadcast_in_dim3A_567 {strides = array<i32>} : memref<16x256xi32, #tpu.memory_space<vmem>>, vector<16xi32>,
      %broadcast_in_dim3A_571 = arith.constant 0 : i32
      %broadcast_in_dim3A_572 = vector.broadcast %broadcast_in_dim3A_571 : i32 to vector<16xi32>
      %swap3A_573 = arith.index_cast %scan3A_500 : i32 to index
      %swap3A_574 = arith.constant 224 : index
      %swap3A_575 = tpu.vector_load %arg7[%swap3A_573, %swap3A_574] {strides = array<i32>} : memref<16x256xi32, #tpu.memory_space<vmem>>, vector<16xi32>,
      tpu.vector_store %arg7[%swap3A_573, %swap3A_574], %broadcast_in_dim3A_572 {strides = array<i32>} : memref<16x256xi32, #tpu.memory_space<vmem>>, vector<16xi32>,
      %broadcast_in_dim3A_576 = arith.constant 0 : i32
      %broadcast_in_dim3A_577 = vector.broadcast %broadcast_in_dim3A_576 : i32 to vector<16xi32>
      %swap3A_578 = arith.index_cast %scan3A_500 : i32 to index
      %swap3A_579 = arith.constant 240 : index
      %swap3A_580 = tpu.vector_load %arg7[%swap3A_578, %swap3A_579] {strides = array<i32>} : memref<16x256xi32, #tpu.memory_space<vmem>>, vector<16xi32>,
      tpu.vector_store %arg7[%swap3A_578, %swap3A_579], %broadcast_in_dim3A_577 {strides = array<i32>} : memref<16x256xi32, #tpu.memory_space<vmem>>, vector<16xi32>,
      %scan3A_581 = arith.constant 0 : i32
      scf.yield %scan3A_581 : i32
    }
    %scan3A_367 = arith.constant 16 : i32
    %shift_right_logical3A_368 = arith.constant 8 : i32
    %shift_right_logical3A_369 = arith.shrui %or3A_360, %shift_right_logical3A_368 : i32
    %add3A_370 = arith.constant 15 : i32
    %add3A_371 = arith.addi %while3A_275, %add3A_370 : i32
    %jit3A_372 = arith.constant 16 : i32
    %div3A_373 = arith.divsi %add3A_371, %jit3A_372 : i32
    %sign3A_374 = arith.constant 0 : i32
    %sign3A_375 = arith.cmpi sgt, %add3A_371, %sign3A_374 : i32
    %sign3A_376 = arith.extui %sign3A_375 : i1 to i32
    %sign3A_377 = arith.constant 0 : i32
    %sign3A_378 = arith.cmpi slt, %add3A_371, %sign3A_377 : i32
    %sign3A_379 = arith.extui %sign3A_378 : i1 to i32
    %sign3A_380 = arith.subi %sign3A_376, %sign3A_379 : i32
    %sign3A_381 = arith.constant 0 : i32
    %sign3A_382 = arith.cmpi sgt, %jit3A_372, %sign3A_381 : i32
    %sign3A_383 = arith.extui %sign3A_382 : i1 to i32
    %sign3A_384 = arith.constant 0 : i32
    %sign3A_385 = arith.cmpi slt, %jit3A_372, %sign3A_384 : i32
    %sign3A_386 = arith.extui %sign3A_385 : i1 to i32
    %sign3A_387 = arith.subi %sign3A_383, %sign3A_386 : i32
    %ne3A_388 = arith.cmpi ne, %sign3A_380, %sign3A_387 : i32
    %rem3A_389 = arith.remsi %add3A_371, %jit3A_372 : i32
    %ne3A_390 = arith.constant 0 : i32
    %ne3A_391 = arith.cmpi ne, %rem3A_389, %ne3A_390 : i32
    %and3A_392 = arith.andi %ne3A_388, %ne3A_391 : i1
    %sub3A_393 = arith.constant 1 : i32
    %sub3A_394 = arith.subi %div3A_373, %sub3A_393 : i32
    %select_n3A_395 = arith.select %and3A_392, %sub3A_394, %div3A_373 : i32
    %while3A_396 = arith.constant 0 : i32
    %while3A_397 = arith.constant 0 : i32
    %while3A_398 = arith.subi %select_n3A_395, %while3A_396 : i32
    %while3A_399 = arith.addi %while3A_396, %while3A_398 : i32
    %while3A_400 = arith.constant 1 : i32
    %while3A_401 = arith.divsi %while3A_398, %while3A_400 : i32
    %while3A_402 = arith.muli %while3A_401, %while3A_400 : i32
    %while3A_403 = arith.addi %while3A_396, %while3A_402 : i32
    %while3A_404 = arith.constant 1 : i32
    %while3A_405 = scf.for %while3A_500 = %while3A_396 to %while3A_403 step %while3A_404 iter_args(%while3A_501 = %while3A_397) -> (i32)  : i32 {
      %mul3A_502 = arith.constant 16 : i32
      %mul3A_503 = arith.muli %while3A_500, %mul3A_502 : i32
      %get3A = arith.index_cast %mul3A_503 : i32 to index
      %get3A_504 = tpu.vector_load %arg5[%get3A] {strides = array<i32>} : memref<36880xi32, #tpu.memory_space<vmem>>, vector<16xi32>,
      %add3A_505 = vector.broadcast %mul3A_503 : i32 to vector<16xi32>
      %add3A_506 = arith.addi %iota3A, %add3A_505 : vector<16xi32>
      %lt3A_507 = vector.broadcast %while3A_275 : i32 to vector<16xi32>
      %lt3A_508 = arith.cmpi slt, %add3A_506, %lt3A_507 : vector<16xi32>
      %shift_right_logical3A_509 = arith.constant 8 : i32
      %shift_right_logical3A_510 = vector.broadcast %shift_right_logical3A_509 : i32 to vector<16xi32>
      %shift_right_logical3A_511 = arith.shrui %get3A_504, %shift_right_logical3A_510 : vector<16xi32>
      %eq3A_512 = vector.broadcast %shift_right_logical3A_369 : i32 to vector<16xi32>
      %eq3A_513 = arith.cmpi eq, %shift_right_logical3A_511, %eq3A_512 : vector<16xi32>
      %and3A_514 = arith.andi %eq3A_513, %lt3A_508 : vector<16xi1>
      %and3A_515 = arith.constant 255 : i32
      %and3A_516 = vector.broadcast %and3A_515 : i32 to vector<16xi32>
      %and3A_517 = arith.andi %get3A_504, %and3A_516 : vector<16xi32>
      tpu.vector_store_idx %arg7[%iota3A, %and3A_517], %broadcast_in_dim3A_31 masked %and3A_514 {add = true} : memref<16x256xi32, #tpu.memory_space<vmem>>[vector<16xi32>, vector<16xi32>], vector<16xi32>, vector<16xi1>
      %while3A_518 = arith.constant 0 : i32
      scf.yield %while3A_518 : i32
    }
    %while3A_406 = arith.constant 1 : i32
    %while3A_407 = scf.for %while3A_500 = %while3A_403 to %while3A_399 step %while3A_406 iter_args(%while3A_501 = %while3A_405) -> (i32)  : i32 {
      %mul3A_502 = arith.constant 16 : i32
      %mul3A_503 = arith.muli %while3A_500, %mul3A_502 : i32
      %get3A = arith.index_cast %mul3A_503 : i32 to index
      %get3A_504 = tpu.vector_load %arg5[%get3A] {strides = array<i32>} : memref<36880xi32, #tpu.memory_space<vmem>>, vector<16xi32>,
      %add3A_505 = vector.broadcast %mul3A_503 : i32 to vector<16xi32>
      %add3A_506 = arith.addi %iota3A, %add3A_505 : vector<16xi32>
      %lt3A_507 = vector.broadcast %while3A_275 : i32 to vector<16xi32>
      %lt3A_508 = arith.cmpi slt, %add3A_506, %lt3A_507 : vector<16xi32>
      %shift_right_logical3A_509 = arith.constant 8 : i32
      %shift_right_logical3A_510 = vector.broadcast %shift_right_logical3A_509 : i32 to vector<16xi32>
      %shift_right_logical3A_511 = arith.shrui %get3A_504, %shift_right_logical3A_510 : vector<16xi32>
      %eq3A_512 = vector.broadcast %shift_right_logical3A_369 : i32 to vector<16xi32>
      %eq3A_513 = arith.cmpi eq, %shift_right_logical3A_511, %eq3A_512 : vector<16xi32>
      %and3A_514 = arith.andi %eq3A_513, %lt3A_508 : vector<16xi1>
      %and3A_515 = arith.constant 255 : i32
      %and3A_516 = vector.broadcast %and3A_515 : i32 to vector<16xi32>
      %and3A_517 = arith.andi %get3A_504, %and3A_516 : vector<16xi32>
      tpu.vector_store_idx %arg7[%iota3A, %and3A_517], %broadcast_in_dim3A_31 masked %and3A_514 {add = true} : memref<16x256xi32, #tpu.memory_space<vmem>>[vector<16xi32>, vector<16xi32>], vector<16xi32>, vector<16xi1>
      %while3A_518 = arith.constant 0 : i32
      scf.yield %while3A_518 : i32
    }
    %scan3A_408 = arith.constant 0 : i32
    %scan3A_409 = arith.constant 0 : i32
    %scan3A_410 = arith.constant 16 : i32
    %scan3A_411 = arith.addi %scan3A_409, %scan3A_410 : i32
    %scan3A_412 = arith.constant 1 : i32
    %scan3A_413 = scf.for %scan3A_500 = %scan3A_409 to %scan3A_411 step %scan3A_412 iter_args(%scan3A_501 = %scan3A_408) -> (i32)  : i32 {
      %mul3A_502 = arith.constant 16 : i32
      %mul3A_503 = arith.muli %scan3A_500, %mul3A_502 : i32
      %get3A = arith.constant 0 : i32
      %get3A_504 = arith.index_cast %get3A : i32 to index
      %get3A_505 = arith.index_cast %mul3A_503 : i32 to index
      %get3A_506 = tpu.vector_load %arg7[%get3A_504, %get3A_505] {strides = array<i32>} : memref<16x256xi32, #tpu.memory_space<vmem>>, vector<16xi32>,
      %mul3A_507 = arith.constant 16 : i32
      %mul3A_508 = arith.muli %scan3A_500, %mul3A_507 : i32
      %get3A_509 = arith.constant 1 : i32
      %get3A_510 = arith.index_cast %get3A_509 : i32 to index
      %get3A_511 = arith.index_cast %mul3A_508 : i32 to index
      %get3A_512 = tpu.vector_load %arg7[%get3A_510, %get3A_511] {strides = array<i32>} : memref<16x256xi32, #tpu.memory_space<vmem>>, vector<16xi32>,
      %add3A_513 = arith.addi %get3A_506, %get3A_512 : vector<16xi32>
      %mul3A_514 = arith.constant 16 : i32
      %mul3A_515 = arith.muli %scan3A_500, %mul3A_514 : i32
      %get3A_516 = arith.constant 2 : i32
      %get3A_517 = arith.index_cast %get3A_516 : i32 to index
      %get3A_518 = arith.index_cast %mul3A_515 : i32 to index
      %get3A_519 = tpu.vector_load %arg7[%get3A_517, %get3A_518] {strides = array<i32>} : memref<16x256xi32, #tpu.memory_space<vmem>>, vector<16xi32>,
      %add3A_520 = arith.addi %add3A_513, %get3A_519 : vector<16xi32>
      %mul3A_521 = arith.constant 16 : i32
      %mul3A_522 = arith.muli %scan3A_500, %mul3A_521 : i32
      %get3A_523 = arith.constant 3 : i32
      %get3A_524 = arith.index_cast %get3A_523 : i32 to index
      %get3A_525 = arith.index_cast %mul3A_522 : i32 to index
      %get3A_526 = tpu.vector_load %arg7[%get3A_524, %get3A_525] {strides = array<i32>} : memref<16x256xi32, #tpu.memory_space<vmem>>, vector<16xi32>,
      %add3A_527 = arith.addi %add3A_520, %get3A_526 : vector<16xi32>
      %mul3A_528 = arith.constant 16 : i32
      %mul3A_529 = arith.muli %scan3A_500, %mul3A_528 : i32
      %get3A_530 = arith.constant 4 : i32
      %get3A_531 = arith.index_cast %get3A_530 : i32 to index
      %get3A_532 = arith.index_cast %mul3A_529 : i32 to index
      %get3A_533 = tpu.vector_load %arg7[%get3A_531, %get3A_532] {strides = array<i32>} : memref<16x256xi32, #tpu.memory_space<vmem>>, vector<16xi32>,
      %add3A_534 = arith.addi %add3A_527, %get3A_533 : vector<16xi32>
      %mul3A_535 = arith.constant 16 : i32
      %mul3A_536 = arith.muli %scan3A_500, %mul3A_535 : i32
      %get3A_537 = arith.constant 5 : i32
      %get3A_538 = arith.index_cast %get3A_537 : i32 to index
      %get3A_539 = arith.index_cast %mul3A_536 : i32 to index
      %get3A_540 = tpu.vector_load %arg7[%get3A_538, %get3A_539] {strides = array<i32>} : memref<16x256xi32, #tpu.memory_space<vmem>>, vector<16xi32>,
      %add3A_541 = arith.addi %add3A_534, %get3A_540 : vector<16xi32>
      %mul3A_542 = arith.constant 16 : i32
      %mul3A_543 = arith.muli %scan3A_500, %mul3A_542 : i32
      %get3A_544 = arith.constant 6 : i32
      %get3A_545 = arith.index_cast %get3A_544 : i32 to index
      %get3A_546 = arith.index_cast %mul3A_543 : i32 to index
      %get3A_547 = tpu.vector_load %arg7[%get3A_545, %get3A_546] {strides = array<i32>} : memref<16x256xi32, #tpu.memory_space<vmem>>, vector<16xi32>,
      %add3A_548 = arith.addi %add3A_541, %get3A_547 : vector<16xi32>
      %mul3A_549 = arith.constant 16 : i32
      %mul3A_550 = arith.muli %scan3A_500, %mul3A_549 : i32
      %get3A_551 = arith.constant 7 : i32
      %get3A_552 = arith.index_cast %get3A_551 : i32 to index
      %get3A_553 = arith.index_cast %mul3A_550 : i32 to index
      %get3A_554 = tpu.vector_load %arg7[%get3A_552, %get3A_553] {strides = array<i32>} : memref<16x256xi32, #tpu.memory_space<vmem>>, vector<16xi32>,
      %add3A_555 = arith.addi %add3A_548, %get3A_554 : vector<16xi32>
      %mul3A_556 = arith.constant 16 : i32
      %mul3A_557 = arith.muli %scan3A_500, %mul3A_556 : i32
      %get3A_558 = arith.constant 8 : i32
      %get3A_559 = arith.index_cast %get3A_558 : i32 to index
      %get3A_560 = arith.index_cast %mul3A_557 : i32 to index
      %get3A_561 = tpu.vector_load %arg7[%get3A_559, %get3A_560] {strides = array<i32>} : memref<16x256xi32, #tpu.memory_space<vmem>>, vector<16xi32>,
      %add3A_562 = arith.addi %add3A_555, %get3A_561 : vector<16xi32>
      %mul3A_563 = arith.constant 16 : i32
      %mul3A_564 = arith.muli %scan3A_500, %mul3A_563 : i32
      %get3A_565 = arith.constant 9 : i32
      %get3A_566 = arith.index_cast %get3A_565 : i32 to index
      %get3A_567 = arith.index_cast %mul3A_564 : i32 to index
      %get3A_568 = tpu.vector_load %arg7[%get3A_566, %get3A_567] {strides = array<i32>} : memref<16x256xi32, #tpu.memory_space<vmem>>, vector<16xi32>,
      %add3A_569 = arith.addi %add3A_562, %get3A_568 : vector<16xi32>
      %mul3A_570 = arith.constant 16 : i32
      %mul3A_571 = arith.muli %scan3A_500, %mul3A_570 : i32
      %get3A_572 = arith.constant 10 : i32
      %get3A_573 = arith.index_cast %get3A_572 : i32 to index
      %get3A_574 = arith.index_cast %mul3A_571 : i32 to index
      %get3A_575 = tpu.vector_load %arg7[%get3A_573, %get3A_574] {strides = array<i32>} : memref<16x256xi32, #tpu.memory_space<vmem>>, vector<16xi32>,
      %add3A_576 = arith.addi %add3A_569, %get3A_575 : vector<16xi32>
      %mul3A_577 = arith.constant 16 : i32
      %mul3A_578 = arith.muli %scan3A_500, %mul3A_577 : i32
      %get3A_579 = arith.constant 11 : i32
      %get3A_580 = arith.index_cast %get3A_579 : i32 to index
      %get3A_581 = arith.index_cast %mul3A_578 : i32 to index
      %get3A_582 = tpu.vector_load %arg7[%get3A_580, %get3A_581] {strides = array<i32>} : memref<16x256xi32, #tpu.memory_space<vmem>>, vector<16xi32>,
      %add3A_583 = arith.addi %add3A_576, %get3A_582 : vector<16xi32>
      %mul3A_584 = arith.constant 16 : i32
      %mul3A_585 = arith.muli %scan3A_500, %mul3A_584 : i32
      %get3A_586 = arith.constant 12 : i32
      %get3A_587 = arith.index_cast %get3A_586 : i32 to index
      %get3A_588 = arith.index_cast %mul3A_585 : i32 to index
      %get3A_589 = tpu.vector_load %arg7[%get3A_587, %get3A_588] {strides = array<i32>} : memref<16x256xi32, #tpu.memory_space<vmem>>, vector<16xi32>,
      %add3A_590 = arith.addi %add3A_583, %get3A_589 : vector<16xi32>
      %mul3A_591 = arith.constant 16 : i32
      %mul3A_592 = arith.muli %scan3A_500, %mul3A_591 : i32
      %get3A_593 = arith.constant 13 : i32
      %get3A_594 = arith.index_cast %get3A_593 : i32 to index
      %get3A_595 = arith.index_cast %mul3A_592 : i32 to index
      %get3A_596 = tpu.vector_load %arg7[%get3A_594, %get3A_595] {strides = array<i32>} : memref<16x256xi32, #tpu.memory_space<vmem>>, vector<16xi32>,
      %add3A_597 = arith.addi %add3A_590, %get3A_596 : vector<16xi32>
      %mul3A_598 = arith.constant 16 : i32
      %mul3A_599 = arith.muli %scan3A_500, %mul3A_598 : i32
      %get3A_600 = arith.constant 14 : i32
      %get3A_601 = arith.index_cast %get3A_600 : i32 to index
      %get3A_602 = arith.index_cast %mul3A_599 : i32 to index
      %get3A_603 = tpu.vector_load %arg7[%get3A_601, %get3A_602] {strides = array<i32>} : memref<16x256xi32, #tpu.memory_space<vmem>>, vector<16xi32>,
      %add3A_604 = arith.addi %add3A_597, %get3A_603 : vector<16xi32>
      %mul3A_605 = arith.constant 16 : i32
      %mul3A_606 = arith.muli %scan3A_500, %mul3A_605 : i32
      %get3A_607 = arith.constant 15 : i32
      %get3A_608 = arith.index_cast %get3A_607 : i32 to index
      %get3A_609 = arith.index_cast %mul3A_606 : i32 to index
      %get3A_610 = tpu.vector_load %arg7[%get3A_608, %get3A_609] {strides = array<i32>} : memref<16x256xi32, #tpu.memory_space<vmem>>, vector<16xi32>,
      %add3A_611 = arith.addi %add3A_604, %get3A_610 : vector<16xi32>
      %mul3A_612 = arith.constant 16 : i32
      %mul3A_613 = arith.muli %scan3A_500, %mul3A_612 : i32
      %swap3A = arith.index_cast %mul3A_613 : i32 to index
      %swap3A_614 = tpu.vector_load %arg8[%swap3A] {strides = array<i32>} : memref<256xi32, #tpu.memory_space<vmem>>, vector<16xi32>,
      tpu.vector_store %arg8[%swap3A], %add3A_611 {strides = array<i32>} : memref<256xi32, #tpu.memory_space<vmem>>, vector<16xi32>,
      %scan3A_615 = arith.constant 0 : i32
      scf.yield %scan3A_615 : i32
    }
    %scan3A_414 = arith.constant 16 : i32
    "tpu.region"() ({
      %run_scoped3A = tpu.sem_alloc : memref<!tpu.dma_semaphore, #tpu.memory_space<semaphore_mem>>
      %dma_start3A = arith.constant 0 : i32
      %dma_start3A_500 = tpu.memref_slice %arg12[%arg1, %dma_start3A] : memref<16x256xi32, #tpu.memory_space<vmem_shared>> -> memref<1x256xi32, #tpu.memory_space<vmem_shared>>
      %dma_start3A_501 = tpu.memref_squeeze %dma_start3A_500 : memref<1x256xi32, #tpu.memory_space<vmem_shared>> -> memref<256xi32, #tpu.memory_space<vmem_shared>>
      %dma_start3A_502 = arith.constant 0 : i32
      %dma_start3A_503 = tpu.memref_slice %arg12[%arg1, %dma_start3A_502] : memref<16x256xi32, #tpu.memory_space<vmem_shared>> -> memref<1x256xi32, #tpu.memory_space<vmem_shared>>
      %dma_start3A_504 = tpu.memref_squeeze %dma_start3A_503 : memref<1x256xi32, #tpu.memory_space<vmem_shared>> -> memref<256xi32, #tpu.memory_space<vmem_shared>>
      tpu.enqueue_dma source(%arg8 : memref<256xi32, #tpu.memory_space<vmem>>) target(%dma_start3A_504 : memref<256xi32, #tpu.memory_space<vmem_shared>>) target_semaphore(%run_scoped3A : memref<!tpu.dma_semaphore, #tpu.memory_space<semaphore_mem>>)
      %dma_wait3A = arith.constant 0 : i32
      %dma_wait3A_505 = tpu.memref_slice %arg12[%arg1, %dma_wait3A] : memref<16x256xi32, #tpu.memory_space<vmem_shared>> -> memref<1x256xi32, #tpu.memory_space<vmem_shared>>
      %dma_wait3A_506 = tpu.memref_squeeze %dma_wait3A_505 : memref<1x256xi32, #tpu.memory_space<vmem_shared>> -> memref<256xi32, #tpu.memory_space<vmem_shared>>
      %dma_wait3A_507 = arith.constant 0 : i32
      %dma_wait3A_508 = tpu.memref_slice %arg12[%arg1, %dma_wait3A_507] : memref<16x256xi32, #tpu.memory_space<vmem_shared>> -> memref<1x256xi32, #tpu.memory_space<vmem_shared>>
      %dma_wait3A_509 = tpu.memref_squeeze %dma_wait3A_508 : memref<1x256xi32, #tpu.memory_space<vmem_shared>> -> memref<256xi32, #tpu.memory_space<vmem_shared>>
      tpu.wait_dma2 semaphore(%run_scoped3A : memref<!tpu.dma_semaphore, #tpu.memory_space<semaphore_mem>>) src(%arg8 : memref<256xi32, #tpu.memory_space<vmem>>) dst(%dma_wait3A_509 : memref<256xi32, #tpu.memory_space<vmem_shared>>)
      tpu.yield
    }) : () -> ()
    %barrier3A_415 = arith.constant 0 : index
    tpu.barrier barrier_id(%barrier3A_415)
    %jit3A_416 = arith.constant 4 : i32
    %div3A_417 = arith.divsi %arg1, %jit3A_416 : i32
    %sign3A_418 = arith.constant 0 : i32
    %sign3A_419 = arith.cmpi sgt, %arg1, %sign3A_418 : i32
    %sign3A_420 = arith.extui %sign3A_419 : i1 to i32
    %sign3A_421 = arith.constant 0 : i32
    %sign3A_422 = arith.cmpi slt, %arg1, %sign3A_421 : i32
    %sign3A_423 = arith.extui %sign3A_422 : i1 to i32
    %sign3A_424 = arith.subi %sign3A_420, %sign3A_423 : i32
    %sign3A_425 = arith.constant 0 : i32
    %sign3A_426 = arith.cmpi sgt, %jit3A_416, %sign3A_425 : i32
    %sign3A_427 = arith.extui %sign3A_426 : i1 to i32
    %sign3A_428 = arith.constant 0 : i32
    %sign3A_429 = arith.cmpi slt, %jit3A_416, %sign3A_428 : i32
    %sign3A_430 = arith.extui %sign3A_429 : i1 to i32
    %sign3A_431 = arith.subi %sign3A_427, %sign3A_430 : i32
    %ne3A_432 = arith.cmpi ne, %sign3A_424, %sign3A_431 : i32
    %rem3A_433 = arith.remsi %arg1, %jit3A_416 : i32
    %ne3A_434 = arith.constant 0 : i32
    %ne3A_435 = arith.cmpi ne, %rem3A_433, %ne3A_434 : i32
    %and3A_436 = arith.andi %ne3A_432, %ne3A_435 : i1
    %sub3A_437 = arith.constant 1 : i32
    %sub3A_438 = arith.subi %div3A_417, %sub3A_437 : i32
    %select_n3A_439 = arith.select %and3A_436, %sub3A_438, %div3A_417 : i32
    %mul3A_440 = arith.constant 4 : i32
    %mul3A_441 = arith.muli %select_n3A_439, %mul3A_440 : i32
    %add3A_442 = arith.constant 0 : i32
    %add3A_443 = arith.addi %mul3A_441, %add3A_442 : i32
    "tpu.region"() ({
      %run_scoped3A = tpu.sem_alloc : memref<!tpu.dma_semaphore, #tpu.memory_space<semaphore_mem>>
      %dma_start3A = arith.constant 0 : i32
      %dma_start3A_500 = tpu.memref_slice %arg12[%add3A_443, %dma_start3A] : memref<16x256xi32, #tpu.memory_space<vmem_shared>> -> memref<1x256xi32, #tpu.memory_space<vmem_shared>>
      %dma_start3A_501 = tpu.memref_squeeze %dma_start3A_500 : memref<1x256xi32, #tpu.memory_space<vmem_shared>> -> memref<256xi32, #tpu.memory_space<vmem_shared>>
      %dma_start3A_502 = arith.constant 0 : i32
      %dma_start3A_503 = tpu.memref_slice %arg12[%add3A_443, %dma_start3A_502] : memref<16x256xi32, #tpu.memory_space<vmem_shared>> -> memref<1x256xi32, #tpu.memory_space<vmem_shared>>
      %dma_start3A_504 = tpu.memref_squeeze %dma_start3A_503 : memref<1x256xi32, #tpu.memory_space<vmem_shared>> -> memref<256xi32, #tpu.memory_space<vmem_shared>>
      tpu.enqueue_dma source(%dma_start3A_504 : memref<256xi32, #tpu.memory_space<vmem_shared>>) target(%arg9 : memref<256xi32, #tpu.memory_space<vmem>>) target_semaphore(%run_scoped3A : memref<!tpu.dma_semaphore, #tpu.memory_space<semaphore_mem>>)
      %dma_wait3A = arith.constant 0 : i32
      %dma_wait3A_505 = tpu.memref_slice %arg12[%add3A_443, %dma_wait3A] : memref<16x256xi32, #tpu.memory_space<vmem_shared>> -> memref<1x256xi32, #tpu.memory_space<vmem_shared>>
      %dma_wait3A_506 = tpu.memref_squeeze %dma_wait3A_505 : memref<1x256xi32, #tpu.memory_space<vmem_shared>> -> memref<256xi32, #tpu.memory_space<vmem_shared>>
      %dma_wait3A_507 = arith.constant 0 : i32
      %dma_wait3A_508 = tpu.memref_slice %arg12[%add3A_443, %dma_wait3A_507] : memref<16x256xi32, #tpu.memory_space<vmem_shared>> -> memref<1x256xi32, #tpu.memory_space<vmem_shared>>
      %dma_wait3A_509 = tpu.memref_squeeze %dma_wait3A_508 : memref<1x256xi32, #tpu.memory_space<vmem_shared>> -> memref<256xi32, #tpu.memory_space<vmem_shared>>
      tpu.wait_dma2 semaphore(%run_scoped3A : memref<!tpu.dma_semaphore, #tpu.memory_space<semaphore_mem>>) src(%dma_wait3A_509 : memref<256xi32, #tpu.memory_space<vmem_shared>>) dst(%arg9 : memref<256xi32, #tpu.memory_space<vmem>>)
      tpu.yield
    }) : () -> ()
    %scan3A_444 = arith.constant 0 : i32
    %scan3A_445 = arith.constant 0 : i32
    %scan3A_446 = arith.constant 16 : i32
    %scan3A_447 = arith.addi %scan3A_445, %scan3A_446 : i32
    %scan3A_448 = arith.constant 1 : i32
    %scan3A_449 = scf.for %scan3A_500 = %scan3A_445 to %scan3A_447 step %scan3A_448 iter_args(%scan3A_501 = %scan3A_444) -> (i32)  : i32 {
      %mul3A_502 = arith.constant 16 : i32
      %mul3A_503 = arith.muli %scan3A_500, %mul3A_502 : i32
      %get3A = arith.index_cast %mul3A_503 : i32 to index
      %get3A_504 = tpu.vector_load %arg9[%get3A] {strides = array<i32>} : memref<256xi32, #tpu.memory_space<vmem>>, vector<16xi32>,
      %mul3A_505 = arith.constant 16 : i32
      %mul3A_506 = arith.muli %scan3A_500, %mul3A_505 : i32
      %swap3A = arith.index_cast %mul3A_506 : i32 to index
      %swap3A_507 = tpu.vector_load %arg10[%swap3A] {strides = array<i32>} : memref<256xi32, #tpu.memory_space<vmem>>, vector<16xi32>,
      tpu.vector_store %arg10[%swap3A], %get3A_504 {strides = array<i32>} : memref<256xi32, #tpu.memory_space<vmem>>, vector<16xi32>,
      %scan3A_508 = arith.constant 0 : i32
      scf.yield %scan3A_508 : i32
    }
    %scan3A_450 = arith.constant 16 : i32
    %add3A_451 = arith.constant 1 : i32
    %add3A_452 = arith.addi %mul3A_441, %add3A_451 : i32
    "tpu.region"() ({
      %run_scoped3A = tpu.sem_alloc : memref<!tpu.dma_semaphore, #tpu.memory_space<semaphore_mem>>
      %dma_start3A = arith.constant 0 : i32
      %dma_start3A_500 = tpu.memref_slice %arg12[%add3A_452, %dma_start3A] : memref<16x256xi32, #tpu.memory_space<vmem_shared>> -> memref<1x256xi32, #tpu.memory_space<vmem_shared>>
      %dma_start3A_501 = tpu.memref_squeeze %dma_start3A_500 : memref<1x256xi32, #tpu.memory_space<vmem_shared>> -> memref<256xi32, #tpu.memory_space<vmem_shared>>
      %dma_start3A_502 = arith.constant 0 : i32
      %dma_start3A_503 = tpu.memref_slice %arg12[%add3A_452, %dma_start3A_502] : memref<16x256xi32, #tpu.memory_space<vmem_shared>> -> memref<1x256xi32, #tpu.memory_space<vmem_shared>>
      %dma_start3A_504 = tpu.memref_squeeze %dma_start3A_503 : memref<1x256xi32, #tpu.memory_space<vmem_shared>> -> memref<256xi32, #tpu.memory_space<vmem_shared>>
      tpu.enqueue_dma source(%dma_start3A_504 : memref<256xi32, #tpu.memory_space<vmem_shared>>) target(%arg9 : memref<256xi32, #tpu.memory_space<vmem>>) target_semaphore(%run_scoped3A : memref<!tpu.dma_semaphore, #tpu.memory_space<semaphore_mem>>)
      %dma_wait3A = arith.constant 0 : i32
      %dma_wait3A_505 = tpu.memref_slice %arg12[%add3A_452, %dma_wait3A] : memref<16x256xi32, #tpu.memory_space<vmem_shared>> -> memref<1x256xi32, #tpu.memory_space<vmem_shared>>
      %dma_wait3A_506 = tpu.memref_squeeze %dma_wait3A_505 : memref<1x256xi32, #tpu.memory_space<vmem_shared>> -> memref<256xi32, #tpu.memory_space<vmem_shared>>
      %dma_wait3A_507 = arith.constant 0 : i32
      %dma_wait3A_508 = tpu.memref_slice %arg12[%add3A_452, %dma_wait3A_507] : memref<16x256xi32, #tpu.memory_space<vmem_shared>> -> memref<1x256xi32, #tpu.memory_space<vmem_shared>>
      %dma_wait3A_509 = tpu.memref_squeeze %dma_wait3A_508 : memref<1x256xi32, #tpu.memory_space<vmem_shared>> -> memref<256xi32, #tpu.memory_space<vmem_shared>>
      tpu.wait_dma2 semaphore(%run_scoped3A : memref<!tpu.dma_semaphore, #tpu.memory_space<semaphore_mem>>) src(%dma_wait3A_509 : memref<256xi32, #tpu.memory_space<vmem_shared>>) dst(%arg9 : memref<256xi32, #tpu.memory_space<vmem>>)
      tpu.yield
    }) : () -> ()
    %scan3A_453 = arith.constant 0 : i32
    %scan3A_454 = arith.constant 0 : i32
    %scan3A_455 = arith.constant 16 : i32
    %scan3A_456 = arith.addi %scan3A_454, %scan3A_455 : i32
    %scan3A_457 = arith.constant 1 : i32
    %scan3A_458 = scf.for %scan3A_500 = %scan3A_454 to %scan3A_456 step %scan3A_457 iter_args(%scan3A_501 = %scan3A_453) -> (i32)  : i32 {
      %mul3A_502 = arith.constant 16 : i32
      %mul3A_503 = arith.muli %scan3A_500, %mul3A_502 : i32
      %get3A = arith.index_cast %mul3A_503 : i32 to index
      %get3A_504 = tpu.vector_load %arg9[%get3A] {strides = array<i32>} : memref<256xi32, #tpu.memory_space<vmem>>, vector<16xi32>,
      %mul3A_505 = arith.constant 16 : i32
      %mul3A_506 = arith.muli %scan3A_500, %mul3A_505 : i32
      %get3A_507 = arith.index_cast %mul3A_506 : i32 to index
      %get3A_508 = tpu.vector_load %arg10[%get3A_507] {strides = array<i32>} : memref<256xi32, #tpu.memory_space<vmem>>, vector<16xi32>,
      %add3A_509 = arith.addi %get3A_508, %get3A_504 : vector<16xi32>
      %mul3A_510 = arith.constant 16 : i32
      %mul3A_511 = arith.muli %scan3A_500, %mul3A_510 : i32
      %swap3A = arith.index_cast %mul3A_511 : i32 to index
      %swap3A_512 = tpu.vector_load %arg10[%swap3A] {strides = array<i32>} : memref<256xi32, #tpu.memory_space<vmem>>, vector<16xi32>,
      tpu.vector_store %arg10[%swap3A], %add3A_509 {strides = array<i32>} : memref<256xi32, #tpu.memory_space<vmem>>, vector<16xi32>,
      %scan3A_513 = arith.constant 0 : i32
      scf.yield %scan3A_513 : i32
    }
    %scan3A_459 = arith.constant 16 : i32
    %add3A_460 = arith.constant 2 : i32
    %add3A_461 = arith.addi %mul3A_441, %add3A_460 : i32
    "tpu.region"() ({
      %run_scoped3A = tpu.sem_alloc : memref<!tpu.dma_semaphore, #tpu.memory_space<semaphore_mem>>
      %dma_start3A = arith.constant 0 : i32
      %dma_start3A_500 = tpu.memref_slice %arg12[%add3A_461, %dma_start3A] : memref<16x256xi32, #tpu.memory_space<vmem_shared>> -> memref<1x256xi32, #tpu.memory_space<vmem_shared>>
      %dma_start3A_501 = tpu.memref_squeeze %dma_start3A_500 : memref<1x256xi32, #tpu.memory_space<vmem_shared>> -> memref<256xi32, #tpu.memory_space<vmem_shared>>
      %dma_start3A_502 = arith.constant 0 : i32
      %dma_start3A_503 = tpu.memref_slice %arg12[%add3A_461, %dma_start3A_502] : memref<16x256xi32, #tpu.memory_space<vmem_shared>> -> memref<1x256xi32, #tpu.memory_space<vmem_shared>>
      %dma_start3A_504 = tpu.memref_squeeze %dma_start3A_503 : memref<1x256xi32, #tpu.memory_space<vmem_shared>> -> memref<256xi32, #tpu.memory_space<vmem_shared>>
      tpu.enqueue_dma source(%dma_start3A_504 : memref<256xi32, #tpu.memory_space<vmem_shared>>) target(%arg9 : memref<256xi32, #tpu.memory_space<vmem>>) target_semaphore(%run_scoped3A : memref<!tpu.dma_semaphore, #tpu.memory_space<semaphore_mem>>)
      %dma_wait3A = arith.constant 0 : i32
      %dma_wait3A_505 = tpu.memref_slice %arg12[%add3A_461, %dma_wait3A] : memref<16x256xi32, #tpu.memory_space<vmem_shared>> -> memref<1x256xi32, #tpu.memory_space<vmem_shared>>
      %dma_wait3A_506 = tpu.memref_squeeze %dma_wait3A_505 : memref<1x256xi32, #tpu.memory_space<vmem_shared>> -> memref<256xi32, #tpu.memory_space<vmem_shared>>
      %dma_wait3A_507 = arith.constant 0 : i32
      %dma_wait3A_508 = tpu.memref_slice %arg12[%add3A_461, %dma_wait3A_507] : memref<16x256xi32, #tpu.memory_space<vmem_shared>> -> memref<1x256xi32, #tpu.memory_space<vmem_shared>>
      %dma_wait3A_509 = tpu.memref_squeeze %dma_wait3A_508 : memref<1x256xi32, #tpu.memory_space<vmem_shared>> -> memref<256xi32, #tpu.memory_space<vmem_shared>>
      tpu.wait_dma2 semaphore(%run_scoped3A : memref<!tpu.dma_semaphore, #tpu.memory_space<semaphore_mem>>) src(%dma_wait3A_509 : memref<256xi32, #tpu.memory_space<vmem_shared>>) dst(%arg9 : memref<256xi32, #tpu.memory_space<vmem>>)
      tpu.yield
    }) : () -> ()
    %scan3A_462 = arith.constant 0 : i32
    %scan3A_463 = arith.constant 0 : i32
    %scan3A_464 = arith.constant 16 : i32
    %scan3A_465 = arith.addi %scan3A_463, %scan3A_464 : i32
    %scan3A_466 = arith.constant 1 : i32
    %scan3A_467 = scf.for %scan3A_500 = %scan3A_463 to %scan3A_465 step %scan3A_466 iter_args(%scan3A_501 = %scan3A_462) -> (i32)  : i32 {
      %mul3A_502 = arith.constant 16 : i32
      %mul3A_503 = arith.muli %scan3A_500, %mul3A_502 : i32
      %get3A = arith.index_cast %mul3A_503 : i32 to index
      %get3A_504 = tpu.vector_load %arg9[%get3A] {strides = array<i32>} : memref<256xi32, #tpu.memory_space<vmem>>, vector<16xi32>,
      %mul3A_505 = arith.constant 16 : i32
      %mul3A_506 = arith.muli %scan3A_500, %mul3A_505 : i32
      %get3A_507 = arith.index_cast %mul3A_506 : i32 to index
      %get3A_508 = tpu.vector_load %arg10[%get3A_507] {strides = array<i32>} : memref<256xi32, #tpu.memory_space<vmem>>, vector<16xi32>,
      %add3A_509 = arith.addi %get3A_508, %get3A_504 : vector<16xi32>
      %mul3A_510 = arith.constant 16 : i32
      %mul3A_511 = arith.muli %scan3A_500, %mul3A_510 : i32
      %swap3A = arith.index_cast %mul3A_511 : i32 to index
      %swap3A_512 = tpu.vector_load %arg10[%swap3A] {strides = array<i32>} : memref<256xi32, #tpu.memory_space<vmem>>, vector<16xi32>,
      tpu.vector_store %arg10[%swap3A], %add3A_509 {strides = array<i32>} : memref<256xi32, #tpu.memory_space<vmem>>, vector<16xi32>,
      %scan3A_513 = arith.constant 0 : i32
      scf.yield %scan3A_513 : i32
    }
    %scan3A_468 = arith.constant 16 : i32
    %add3A_469 = arith.constant 3 : i32
    %add3A_470 = arith.addi %mul3A_441, %add3A_469 : i32
    "tpu.region"() ({
      %run_scoped3A = tpu.sem_alloc : memref<!tpu.dma_semaphore, #tpu.memory_space<semaphore_mem>>
      %dma_start3A = arith.constant 0 : i32
      %dma_start3A_500 = tpu.memref_slice %arg12[%add3A_470, %dma_start3A] : memref<16x256xi32, #tpu.memory_space<vmem_shared>> -> memref<1x256xi32, #tpu.memory_space<vmem_shared>>
      %dma_start3A_501 = tpu.memref_squeeze %dma_start3A_500 : memref<1x256xi32, #tpu.memory_space<vmem_shared>> -> memref<256xi32, #tpu.memory_space<vmem_shared>>
      %dma_start3A_502 = arith.constant 0 : i32
      %dma_start3A_503 = tpu.memref_slice %arg12[%add3A_470, %dma_start3A_502] : memref<16x256xi32, #tpu.memory_space<vmem_shared>> -> memref<1x256xi32, #tpu.memory_space<vmem_shared>>
      %dma_start3A_504 = tpu.memref_squeeze %dma_start3A_503 : memref<1x256xi32, #tpu.memory_space<vmem_shared>> -> memref<256xi32, #tpu.memory_space<vmem_shared>>
      tpu.enqueue_dma source(%dma_start3A_504 : memref<256xi32, #tpu.memory_space<vmem_shared>>) target(%arg9 : memref<256xi32, #tpu.memory_space<vmem>>) target_semaphore(%run_scoped3A : memref<!tpu.dma_semaphore, #tpu.memory_space<semaphore_mem>>)
      %dma_wait3A = arith.constant 0 : i32
      %dma_wait3A_505 = tpu.memref_slice %arg12[%add3A_470, %dma_wait3A] : memref<16x256xi32, #tpu.memory_space<vmem_shared>> -> memref<1x256xi32, #tpu.memory_space<vmem_shared>>
      %dma_wait3A_506 = tpu.memref_squeeze %dma_wait3A_505 : memref<1x256xi32, #tpu.memory_space<vmem_shared>> -> memref<256xi32, #tpu.memory_space<vmem_shared>>
      %dma_wait3A_507 = arith.constant 0 : i32
      %dma_wait3A_508 = tpu.memref_slice %arg12[%add3A_470, %dma_wait3A_507] : memref<16x256xi32, #tpu.memory_space<vmem_shared>> -> memref<1x256xi32, #tpu.memory_space<vmem_shared>>
      %dma_wait3A_509 = tpu.memref_squeeze %dma_wait3A_508 : memref<1x256xi32, #tpu.memory_space<vmem_shared>> -> memref<256xi32, #tpu.memory_space<vmem_shared>>
      tpu.wait_dma2 semaphore(%run_scoped3A : memref<!tpu.dma_semaphore, #tpu.memory_space<semaphore_mem>>) src(%dma_wait3A_509 : memref<256xi32, #tpu.memory_space<vmem_shared>>) dst(%arg9 : memref<256xi32, #tpu.memory_space<vmem>>)
      tpu.yield
    }) : () -> ()
    %scan3A_471 = arith.constant 0 : i32
    %scan3A_472 = arith.constant 0 : i32
    %scan3A_473 = arith.constant 16 : i32
    %scan3A_474 = arith.addi %scan3A_472, %scan3A_473 : i32
    %scan3A_475 = arith.constant 1 : i32
    %scan3A_476 = scf.for %scan3A_500 = %scan3A_472 to %scan3A_474 step %scan3A_475 iter_args(%scan3A_501 = %scan3A_471) -> (i32)  : i32 {
      %mul3A_502 = arith.constant 16 : i32
      %mul3A_503 = arith.muli %scan3A_500, %mul3A_502 : i32
      %get3A = arith.index_cast %mul3A_503 : i32 to index
      %get3A_504 = tpu.vector_load %arg9[%get3A] {strides = array<i32>} : memref<256xi32, #tpu.memory_space<vmem>>, vector<16xi32>,
      %mul3A_505 = arith.constant 16 : i32
      %mul3A_506 = arith.muli %scan3A_500, %mul3A_505 : i32
      %get3A_507 = arith.index_cast %mul3A_506 : i32 to index
      %get3A_508 = tpu.vector_load %arg10[%get3A_507] {strides = array<i32>} : memref<256xi32, #tpu.memory_space<vmem>>, vector<16xi32>,
      %add3A_509 = arith.addi %get3A_508, %get3A_504 : vector<16xi32>
      %mul3A_510 = arith.constant 16 : i32
      %mul3A_511 = arith.muli %scan3A_500, %mul3A_510 : i32
      %swap3A = arith.index_cast %mul3A_511 : i32 to index
      %swap3A_512 = tpu.vector_load %arg10[%swap3A] {strides = array<i32>} : memref<256xi32, #tpu.memory_space<vmem>>, vector<16xi32>,
      tpu.vector_store %arg10[%swap3A], %add3A_509 {strides = array<i32>} : memref<256xi32, #tpu.memory_space<vmem>>, vector<16xi32>,
      %scan3A_513 = arith.constant 0 : i32
      scf.yield %scan3A_513 : i32
    }
    %scan3A_477 = arith.constant 16 : i32
    %barrier3A_478 = arith.constant 0 : index
    tpu.barrier barrier_id(%barrier3A_478)
    %scan3A_479 = arith.constant 0 : i32
    %scan3A_480 = arith.constant 0 : i32
    %scan3A_481 = arith.constant 0 : i32
    %scan3A_482 = arith.constant 0 : i32
    %scan3A_483 = arith.constant 0 : i32
    %scan3A_484 = arith.constant 16 : i32
    %scan3A_485 = arith.addi %scan3A_483, %scan3A_484 : i32
    %scan3A_486 = arith.constant 1 : i32
    %scan3A_487:4 = scf.for %scan3A_500 = %scan3A_483 to %scan3A_485 step %scan3A_486 iter_args(%scan3A_501 = %scan3A_479, %scan3A_502 = %scan3A_480, %scan3A_503 = %scan3A_481, %scan3A_504 = %scan3A_482) -> (i32, i32, i32, i32)  : i32 {
      %sub3A_505 = arith.constant 15 : i32
      %sub3A_506 = arith.subi %sub3A_505, %scan3A_500 : i32
      %mul3A_507 = arith.constant 16 : i32
      %mul3A_508 = arith.muli %sub3A_506, %mul3A_507 : i32
      %get3A = arith.index_cast %mul3A_508 : i32 to index
      %get3A_509 = tpu.vector_load %arg10[%get3A] {strides = array<i32>} : memref<256xi32, #tpu.memory_space<vmem>>, vector<16xi32>,
      %reduce_sum3A = arith.constant true
      %reduce_sum3A_510 = vector.broadcast %reduce_sum3A : i1 to vector<16xi1>
      %reduce_sum3A_511 = tpu.scan <sum>, %get3A_509 masked %reduce_sum3A_510 : vector<16xi32>, vector<16xi1> -> vector<16xi32>
      %reduce_sum3A_512 = vector.extract %reduce_sum3A_511[15] : i32 from vector<16xi32>
      %broadcast_in_dim3A_513 = arith.constant true
      %broadcast_in_dim3A_514 = vector.broadcast %broadcast_in_dim3A_513 : i1 to vector<16xi1>
      %masked_cumsum3A = tpu.scan <sum>, %get3A_509 masked %broadcast_in_dim3A_514 : vector<16xi32>, vector<16xi1> -> vector<16xi32>
      %sub3A_515 = vector.broadcast %reduce_sum3A_512 : i32 to vector<16xi32>
      %sub3A_516 = arith.subi %sub3A_515, %masked_cumsum3A : vector<16xi32>
      %add3A_517 = arith.addi %sub3A_516, %get3A_509 : vector<16xi32>
      %add3A_518 = vector.broadcast %scan3A_501 : i32 to vector<16xi32>
      %add3A_519 = arith.addi %add3A_518, %add3A_517 : vector<16xi32>
      %ge3A_520 = vector.broadcast %sub3A_357 : i32 to vector<16xi32>
      %ge3A_521 = arith.cmpi sge, %add3A_519, %ge3A_520 : vector<16xi32>
      %convert_element_type3A_522 = arith.extui %ge3A_521 : vector<16xi1> to vector<16xi32>
      %reduce_max3A = arith.constant true
      %reduce_max3A_523 = vector.broadcast %reduce_max3A : i1 to vector<16xi1>
      %reduce_max3A_524 = arith.constant -2147483648 : i32
      %reduce_max3A_525 = vector.broadcast %reduce_max3A_524 : i32 to vector<16xi32>
      %reduce_max3A_526 = arith.xori %convert_element_type3A_522, %reduce_max3A_525 : vector<16xi32>
      %reduce_max3A_527 = tpu.scan <max>, %reduce_max3A_526 masked %reduce_max3A_523 : vector<16xi32>, vector<16xi1> -> vector<16xi32>
      %reduce_max3A_528 = arith.xori %reduce_max3A_527, %reduce_max3A_525 : vector<16xi32>
      %reduce_max3A_529 = vector.extract %reduce_max3A_528[15] : i32 from vector<16xi32>
      %jit3A_530 = arith.constant -1 : i32
      %broadcast_in_dim3A_531 = vector.broadcast %jit3A_530 : i32 to vector<16xi32>
      %select_n3A_532 = arith.select %ge3A_521, %iota3A, %broadcast_in_dim3A_531 : vector<16xi1>, vector<16xi32>
      %reduce_max3A_533 = arith.constant true
      %reduce_max3A_534 = vector.broadcast %reduce_max3A_533 : i1 to vector<16xi1>
      %reduce_max3A_535 = arith.constant -2147483648 : i32
      %reduce_max3A_536 = vector.broadcast %reduce_max3A_535 : i32 to vector<16xi32>
      %reduce_max3A_537 = arith.xori %select_n3A_532, %reduce_max3A_536 : vector<16xi32>
      %reduce_max3A_538 = tpu.scan <max>, %reduce_max3A_537 masked %reduce_max3A_534 : vector<16xi32>, vector<16xi1> -> vector<16xi32>
      %reduce_max3A_539 = arith.xori %reduce_max3A_538, %reduce_max3A_536 : vector<16xi32>
      %reduce_max3A_540 = vector.extract %reduce_max3A_539[15] : i32 from vector<16xi32>
      %eq3A_541 = vector.broadcast %reduce_max3A_540 : i32 to vector<16xi32>
      %eq3A_542 = arith.cmpi eq, %iota3A, %eq3A_541 : vector<16xi32>
      %jit3A_543 = arith.constant 0 : i32
      %broadcast_in_dim3A_544 = vector.broadcast %jit3A_543 : i32 to vector<16xi32>
      %select_n3A_545 = arith.select %eq3A_542, %add3A_517, %broadcast_in_dim3A_544 : vector<16xi1>, vector<16xi32>
      %reduce_sum3A_546 = arith.constant true
      %reduce_sum3A_547 = vector.broadcast %reduce_sum3A_546 : i1 to vector<16xi1>
      %reduce_sum3A_548 = tpu.scan <sum>, %select_n3A_545 masked %reduce_sum3A_547 : vector<16xi32>, vector<16xi1> -> vector<16xi32>
      %reduce_sum3A_549 = vector.extract %reduce_sum3A_548[15] : i32 from vector<16xi32>
      %eq3A_550 = vector.broadcast %reduce_max3A_540 : i32 to vector<16xi32>
      %eq3A_551 = arith.cmpi eq, %iota3A, %eq3A_550 : vector<16xi32>
      %jit3A_552 = arith.constant 0 : i32
      %broadcast_in_dim3A_553 = vector.broadcast %jit3A_552 : i32 to vector<16xi32>
      %select_n3A_554 = arith.select %eq3A_551, %get3A_509, %broadcast_in_dim3A_553 : vector<16xi1>, vector<16xi32>
      %reduce_sum3A_555 = arith.constant true
      %reduce_sum3A_556 = vector.broadcast %reduce_sum3A_555 : i1 to vector<16xi1>
      %reduce_sum3A_557 = tpu.scan <sum>, %select_n3A_554 masked %reduce_sum3A_556 : vector<16xi32>, vector<16xi1> -> vector<16xi32>
      %reduce_sum3A_558 = vector.extract %reduce_sum3A_557[15] : i32 from vector<16xi32>
      %eq3A_559 = arith.constant 0 : i32
      %eq3A_560 = arith.cmpi eq, %scan3A_502, %eq3A_559 : i32
      %eq3A_561 = arith.constant 1 : i32
      %eq3A_562 = arith.cmpi eq, %reduce_max3A_529, %eq3A_561 : i32
      %and3A_563 = arith.andi %eq3A_560, %eq3A_562 : i1
      %mul3A_564 = arith.constant 16 : i32
      %mul3A_565 = arith.muli %sub3A_506, %mul3A_564 : i32
      %add3A_566 = arith.addi %mul3A_565, %reduce_max3A_540 : i32
      %select_n3A_567 = arith.select %and3A_563, %add3A_566, %scan3A_503 : i32
      %add3A_568 = arith.addi %scan3A_501, %reduce_sum3A_549 : i32
      %sub3A_569 = arith.subi %add3A_568, %reduce_sum3A_558 : i32
      %select_n3A_570 = arith.select %and3A_563, %sub3A_569, %scan3A_504 : i32
      %jit3A_571 = arith.constant 1 : i32
      %select_n3A_572 = arith.select %and3A_563, %jit3A_571, %scan3A_502 : i32
      %add3A_573 = arith.addi %scan3A_501, %reduce_sum3A_512 : i32
      scf.yield %add3A_573, %select_n3A_572, %select_n3A_567, %select_n3A_570 : i32, i32, i32, i32
    }
    %scan3A_488 = arith.constant 16 : i32
    %or3A_489 = arith.ori %or3A_360, %scan3A_487#2 : i32
    %broadcast_in_dim3A_490 = vector.broadcast %or3A_489 : i32 to vector<16xi32>
    %ge3A = arith.constant -2147483648 : i32
    %ge3A_491 = vector.broadcast %ge3A : i32 to vector<16xi32>
    %ge3A_492 = arith.cmpi uge, %broadcast_in_dim3A_490, %ge3A_491 : vector<16xi32>
    %xor3A = arith.constant -2147483648 : i32
    %xor3A_493 = vector.broadcast %xor3A : i32 to vector<16xi32>
    %xor3A_494 = arith.xori %broadcast_in_dim3A_490, %xor3A_493 : vector<16xi32>
    %not3A = arith.constant dense<-1> : vector<16xi32>
    %not3A_495 = arith.xori %broadcast_in_dim3A_490, %not3A : vector<16xi32>
    %select_n3A_496 = arith.select %ge3A_492, %xor3A_494, %not3A_495 : vector<16xi1>, vector<16xi32>
    %eq3A_497 = arith.constant 0 : i32
    %eq3A_498 = arith.cmpi eq, %select_n3A_30, %eq3A_497 : i32
    %convert_element_type3A = arith.extui %eq3A_498 : i1 to i32
    %cond3A = arith.constant 0 : i32
    %cond3A_499 = arith.cmpi ne, %convert_element_type3A, %cond3A : i32
    scf.if %cond3A_499 {
      %bitcast3A = vector.bitcast %select_n3A_496 : vector<16xi32> to vector<16xf32>
      %swap3A = arith.constant 0 : index
      %swap3A_500 = tpu.vector_load %arg11[%swap3A] {strides = array<i32>} : memref<16xf32, #tpu.memory_space<vmem>>, vector<16xf32>,
      tpu.vector_store %arg11[%swap3A], %bitcast3A {strides = array<i32>} : memref<16xf32, #tpu.memory_space<vmem>>, vector<16xf32>,
      "tpu.region"() ({
        %run_scoped3A = tpu.sem_alloc : memref<!tpu.dma_semaphore, #tpu.memory_space<semaphore_mem>>
        %dma_start3A = arith.constant 0 : i32
        %dma_start3A_501 = tpu.memref_slice %arg3[%add3A, %dma_start3A] : memref<8x16xf32, #tpu.memory_space<hbm>> -> memref<1x16xf32, #tpu.memory_space<hbm>>
        %dma_start3A_502 = tpu.memref_squeeze %dma_start3A_501 : memref<1x16xf32, #tpu.memory_space<hbm>> -> memref<16xf32, #tpu.memory_space<hbm>>
        %dma_start3A_503 = arith.constant 0 : i32
        %dma_start3A_504 = tpu.memref_slice %arg3[%add3A, %dma_start3A_503] : memref<8x16xf32, #tpu.memory_space<hbm>> -> memref<1x16xf32, #tpu.memory_space<hbm>>
        %dma_start3A_505 = tpu.memref_squeeze %dma_start3A_504 : memref<1x16xf32, #tpu.memory_space<hbm>> -> memref<16xf32, #tpu.memory_space<hbm>>
        tpu.enqueue_dma source(%arg11 : memref<16xf32, #tpu.memory_space<vmem>>) target(%dma_start3A_505 : memref<16xf32, #tpu.memory_space<hbm>>) target_semaphore(%run_scoped3A : memref<!tpu.dma_semaphore, #tpu.memory_space<semaphore_mem>>)
        %dma_wait3A = arith.constant 0 : i32
        %dma_wait3A_506 = tpu.memref_slice %arg3[%add3A, %dma_wait3A] : memref<8x16xf32, #tpu.memory_space<hbm>> -> memref<1x16xf32, #tpu.memory_space<hbm>>
        %dma_wait3A_507 = tpu.memref_squeeze %dma_wait3A_506 : memref<1x16xf32, #tpu.memory_space<hbm>> -> memref<16xf32, #tpu.memory_space<hbm>>
        %dma_wait3A_508 = arith.constant 0 : i32
        %dma_wait3A_509 = tpu.memref_slice %arg3[%add3A, %dma_wait3A_508] : memref<8x16xf32, #tpu.memory_space<hbm>> -> memref<1x16xf32, #tpu.memory_space<hbm>>
        %dma_wait3A_510 = tpu.memref_squeeze %dma_wait3A_509 : memref<1x16xf32, #tpu.memory_space<hbm>> -> memref<16xf32, #tpu.memory_space<hbm>>
        tpu.wait_dma2 semaphore(%run_scoped3A : memref<!tpu.dma_semaphore, #tpu.memory_space<semaphore_mem>>) src(%arg11 : memref<16xf32, #tpu.memory_space<vmem>>) dst(%dma_wait3A_510 : memref<16xf32, #tpu.memory_space<hbm>>)
        tpu.yield
      }) : () -> ()
    } else {
    }
    return
  }
}

module attributes {stable_mosaic.version = 14 : i64} {
  func.func @_energy_body(%arg0: i32, %arg1: i32, %arg2: memref<1x96x288x128xf32, #tpu.memory_space<vmem>>, %arg3: memref<1x288x128xf32, #tpu.memory_space<vmem>>) attributes {dimension_semantics = [#tpu.dimension_semantics<arbitrary>, #tpu.dimension_semantics<arbitrary>], iteration_bounds = array<i64: 8, 4>, scalar_prefetch = 0 : i64, scratch_operands = 0 : i64, tpu.core_type = #tpu.core_type<tc>, window_params = [{transform_indices = @transform_0, window_bounds = array<i64: 1, 96, 288, 128>}, {transform_indices = @transform_1, window_bounds = array<i64: 1, 288, 128>}]} {
    %get3A = arith.constant 0 : index
    %get3A_0 = arith.constant 0 : index
    %get3A_1 = arith.constant 0 : index
    %get3A_2 = arith.constant 0 : index
    %get3A_3 = vector.load %arg2[%get3A, %get3A_0, %get3A_1, %get3A_2] : memref<1x96x288x128xf32, #tpu.memory_space<vmem>>, vector<1x96x288x128xf32>
    %reduce_sum3A = arith.constant dense<0.000000e+00> : vector<1x288x128xf32>
    %reduce_sum3A_4 = vector.multi_reduction <add>, %get3A_3, %reduce_sum3A [1] : vector<1x96x288x128xf32> to vector<1x288x128xf32>
    %swap3A = arith.constant 0 : index
    %swap3A_5 = arith.constant 0 : index
    %swap3A_6 = arith.constant 0 : index
    %swap3A_7 = vector.load %arg3[%swap3A, %swap3A_5, %swap3A_6] : memref<1x288x128xf32, #tpu.memory_space<vmem>>, vector<1x288x128xf32>
    tpu.vector_store %arg3[%swap3A, %swap3A_5, %swap3A_6], %reduce_sum3A_4 {strides = array<i32>} : memref<1x288x128xf32, #tpu.memory_space<vmem>>, vector<1x288x128xf32>,
    return
  }
  func.func @transform_0(%arg0: i32, %arg1: i32) -> (i32, i32, i32, i32) {
    %c0_i32 = arith.constant 0 : i32
    %c0_i32_0 = arith.constant 0 : i32
    %c0_i32_1 = arith.constant 0 : i32
    return %arg0, %c0_i32, %arg1, %c0_i32_0 : i32, i32, i32, i32
  }
  func.func @transform_1(%arg0: i32, %arg1: i32) -> (i32, i32, i32) {
    %c0_i32 = arith.constant 0 : i32
    %c0_i32_0 = arith.constant 0 : i32
    return %arg0, %arg1, %c0_i32 : i32, i32, i32
  }
}

</mosaic_0001>

<sc_bundles>
// kernel: kernel.4.cloned.1.call-start
scs
__scs_entry_jumppad:
0x0: {  	(pc) =	sbr.rel $0x88, $3  }
0x1: {  	(tag) =	ssettag $0x0;
	lr =	simm.s32 $0x1  }
0x2: {  	[smem:$0x3FA0] =	sst lr;
	_ =	strace $0xD0000000  }
0x3: {  	_ = 	snop  }
0x4: {  	_ = 	snop  }
0x5: {  	_ = 	snop  }
0x6: {  	_ = 	snop  }
0x7: {  	_ = 	snop  }
__scs_overlays_trampoline_lowered:
0x8: {  	[smem:$0x3FAF] =	sst s0  }
0x9: {  	[smem:$0x3FB0] =	sst s1  }
0xa: {  	[smem:$0x3FB1] =	sst s2  }
0xb: {  	[smem:$0x3FB2] =	sst s3  }
0xc: {  	[smem:$0x3FB3] =	sst s4  }
0xd: {  	[smem:$0x3FB4] =	sst s5  }
0xe: {  	[smem:$0x3FB5] =	sst s6  }
0xf: {  	[smem:$0x3FB6] =	sst s7  }
0x10: {  	[smem:$0x3FB7] =	sst s8  }
0x11: {  	[smem:$0x3FB8] =	sst s9;
	s0 =	simm.s32 @!p0 $0x0  }
0x12: {  	s1 =	sld [smem:$0x3F9E];
	s0 =	simm.s32 @p0 $0x1  }
0x13: {  	[smem:$0x3FB9] =	sst s0;
	s0 =	simm.s32 @!p1 $0x0  }
0x14: {  	s2 =	sld [smem:$0x3F9D];
	s0 =	simm.s32 @p1 $0x1  }
0x15: {  	[smem:$0x3FBA] =	sst s0;
	s0 =	simm.s32 @!p2 $0x0  }
0x16: {  	s3 =	sld [smem:$0x3FDB];
	s0 =	simm.s32 @p2 $0x1  }
0x17: {  	s4 =	simm.s32 $0x1BF5;
	[smem:$0x3FBC] =	sst s0  }
0x18: {  	s0 =	sld [smem:$0x3F9F];
	_ =	swait.ge [sflag:s4], $0x0  }
0x19: {  	s7 =	sld [smem:$0x3FA0]  }
0x1a: {  	s8 =	sadd.s32 $0xFFFFE003, lr  }
0x1b: {  	s9 =	sadd.s32 $0xFFFFFEF7, lr;
	s5 =	simm.s32 $0xFFFFFFFF;
	p2 =	slt.u32 s8, $0xFFFFF086  }
0x1c: {  	p1 =	slt.u32 s9, $0xF7A;
	s5 =	simm.s32 @!p2 $0x0  }
0x1d: {  	s5 =	simm.s32 @p1 $0x1;
	p0 =	seq.s32 s7, s2  }
0x1e: {  	s7 =	smul.u32 @!p0 $0xF7A, s2;
	p2 =	seq.s32 @!p0 s5, $0x0  }
0x1f: {  	s9 =	smul.u32 $0xF7A, s1;
	s8 =	simm.s32 @!p0 $0x1BF5;
	p2 =	por !p2, p0  }
0x20: {  	[sflag:s8] =	ssyncset.s32 @!p0 $0xFFFFF086;
	s6 =	sadd.s32 @!p0 s3, s7;
	s7 =	simm.s32 @!p0 $0x108  }
0x21: {  	s3 =	sadd.s32 s3, s9;
	s6 =	sadd.s32 @!p0 $0x88, s6;
	s7 =	simm.s32 @p2 $0x1082  }
0x22: {  	[simem:s7], [sflag:s8] =	dma.local @!p0 [hbm:s6], $0xF7A  }
0x23: {  	s9 =	sor.u32 $0xD0000000, s2;
	s6 =	simm.s32 $0x108;
	_ =	swait.ge @!p0 [sflag:s8], $0x0  }
0x24: {  	s3 =	sadd.s32 $0x88, s3;
	s6 =	simm.s32 @!p1 $0x1082;
	[sflag:s4] =	ssyncset.s32 $0xFFFFF086  }
0x25: {  	[simem:s6], [sflag:s4] =	dma.local [hbm:s3], $0xF7A  }
0x26: {  	[smem:$0x3FA0] =	sst s1;
	(tag) =	ssettag s2;
	_ =	strace s9  }
0x27: {  	s1 =	sld [smem:$0x3FB0]  }
0x28: {  	s2 =	sld [smem:$0x3FB1]  }
0x29: {  	s4 =	sld [smem:$0x3FB3]  }
0x2a: {  	p0 =	seq.s32 s5, $0x0;
	s5 =	sld [smem:$0x3FB4]  }
0x2b: {  	s6 =	sld [smem:$0x3FB5]  }
0x2c: {  	s7 =	sld [smem:$0x3FB6]  }
0x2d: {  	s3 =	simm.s32 $0x108;
	s8 =	sld [smem:$0x3FB7]  }
0x2e: {  	s3 =	simm.s32 @!p0 $0x1082;
	s9 =	sld [smem:$0x3FB8]  }
0x2f: {  	lr =	sadd.s32 s0, s3;
	s0 =	sld [smem:$0x3FAF]  }
0x30: {  	s3 =	sld [smem:$0x3FB2]  }
0x31: {  	[smem:$0x3FBB] =	sst s10  }
0x32: {  	s10 =	sld [smem:$0x3FB9];
	_ =	sdelay $0x3  }
0x33: {  	p0 =	seq.s32 s10, $0x1;
	s10 =	sld [smem:$0x3FBB];
	_ =	sdelay $0x3  }
0x34: {  	[smem:$0x3FBB] =	sst s10  }
0x35: {  	s10 =	sld [smem:$0x3FBA];
	_ =	sdelay $0x3  }
0x36: {  	p1 =	seq.s32 s10, $0x1;
	s10 =	sld [smem:$0x3FBB];
	_ =	sdelay $0x3  }
0x37: {  	[smem:$0x3FBB] =	sst s10  }
0x38: {  	s10 =	sld [smem:$0x3FBC]  }
0x39: {  	_ = 	snop;
	(pc) =	sbr.ind lr, $3  }
0x3a: {  	_ = 	snop  }
0x3b: {  	_ = 	snop  }
0x3c: {  	p2 =	seq.s32 s10, $0x1;
	s10 =	sld [smem:$0x3FBB]  }
0x3d: {  	_ =	shalt  }
0x3e: {  	_ =	shalt  }
0x3f: {  	_ =	shalt  }
0x40: {  	_ =	shalt  }
0x41: {  	_ =	shalt  }
0x42: {  	_ =	shalt  }
0x43: {  	_ =	shalt  }
0x44: {  	_ =	shalt  }
0x45: {  	_ =	shalt  }
0x46: {  	_ =	shalt  }
0x47: {  	_ =	shalt  }
0x48: {  	_ =	shalt  }
0x49: {  	_ =	shalt  }
0x4a: {  	_ =	shalt  }
0x4b: {  	_ =	shalt  }
0x4c: {  	_ =	shalt  }
0x4d: {  	_ =	shalt  }
0x4e: {  	_ =	shalt  }
0x4f: {  	_ =	shalt  }
0x50: {  	_ =	shalt  }
0x51: {  	_ =	shalt  }
0x52: {  	_ =	shalt  }
0x53: {  	_ =	shalt  }
0x54: {  	_ =	shalt  }
0x55: {  	_ =	shalt  }
0x56: {  	_ =	shalt  }
0x57: {  	_ =	shalt  }
0x58: {  	_ =	shalt  }
0x59: {  	_ =	shalt  }
0x5a: {  	_ =	shalt  }
0x5b: {  	_ =	shalt  }
0x5c: {  	_ =	shalt  }
0x5d: {  	_ =	shalt  }
0x5e: {  	_ =	shalt  }
0x5f: {  	_ =	shalt  }
0x60: {  	_ =	shalt  }
0x61: {  	_ =	shalt  }
0x62: {  	_ =	shalt  }
0x63: {  	_ =	shalt  }
0x64: {  	_ =	shalt  }
0x65: {  	_ =	shalt  }
0x66: {  	_ =	shalt  }
0x67: {  	_ =	shalt  }
0x68: {  	_ =	shalt  }
0x69: {  	_ =	shalt  }
0x6a: {  	_ =	shalt  }
0x6b: {  	_ =	shalt  }
0x6c: {  	_ =	shalt  }
0x6d: {  	_ =	shalt  }
0x6e: {  	_ =	shalt  }
0x6f: {  	_ =	shalt  }
0x70: {  	_ =	shalt  }
0x71: {  	_ =	shalt  }
0x72: {  	_ =	shalt  }
0x73: {  	_ =	shalt  }
0x74: {  	_ =	shalt  }
0x75: {  	_ =	shalt  }
0x76: {  	_ =	shalt  }
0x77: {  	_ =	shalt  }
0x78: {  	_ =	shalt  }
0x79: {  	_ =	shalt  }
0x7a: {  	_ =	shalt  }
0x7b: {  	_ =	shalt  }
0x7c: {  	_ =	shalt  }
0x7d: {  	_ =	shalt  }
0x7e: {  	_ =	shalt  }
0x7f: {  	_ =	shalt  }
0x80: {  	_ =	shalt  }
0x81: {  	_ =	shalt  }
0x82: {  	_ =	shalt  }
0x83: {  	_ =	shalt  }
0x84: {  	_ =	shalt  }
0x85: {  	_ =	shalt  }
0x86: {  	_ =	shalt  }
0x87: {  	_ =	shalt  }
.Lfunc_end0:
.L_simem_size_0:
called_computation_lowered:
.L_overlay_start_0:
0x88: {  	s2 =	sld [smem:$0x3FD9]  }
0x89: {  	s3 =	sld [smem:$0x3FFE];
	_ =	sdelay $0x1  }
0x8a: {  	s1 =	srdreg.scid  }
0x8b: {  	s0 =	sand.u32 $0x1, s1  }
0x8c: {  	s17 =	sshll.u32 s0, $0xA;
	s2 =	sadd.s32 s3, s2  }
0x8d: {  	s2 =	sadd.s32 s2, s17  }
0x8e: {  	[smem:$0x3FC7] =	sst s2  }
0x8f: {  	_ = 	snop  }
0x90: {  	s2 =	sld [smem:$0x3FD0];
	(tm) =	ssettm $0x1  }
0x91: {  	s18 =	sld [smem:$0x3FFB];
	_ =	sdelay $0x3  }
0x92: {  	_ =	strace s18  }
0x93: {  	s3 =	sld [smem:$0x3FFC];
	_ =	sdelay $0x3  }
0x94: {  	_ =	strace s3  }
0x95: {  	s3 =	sld [smem:$0x3FFD];
	_ =	sdelay $0x3  }
0x96: {  	_ =	strace s3  }
0x97: {  	_ =	strace $0x8FFFFFFF  }
0x98: {  	s19 =	sld [smem:$0x3FDB];
	_ =	sdelay $0x1  }
0x99: {  	s4 =	simm.s32 $_scs_section_size  }
0x9a: {  	s5 =	simm.s32 $_size__tile_overlayer_lowered;
	s6 =	simm.s32 $_tile_overlayer_lowered  }
0x9b: {  	s22 =	simm.s32 $0x1BFF;
	s21 =	sshll.u32 s6, $0x1;
	s3 =	sadd.s32 s4, s19  }
0x9c: {  	s7 =	simm.s32 $0x0;
	s20 =	sshll.u32 s5, $0x1;
	s5 =	sadd.s32 s21, s3  }
0x9d: {  	[timem:s7], [sflag:s22] =	dma.local [hbm:s5], s20  }
0x9e: {  	_ =	swait.ge [sflag:s22], s20  }
0x9f: {  	s4 =	ssub.s32 $0x0, s20;
	[sflag:s22] =	ssyncset.done $0x0  }
0xa0: {  	[sflag:s22] =	ssyncadd.s32 s4;
	_ =	sdelay $0x1  }
0xa1: {  	s23 =	simm.s32 $0x1B8B  }
0xa2: {  	_ =	swait.ge [sflag:s23], $0x1  }
0xa3: {  	[sflag:s23] =	ssyncset.done $0x0  }
0xa4: {  	s25 =	simm.s32 $0x1B8E;
	s24 =	sld [smem:$0x3FFE];
	[sflag:s23] =	ssyncadd.s32 $0xFFFFFFFF  }
0xa5: {  	s26 =	simm.s32 $execute0_lowered;
	[smem:$0x3FD2] =	sst s25  }
0xa6: {  	s5 =	sshll.u32 s26, $0x1;
	_ =	strace $0x80000046;
	[dreg:$0x1] =	wrdreg $0xFFFFFFFF  }
0xa7: {  	s28 =	simm.s32 $_size_execute0_lowered;
	s3 =	sadd.s32 s3, s5;
	[dreg:$0x0] =	wrdreg $0x0  }
0xa8: {  	s5 =	sshll.u32 s28, $0x1;
	[dreg:$0x2] =	wrdreg s3  }
0xa9: {  	[dreg:$0x3] =	wrdreg s5  }
0xaa: {  	[dreg:$0x4] =	wrdreg $0xC0  }
0xab: {  	_ =	task [dreg:s7], $0x5FFFF  }
0xac: {  	[dreg:$0x1] =	wrdreg $0xFFFFFFFF  }
0xad: {  	[dreg:$0x0] =	wrdreg $0x60  }
0xae: {  	[dreg:$0x2] =	wrdreg s24  }
0xaf: {  	[dreg:$0x3] =	wrdreg s2  }
0xb0: {  	[dreg:$0x4] =	wrdreg $0x1C4800  }
0xb1: {  	[dreg:$0x5] =	wrdreg $0x9  }
0xb2: {  	_ =	task.clear_ibuf [dreg:s7], $0x6FFFF;
	_ =	strace $0x90000046  }
0xb3: {  	s29 =	simm.s32 $0x9;
	_ =	strace $0x80000048  }
0xb4: {  	_ =	swait.ge [sflag:s29], $0x1  }
0xb5: {  	[sflag:s29] =	ssyncadd.s32 $0xFFFFFFFF  }
0xb6: {  	_ =	strace $0x90000048  }
0xb7: {  	_ =	sfence  }
0xb8: {  	s30 =	sld [smem:$0x0];
	_ =	sdelay $0x2  }
0xb9: {  	s31 =	sshll.u32 s1, $0xD;
	s1 =	sshrl.u32 s1, $0x2  }
0xba: {  	s3 =	sand.u32 $0x4000, s31;
	s1 =	sadd.s32 s1, s30  }
0xbb: {  	s0 =	sor.u32 s3, s0;
	s1 =	sshll.u32 s1, $0x11  }
0xbc: {  	s0 =	sor.u32 s1, s0  }
0xbd: {  	s0 =	sadd.s32 $0x8F2B, s0  }
0xbe: {  	[sflag:s0] =	ssyncadd.remote.s32 $0x1  }
0xbf: {  	_ =	sfence.sel $0xFFFF  }
0xc0: {  	[dreg:$0x0] =	wrdreg $0xFFFFFFFF;
	(pc) =	sbr.abs _section_cstart, $3  }
0xc1: {  	[dreg:$0x1] =	wrdreg $0xFFFFFFFF  }
0xc2: {  	_ =	task.clear_ibuf [dreg:s7], $0x2FFFF;
	_ =	strace $0x9FFFFFFF  }
0xc3: {  	(tm) =	ssettm $0x7FFFFFFF  }
tec
execute0_lowered:
.L_overlay_start_1:
0x0: {  	(tag) =	ssettag $0x1  }
0x1: {  	s1 =	rddreg [dreg:$0x0]  }
0x2: {  	s2 =	rddreg [dreg:$0x1]  }
0x3: {  	s3 =	rddreg [dreg:$0x2]  }
0x4: {  	v0 =	vimm.s32 $0xB80;
	vm0 =	vcmask $0x300;
	s0 =	srdreg.scid;
	s8 =	stileid.u32  }
0x5: {  	vm14 =	vcmask $0x704;
	s9 =	simm.s32 $0x0;
	v0 =	vsel vm0, $0x0, v0;
	s4 =	sand.u32 $0x1, s0;
	s21 =	sand.u32 $0x3, s8  }
0x6: {  	vm15 =	vcmask $0xB08;
	s5 =	sshll.u32 s8, $0x5;
	[smem:$0x7FF] =	sst s9;
	s22 =	sshll.u32 s8, $0x8;
	v0 =	vsel vm14, $0x80, v0  }
0x7: {  	vm4 =	vcmask $0xF0C;
	s6 =	sshll.u32 s4, $0x9;
	s5 =	sand.u32 $0x180, s5;
	s7 =	smul.u32 $0x48000, s21;
	v0 =	vsel vm15, $0x100, v0  }
0x8: {  	vm5 =	vcmask $0x1310;
	s8 =	sshll.u32 s8, $0x7;
	s4 =	ssub.s32 $0x2, s4;
	s5 =	sor.u32 s6, s5;
	v0 =	vsel vm4, $0x180, v0  }
0x9: {  	vm6 =	vcmask $0x1714;
	_ =	strace $0x80000047;
	s23 =	sshrl.u32 s4, $0x1;
	s6 =	sor.u32 s7, s5;
	v0 =	vsel vm5, $0x200, v0  }
0xa: {  	vm7 =	vcmask $0x1B18;
	s25 =	sand.u32 $0x380, s8;
	s4 =	ssub.s32 s4, s23;
	s6 =	sshrl.u32 s6, $0x3;
	v0 =	vsel vm6, $0x280, v0  }
0xb: {  	vm8 =	vcmask $0x1F1C;
	s31 =	smax.u32 s4, $0x1;
	s1 =	sadd.s32 s6, s1;
	s6 =	sand.u32 $0x800, s22;
	v0 =	vsel vm7, $0x300, v0  }
0xc: {  	vm9 =	vcmask $0x2320;
	[dreg:$0xb] =	wrdreg s31;
	s3 =	sadd.s32 s6, s3;
	s1 =	sadd.s32 $0x400, s1;
	v0 =	vsel vm8, $0x380, v0  }
0xd: {  	vm10 =	vcmask $0x2724;
	s24 =	sand.u32 $0x200, s8;
	[dreg:$0x4] =	wrdreg s1;
	s1 =	sadd.s32 s25, s3;
	v0 =	vsel vm9, $0x800, v0  }
0xe: {  	vm11 =	vcmask $0x2B28;
	s6 =	sadd.s32 s24, s3;
	[dreg:$0x6] =	wrdreg s1;
	v0 =	vsel vm10, $0x880, v0  }
0xf: {  	vm12 =	vcmask $0x2F2C;
	s11 =	simm.s32 $0x80;
	s26 =	sadd.s32 $0x80, s6;
	[dreg:$0x5] =	wrdreg s6;
	v0 =	vsel vm11, $0x900, v0  }
0x10: {  	vm13 =	vcmask $0x3330;
	s12 =	simm.s32 $0x400;
	s29 =	sadd.s32 $0x100, s6;
	[dreg:$0x7] =	wrdreg s26;
	v1 =	vsel vm12, $0x980, v0  }
0x11: {  	v3 =	vimm.s32 $0x1;
	vm14 =	vcmask $0x3734;
	s28 =	sshrl.u32 s5, $0x3;
	s30 =	sadd.s32 $0x180, s6;
	[dreg:$0x8] =	wrdreg s29;
	v1 =	vsel vm13, $0xA00, v1  }
0x12: {  	s14 =	simm.s32 $0x1B100;
	vm15 =	vcmask $0x3B38;
	s1 =	sadd.s32 s2, s28;
	[dreg:$0x9] =	wrdreg s30;
	v2 =	vsel vm14, $0xA80, v1;
	v1 =	vlaneseq.u32  }
0x13: {  	p0 =	sne.s32 s21, $0x0;
	s6 =	simm.s32 $0x0;
	[dreg:$0xa] =	wrdreg s1;
	v0 =	vimm.s32 $0x0;
	v2 =	vsel vm15, $0xB00, v2;
	v4 =	vor.u32 $0x80000000, v1  }
.LBB2_1:
0x14: {  	s1 =	simm.s32 $0x0;
	s0 =	rddreg [dreg:$0x4];
	s2 =	simm.s32 $0x1  }
0x15: {  	[tilespmem:s1], [sflag:$0x1] =	stream.strided.gather [hbm4b:s0+s11], $0x9000, s12, s11, $0x38;
	[tilespmem:$0x1C580] =	vst v63  }
0x16: {  	_ =	swait.ge [sflag:s2], $0x9000  }
0x17: {  	s30 =	sand.u32 $0x800, s1;
	s1 =	sand.u32 $0x380, s1;
	[sflag:s2] =	ssyncset.done $0x0  }
0x18: {  	s1 =	sor.u32 s1, s30;
	[sflag:s2] =	ssyncadd.s32 $0xFFFF7000  }
0x19: {  	s0 =	sadd.s32 $0x1B100, s1;
	[tilespmem:s1+$0x1B100] =	vst v0  }
0x1a: {  	[tilespmem:s0+$0x40] =	vst v0  }
0x1b: {  	[tilespmem:s0+$0x50] =	vst v0  }
0x1c: {  	[tilespmem:s0+$0x60] =	vst v0  }
0x1d: {  	[tilespmem:s0+$0x70] =	vst v0  }
0x1e: {  	[tilespmem:s0+$0x400] =	vst v0  }
0x1f: {  	[tilespmem:s0+$0x410] =	vst v0  }
0x20: {  	[tilespmem:s0+$0x420] =	vst v0  }
0x21: {  	[tilespmem:s0+$0x430] =	vst v0  }
0x22: {  	[tilespmem:s0+$0x440] =	vst v0  }
0x23: {  	[tilespmem:s0+$0x450] =	vst v0  }
0x24: {  	[tilespmem:s0+$0x460] =	vst v0  }
0x25: {  	[tilespmem:s0+$0x10] =	vst v0  }
0x26: {  	s31 =	simm.s32 $0x100;
	s1 =	simm.s32 $0x80;
	[tilespmem:s0+$0x20] =	vst v0  }
0x27: {  	s3 =	sand.u32 $0x800, s31;
	s2 =	simm.s32 $0x200;
	[tilespmem:s0+$0x30] =	vst v0;
	s4 =	sand.u32 $0x380, s1  }
.LBB2_2:
0x28: {  	p1 =	sne.s32 s2, $0xF00;
	s3 =	sor.u32 s4, s3;
	[tilespmem:s0+$0x470] =	vst v0  }
0x29: {  	s0 =	sadd.s32 $0x1B100, s3;
	[tilespmem:s3+$0x1B100] =	vst v0  }
0x2a: {  	[tilespmem:s0+$0x10] =	vst v0  }
0x2b: {  	[tilespmem:s0+$0x20] =	vst v0  }
0x2c: {  	[tilespmem:s0+$0x30] =	vst v0  }
0x2d: {  	[tilespmem:s0+$0x40] =	vst v0  }
0x2e: {  	[tilespmem:s0+$0x50] =	vst v0  }
0x2f: {  	[tilespmem:s0+$0x60] =	vst v0  }
0x30: {  	[tilespmem:s0+$0x70] =	vst v0  }
0x31: {  	[tilespmem:s0+$0x400] =	vst v0  }
0x32: {  	[tilespmem:s0+$0x410] =	vst v0  }
.Ltmp0:
0x33: {  	[tilespmem:s0+$0x420] =	vst v0;
	(pc) =	sbr.rel @p1 .LBB2_2-.Ltmp0, $4  }
0x34: {  	[tilespmem:s0+$0x430] =	vst v0  }
0x35: {  	[tilespmem:s0+$0x440] =	vst v0  }
0x36: {  	s1 =	sadd.s32 $0x80, s1;
	[tilespmem:s0+$0x450] =	vst v0  }
0x37: {  	s3 =	sand.u32 $0x800, s2;
	s4 =	sand.u32 $0x380, s1;
	s2 =	sadd.s32 $0x100, s2;
	[tilespmem:s0+$0x460] =	vst v0  }
0x38: {  	s1 =	sor.u32 s4, s3;
	[tilespmem:s0+$0x470] =	vst v0  }
0x39: {  	s31 =	sadd.s32 $0x1B100, s1;
	[tilespmem:s1+$0x1B100] =	vst v0  }
0x3a: {  	[tilespmem:s31+$0x10] =	vst v0  }
0x3b: {  	[tilespmem:s31+$0x20] =	vst v0  }
0x3c: {  	[tilespmem:s31+$0x30] =	vst v0  }
0x3d: {  	[tilespmem:s31+$0x40] =	vst v0  }
0x3e: {  	[tilespmem:s31+$0x50] =	vst v0  }
0x3f: {  	[tilespmem:s31+$0x60] =	vst v0  }
0x40: {  	[tilespmem:s31+$0x70] =	vst v0  }
0x41: {  	[tilespmem:s31+$0x400] =	vst v0  }
0x42: {  	[tilespmem:s31+$0x410] =	vst v0  }
0x43: {  	[tilespmem:s31+$0x420] =	vst v0  }
0x44: {  	[tilespmem:s31+$0x430] =	vst v0  }
0x45: {  	[tilespmem:s31+$0x440] =	vst v0  }
0x46: {  	[tilespmem:s31+$0x450] =	vst v0  }
0x47: {  	[tilespmem:s31+$0x460] =	vst v0  }
0x48: {  	s0 =	simm.s32 $0x0;
	s1 =	simm.s32 $0x0;
	[tilespmem:s31+$0x470] =	vst v0  }
.LBB2_4:
0x49: {  	s2 =	sshra.s32 s0, $0x2  }
0x4a: {  	v5 =	vld [tilespmem:s2+$0x0];
	_ =	sdelay $0x4  }
0x4b: {  	vm0 =	vlt.s32 v5, $0x0;
	v6 =	vxor.u32 $0xFFFFFFFF, v5;
	v5 =	vor.u32 $0x80000000, v5  }
0x4c: {  	v5 =	vsel vm0, v6, v5  }
0x4d: {  	v6 =	vshrl.u32 v5, $0x18;
	v7 =	vshrl.u32 v5, $0x15  }
0x4e: {  	v6 =	vand.u32 $0x7F, v6;
	v7 =	vand.u32 $0x400, v7  }
0x4f: {  	v6 =	vor.u32 v6, v7  }
0x50: {  	v6 =	vor.u32 v2, v6;
	_ =	sdelay $0x3  }
0x51: {  	[tilespmem:s2+$0x9000] =	vst v5  }
0x52: {  	[tilespmem:v6+s14+$0x0] =	vst.idx.add.s32.msk $0xffff, v3  }
0x53: {  	v5 =	vld [tilespmem:s2+$0x10];
	_ =	sdelay $0x4  }
0x54: {  	vm9 =	vlt.s32 v5, $0x0;
	v6 =	vxor.u32 $0xFFFFFFFF, v5;
	v5 =	vor.u32 $0x80000000, v5  }
0x55: {  	v5 =	vsel vm9, v6, v5  }
0x56: {  	v6 =	vshrl.u32 v5, $0x18;
	v7 =	vshrl.u32 v5, $0x15  }
0x57: {  	v6 =	vand.u32 $0x7F, v6;
	v7 =	vand.u32 $0x400, v7  }
0x58: {  	v6 =	vor.u32 v6, v7  }
0x59: {  	v6 =	vor.u32 v2, v6;
	_ =	sdelay $0x3  }
0x5a: {  	[tilespmem:s2+$0x9010] =	vst v5  }
0x5b: {  	[tilespmem:v6+s14+$0x0] =	vst.idx.add.s32.msk $0xffff, v3  }
0x5c: {  	v5 =	vld [tilespmem:s2+$0x20];
	_ =	sdelay $0x4  }
0x5d: {  	vm10 =	vlt.s32 v5, $0x0;
	v6 =	vxor.u32 $0xFFFFFFFF, v5;
	v5 =	vor.u32 $0x80000000, v5  }
0x5e: {  	v5 =	vsel vm10, v6, v5  }
0x5f: {  	v6 =	vshrl.u32 v5, $0x18;
	v7 =	vshrl.u32 v5, $0x15  }
0x60: {  	v6 =	vand.u32 $0x7F, v6;
	v7 =	vand.u32 $0x400, v7  }
0x61: {  	v6 =	vor.u32 v6, v7  }
0x62: {  	v6 =	vor.u32 v2, v6;
	_ =	sdelay $0x3  }
0x63: {  	[tilespmem:s2+$0x9020] =	vst v5  }
0x64: {  	[tilespmem:v6+s14+$0x0] =	vst.idx.add.s32.msk $0xffff, v3  }
0x65: {  	v5 =	vld [tilespmem:s2+$0x30];
	_ =	sdelay $0x4  }
0x66: {  	vm11 =	vlt.s32 v5, $0x0;
	v6 =	vxor.u32 $0xFFFFFFFF, v5;
	v5 =	vor.u32 $0x80000000, v5  }
0x67: {  	v5 =	vsel vm11, v6, v5  }
0x68: {  	v6 =	vshrl.u32 v5, $0x18;
	v7 =	vshrl.u32 v5, $0x15  }
0x69: {  	v6 =	vand.u32 $0x7F, v6;
	v7 =	vand.u32 $0x400, v7  }
0x6a: {  	v6 =	vor.u32 v6, v7  }
0x6b: {  	v6 =	vor.u32 v2, v6;
	_ =	sdelay $0x3  }
0x6c: {  	[tilespmem:s2+$0x9030] =	vst v5  }
0x6d: {  	[tilespmem:v6+s14+$0x0] =	vst.idx.add.s32.msk $0xffff, v3  }
0x6e: {  	v5 =	vld [tilespmem:s2+$0x40];
	_ =	sdelay $0x4  }
0x6f: {  	vm12 =	vlt.s32 v5, $0x0;
	v6 =	vxor.u32 $0xFFFFFFFF, v5;
	v5 =	vor.u32 $0x80000000, v5  }
0x70: {  	v5 =	vsel vm12, v6, v5  }
0x71: {  	v6 =	vshrl.u32 v5, $0x18;
	v7 =	vshrl.u32 v5, $0x15  }
0x72: {  	v6 =	vand.u32 $0x7F, v6;
	v7 =	vand.u32 $0x400, v7  }
0x73: {  	v6 =	vor.u32 v6, v7  }
0x74: {  	v6 =	vor.u32 v2, v6;
	_ =	sdelay $0x3  }
0x75: {  	[tilespmem:s2+$0x9040] =	vst v5  }
0x76: {  	[tilespmem:v6+s14+$0x0] =	vst.idx.add.s32.msk $0xffff, v3  }
0x77: {  	v5 =	vld [tilespmem:s2+$0x50];
	_ =	sdelay $0x4  }
0x78: {  	vm13 =	vlt.s32 v5, $0x0;
	v6 =	vxor.u32 $0xFFFFFFFF, v5;
	v5 =	vor.u32 $0x80000000, v5  }
0x79: {  	v5 =	vsel vm13, v6, v5  }
0x7a: {  	v6 =	vshrl.u32 v5, $0x18;
	v7 =	vshrl.u32 v5, $0x15  }
0x7b: {  	v6 =	vand.u32 $0x7F, v6;
	v7 =	vand.u32 $0x400, v7  }
0x7c: {  	v6 =	vor.u32 v6, v7  }
0x7d: {  	v6 =	vor.u32 v2, v6;
	_ =	sdelay $0x3  }
0x7e: {  	[tilespmem:s2+$0x9050] =	vst v5  }
0x7f: {  	[tilespmem:v6+s14+$0x0] =	vst.idx.add.s32.msk $0xffff, v3  }
0x80: {  	v5 =	vld [tilespmem:s2+$0x60];
	_ =	sdelay $0x4  }
0x81: {  	vm14 =	vlt.s32 v5, $0x0;
	v6 =	vxor.u32 $0xFFFFFFFF, v5;
	v5 =	vor.u32 $0x80000000, v5  }
0x82: {  	v5 =	vsel vm14, v6, v5  }
0x83: {  	v6 =	vshrl.u32 v5, $0x18;
	v7 =	vshrl.u32 v5, $0x15  }
0x84: {  	v6 =	vand.u32 $0x7F, v6;
	v7 =	vand.u32 $0x400, v7  }
0x85: {  	v6 =	vor.u32 v6, v7  }
0x86: {  	v6 =	vor.u32 v2, v6;
	_ =	sdelay $0x3  }
0x87: {  	[tilespmem:s2+$0x9060] =	vst v5  }
0x88: {  	[tilespmem:v6+s14+$0x0] =	vst.idx.add.s32.msk $0xffff, v3  }
0x89: {  	v5 =	vld [tilespmem:s2+$0x70];
	_ =	sdelay $0x4  }
0x8a: {  	vm15 =	vlt.s32 v5, $0x0;
	v6 =	vxor.u32 $0xFFFFFFFF, v5;
	v5 =	vor.u32 $0x80000000, v5  }
0x8b: {  	v5 =	vsel vm15, v6, v5  }
0x8c: {  	v6 =	vshrl.u32 v5, $0x18;
	v7 =	vshrl.u32 v5, $0x15  }
0x8d: {  	v6 =	vand.u32 $0x7F, v6;
	v7 =	vand.u32 $0x400, v7  }
0x8e: {  	v6 =	vor.u32 v6, v7  }
0x8f: {  	p1 =	sne.s32 s0, $0x23E00;
	v6 =	vor.u32 v2, v6  }
.Ltmp1:
0x90: {  	_ = 	snop;
	(pc) =	sbr.rel @p1 .LBB2_4-.Ltmp1, $3  }
0x91: {  	_ =	sdelay $0x1  }
0x92: {  	[tilespmem:s2+$0x9070] =	vst v5  }
0x93: {  	s0 =	sadd.s32 $0x200, s0;
	[tilespmem:v6+s14+$0x0] =	vst.idx.add.s32.msk $0xffff, v3  }
0x94: {  	p2 =	por $0x1, $0x1  }
.Ltmp2:
0x95: {  	_ = 	snop;
	(pc) =	sbr.rel @!p2 .LBB2_6-.Ltmp2, $4  }
0x96: {  	_ = 	snop  }
0x97: {  	s0 =	simm.s32 $0x1C100  }
0x98: {  	s2 =	sand.u32 $0x70, s1;
	s31 =	sand.u32 $0x400, s1;
	p1 =	por $0x0, $0x0  }
0x99: {  	[dreg:$0xc] =	wrdreg s6;
	s1 =	sor.u32 s2, s31;
	s2 =	simm.s32 $0x10  }
0x9a: {  	v5 =	vld [tilespmem:s1+$0x1B180]  }
0x9b: {  	v6 =	vld [tilespmem:s1+$0x1B100]  }
0x9c: {  	v7 =	vld [tilespmem:s1+$0x1B200]  }
0x9d: {  	v8 =	vld [tilespmem:s1+$0x1B280]  }
0x9e: {  	v9 =	vld [tilespmem:s1+$0x1B300]  }
0x9f: {  	v10 =	vld [tilespmem:s1+$0x1B380]  }
0xa0: {  	v5 =	vadd.s32 v6, v5;
	v6 =	vld [tilespmem:s1+$0x1B400]  }
0xa1: {  	v5 =	vadd.s32 v7, v5;
	v7 =	vld [tilespmem:s1+$0x1B480]  }
0xa2: {  	v58 =	vld [tilespmem:s1+$0x1B900];
	v5 =	vadd.s32 v8, v5  }
0xa3: {  	v59 =	vld [tilespmem:s1+$0x1B980];
	v5 =	vadd.s32 v9, v5  }
0xa4: {  	v60 =	vld [tilespmem:s1+$0x1BA00];
	v5 =	vadd.s32 v10, v5  }
0xa5: {  	v5 =	vadd.s32 v6, v5;
	v6 =	vld [tilespmem:s1+$0x1BA80]  }
0xa6: {  	v5 =	vadd.s32 v7, v5;
	v7 =	vld [tilespmem:s1+$0x1BB00]  }
0xa7: {  	v61 =	vld [tilespmem:s1+$0x1BB80];
	v5 =	vadd.s32 v58, v5  }
0xa8: {  	v62 =	vld [tilespmem:s1+$0x1BC00];
	v5 =	vadd.s32 v59, v5  }
0xa9: {  	v63 =	vld [tilespmem:s1+$0x1BC80];
	v5 =	vadd.s32 v60, v5  }
0xaa: {  	p2 =	por $0x1, $0x1;
	v5 =	vadd.s32 v6, v5  }
.Ltmp3:
0xab: {  	v5 =	vadd.s32 v7, v5;
	(pc) =	sbr.rel @!p2 .LBB2_8-.Ltmp3, $4  }
0xac: {  	v5 =	vadd.s32 v61, v5  }
0xad: {  	s3 =	simm.s32 $0x80;
	v5 =	vadd.s32 v62, v5  }
0xae: {  	s30 =	sand.u32 $0x70, s2;
	s4 =	simm.s32 $0x20;
	s31 =	sand.u32 $0x400, s3;
	v5 =	vadd.s32 v63, v5  }
0xaf: {  	p1 =	por $0x1, $0x1;
	s2 =	simm.s32 $0x1C100;
	s1 =	sor.u32 s30, s31;
	[tilespmem:s0+$0x0] =	vst v5  }
.LBB2_9:
0xb0: {  	p2 =	sne.s32 s4, $0xF0;
	v5 =	vld [tilespmem:s1+$0x1B180]  }
0xb1: {  	v6 =	vld [tilespmem:s1+$0x1B100]  }
0xb2: {  	v7 =	vld [tilespmem:s1+$0x1B200]  }
0xb3: {  	v8 =	vld [tilespmem:s1+$0x1B280]  }
0xb4: {  	v9 =	vld [tilespmem:s1+$0x1B300]  }
0xb5: {  	v10 =	vld [tilespmem:s1+$0x1B380]  }
0xb6: {  	v5 =	vadd.s32 v6, v5;
	v6 =	vld [tilespmem:s1+$0x1B400]  }
0xb7: {  	v5 =	vadd.s32 v7, v5;
	v7 =	vld [tilespmem:s1+$0x1B480]  }
0xb8: {  	v5 =	vadd.s32 v8, v5;
	v8 =	vld [tilespmem:s1+$0x1B900]  }
0xb9: {  	v5 =	vadd.s32 v9, v5;
	v9 =	vld [tilespmem:s1+$0x1B980]  }
0xba: {  	v5 =	vadd.s32 v10, v5;
	v10 =	vld [tilespmem:s1+$0x1BA00]  }
0xbb: {  	v5 =	vadd.s32 v6, v5;
	v6 =	vld [tilespmem:s1+$0x1BA80]  }
0xbc: {  	v5 =	vadd.s32 v7, v5;
	v7 =	vld [tilespmem:s1+$0x1BB00]  }
0xbd: {  	v5 =	vadd.s32 v8, v5;
	v8 =	vld [tilespmem:s1+$0x1BB80]  }
0xbe: {  	v5 =	vadd.s32 v9, v5;
	v9 =	vld [tilespmem:s1+$0x1BC00]  }
0xbf: {  	v5 =	vadd.s32 v10, v5;
	v10 =	vld [tilespmem:s1+$0x1BC80]  }
0xc0: {  	v5 =	vadd.s32 v6, v5  }
.Ltmp4:
0xc1: {  	v5 =	vadd.s32 v7, v5;
	(pc) =	sbr.rel @p2 .LBB2_9-.Ltmp4, $4  }
0xc2: {  	v5 =	vadd.s32 v8, v5  }
0xc3: {  	s3 =	sadd.s32 $0x80, s3;
	v5 =	vadd.s32 v9, v5  }
0xc4: {  	s2 =	sadd.s32 $0x10, s2;
	s5 =	sand.u32 $0x400, s3;
	s1 =	sand.u32 $0x70, s4;
	v5 =	vadd.s32 v10, v5  }
0xc5: {  	s4 =	sadd.s32 $0x10, s4;
	s1 =	sor.u32 s1, s5;
	[tilespmem:s2+$0x0] =	vst v5  }
.LBB2_10:
0xc6: {  	v5 =	vld [tilespmem:s1+$0x1B180]  }
0xc7: {  	v6 =	vld [tilespmem:s1+$0x1B100]  }
0xc8: {  	v7 =	vld [tilespmem:s1+$0x1B200]  }
0xc9: {  	v8 =	vld [tilespmem:s1+$0x1B280]  }
0xca: {  	v9 =	vld [tilespmem:s1+$0x1B300]  }
0xcb: {  	v10 =	vld [tilespmem:s1+$0x1B380]  }
0xcc: {  	v5 =	vadd.s32 v6, v5;
	v6 =	vld [tilespmem:s1+$0x1B400]  }
0xcd: {  	v5 =	vadd.s32 v7, v5;
	v7 =	vld [tilespmem:s1+$0x1B480]  }
0xce: {  	v5 =	vadd.s32 v8, v5;
	v8 =	vld [tilespmem:s1+$0x1B900]  }
0xcf: {  	v5 =	vadd.s32 v9, v5;
	v9 =	vld [tilespmem:s1+$0x1B980]  }
0xd0: {  	v5 =	vadd.s32 v10, v5;
	v10 =	vld [tilespmem:s1+$0x1BA00]  }
0xd1: {  	v5 =	vadd.s32 v6, v5;
	v6 =	vld [tilespmem:s1+$0x1BA80]  }
0xd2: {  	v5 =	vadd.s32 v7, v5;
	v7 =	vld [tilespmem:s1+$0x1BB00]  }
0xd3: {  	v5 =	vadd.s32 v8, v5;
	v8 =	vld [tilespmem:s1+$0x1BB80]  }
0xd4: {  	v5 =	vadd.s32 v9, v5;
	v9 =	vld [tilespmem:s1+$0x1BC00]  }
0xd5: {  	v5 =	vadd.s32 v10, v5;
	v10 =	vld [tilespmem:s1+$0x1BC80]  }
0xd6: {  	v5 =	vadd.s32 v6, v5  }
0xd7: {  	v5 =	vadd.s32 v7, v5  }
0xd8: {  	v5 =	vadd.s32 v8, v5  }
0xd9: {  	s1 =	sadd.s32 @p1 $0x10, s2;
	v5 =	vadd.s32 v9, v5  }
0xda: {  	s16 =	rddreg [dreg:$0x6];
	s17 =	simm.s32 $0x80;
	s0 =	smov.u32 @p1 s1;
	v5 =	vadd.s32 v10, v5  }
0xdb: {  	s18 =	simm.s32 $0x400;
	s3 =	simm.s32 $0x1C100;
	s19 =	simm.s32 $0x1;
	[tilespmem:s0+$0x0] =	vst v5  }
0xdc: {  	[spmem:s16] =	stream.strided.scatter [tilespmem:s3], [sflag:$0x1], $0x100, s18, s17, $0x38;
	[tilespmem:$0x1C580] =	vst v63  }
0xdd: {  	_ =	swait.ge [sflag:s19], $0x100  }
0xde: {  	[sflag:s19] =	ssyncset.done $0x0  }
0xdf: {  	[sflag:s19] =	ssyncadd.s32 $0xFFFFFF00  }
0xe0: {  	[bflag:$0x0] =	sbarrier.arrive $0xFFFF  }
0xe1: {  	s4 =	simm.s32 $0x1C200;
	s20 =	rddreg [dreg:$0x5]  }
0xe2: {  	[tilespmem:s4], [sflag:$0x1] =	stream.strided.gather [spmem:s20], $0x100, s18, s17, $0x38;
	[tilespmem:$0x1C580] =	vst v63  }
0xe3: {  	_ =	swait.ge [sflag:s19], $0x100  }
0xe4: {  	[sflag:s19] =	ssyncset.done $0x0  }
0xe5: {  	[sflag:s19] =	ssyncadd.s32 $0xFFFFFF00  }
0xe6: {  	v5 =	vld [tilespmem:$0x1C200]  }
0xe7: {  	v6 =	vld [tilespmem:$0x1C210]  }
0xe8: {  	v7 =	vld [tilespmem:$0x1C220]  }
0xe9: {  	v8 =	vld [tilespmem:$0x1C230]  }
0xea: {  	v9 =	vld [tilespmem:$0x1C240]  }
0xeb: {  	[tilespmem:$0x1C300] =	vst v5;
	v5 =	vld [tilespmem:$0x1C250]  }
0xec: {  	[tilespmem:$0x1C310] =	vst v6;
	v6 =	vld [tilespmem:$0x1C260]  }
0xed: {  	[tilespmem:$0x1C320] =	vst v7;
	v7 =	vld [tilespmem:$0x1C270]  }
0xee: {  	[tilespmem:$0x1C330] =	vst v8;
	v8 =	vld [tilespmem:$0x1C280]  }
0xef: {  	[tilespmem:$0x1C340] =	vst v9;
	v9 =	vld [tilespmem:$0x1C290]  }
0xf0: {  	[tilespmem:$0x1C350] =	vst v5;
	v5 =	vld [tilespmem:$0x1C2A0]  }
0xf1: {  	[tilespmem:$0x1C360] =	vst v6;
	v6 =	vld [tilespmem:$0x1C2B0]  }
0xf2: {  	[tilespmem:$0x1C370] =	vst v7;
	v7 =	vld [tilespmem:$0x1C2C0]  }
0xf3: {  	[tilespmem:$0x1C380] =	vst v8;
	v8 =	vld [tilespmem:$0x1C2D0]  }
0xf4: {  	[tilespmem:$0x1C390] =	vst v9;
	v9 =	vld [tilespmem:$0x1C2E0]  }
0xf5: {  	[tilespmem:$0x1C3A0] =	vst v5;
	v5 =	vld [tilespmem:$0x1C2F0]  }
0xf6: {  	[tilespmem:$0x1C3B0] =	vst v6  }
0xf7: {  	[tilespmem:$0x1C3C0] =	vst v7  }
0xf8: {  	[tilespmem:$0x1C3D0] =	vst v8  }
0xf9: {  	[tilespmem:$0x1C3E0] =	vst v9  }
0xfa: {  	s21 =	rddreg [dreg:$0x7];
	[tilespmem:$0x1C3F0] =	vst v5  }
0xfb: {  	[tilespmem:s4], [sflag:$0x1] =	stream.strided.gather [spmem:s21], $0x100, s18, s17, $0x38;
	[tilespmem:$0x1C580] =	vst v63  }
0xfc: {  	_ =	swait.ge [sflag:s19], $0x100  }
0xfd: {  	[sflag:s19] =	ssyncset.done $0x0  }
0xfe: {  	[sflag:s19] =	ssyncadd.s32 $0xFFFFFF00  }
0xff: {  	v5 =	vld [tilespmem:$0x1C200]  }
0x100: {  	v6 =	vld [tilespmem:$0x1C300]  }
0x101: {  	v7 =	vld [tilespmem:$0x1C210]  }
0x102: {  	v8 =	vld [tilespmem:$0x1C310]  }
0x103: {  	v9 =	vld [tilespmem:$0x1C220]  }
0x104: {  	v10 =	vld [tilespmem:$0x1C320]  }
0x105: {  	v11 =	vld [tilespmem:$0x1C230]  }
0x106: {  	v12 =	vld [tilespmem:$0x1C330]  }
0x107: {  	v13 =	vld [tilespmem:$0x1C240]  }
0x108: {  	v14 =	vld [tilespmem:$0x1C340]  }
0x109: {  	v15 =	vld [tilespmem:$0x1C250]  }
0x10a: {  	v16 =	vld [tilespmem:$0x1C350]  }
0x10b: {  	v17 =	vld [tilespmem:$0x1C260]  }
0x10c: {  	v18 =	vld [tilespmem:$0x1C360]  }
0x10d: {  	v19 =	vld [tilespmem:$0x1C270]  }
0x10e: {  	v20 =	vld [tilespmem:$0x1C370]  }
0x10f: {  	v21 =	vld [tilespmem:$0x1C280]  }
0x110: {  	v22 =	vld [tilespmem:$0x1C380]  }
0x111: {  	v23 =	vld [tilespmem:$0x1C290]  }
0x112: {  	v24 =	vld [tilespmem:$0x1C390]  }
0x113: {  	v25 =	vld [tilespmem:$0x1C2A0]  }
0x114: {  	v5 =	vadd.s32 v5, v6;
	v6 =	vld [tilespmem:$0x1C3A0]  }
0x115: {  	[tilespmem:$0x1C300] =	vst v5;
	v5 =	vadd.s32 v7, v8;
	v7 =	vld [tilespmem:$0x1C2B0]  }
0x116: {  	v8 =	vld [tilespmem:$0x1C3B0];
	[tilespmem:$0x1C310] =	vst v5;
	v5 =	vadd.s32 v9, v10  }
0x117: {  	v9 =	vld [tilespmem:$0x1C2C0];
	[tilespmem:$0x1C320] =	vst v5;
	v5 =	vadd.s32 v11, v12  }
0x118: {  	v10 =	vld [tilespmem:$0x1C3C0];
	[tilespmem:$0x1C330] =	vst v5;
	v5 =	vadd.s32 v13, v14  }
0x119: {  	v11 =	vld [tilespmem:$0x1C2D0];
	[tilespmem:$0x1C340] =	vst v5;
	v5 =	vadd.s32 v15, v16  }
0x11a: {  	v12 =	vld [tilespmem:$0x1C3D0];
	[tilespmem:$0x1C350] =	vst v5;
	v5 =	vadd.s32 v17, v18  }
0x11b: {  	v13 =	vld [tilespmem:$0x1C2E0];
	[tilespmem:$0x1C360] =	vst v5;
	v5 =	vadd.s32 v19, v20  }
0x11c: {  	v14 =	vld [tilespmem:$0x1C3E0];
	[tilespmem:$0x1C370] =	vst v5;
	v5 =	vadd.s32 v21, v22  }
0x11d: {  	v15 =	vld [tilespmem:$0x1C2F0];
	[tilespmem:$0x1C380] =	vst v5;
	v5 =	vadd.s32 v23, v24  }
0x11e: {  	[tilespmem:$0x1C390] =	vst v5;
	v5 =	vadd.s32 v25, v6;
	v6 =	vld [tilespmem:$0x1C3F0]  }
0x11f: {  	[tilespmem:$0x1C3A0] =	vst v5;
	v5 =	vadd.s32 v7, v8  }
0x120: {  	[tilespmem:$0x1C3B0] =	vst v5;
	v5 =	vadd.s32 v9, v10  }
0x121: {  	[tilespmem:$0x1C3C0] =	vst v5;
	v5 =	vadd.s32 v11, v12  }
0x122: {  	[tilespmem:$0x1C3D0] =	vst v5;
	v5 =	vadd.s32 v13, v14  }
0x123: {  	[tilespmem:$0x1C3E0] =	vst v5;
	v5 =	vadd.s32 v15, v6  }
0x124: {  	s22 =	rddreg [dreg:$0x8];
	[tilespmem:$0x1C3F0] =	vst v5  }
0x125: {  	[tilespmem:s4], [sflag:$0x1] =	stream.strided.gather [spmem:s22], $0x100, s18, s17, $0x38;
	[tilespmem:$0x1C580] =	vst v63  }
0x126: {  	_ =	swait.ge [sflag:s19], $0x100  }
0x127: {  	[sflag:s19] =	ssyncset.done $0x0  }
0x128: {  	[sflag:s19] =	ssyncadd.s32 $0xFFFFFF00  }
0x129: {  	v5 =	vld [tilespmem:$0x1C200]  }
0x12a: {  	v6 =	vld [tilespmem:$0x1C300]  }
0x12b: {  	v7 =	vld [tilespmem:$0x1C210]  }
0x12c: {  	v8 =	vld [tilespmem:$0x1C310]  }
0x12d: {  	v9 =	vld [tilespmem:$0x1C220]  }
0x12e: {  	v10 =	vld [tilespmem:$0x1C320]  }
0x12f: {  	v11 =	vld [tilespmem:$0x1C230]  }
0x130: {  	v12 =	vld [tilespmem:$0x1C330]  }
0x131: {  	v13 =	vld [tilespmem:$0x1C240]  }
0x132: {  	v14 =	vld [tilespmem:$0x1C340]  }
0x133: {  	v15 =	vld [tilespmem:$0x1C250]  }
0x134: {  	v40 =	vld [tilespmem:$0x1C350]  }
0x135: {  	v41 =	vld [tilespmem:$0x1C260]  }
0x136: {  	v42 =	vld [tilespmem:$0x1C360]  }
0x137: {  	v43 =	vld [tilespmem:$0x1C270]  }
0x138: {  	v44 =	vld [tilespmem:$0x1C370]  }
0x139: {  	v45 =	vld [tilespmem:$0x1C280]  }
0x13a: {  	v46 =	vld [tilespmem:$0x1C380]  }
0x13b: {  	v47 =	vld [tilespmem:$0x1C290]  }
0x13c: {  	v48 =	vld [tilespmem:$0x1C390]  }
0x13d: {  	v49 =	vld [tilespmem:$0x1C2A0]  }
0x13e: {  	v5 =	vadd.s32 v5, v6;
	v6 =	vld [tilespmem:$0x1C3A0]  }
0x13f: {  	[tilespmem:$0x1C300] =	vst v5;
	v5 =	vadd.s32 v7, v8;
	v7 =	vld [tilespmem:$0x1C2B0]  }
0x140: {  	v8 =	vld [tilespmem:$0x1C3B0];
	[tilespmem:$0x1C310] =	vst v5;
	v5 =	vadd.s32 v9, v10  }
0x141: {  	v9 =	vld [tilespmem:$0x1C2C0];
	[tilespmem:$0x1C320] =	vst v5;
	v5 =	vadd.s32 v11, v12  }
0x142: {  	v10 =	vld [tilespmem:$0x1C3C0];
	[tilespmem:$0x1C330] =	vst v5;
	v5 =	vadd.s32 v13, v14  }
0x143: {  	v11 =	vld [tilespmem:$0x1C2D0];
	[tilespmem:$0x1C340] =	vst v5;
	v5 =	vadd.s32 v15, v40  }
0x144: {  	v12 =	vld [tilespmem:$0x1C3D0];
	[tilespmem:$0x1C350] =	vst v5;
	v5 =	vadd.s32 v41, v42  }
0x145: {  	v13 =	vld [tilespmem:$0x1C2E0];
	[tilespmem:$0x1C360] =	vst v5;
	v5 =	vadd.s32 v43, v44  }
0x146: {  	v14 =	vld [tilespmem:$0x1C3E0];
	[tilespmem:$0x1C370] =	vst v5;
	v5 =	vadd.s32 v45, v46  }
0x147: {  	v15 =	vld [tilespmem:$0x1C2F0];
	[tilespmem:$0x1C380] =	vst v5;
	v5 =	vadd.s32 v47, v48  }
0x148: {  	[tilespmem:$0x1C390] =	vst v5;
	v5 =	vadd.s32 v49, v6;
	v6 =	vld [tilespmem:$0x1C3F0]  }
0x149: {  	[tilespmem:$0x1C3A0] =	vst v5;
	v5 =	vadd.s32 v7, v8  }
0x14a: {  	[tilespmem:$0x1C3B0] =	vst v5;
	v5 =	vadd.s32 v9, v10  }
0x14b: {  	[tilespmem:$0x1C3C0] =	vst v5;
	v5 =	vadd.s32 v11, v12  }
0x14c: {  	[tilespmem:$0x1C3D0] =	vst v5;
	v5 =	vadd.s32 v13, v14  }
0x14d: {  	[tilespmem:$0x1C3E0] =	vst v5;
	v5 =	vadd.s32 v15, v6  }
0x14e: {  	s23 =	rddreg [dreg:$0x9];
	[tilespmem:$0x1C3F0] =	vst v5  }
0x14f: {  	[tilespmem:s4], [sflag:$0x1] =	stream.strided.gather [spmem:s23], $0x100, s18, s17, $0x38;
	[tilespmem:$0x1C580] =	vst v63  }
0x150: {  	_ =	swait.ge [sflag:s19], $0x100  }
0x151: {  	[sflag:s19] =	ssyncset.done $0x0  }
0x152: {  	[sflag:s19] =	ssyncadd.s32 $0xFFFFFF00  }
0x153: {  	v5 =	vld [tilespmem:$0x1C200]  }
0x154: {  	v6 =	vld [tilespmem:$0x1C300]  }
0x155: {  	v7 =	vld [tilespmem:$0x1C210]  }
0x156: {  	v8 =	vld [tilespmem:$0x1C310]  }
0x157: {  	v9 =	vld [tilespmem:$0x1C220]  }
0x158: {  	v10 =	vld [tilespmem:$0x1C320]  }
0x159: {  	v11 =	vld [tilespmem:$0x1C230]  }
0x15a: {  	v12 =	vld [tilespmem:$0x1C330]  }
0x15b: {  	v13 =	vld [tilespmem:$0x1C240]  }
0x15c: {  	v14 =	vld [tilespmem:$0x1C340]  }
0x15d: {  	v15 =	vld [tilespmem:$0x1C250]  }
0x15e: {  	v50 =	vld [tilespmem:$0x1C350]  }
0x15f: {  	v51 =	vld [tilespmem:$0x1C260]  }
0x160: {  	v52 =	vld [tilespmem:$0x1C360]  }
0x161: {  	v53 =	vld [tilespmem:$0x1C270]  }
0x162: {  	v54 =	vld [tilespmem:$0x1C370]  }
0x163: {  	v55 =	vld [tilespmem:$0x1C280]  }
0x164: {  	v56 =	vld [tilespmem:$0x1C380]  }
0x165: {  	v57 =	vld [tilespmem:$0x1C290]  }
0x166: {  	v58 =	vld [tilespmem:$0x1C390]  }
0x167: {  	v59 =	vld [tilespmem:$0x1C2A0]  }
0x168: {  	v5 =	vadd.s32 v5, v6;
	v6 =	vld [tilespmem:$0x1C3A0]  }
0x169: {  	[tilespmem:$0x1C300] =	vst v5;
	v5 =	vadd.s32 v7, v8;
	v7 =	vld [tilespmem:$0x1C2B0]  }
0x16a: {  	v8 =	vld [tilespmem:$0x1C3B0];
	[tilespmem:$0x1C310] =	vst v5;
	v5 =	vadd.s32 v9, v10  }
0x16b: {  	v9 =	vld [tilespmem:$0x1C2C0];
	[tilespmem:$0x1C320] =	vst v5;
	v5 =	vadd.s32 v11, v12  }
0x16c: {  	v10 =	vld [tilespmem:$0x1C3C0];
	[tilespmem:$0x1C330] =	vst v5;
	v5 =	vadd.s32 v13, v14  }
0x16d: {  	v11 =	vld [tilespmem:$0x1C2D0];
	[tilespmem:$0x1C340] =	vst v5;
	v5 =	vadd.s32 v15, v50  }
0x16e: {  	v12 =	vld [tilespmem:$0x1C3D0];
	[tilespmem:$0x1C350] =	vst v5;
	v5 =	vadd.s32 v51, v52  }
0x16f: {  	v13 =	vld [tilespmem:$0x1C2E0];
	[tilespmem:$0x1C360] =	vst v5;
	v5 =	vadd.s32 v53, v54  }
0x170: {  	v14 =	vld [tilespmem:$0x1C3E0];
	[tilespmem:$0x1C370] =	vst v5;
	v5 =	vadd.s32 v55, v56  }
0x171: {  	v15 =	vld [tilespmem:$0x1C2F0];
	[tilespmem:$0x1C380] =	vst v5;
	v5 =	vadd.s32 v57, v58  }
0x172: {  	[tilespmem:$0x1C390] =	vst v5;
	v5 =	vadd.s32 v59, v6;
	v6 =	vld [tilespmem:$0x1C3F0]  }
0x173: {  	[tilespmem:$0x1C3A0] =	vst v5;
	v5 =	vadd.s32 v7, v8  }
0x174: {  	[tilespmem:$0x1C3B0] =	vst v5;
	v5 =	vadd.s32 v9, v10  }
0x175: {  	[tilespmem:$0x1C3C0] =	vst v5;
	v5 =	vadd.s32 v11, v12  }
0x176: {  	[tilespmem:$0x1C3D0] =	vst v5;
	v5 =	vadd.s32 v13, v14  }
0x177: {  	[tilespmem:$0x1C3E0] =	vst v5;
	v5 =	vadd.s32 v15, v6  }
0x178: {  	[tilespmem:$0x1C3F0] =	vst v5  }
0x179: {  	s24 =	simm.s32 $0x1C3F0;
	[bflag:$0x0] =	sbarrier.arrive $0xFFFF  }
0x17a: {  	v5 =	vld [tilespmem:s24+$0x0];
	_ =	sdelay $0x4  }
0x17b: {  	(xrf0) =	vadd.scan.msk.s32 $0xffff, v5;
	_ =	sdelay $0x2  }
0x17c: {  	s25 =	simm.s32 $0x1C3E0  }
0x17d: {  	v11 =	vld [tilespmem:s25+$0x0];
	_ =	sdelay $0x1  }
0x17e: {  	v6, _, _ =	vpop (xrf0)  }
0x17f: {  	(v2sf) =	vpush v6, $0xF  }
0x180: {  	v7 =	vbroadcast v6, $0xF  }
0x181: {  	(xrf0) =	vadd.scan.msk.s32 $0xffff, v11  }
0x182: {  	v6 =	vsub.s32 v7, v6  }
0x183: {  	s26 =	simm.s32 $0x0;
	v7 =	vadd.s32 v5, v6  }
0x184: {  	v6 =	vadd.s32 s26, v7  }
0x185: {  	vm0 =	vgt.s32 v6, $0x11FFF  }
0x186: {  	v6 =	vnsel vm0, $0x7FFFFFFF, v4  }
0x187: {  	v8, _, _ =	vpop (xrf0);
	(xrf0) =	vmax.scan.msk.u32 $0xffff, v6  }
0x188: {  	s30 =	simm.s32 $0x1C3D0;
	(v2sf) =	vpush v8, $0xF  }
0x189: {  	v12 =	vld [tilespmem:s30+$0x0];
	v6 =	vsel vm0, $0x1, v0  }
0x18a: {  	v6 =	vor.u32 $0x80000000, v6;
	_ =	sdelay $0x1  }
0x18b: {  	v9 =	vbroadcast v8, $0xF  }
0x18c: {  	(xrf0) =	vmax.scan.msk.u32 $0xffff, v6;
	v6, _, _ =	vpop (xrf0)  }
0x18d: {  	(xrf0) =	vadd.scan.msk.s32 $0xffff, v12;
	(v2sf) =	vpush v6, $0xF;
	v6 =	vsub.s32 v9, v8;
	s31 =	spop (v2sf)  }
0x18e: {  	v13 =	vadd.s32 v11, v6;
	s21 =	sadd.s32 $0x0, s31  }
0x18f: {  	v6 =	vadd.s32 s21, v13  }
0x190: {  	s1 =	simm.s32 $0x1C3C0  }
0x191: {  	v8 =	vld [tilespmem:s1+$0x0]  }
0x192: {  	vm8 =	vgt.s32 v6, $0x11FFF;
	v6, _, _ =	vpop (xrf0)  }
0x193: {  	v9 =	vsel vm8, $0x1, v0;
	v10 =	vnsel vm8, $0x7FFFFFFF, v4;
	(v2sf) =	vpush v6, $0xF;
	v6, _, _ =	vpop (xrf0)  }
0x194: {  	v9 =	vor.u32 $0x80000000, v9;
	(xrf0) =	vmax.scan.msk.u32 $0xffff, v10;
	v10 =	vbroadcast v6, $0xF  }
0x195: {  	(xrf0) =	vmax.scan.msk.u32 $0xffff, v9  }
0x196: {  	s2 =	spop (v2sf);
	(v2sf) =	vpush v6, $0xF;
	(xrf0) =	vadd.scan.msk.s32 $0xffff, v8;
	v6 =	vsub.s32 v10, v6  }
0x197: {  	s22 =	sadd.s32 s21, s2;
	v14 =	vadd.s32 v12, v6  }
0x198: {  	v9 =	vadd.s32 s22, v14;
	_ =	sdelay $0x1  }
0x199: {  	v10, _, _ =	vpop (xrf0);
	vm9 =	vgt.s32 v9, $0x11FFF  }
0x19a: {  	s3 =	simm.s32 $0x1C3B0;
	(v2sf) =	vpush v10, $0xF;
	v15 =	vnsel vm9, $0x7FFFFFFF, v4;
	v9, _, _ =	vpop (xrf0)  }
0x19b: {  	v6 =	vld [tilespmem:s3+$0x0];
	(xrf0) =	vmax.scan.msk.u32 $0xffff, v15;
	(v2sf) =	vpush v9, $0xF;
	v9, _, _ =	vpop (xrf0)  }
0x19c: {  	(v2sf) =	vpush v9, $0xF  }
0x19d: {  	v10 =	vsel vm9, $0x1, v0  }
0x19e: {  	v10 =	vor.u32 $0x80000000, v10;
	s4 =	spop (v2sf)  }
0x19f: {  	(xrf0) =	vmax.scan.msk.u32 $0xffff, v10;
	s7 =	sxor.u32 $0x80000000, s4  }
0x1a0: {  	(xrf0) =	vadd.scan.msk.s32 $0xffff, v6;
	v10 =	vmov s7  }
0x1a1: {  	vm10 =	veq.s32 v10, v1;
	v15, _, _ =	vpop (xrf0)  }
0x1a2: {  	v10 =	vbroadcast v9, $0xF;
	v7 =	vnsel vm10, $0x0, v7;
	(v2sf) =	vpush v15, $0xF  }
0x1a3: {  	v5 =	vnsel vm10, $0x0, v5;
	(xrf0) =	vadd.scan.msk.s32 $0xffff, v7;
	s8 =	spop (v2sf)  }
0x1a4: {  	(xrf0) =	vadd.scan.msk.s32 $0xffff, v5;
	v5 =	vsub.s32 v10, v9;
	s9 =	spop (v2sf)  }
0x1a5: {  	v7, _, _ =	vpop (xrf0);
	v10 =	vadd.s32 v8, v5;
	s23 =	sadd.s32 s22, s9  }
0x1a6: {  	s10 =	simm.s32 $0x1C3A0;
	(v2sf) =	vpush v7, $0xF;
	v7, _, _ =	vpop (xrf0);
	v9 =	vadd.s32 s23, v10  }
0x1a7: {  	v5 =	vld [tilespmem:s10+$0x0];
	(v2sf) =	vpush v7, $0xF;
	vm11 =	vgt.s32 v9, $0x11FFF  }
0x1a8: {  	v9 =	vsel vm11, $0x1, v0;
	v15 =	vnsel vm11, $0x7FFFFFFF, v4  }
0x1a9: {  	v61 =	vbroadcast v7, $0xF;
	v9 =	vor.u32 $0x80000000, v9;
	(xrf0) =	vmax.scan.msk.u32 $0xffff, v15;
	s11 =	spop (v2sf)  }
0x1aa: {  	v60, _, _ =	vpop (xrf0);
	(xrf0) =	vmax.scan.msk.u32 $0xffff, v9;
	s12 =	sxor.u32 $0x80000000, s11;
	s5 =	spop (v2sf)  }
0x1ab: {  	v7 =	vsub.s32 v61, v7;
	v9 =	vmov s12;
	s13 =	spop (v2sf)  }
0x1ac: {  	(v2sf) =	vpush v60, $0xF;
	v15, _, _ =	vpop (xrf0);
	(xrf0) =	vadd.scan.msk.s32 $0xffff, v5;
	vm12 =	veq.s32 v9, v1;
	v9 =	vadd.s32 v6, v7;
	s24 =	sadd.s32 s23, s13  }
0x1ad: {  	(v2sf) =	vpush v15, $0xF;
	v13 =	vnsel vm12, $0x0, v13;
	v15 =	vadd.s32 s24, v9  }
0x1ae: {  	vm13 =	vgt.s32 v15, $0x11FFF  }
0x1af: {  	v11 =	vnsel vm12, $0x0, v11;
	(xrf0) =	vadd.scan.msk.s32 $0xffff, v13;
	v62, _, _ =	vpop (xrf0);
	v15 =	vnsel vm13, $0x7FFFFFFF, v4  }
0x1b0: {  	v13, _, _ =	vpop (xrf0);
	(xrf0) =	vadd.scan.msk.s32 $0xffff, v11  }
0x1b1: {  	s6 =	simm.s32 $0x1C390;
	v11 =	vsel vm13, $0x1, v0;
	s15 =	spop (v2sf)  }
0x1b2: {  	v7 =	vld [tilespmem:s6+$0x0];
	(xrf0) =	vmax.scan.msk.u32 $0xffff, v15;
	v11 =	vor.u32 $0x80000000, v11;
	(v2sf) =	vpush v62, $0xF;
	s16 =	sxor.u32 $0x80000000, s15;
	v15, _, _ =	vpop (xrf0)  }
0x1b3: {  	p4 =	por $0x1, $0x1;
	s28 =	simm.s32 $0x80000090;
	(xrf0) =	vmax.scan.msk.u32 $0xffff, v11;
	(v2sf) =	vpush v13, $0xF;
	v13 =	vmov s16;
	v11 =	vbroadcast v15, $0xF  }
0x1b4: {  	s0 =	simm.s32 $0x800000B0;
	s18 =	simm.s32 $0x0;
	s25 =	simm.s32 $0x0  }
0x1b5: {  	s26 =	simm.s32 $0x80000080;
	p2 =	seq.s32 s8, $0x80000001;
	s17 =	spop (v2sf);
	(v2sf) =	vpush v15, $0xF;
	v11 =	vsub.s32 v11, v15;
	v15, _, _ =	vpop (xrf0)  }
0x1b6: {  	s1 =	simm.s32 $0x800000A0;
	p1 =	por !p4, !p2;
	s19 =	spop (v2sf);
	vm14 =	veq.s32 v13, v1;
	(v2sf) =	vpush v15, $0xF;
	v13, _, _ =	vpop (xrf0)  }
0x1b7: {  	s3 =	simm.s32 $0x800000C0;
	s2 =	sadd.s32 $0x800000F0, s4;
	p1 =	por !p1, !p1;
	(xrf0) =	vadd.scan.msk.s32 $0xffff, v7;
	(v2sf) =	vpush v13, $0xF  }
0x1b8: {  	s9 =	simm.s32 $0x1C380;
	s18 =	smov.u32 @p1 s2;
	s25 =	simm.s32 @p1 $0x1  }
0x1b9: {  	p1 =	por p1, p1;
	p5 =	seq.s32 s25, $0x0;
	p3 =	seq.s32 s5, $0x80000001;
	v14 =	vnsel vm14, $0x0, v14  }
0x1ba: {  	s4 =	sadd.s32 $0x800000E0, s11;
	s6 =	simm.s32 $0x80000070;
	p2 =	por !p5, !p3  }
0x1bb: {  	p3 =	por p1, p1;
	p2 =	por !p2, !p2;
	s29 =	sadd.s32 s24, s19;
	v11 =	vadd.s32 v5, v11;
	v13, _, _ =	vpop (xrf0)  }
0x1bc: {  	s25 =	simm.s32 @p2 $0x1;
	s18 =	smov.u32 @p2 s4;
	p1 =	por p2, p2;
	(xrf0) =	vadd.scan.msk.s32 $0xffff, v14;
	v15 =	vadd.s32 s29, v11;
	v14, _, _ =	vpop (xrf0);
	(v2sf) =	vpush v13, $0xF  }
0x1bd: {  	p6 =	seq.s32 s25, $0x0;
	p4 =	seq.s32 s17, $0x80000001;
	v12 =	vnsel vm14, $0x0, v12;
	s20 =	spop (v2sf);
	vm15 =	vgt.s32 v15, $0x11FFF;
	(v2sf) =	vpush v14, $0xF;
	v13, _, _ =	vpop (xrf0)  }
0x1be: {  	s2 =	sadd.s32 $0x800000D0, s15;
	p4 =	por !p6, !p4;
	(xrf0) =	vadd.scan.msk.s32 $0xffff, v12;
	v12 =	vsel vm15, $0x1, v0;
	v15 =	vnsel vm15, $0x7FFFFFFF, v4;
	s31 =	spop (v2sf);
	(v2sf) =	vpush v13, $0xF  }
0x1bf: {  	s19 =	simm.s32 $0x0;
	p2 =	por !p4, !p4;
	s30 =	sadd.s32 $0x0, s20;
	v63 =	vor.u32 $0x80000000, v12;
	(xrf0) =	vmax.scan.msk.u32 $0xffff, v15;
	v12 =	vld [tilespmem:s9+$0x0]  }
0x1c0: {  	s18 =	smov.u32 @p2 s2;
	s25 =	simm.s32 @p2 $0x1;
	v14 =	vbroadcast v13, $0xF;
	s2 =	ssub.s32 s30, s31;
	(xrf0) =	vmax.scan.msk.u32 $0xffff, v63  }
.LBB2_11:
0x1c1: {  	s7 =	spop (v2sf);
	s19 =	smov.u32 @p3 s2  }
0x1c2: {  	s2 =	smov.u32 s6;
	s4 =	sadd.s32 $0xFFFFFFF0, s6;
	s5 =	smov.u32 s24  }
0x1c3: {  	s24 =	smov.u32 s29;
	p3 =	por p1, p1;
	p1 =	por p2, p2  }
0x1c4: {  	p4 =	sne.s32 s6, $0x80000000;
	(xrf0) =	vadd.scan.msk.s32 $0xffff, v12;
	s6 =	sxor.u32 $0x80000000, s7;
	s8 =	spop (v2sf);
	v15, _, _ =	vpop (xrf0);
	v16 =	vmov v12  }
0x1c5: {  	p2 =	seq.s32 s25, $0x0;
	v17 =	vmov s6;
	p5 =	seq.s32 s8, $0x80000001;
	(v2sf) =	vpush v15, $0xF;
	v15, _, _ =	vpop (xrf0)  }
0x1c6: {  	v13 =	vsub.s32 v14, v13;
	s9 =	sadd.s32 $0xFFFFFFF0, s9;
	s6 =	spop (v2sf);
	vm0 =	veq.s32 v17, v1;
	p2 =	por !p2, !p5;
	(v2sf) =	vpush v15, $0xF  }
0x1c7: {  	v14 =	vadd.s32 v7, v13;
	s3 =	sadd.s32 s3, s7;
	s29 =	sadd.s32 s29, s6;
	v12, _, _ =	vpop (xrf0);
	v17 =	vnsel vm0, $0x0, v10;
	v8 =	vnsel vm0, $0x0, v8;
	p2 =	por !p2, !p2  }
0x1c8: {  	v18 =	vadd.s32 s29, v14;
	v15, _, _ =	vpop (xrf0);
	(v2sf) =	vpush v12, $0xF;
	s18 =	smov.u32 @p2 s3;
	s25 =	simm.s32 @p2 $0x1;
	(xrf0) =	vadd.scan.msk.s32 $0xffff, v17;
	s3 =	smov.u32 s0  }
.Ltmp5:
0x1c9: {  	v10 =	vmovc v9;
	v9 =	vmov v11;
	s0 =	smov.u32 s1;
	s1 =	smov.u32 s28;
	v12 =	vld [tilespmem:s9+$0x0];
	vm0 =	vgt.s32 v18, $0x11FFF;
	(v2sf) =	vpush v15, $0xF;
	(xrf0) =	vadd.scan.msk.s32 $0xffff, v8;
	(pc) =	sbr.rel @p4 .LBB2_11-.Ltmp5, $4  }
0x1ca: {  	s6 =	spop (v2sf)  }
0x1cb: {  	v11 =	vmov v14;
	s28 =	smov.u32 s26;
	s26 =	smov.u32 s2;
	v13, _, _ =	vpop (xrf0);
	v18 =	vsel vm0, $0x1, v0;
	v15 =	vnsel vm0, $0x7FFFFFFF, v4;
	s2 =	sadd.s32 s21, s6  }
0x1cc: {  	v8 =	vmovc v6;
	v14 =	vbroadcast v13, $0xF;
	(v2sf) =	vpush v13, $0xF;
	v17 =	vor.u32 $0x80000000, v18;
	(xrf0) =	vmax.scan.msk.u32 $0xffff, v15;
	s6 =	spop (v2sf);
	s21 =	smov.u32 s22;
	s22 =	smov.u32 s23  }
0x1cd: {  	v6 =	vmovc v5;
	v5 =	vmov v7;
	v7 =	vmov v16;
	s23 =	smov.u32 s5;
	(xrf0) =	vmax.scan.msk.u32 $0xffff, v17;
	s2 =	ssub.s32 s2, s6;
	s6 =	smov.u32 s4  }
0x1ce: {  	_ =	sdelay $0x3  }
0x1cf: {  	(xrf0) =	vadd.scan.msk.s32 $0xffff, v12;
	_ =	sdelay $0x1  }
0x1d0: {  	s15 =	spop (v2sf);
	v15, _, _ =	vpop (xrf0)  }
0x1d1: {  	s4 =	spop (v2sf);
	v16, _, _ =	vpop (xrf0)  }
0x1d2: {  	v13 =	vsub.s32 v14, v13;
	s12 =	sxor.u32 $0x80000000, s15;
	s5 =	spop (v2sf);
	v51, _, _ =	vpop (xrf0)  }
0x1d3: {  	v13 =	vadd.s32 v7, v13;
	v17 =	vmov s12;
	s10 =	sadd.s32 s29, s5;
	v18, _, _ =	vpop (xrf0);
	s13 =	spop (v2sf)  }
0x1d4: {  	vm0 =	veq.s32 v17, v1;
	v52 =	vadd.s32 s10, v13;
	v19, _, _ =	vpop (xrf0);
	s16 =	spop (v2sf)  }
0x1d5: {  	v10 =	vnsel vm0, $0x0, v10;
	vm1 =	vgt.s32 v52, $0x11FFF;
	v53 =	vbroadcast v19, $0xF;
	s30 =	spop (v2sf)  }
0x1d6: {  	v8 =	vnsel vm0, $0x0, v8;
	(xrf0) =	vadd.scan.msk.s32 $0xffff, v10;
	v54 =	vsel vm1, $0x1, v0;
	s17 =	sxor.u32 $0x80000000, s30;
	s11 =	spop (v2sf)  }
0x1d7: {  	(xrf0) =	vadd.scan.msk.s32 $0xffff, v8;
	v55 =	vnsel vm1, $0x7FFFFFFF, v4;
	v17 =	vsub.s32 v53, v19;
	v56 =	vmov s17;
	s20 =	spop (v2sf)  }
0x1d8: {  	[dreg:$0x1b] =	wrdreg s4;
	(xrf0) =	vmax.scan.msk.u32 $0xffff, v55;
	v57 =	vor.u32 $0x80000000, v54;
	v58 =	vadd.s32 v12, v17;
	vm11 =	veq.s32 v56, v1;
	s4 =	sadd.s32 s10, s20  }
0x1d9: {  	(v2sf) =	vpush v15, $0xF;
	(xrf0) =	vmax.scan.msk.u32 $0xffff, v57;
	v59 =	vnsel vm11, $0x0, v9;
	v60 =	vadd.s32 s4, v58  }
0x1da: {  	(v2sf) =	vpush v16, $0xF;
	v6 =	vnsel vm11, $0x0, v6;
	(xrf0) =	vadd.scan.msk.s32 $0xffff, v59;
	vm12 =	vgt.s32 v60, $0x11FFF  }
0x1db: {  	(v2sf) =	vpush v51, $0xF;
	(xrf0) =	vadd.scan.msk.s32 $0xffff, v6;
	v6 =	vnsel vm12, $0x7FFFFFFF, v4  }
0x1dc: {  	(v2sf) =	vpush v18, $0xF  }
0x1dd: {  	(v2sf) =	vpush v19, $0xF;
	v61, _, _ =	vpop (xrf0);
	(xrf0) =	vmax.scan.msk.u32 $0xffff, v6  }
0x1de: {  	(v2sf) =	vpush v61, $0xF;
	v6, _, _ =	vpop (xrf0)  }
0x1df: {  	(v2sf) =	vpush v6, $0xF;
	v6, _, _ =	vpop (xrf0)  }
0x1e0: {  	v62, _, _ =	vpop (xrf0);
	(v2sf) =	vpush v6, $0xF  }
0x1e1: {  	(v2sf) =	vpush v62, $0xF;
	v6, _, _ =	vpop (xrf0)  }
0x1e2: {  	(v2sf) =	vpush v6, $0xF;
	v6, _, _ =	vpop (xrf0)  }
0x1e3: {  	(v2sf) =	vpush v6, $0xF;
	v6, _, _ =	vpop (xrf0)  }
0x1e4: {  	(v2sf) =	vpush v6, $0xF;
	_ =	sdelay $0x3  }
0x1e5: {  	s8 =	spop (v2sf)  }
0x1e6: {  	s9 =	spop (v2sf)  }
0x1e7: {  	[dreg:$0x18] =	wrdreg s13;
	s13 =	spop (v2sf)  }
0x1e8: {  	s7 =	spop (v2sf)  }
0x1e9: {  	s31 =	spop (v2sf)  }
0x1ea: {  	s20 =	spop (v2sf)  }
0x1eb: {  	[dreg:$0x12] =	wrdreg s4;
	s4 =	sxor.u32 $0x80000000, s13;
	v6 =	vsel vm12, $0x1, v0;
	s17 =	spop (v2sf)  }
0x1ec: {  	v63 =	vmov s4;
	v6 =	vor.u32 $0x80000000, v6;
	s6 =	spop (v2sf)  }
0x1ed: {  	[dreg:$0x15] =	wrdreg s16;
	vm13 =	veq.s32 v63, v1;
	(xrf0) =	vmax.scan.msk.u32 $0xffff, v6;
	s12 =	spop (v2sf);
	s16 =	sxor.u32 $0x80000000, s6  }
0x1ee: {  	v8 =	vnsel vm13, $0x0, v11;
	s31 =	spop (v2sf);
	v6 =	vmov s16  }
0x1ef: {  	v5 =	vnsel vm13, $0x0, v5;
	(xrf0) =	vadd.scan.msk.s32 $0xffff, v8;
	s4 =	spop (v2sf);
	vm14 =	veq.s32 v6, v1  }
0x1f0: {  	(xrf0) =	vadd.scan.msk.s32 $0xffff, v5;
	s5 =	spop (v2sf);
	v5 =	vnsel vm14, $0x0, v13  }
0x1f1: {  	p5 =	seq.s32 s25, $0x0;
	[dreg:$0x1e] =	wrdreg s4;
	s4 =	sxor.u32 $0x80000000, s5  }
0x1f2: {  	s19 =	smov.u32 @p3 s2;
	s2 =	sadd.s32 s3, s15;
	s3 =	rddreg [dreg:$0x18];
	v6 =	vmov s4  }
0x1f3: {  	p1 =	por p1, p1;
	p2 =	por p2, p2;
	s16 =	rddreg [dreg:$0x1b];
	v7 =	vnsel vm14, $0x0, v7;
	(xrf0) =	vadd.scan.msk.s32 $0xffff, v5;
	vm15 =	veq.s32 v6, v1;
	v5, _, _ =	vpop (xrf0)  }
0x1f4: {  	s0 =	sadd.s32 s0, s30;
	s1 =	sadd.s32 s1, s13;
	p4 =	seq.s32 s16, $0x80000001;
	(xrf0) =	vadd.scan.msk.s32 $0xffff, v7;
	v6 =	vnsel vm15, $0x0, v58;
	(v2sf) =	vpush v5, $0xF;
	v5 =	vnsel vm15, $0x0, v12  }
0x1f5: {  	s15 =	sadd.s32 s23, s20;
	s16 =	simm.s32 $0x0;
	p4 =	por !p5, !p4;
	(xrf0) =	vadd.scan.msk.s32 $0xffff, v6  }
0x1f6: {  	s20 =	sadd.s32 s24, s31;
	p5 =	seq.s32 s11, $0x80000001;
	p3 =	por !p4, !p4;
	(xrf0) =	vadd.scan.msk.s32 $0xffff, v5  }
0x1f7: {  	s11 =	sadd.s32 s22, s8;
	s18 =	smov.u32 @p3 s2;
	s25 =	simm.s32 @p3 $0x1;
	v5, _, _ =	vpop (xrf0)  }
0x1f8: {  	s2 =	sadd.s32 s21, s3;
	s4 =	rddreg [dreg:$0x15];
	p6 =	seq.s32 s25, $0x0;
	(v2sf) =	vpush v5, $0xF;
	v5, _, _ =	vpop (xrf0)  }
0x1f9: {  	p3 =	por p3, p3;
	s2 =	ssub.s32 s2, s4;
	p4 =	por !p6, !p5;
	(v2sf) =	vpush v5, $0xF;
	v5, _, _ =	vpop (xrf0)  }
0x1fa: {  	s21 =	rddreg [dreg:$0x1e];
	s19 =	smov.u32 @p1 s2;
	p1 =	por !p4, !p4;
	(v2sf) =	vpush v5, $0xF;
	v5, _, _ =	vpop (xrf0)  }
0x1fb: {  	p3 =	por p3, p3;
	p5 =	seq.s32 s7, $0x80000001;
	s25 =	simm.s32 @p1 $0x1;
	(v2sf) =	vpush v5, $0xF;
	v5, _, _ =	vpop (xrf0)  }
0x1fc: {  	s2 =	sand.u32 $0x380, s16;
	s18 =	smov.u32 @p1 s0;
	p6 =	seq.s32 s25, $0x0;
	(v2sf) =	vpush v5, $0xF;
	v5, _, _ =	vpop (xrf0)  }
0x1fd: {  	s0 =	ssub.s32 s11, s9;
	p4 =	por !p6, !p5;
	p5 =	por p2, p2;
	(v2sf) =	vpush v5, $0xF  }
0x1fe: {  	p1 =	por p1, p1;
	p2 =	por !p4, !p4;
	s19 =	smov.u32 @p5 s0  }
0x1ff: {  	s0 =	ssub.s32 s15, s17;
	s17 =	sand.u32 $0x800, s16;
	p4 =	seq.s32 s12, $0x80000001  }
0x200: {  	s18 =	smov.u32 @p2 s1;
	s25 =	simm.s32 @p2 $0x1;
	s1 =	sor.u32 s2, s17  }
0x201: {  	s19 =	smov.u32 @p3 s0;
	p3 =	seq.s32 s25, $0x0;
	s0 =	sadd.s32 $0x1B100, s1;
	[tilespmem:s1+$0x1B100] =	vst v0  }
0x202: {  	p5 =	por p1, p1;
	p6 =	por p2, p2;
	p3 =	por !p3, !p4;
	[tilespmem:s0+$0x10] =	vst v0  }
0x203: {  	s2 =	ssub.s32 s20, s21;
	s1 =	sadd.s32 s28, s6;
	[tilespmem:s0+$0x20] =	vst v0;
	p2 =	por !p3, !p3  }
0x204: {  	s19 =	smov.u32 @p5 s2;
	[tilespmem:s0+$0x30] =	vst v0;
	s25 =	simm.s32 @p2 $0x1;
	s22 =	spop (v2sf)  }
0x205: {  	p1 =	por p6, p6;
	[tilespmem:s0+$0x40] =	vst v0;
	p4 =	seq.s32 s25, $0x0;
	p5 =	seq.s32 s22, $0x80000001  }
0x206: {  	s2 =	sadd.s32 s26, s5;
	[tilespmem:s0+$0x50] =	vst v0;
	s18 =	smov.u32 @p2 s1;
	p3 =	por !p4, !p5  }
0x207: {  	[tilespmem:s0+$0x60] =	vst v0;
	p6 =	por p2, p2;
	p2 =	por !p3, !p3;
	s23 =	spop (v2sf)  }
0x208: {  	[tilespmem:s0+$0x70] =	vst v0;
	s18 =	smov.u32 @p2 s2;
	s1 =	sadd.s32 s29, s23;
	s24 =	spop (v2sf)  }
0x209: {  	[tilespmem:s0+$0x400] =	vst v0;
	p2 =	por p2, p2;
	s1 =	ssub.s32 s1, s24;
	s25 =	spop (v2sf)  }
0x20a: {  	[tilespmem:s0+$0x410] =	vst v0;
	s29 =	rddreg [dreg:$0x12];
	s19 =	smov.u32 @p1 s1;
	s26 =	spop (v2sf)  }
0x20b: {  	[tilespmem:s0+$0x420] =	vst v0;
	p1 =	por p6, p6;
	s2 =	sadd.s32 s10, s25;
	s28 =	spop (v2sf)  }
0x20c: {  	[tilespmem:s0+$0x430] =	vst v0;
	s1 =	ssub.s32 s2, s26;
	s2 =	sadd.s32 s29, s28;
	s30 =	spop (v2sf)  }
0x20d: {  	[tilespmem:s0+$0x440] =	vst v0;
	s19 =	smov.u32 @p1 s1;
	p1 =	por p2, p2;
	s1 =	ssub.s32 s2, s30  }
0x20e: {  	s31 =	simm.s32 $0x100;
	[tilespmem:s0+$0x450] =	vst v0;
	s19 =	smov.u32 @p1 s1;
	s1 =	simm.s32 $0x80  }
0x20f: {  	s3 =	sand.u32 $0x800, s31;
	[tilespmem:s0+$0x460] =	vst v0;
	s2 =	simm.s32 $0x200;
	s4 =	sand.u32 $0x380, s1  }
.LBB2_13:
0x210: {  	p1 =	sne.s32 s2, $0xF00;
	s3 =	sor.u32 s4, s3;
	[tilespmem:s0+$0x470] =	vst v0  }
0x211: {  	s0 =	sadd.s32 $0x1B100, s3;
	[tilespmem:s3+$0x1B100] =	vst v0  }
0x212: {  	[tilespmem:s0+$0x10] =	vst v0  }
0x213: {  	[tilespmem:s0+$0x20] =	vst v0  }
0x214: {  	[tilespmem:s0+$0x30] =	vst v0  }
0x215: {  	[tilespmem:s0+$0x40] =	vst v0  }
0x216: {  	[tilespmem:s0+$0x50] =	vst v0  }
0x217: {  	[tilespmem:s0+$0x60] =	vst v0  }
0x218: {  	[tilespmem:s0+$0x70] =	vst v0  }
0x219: {  	[tilespmem:s0+$0x400] =	vst v0  }
0x21a: {  	[tilespmem:s0+$0x410] =	vst v0  }
.Ltmp6:
0x21b: {  	[tilespmem:s0+$0x420] =	vst v0;
	(pc) =	sbr.rel @p1 .LBB2_13-.Ltmp6, $4  }
0x21c: {  	[tilespmem:s0+$0x430] =	vst v0  }
0x21d: {  	[tilespmem:s0+$0x440] =	vst v0  }
0x21e: {  	s1 =	sadd.s32 $0x80, s1;
	[tilespmem:s0+$0x450] =	vst v0  }
0x21f: {  	s3 =	sand.u32 $0x800, s2;
	s4 =	sand.u32 $0x380, s1;
	s2 =	sadd.s32 $0x100, s2;
	[tilespmem:s0+$0x460] =	vst v0  }
0x220: {  	s1 =	sor.u32 s4, s3;
	[tilespmem:s0+$0x470] =	vst v0  }
0x221: {  	s22 =	sadd.s32 $0x1B100, s1;
	[tilespmem:s1+$0x1B100] =	vst v0  }
0x222: {  	[tilespmem:s22+$0x10] =	vst v0  }
0x223: {  	[tilespmem:s22+$0x20] =	vst v0  }
0x224: {  	[tilespmem:s22+$0x30] =	vst v0  }
0x225: {  	[tilespmem:s22+$0x40] =	vst v0  }
0x226: {  	[tilespmem:s22+$0x50] =	vst v0  }
0x227: {  	[tilespmem:s22+$0x60] =	vst v0  }
0x228: {  	[tilespmem:s22+$0x70] =	vst v0  }
0x229: {  	[tilespmem:s22+$0x400] =	vst v0  }
0x22a: {  	[tilespmem:s22+$0x410] =	vst v0  }
0x22b: {  	[tilespmem:s22+$0x420] =	vst v0  }
0x22c: {  	[tilespmem:s22+$0x430] =	vst v0  }
0x22d: {  	[tilespmem:s22+$0x440] =	vst v0  }
0x22e: {  	[tilespmem:s22+$0x450] =	vst v0  }
0x22f: {  	[tilespmem:s22+$0x460] =	vst v0  }
0x230: {  	s23 =	simm.s32 $0x0;
	[tilespmem:s22+$0x470] =	vst v0  }
0x231: {  	v6 =	vld [tilespmem:s23+$0x9000];
	_ =	sdelay $0x2  }
0x232: {  	s24 =	sand.u32 $0xFF, s18  }
0x233: {  	v5 =	vmov s24  }
0x234: {  	v7 =	vshrl.u32 v6, $0x18;
	v8 =	vshrl.u32 v6, $0x10;
	v9 =	vshrl.u32 v6, $0xD  }
0x235: {  	vm0 =	veq.s32 v7, v5;
	v7 =	vand.u32 $0x7F, v8;
	v8 =	vand.u32 $0x400, v9  }
0x236: {  	v7 =	vor.u32 v7, v8;
	v8 =	vsel vm0, $0x1, v0  }
0x237: {  	v7 =	vor.u32 v2, v7;
	(xrf0) =	vadd.scan.msk.s32 $0xffff, v8;
	_ =	sdelay $0x4  }
0x238: {  	s20 =	simm.s32 $0x0;
	[tilespmem:v7+s14+$0x0] =	vst.idx.add.s32.msk vm0, v3  }
0x239: {  	[tilespmem:s20+$0x12080] =	vst.msk vm0, v6;
	v6, _, _ =	vpop (xrf0)  }
0x23a: {  	v7 =	vld [tilespmem:s23+$0x9010];
	(v2sf) =	vpush v6, $0xF;
	_ =	sdelay $0x4  }
0x23b: {  	v6 =	vshrl.u32 v7, $0x18  }
0x23c: {  	vm0 =	veq.s32 v6, v5  }
0x23d: {  	v6 =	vsel vm0, $0x1, v0  }
0x23e: {  	v8 =	vshrl.u32 v7, $0x10;
	(xrf0) =	vadd.scan.msk.s32 $0xffff, v6;
	v6 =	vshrl.u32 v7, $0xD  }
0x23f: {  	v8 =	vand.u32 $0x7F, v8;
	v6 =	vand.u32 $0x400, v6  }
0x240: {  	v6 =	vor.u32 v8, v6  }
0x241: {  	v6 =	vor.u32 v2, v6;
	_ =	sdelay $0x2  }
0x242: {  	v8, _, _ =	vpop (xrf0)  }
0x243: {  	s25 =	spop (v2sf);
	(v2sf) =	vpush v8, $0xF  }
0x244: {  	s1 =	sadd.s32 $0x0, s25;
	[tilespmem:v6+s14+$0x0] =	vst.idx.add.s32.msk vm0, v3  }
0x245: {  	[tilespmem:s1+$0x12080] =	vst.msk vm0, v7  }
0x246: {  	v6 =	vld [tilespmem:s23+$0x9020];
	_ =	sdelay $0x4  }
0x247: {  	v7 =	vshrl.u32 v6, $0x18;
	v8 =	vshrl.u32 v6, $0x10;
	v60 =	vshrl.u32 v6, $0xD  }
0x248: {  	vm0 =	veq.s32 v7, v5;
	v7 =	vand.u32 $0x7F, v8;
	v8 =	vand.u32 $0x400, v60  }
0x249: {  	v7 =	vor.u32 v7, v8;
	v8 =	vsel vm0, $0x1, v0  }
0x24a: {  	v7 =	vor.u32 v2, v7;
	(xrf0) =	vadd.scan.msk.s32 $0xffff, v8;
	_ =	sdelay $0x3  }
0x24b: {  	s2 =	spop (v2sf)  }
0x24c: {  	s1 =	sadd.s32 s1, s2;
	[tilespmem:v7+s14+$0x0] =	vst.idx.add.s32.msk vm0, v3  }
0x24d: {  	[tilespmem:s1+$0x12080] =	vst.msk vm0, v6;
	v6, _, _ =	vpop (xrf0)  }
0x24e: {  	v7 =	vld [tilespmem:s23+$0x9030];
	(v2sf) =	vpush v6, $0xF;
	_ =	sdelay $0x4  }
0x24f: {  	v6 =	vshrl.u32 v7, $0x18  }
0x250: {  	vm0 =	veq.s32 v6, v5  }
0x251: {  	v6 =	vsel vm0, $0x1, v0  }
0x252: {  	v8 =	vshrl.u32 v7, $0x10;
	(xrf0) =	vadd.scan.msk.s32 $0xffff, v6;
	v6 =	vshrl.u32 v7, $0xD  }
0x253: {  	v8 =	vand.u32 $0x7F, v8;
	v6 =	vand.u32 $0x400, v6  }
0x254: {  	v6 =	vor.u32 v8, v6  }
0x255: {  	v6 =	vor.u32 v2, v6;
	_ =	sdelay $0x2  }
0x256: {  	v8, _, _ =	vpop (xrf0)  }
0x257: {  	s26 =	spop (v2sf);
	(v2sf) =	vpush v8, $0xF  }
0x258: {  	[tilespmem:v6+s14+$0x0] =	vst.idx.add.s32.msk vm0, v3;
	s1 =	sadd.s32 s1, s26  }
0x259: {  	[tilespmem:s1+$0x12080] =	vst.msk vm0, v7  }
0x25a: {  	v6 =	vld [tilespmem:s23+$0x9040];
	_ =	sdelay $0x4  }
0x25b: {  	v7 =	vshrl.u32 v6, $0x18;
	v8 =	vshrl.u32 v6, $0x10;
	v61 =	vshrl.u32 v6, $0xD  }
0x25c: {  	vm0 =	veq.s32 v7, v5;
	v7 =	vand.u32 $0x7F, v8;
	v8 =	vand.u32 $0x400, v61  }
0x25d: {  	v7 =	vor.u32 v7, v8;
	v8 =	vsel vm0, $0x1, v0  }
0x25e: {  	v7 =	vor.u32 v2, v7;
	(xrf0) =	vadd.scan.msk.s32 $0xffff, v8;
	_ =	sdelay $0x3  }
0x25f: {  	s28 =	spop (v2sf)  }
0x260: {  	s1 =	sadd.s32 s1, s28;
	[tilespmem:v7+s14+$0x0] =	vst.idx.add.s32.msk vm0, v3  }
0x261: {  	[tilespmem:s1+$0x12080] =	vst.msk vm0, v6;
	v6, _, _ =	vpop (xrf0)  }
0x262: {  	v7 =	vld [tilespmem:s23+$0x9050];
	(v2sf) =	vpush v6, $0xF;
	_ =	sdelay $0x4  }
0x263: {  	v6 =	vshrl.u32 v7, $0x18  }
0x264: {  	vm0 =	veq.s32 v6, v5  }
0x265: {  	v6 =	vsel vm0, $0x1, v0  }
0x266: {  	v8 =	vshrl.u32 v7, $0x10;
	(xrf0) =	vadd.scan.msk.s32 $0xffff, v6;
	v6 =	vshrl.u32 v7, $0xD  }
0x267: {  	v8 =	vand.u32 $0x7F, v8;
	v6 =	vand.u32 $0x400, v6  }
0x268: {  	v6 =	vor.u32 v8, v6  }
0x269: {  	v6 =	vor.u32 v2, v6;
	_ =	sdelay $0x2  }
0x26a: {  	v8, _, _ =	vpop (xrf0)  }
0x26b: {  	s29 =	spop (v2sf);
	(v2sf) =	vpush v8, $0xF  }
0x26c: {  	[tilespmem:v6+s14+$0x0] =	vst.idx.add.s32.msk vm0, v3;
	s1 =	sadd.s32 s1, s29  }
0x26d: {  	[tilespmem:s1+$0x12080] =	vst.msk vm0, v7  }
0x26e: {  	v6 =	vld [tilespmem:s23+$0x9060];
	_ =	sdelay $0x4  }
0x26f: {  	v7 =	vshrl.u32 v6, $0x10;
	v8 =	vshrl.u32 v6, $0xD  }
0x270: {  	v62 =	vshrl.u32 v6, $0x18;
	v7 =	vand.u32 $0x7F, v7;
	v8 =	vand.u32 $0x400, v8  }
0x271: {  	vm0 =	veq.s32 v62, v5;
	v7 =	vor.u32 v7, v8  }
0x272: {  	v8 =	vsel vm0, $0x1, v0;
	v7 =	vor.u32 v2, v7  }
0x273: {  	(xrf0) =	vadd.scan.msk.s32 $0xffff, v8;
	_ =	sdelay $0x2  }
0x274: {  	s30 =	spop (v2sf)  }
0x275: {  	s1 =	sadd.s32 s1, s30;
	[tilespmem:v7+s14+$0x0] =	vst.idx.add.s32.msk vm0, v3  }
0x276: {  	[tilespmem:s1+$0x12080] =	vst.msk vm0, v6  }
0x277: {  	v7, _, _ =	vpop (xrf0);
	v6 =	vld [tilespmem:s23+$0x9070]  }
0x278: {  	(v2sf) =	vpush v7, $0xF;
	_ =	sdelay $0x3  }
0x279: {  	v7 =	vshrl.u32 v6, $0x18  }
0x27a: {  	vm0 =	veq.s32 v7, v5  }
0x27b: {  	v7 =	vsel vm0, $0x1, v0  }
0x27c: {  	(xrf0) =	vadd.scan.msk.s32 $0xffff, v7  }
0x27d: {  	v8 =	vshrl.u32 v6, $0xD;
	v7 =	vshrl.u32 v6, $0x10  }
0x27e: {  	v8 =	vand.u32 $0x400, v8;
	v7 =	vand.u32 $0x7F, v7  }
0x27f: {  	v7 =	vor.u32 v7, v8  }
0x280: {  	v7 =	vor.u32 v2, v7;
	_ =	sdelay $0x1  }
0x281: {  	v8, _, _ =	vpop (xrf0)  }
0x282: {  	(v2sf) =	vpush v8, $0xF  }
0x283: {  	s31 =	spop (v2sf)  }
0x284: {  	[tilespmem:v7+s14+$0x0] =	vst.idx.add.s32.msk vm0, v3;
	s2 =	sadd.s32 s1, s31  }
0x285: {  	s21 =	simm.s32 $0x80;
	[tilespmem:s2+$0x12080] =	vst.msk vm0, v6  }
0x286: {  	v6 =	vld [tilespmem:s21+$0x9000];
	_ =	sdelay $0x4  }
0x287: {  	v7 =	vshrl.u32 v6, $0x18;
	v8 =	vshrl.u32 v6, $0x10;
	v63 =	vshrl.u32 v6, $0xD  }
0x288: {  	vm0 =	veq.s32 v7, v5;
	v7 =	vand.u32 $0x7F, v8;
	v8 =	vand.u32 $0x400, v63  }
0x289: {  	v7 =	vor.u32 v7, v8;
	v8 =	vsel vm0, $0x1, v0  }
0x28a: {  	v7 =	vor.u32 v2, v7;
	(xrf0) =	vadd.scan.msk.s32 $0xffff, v8;
	_ =	sdelay $0x2  }
0x28b: {  	s0 =	simm.s32 $0x400;
	s1 =	spop (v2sf)  }
.LBB2_15:
0x28c: {  	p1 =	sne.s32 s0, $0x23E00  }
0x28d: {  	[tilespmem:v7+s14+$0x0] =	vst.idx.add.s32.msk vm0, v3;
	s2 =	sadd.s32 s2, s1;
	s1 =	smov.u32 s0;
	s0 =	sadd.s32 $0x200, s0  }
0x28e: {  	[tilespmem:s2+$0x12080] =	vst.msk vm0, v6;
	v6, _, _ =	vpop (xrf0)  }
0x28f: {  	v7 =	vld [tilespmem:s21+$0x9010];
	(v2sf) =	vpush v6, $0xF;
	_ =	sdelay $0x4  }
0x290: {  	v6 =	vshrl.u32 v7, $0x18;
	v8 =	vshrl.u32 v7, $0x10;
	v9 =	vshrl.u32 v7, $0xD  }
0x291: {  	vm0 =	veq.s32 v6, v5;
	v6 =	vand.u32 $0x7F, v8;
	v8 =	vand.u32 $0x400, v9  }
0x292: {  	v6 =	vor.u32 v6, v8;
	v8 =	vsel vm0, $0x1, v0  }
0x293: {  	v6 =	vor.u32 v2, v6;
	(xrf0) =	vadd.scan.msk.s32 $0xffff, v8;
	_ =	sdelay $0x5  }
0x294: {  	v8, _, _ =	vpop (xrf0)  }
0x295: {  	s3 =	spop (v2sf);
	(v2sf) =	vpush v8, $0xF  }
0x296: {  	s2 =	sadd.s32 s2, s3;
	[tilespmem:v6+s14+$0x0] =	vst.idx.add.s32.msk vm0, v3  }
0x297: {  	[tilespmem:s2+$0x12080] =	vst.msk vm0, v7  }
0x298: {  	v6 =	vld [tilespmem:s21+$0x9020];
	_ =	sdelay $0x4  }
0x299: {  	v7 =	vshrl.u32 v6, $0x18;
	v8 =	vshrl.u32 v6, $0x10;
	v9 =	vshrl.u32 v6, $0xD  }
0x29a: {  	vm0 =	veq.s32 v7, v5;
	v7 =	vand.u32 $0x7F, v8;
	v8 =	vand.u32 $0x400, v9  }
0x29b: {  	v7 =	vor.u32 v7, v8;
	v8 =	vsel vm0, $0x1, v0  }
0x29c: {  	v7 =	vor.u32 v2, v7;
	(xrf0) =	vadd.scan.msk.s32 $0xffff, v8;
	_ =	sdelay $0x3  }
0x29d: {  	s3 =	spop (v2sf)  }
0x29e: {  	s2 =	sadd.s32 s2, s3;
	[tilespmem:v7+s14+$0x0] =	vst.idx.add.s32.msk vm0, v3  }
0x29f: {  	[tilespmem:s2+$0x12080] =	vst.msk vm0, v6;
	v6, _, _ =	vpop (xrf0)  }
0x2a0: {  	v7 =	vld [tilespmem:s21+$0x9030];
	(v2sf) =	vpush v6, $0xF;
	_ =	sdelay $0x4  }
0x2a1: {  	v6 =	vshrl.u32 v7, $0x18;
	v8 =	vshrl.u32 v7, $0x10;
	v9 =	vshrl.u32 v7, $0xD  }
0x2a2: {  	vm0 =	veq.s32 v6, v5;
	v6 =	vand.u32 $0x7F, v8;
	v8 =	vand.u32 $0x400, v9  }
0x2a3: {  	v6 =	vor.u32 v6, v8;
	v8 =	vsel vm0, $0x1, v0  }
0x2a4: {  	v6 =	vor.u32 v2, v6;
	(xrf0) =	vadd.scan.msk.s32 $0xffff, v8;
	_ =	sdelay $0x4  }
0x2a5: {  	[tilespmem:v6+s14+$0x0] =	vst.idx.add.s32.msk vm0, v3  }
0x2a6: {  	v6, _, _ =	vpop (xrf0)  }
0x2a7: {  	s3 =	spop (v2sf);
	(v2sf) =	vpush v6, $0xF  }
0x2a8: {  	s2 =	sadd.s32 s2, s3  }
0x2a9: {  	[tilespmem:s2+$0x12080] =	vst.msk vm0, v7  }
0x2aa: {  	v6 =	vld [tilespmem:s21+$0x9040];
	_ =	sdelay $0x4  }
0x2ab: {  	v7 =	vshrl.u32 v6, $0x18;
	v8 =	vshrl.u32 v6, $0x10;
	v9 =	vshrl.u32 v6, $0xD  }
0x2ac: {  	vm0 =	veq.s32 v7, v5;
	v7 =	vand.u32 $0x7F, v8;
	v8 =	vand.u32 $0x400, v9  }
0x2ad: {  	v7 =	vor.u32 v7, v8;
	v8 =	vsel vm0, $0x1, v0  }
0x2ae: {  	v7 =	vor.u32 v2, v7;
	(xrf0) =	vadd.scan.msk.s32 $0xffff, v8;
	_ =	sdelay $0x3  }
0x2af: {  	s3 =	spop (v2sf)  }
0x2b0: {  	s2 =	sadd.s32 s2, s3;
	[tilespmem:v7+s14+$0x0] =	vst.idx.add.s32.msk vm0, v3  }
0x2b1: {  	[tilespmem:s2+$0x12080] =	vst.msk vm0, v6;
	v6, _, _ =	vpop (xrf0)  }
0x2b2: {  	v7 =	vld [tilespmem:s21+$0x9050];
	(v2sf) =	vpush v6, $0xF;
	_ =	sdelay $0x4  }
0x2b3: {  	v6 =	vshrl.u32 v7, $0x18;
	v8 =	vshrl.u32 v7, $0x10;
	v9 =	vshrl.u32 v7, $0xD  }
0x2b4: {  	vm0 =	veq.s32 v6, v5;
	v6 =	vand.u32 $0x7F, v8;
	v8 =	vand.u32 $0x400, v9  }
0x2b5: {  	v6 =	vor.u32 v6, v8;
	v8 =	vsel vm0, $0x1, v0  }
0x2b6: {  	v6 =	vor.u32 v2, v6;
	(xrf0) =	vadd.scan.msk.s32 $0xffff, v8;
	_ =	sdelay $0x4  }
0x2b7: {  	[tilespmem:v6+s14+$0x0] =	vst.idx.add.s32.msk vm0, v3  }
0x2b8: {  	v6, _, _ =	vpop (xrf0)  }
0x2b9: {  	s3 =	spop (v2sf);
	(v2sf) =	vpush v6, $0xF  }
0x2ba: {  	s2 =	sadd.s32 s2, s3  }
0x2bb: {  	[tilespmem:s2+$0x12080] =	vst.msk vm0, v7  }
0x2bc: {  	v6 =	vld [tilespmem:s21+$0x9060];
	_ =	sdelay $0x4  }
0x2bd: {  	v7 =	vshrl.u32 v6, $0x18;
	v8 =	vshrl.u32 v6, $0x10;
	v9 =	vshrl.u32 v6, $0xD  }
0x2be: {  	vm0 =	veq.s32 v7, v5;
	v7 =	vand.u32 $0x7F, v8;
	v8 =	vand.u32 $0x400, v9  }
0x2bf: {  	v7 =	vor.u32 v7, v8;
	v8 =	vsel vm0, $0x1, v0  }
0x2c0: {  	v7 =	vor.u32 v2, v7;
	(xrf0) =	vadd.scan.msk.s32 $0xffff, v8;
	_ =	sdelay $0x3  }
0x2c1: {  	s3 =	spop (v2sf)  }
0x2c2: {  	s2 =	sadd.s32 s2, s3;
	[tilespmem:v7+s14+$0x0] =	vst.idx.add.s32.msk vm0, v3  }
0x2c3: {  	[tilespmem:s2+$0x12080] =	vst.msk vm0, v6;
	v6, _, _ =	vpop (xrf0)  }
0x2c4: {  	v7 =	vld [tilespmem:s21+$0x9070];
	(v2sf) =	vpush v6, $0xF;
	_ =	sdelay $0x4  }
0x2c5: {  	v6 =	vshrl.u32 v7, $0x18;
	v8 =	vshrl.u32 v7, $0x10;
	v9 =	vshrl.u32 v7, $0xD  }
0x2c6: {  	vm0 =	veq.s32 v6, v5;
	v6 =	vand.u32 $0x7F, v8;
	v8 =	vand.u32 $0x400, v9  }
0x2c7: {  	v6 =	vor.u32 v6, v8;
	v8 =	vsel vm0, $0x1, v0  }
0x2c8: {  	v6 =	vor.u32 v2, v6;
	(xrf0) =	vadd.scan.msk.s32 $0xffff, v8;
	_ =	sdelay $0x4  }
0x2c9: {  	[tilespmem:v6+s14+$0x0] =	vst.idx.add.s32.msk vm0, v3  }
0x2ca: {  	v6, _, _ =	vpop (xrf0)  }
0x2cb: {  	s3 =	spop (v2sf);
	(v2sf) =	vpush v6, $0xF  }
0x2cc: {  	s2 =	sadd.s32 s2, s3  }
0x2cd: {  	s21 =	sshra.s32 s1, $0x2;
	[tilespmem:s2+$0x12080] =	vst.msk vm0, v7  }
0x2ce: {  	v6 =	vld [tilespmem:s21+$0x9000];
	_ =	sdelay $0x4  }
0x2cf: {  	v7 =	vshrl.u32 v6, $0x18;
	v8 =	vshrl.u32 v6, $0x10;
	v9 =	vshrl.u32 v6, $0xD  }
0x2d0: {  	vm0 =	veq.s32 v7, v5;
	v7 =	vand.u32 $0x7F, v8;
	v8 =	vand.u32 $0x400, v9  }
0x2d1: {  	v7 =	vor.u32 v7, v8;
	v8 =	vsel vm0, $0x1, v0  }
.Ltmp7:
0x2d2: {  	v7 =	vor.u32 v2, v7;
	(xrf0) =	vadd.scan.msk.s32 $0xffff, v8;
	(pc) =	sbr.rel @p1 .LBB2_15-.Ltmp7, $2  }
0x2d3: {  	_ =	sdelay $0x2  }
0x2d4: {  	s1 =	spop (v2sf)  }
0x2d5: {  	_ =	sdelay $0x2  }
0x2d6: {  	v8, _, _ =	vpop (xrf0)  }
0x2d7: {  	(v2sf) =	vpush v8, $0xF  }
0x2d8: {  	[tilespmem:v7+s14+$0x0] =	vst.idx.add.s32.msk vm0, v3;
	s0 =	sadd.s32 s2, s1  }
0x2d9: {  	[tilespmem:s0+$0x12080] =	vst.msk vm0, v6  }
0x2da: {  	v6 =	vld [tilespmem:s21+$0x9010];
	_ =	sdelay $0x4  }
0x2db: {  	v7 =	vshrl.u32 v6, $0x18;
	v30 =	vshrl.u32 v6, $0x10;
	v9 =	vshrl.u32 v6, $0xD  }
0x2dc: {  	vm9 =	veq.s32 v7, v5;
	v7 =	vand.u32 $0x7F, v30;
	v31 =	vand.u32 $0x400, v9  }
0x2dd: {  	v7 =	vor.u32 v7, v31;
	v32 =	vsel vm9, $0x1, v0  }
0x2de: {  	v7 =	vor.u32 v2, v7;
	(xrf0) =	vadd.scan.msk.s32 $0xffff, v32;
	_ =	sdelay $0x3  }
0x2df: {  	s22 =	spop (v2sf)  }
0x2e0: {  	[tilespmem:v7+s14+$0x0] =	vst.idx.add.s32.msk vm9, v3;
	s0 =	sadd.s32 s0, s22  }
0x2e1: {  	v7, _, _ =	vpop (xrf0);
	[tilespmem:s0+$0x12080] =	vst.msk vm9, v6  }
0x2e2: {  	(v2sf) =	vpush v7, $0xF;
	v6 =	vld [tilespmem:s21+$0x9020];
	_ =	sdelay $0x4  }
0x2e3: {  	v7 =	vshrl.u32 v6, $0x18  }
0x2e4: {  	vm10 =	veq.s32 v7, v5  }
0x2e5: {  	v7 =	vsel vm10, $0x1, v0  }
0x2e6: {  	v33 =	vshrl.u32 v6, $0x10;
	v34 =	vshrl.u32 v6, $0xD;
	(xrf0) =	vadd.scan.msk.s32 $0xffff, v7  }
0x2e7: {  	v35 =	vand.u32 $0x400, v34;
	v7 =	vand.u32 $0x7F, v33  }
0x2e8: {  	v7 =	vor.u32 v7, v35  }
0x2e9: {  	v7 =	vor.u32 v2, v7;
	_ =	sdelay $0x2  }
0x2ea: {  	v36, _, _ =	vpop (xrf0)  }
0x2eb: {  	s23 =	spop (v2sf);
	(v2sf) =	vpush v36, $0xF  }
0x2ec: {  	s0 =	sadd.s32 s0, s23;
	[tilespmem:v7+s14+$0x0] =	vst.idx.add.s32.msk vm10, v3  }
0x2ed: {  	[tilespmem:s0+$0x12080] =	vst.msk vm10, v6  }
0x2ee: {  	v6 =	vld [tilespmem:s21+$0x9030];
	_ =	sdelay $0x4  }
0x2ef: {  	v7 =	vshrl.u32 v6, $0x18;
	v37 =	vshrl.u32 v6, $0x10;
	v38 =	vshrl.u32 v6, $0xD  }
0x2f0: {  	vm11 =	veq.s32 v7, v5;
	v7 =	vand.u32 $0x7F, v37;
	v39 =	vand.u32 $0x400, v38  }
0x2f1: {  	v7 =	vor.u32 v7, v39;
	v40 =	vsel vm11, $0x1, v0  }
0x2f2: {  	v7 =	vor.u32 v2, v7;
	(xrf0) =	vadd.scan.msk.s32 $0xffff, v40;
	_ =	sdelay $0x3  }
0x2f3: {  	s24 =	spop (v2sf)  }
0x2f4: {  	[tilespmem:v7+s14+$0x0] =	vst.idx.add.s32.msk vm11, v3;
	s0 =	sadd.s32 s0, s24  }
0x2f5: {  	v7, _, _ =	vpop (xrf0);
	[tilespmem:s0+$0x12080] =	vst.msk vm11, v6  }
0x2f6: {  	(v2sf) =	vpush v7, $0xF;
	v6 =	vld [tilespmem:s21+$0x9040];
	_ =	sdelay $0x4  }
0x2f7: {  	v7 =	vshrl.u32 v6, $0x18  }
0x2f8: {  	vm12 =	veq.s32 v7, v5  }
0x2f9: {  	v7 =	vsel vm12, $0x1, v0  }
0x2fa: {  	v41 =	vshrl.u32 v6, $0x10;
	v42 =	vshrl.u32 v6, $0xD;
	(xrf0) =	vadd.scan.msk.s32 $0xffff, v7  }
0x2fb: {  	v43 =	vand.u32 $0x400, v42;
	v7 =	vand.u32 $0x7F, v41  }
0x2fc: {  	v7 =	vor.u32 v7, v43  }
0x2fd: {  	v7 =	vor.u32 v2, v7;
	_ =	sdelay $0x2  }
0x2fe: {  	v44, _, _ =	vpop (xrf0)  }
0x2ff: {  	s25 =	spop (v2sf);
	(v2sf) =	vpush v44, $0xF  }
0x300: {  	s0 =	sadd.s32 s0, s25;
	[tilespmem:v7+s14+$0x0] =	vst.idx.add.s32.msk vm12, v3  }
0x301: {  	[tilespmem:s0+$0x12080] =	vst.msk vm12, v6  }
0x302: {  	v6 =	vld [tilespmem:s21+$0x9050];
	_ =	sdelay $0x4  }
0x303: {  	v7 =	vshrl.u32 v6, $0x18;
	v45 =	vshrl.u32 v6, $0x10;
	v46 =	vshrl.u32 v6, $0xD  }
0x304: {  	vm13 =	veq.s32 v7, v5;
	v7 =	vand.u32 $0x7F, v45;
	v47 =	vand.u32 $0x400, v46  }
0x305: {  	v7 =	vor.u32 v7, v47;
	v48 =	vsel vm13, $0x1, v0  }
0x306: {  	v7 =	vor.u32 v2, v7;
	(xrf0) =	vadd.scan.msk.s32 $0xffff, v48;
	_ =	sdelay $0x3  }
0x307: {  	s26 =	spop (v2sf)  }
0x308: {  	[tilespmem:v7+s14+$0x0] =	vst.idx.add.s32.msk vm13, v3;
	s0 =	sadd.s32 s0, s26  }
0x309: {  	v7, _, _ =	vpop (xrf0);
	[tilespmem:s0+$0x12080] =	vst.msk vm13, v6  }
0x30a: {  	(v2sf) =	vpush v7, $0xF;
	v6 =	vld [tilespmem:s21+$0x9060];
	_ =	sdelay $0x4  }
0x30b: {  	v7 =	vshrl.u32 v6, $0x18  }
0x30c: {  	vm14 =	veq.s32 v7, v5  }
0x30d: {  	v7 =	vsel vm14, $0x1, v0  }
0x30e: {  	v49 =	vshrl.u32 v6, $0x10;
	v50 =	vshrl.u32 v6, $0xD;
	(xrf0) =	vadd.scan.msk.s32 $0xffff, v7  }
0x30f: {  	v51 =	vand.u32 $0x400, v50;
	v7 =	vand.u32 $0x7F, v49  }
0x310: {  	v7 =	vor.u32 v7, v51  }
0x311: {  	v7 =	vor.u32 v2, v7;
	_ =	sdelay $0x2  }
0x312: {  	v52, _, _ =	vpop (xrf0)  }
0x313: {  	s28 =	spop (v2sf);
	(v2sf) =	vpush v52, $0xF  }
0x314: {  	s0 =	sadd.s32 s0, s28;
	[tilespmem:v7+s14+$0x0] =	vst.idx.add.s32.msk vm14, v3  }
0x315: {  	[tilespmem:s0+$0x12080] =	vst.msk vm14, v6  }
0x316: {  	v6 =	vld [tilespmem:s21+$0x9070];
	_ =	sdelay $0x4  }
0x317: {  	v7 =	vshrl.u32 v6, $0x10;
	v53 =	vshrl.u32 v6, $0xD  }
0x318: {  	v54 =	vshrl.u32 v6, $0x18;
	v7 =	vand.u32 $0x7F, v7;
	v8 =	vand.u32 $0x400, v53  }
0x319: {  	vm15 =	veq.s32 v54, v5;
	v5 =	vor.u32 v7, v8  }
0x31a: {  	v5 =	vor.u32 v2, v5;
	_ =	sdelay $0x2  }
0x31b: {  	v7 =	vsel vm15, $0x1, v0  }
0x31c: {  	(xrf0) =	vadd.scan.msk.s32 $0xffff, v7;
	s29 =	spop (v2sf)  }
0x31d: {  	s30 =	sand.u32 $0x70, s20;
	s31 =	sand.u32 $0x400, s20;
	[tilespmem:v5+s14+$0x0] =	vst.idx.add.s32.msk vm15, v3;
	s1 =	sadd.s32 s0, s29  }
0x31e: {  	s0 =	sor.u32 s30, s31;
	[tilespmem:s1+$0x12080] =	vst.msk vm15, v6  }
0x31f: {  	v5 =	vld [tilespmem:s0+$0x1B180]  }
0x320: {  	v6 =	vld [tilespmem:s0+$0x1B100]  }
0x321: {  	v7 =	vld [tilespmem:s0+$0x1B200]  }
0x322: {  	v55, _, _ =	vpop (xrf0);
	v56 =	vld [tilespmem:s0+$0x1B280]  }
0x323: {  	(v2sf) =	vpush v55, $0xF;
	v57 =	vld [tilespmem:s0+$0x1B300]  }
0x324: {  	v10 =	vld [tilespmem:s0+$0x1B380]  }
0x325: {  	v5 =	vadd.s32 v6, v5;
	v6 =	vld [tilespmem:s0+$0x1B400]  }
0x326: {  	v5 =	vadd.s32 v7, v5;
	v7 =	vld [tilespmem:s0+$0x1B480]  }
0x327: {  	v58 =	vld [tilespmem:s0+$0x1B900];
	v5 =	vadd.s32 v56, v5  }
0x328: {  	v59 =	vld [tilespmem:s0+$0x1B980];
	v5 =	vadd.s32 v57, v5  }
0x329: {  	v60 =	vld [tilespmem:s0+$0x1BA00];
	v5 =	vadd.s32 v10, v5  }
0x32a: {  	v5 =	vadd.s32 v6, v5;
	v6 =	vld [tilespmem:s0+$0x1BA80]  }
0x32b: {  	v5 =	vadd.s32 v7, v5;
	v7 =	vld [tilespmem:s0+$0x1BB00]  }
0x32c: {  	v61 =	vld [tilespmem:s0+$0x1BB80];
	v5 =	vadd.s32 v58, v5  }
0x32d: {  	v62 =	vld [tilespmem:s0+$0x1BC00];
	v5 =	vadd.s32 v59, v5  }
0x32e: {  	v63 =	vld [tilespmem:s0+$0x1BC80];
	v5 =	vadd.s32 v60, v5  }
0x32f: {  	v5 =	vadd.s32 v6, v5  }
0x330: {  	v5 =	vadd.s32 v7, v5  }
0x331: {  	s4 =	simm.s32 $0x10;
	v5 =	vadd.s32 v61, v5  }
0x332: {  	s2 =	simm.s32 $0x80;
	s4 =	sand.u32 $0x70, s4;
	s3 =	spop (v2sf);
	v5 =	vadd.s32 v62, v5  }
0x333: {  	s5 =	sand.u32 $0x400, s2;
	s0 =	simm.s32 $0x1C100;
	s1 =	sadd.s32 s1, s3;
	v5 =	vadd.s32 v63, v5  }
0x334: {  	s3 =	simm.s32 $0x20;
	[dreg:$0x10] =	wrdreg s1;
	s1 =	sor.u32 s4, s5;
	[tilespmem:s0+$0x0] =	vst v5  }
.LBB2_17:
0x335: {  	p1 =	sne.s32 s3, $0xF0;
	v5 =	vld [tilespmem:s1+$0x1B180]  }
0x336: {  	v6 =	vld [tilespmem:s1+$0x1B100]  }
0x337: {  	v7 =	vld [tilespmem:s1+$0x1B200]  }
0x338: {  	v8 =	vld [tilespmem:s1+$0x1B280]  }
0x339: {  	v9 =	vld [tilespmem:s1+$0x1B300]  }
0x33a: {  	v10 =	vld [tilespmem:s1+$0x1B380]  }
0x33b: {  	v5 =	vadd.s32 v6, v5;
	v6 =	vld [tilespmem:s1+$0x1B400]  }
0x33c: {  	v5 =	vadd.s32 v7, v5;
	v7 =	vld [tilespmem:s1+$0x1B480]  }
0x33d: {  	v5 =	vadd.s32 v8, v5;
	v8 =	vld [tilespmem:s1+$0x1B900]  }
0x33e: {  	v5 =	vadd.s32 v9, v5;
	v9 =	vld [tilespmem:s1+$0x1B980]  }
0x33f: {  	v5 =	vadd.s32 v10, v5;
	v10 =	vld [tilespmem:s1+$0x1BA00]  }
0x340: {  	v5 =	vadd.s32 v6, v5;
	v6 =	vld [tilespmem:s1+$0x1BA80]  }
0x341: {  	v5 =	vadd.s32 v7, v5;
	v7 =	vld [tilespmem:s1+$0x1BB00]  }
0x342: {  	v5 =	vadd.s32 v8, v5;
	v8 =	vld [tilespmem:s1+$0x1BB80]  }
0x343: {  	v5 =	vadd.s32 v9, v5;
	v9 =	vld [tilespmem:s1+$0x1BC00]  }
0x344: {  	v5 =	vadd.s32 v10, v5;
	v10 =	vld [tilespmem:s1+$0x1BC80]  }
0x345: {  	v5 =	vadd.s32 v6, v5  }
.Ltmp8:
0x346: {  	v5 =	vadd.s32 v7, v5;
	(pc) =	sbr.rel @p1 .LBB2_17-.Ltmp8, $4  }
0x347: {  	v5 =	vadd.s32 v8, v5  }
0x348: {  	s2 =	sadd.s32 $0x80, s2;
	v5 =	vadd.s32 v9, v5  }
0x349: {  	s0 =	sadd.s32 $0x10, s0;
	s4 =	sand.u32 $0x400, s2;
	s1 =	sand.u32 $0x70, s3;
	v5 =	vadd.s32 v10, v5  }
0x34a: {  	s3 =	sadd.s32 $0x10, s3;
	s1 =	sor.u32 s1, s4;
	[tilespmem:s0+$0x0] =	vst v5  }
0x34b: {  	v5 =	vld [tilespmem:s1+$0x1B180]  }
0x34c: {  	v6 =	vld [tilespmem:s1+$0x1B100]  }
0x34d: {  	v7 =	vld [tilespmem:s1+$0x1B200]  }
0x34e: {  	v8 =	vld [tilespmem:s1+$0x1B280]  }
0x34f: {  	v9 =	vld [tilespmem:s1+$0x1B300]  }
0x350: {  	v10 =	vld [tilespmem:s1+$0x1B380]  }
0x351: {  	v5 =	vadd.s32 v6, v5;
	v6 =	vld [tilespmem:s1+$0x1B400]  }
0x352: {  	v5 =	vadd.s32 v7, v5;
	v7 =	vld [tilespmem:s1+$0x1B480]  }
0x353: {  	v5 =	vadd.s32 v8, v5;
	v8 =	vld [tilespmem:s1+$0x1B900]  }
0x354: {  	v5 =	vadd.s32 v9, v5;
	v9 =	vld [tilespmem:s1+$0x1B980]  }
0x355: {  	v5 =	vadd.s32 v10, v5;
	v10 =	vld [tilespmem:s1+$0x1BA00]  }
0x356: {  	v5 =	vadd.s32 v6, v5;
	v6 =	vld [tilespmem:s1+$0x1BA80]  }
0x357: {  	v5 =	vadd.s32 v7, v5;
	v7 =	vld [tilespmem:s1+$0x1BB00]  }
0x358: {  	v5 =	vadd.s32 v8, v5;
	v8 =	vld [tilespmem:s1+$0x1BB80]  }
0x359: {  	v5 =	vadd.s32 v9, v5;
	v9 =	vld [tilespmem:s1+$0x1BC00]  }
0x35a: {  	v5 =	vadd.s32 v10, v5;
	v10 =	vld [tilespmem:s1+$0x1BC80]  }
0x35b: {  	v5 =	vadd.s32 v6, v5  }
0x35c: {  	v5 =	vadd.s32 v7, v5  }
0x35d: {  	v5 =	vadd.s32 v8, v5  }
0x35e: {  	v5 =	vadd.s32 v9, v5  }
0x35f: {  	s0 =	sadd.s32 $0x10, s0;
	s11 =	rddreg [dreg:$0x6];
	s12 =	simm.s32 $0x80;
	v5 =	vadd.s32 v10, v5  }
0x360: {  	s2 =	simm.s32 $0x400;
	s3 =	simm.s32 $0x1C100;
	s13 =	simm.s32 $0x1;
	[tilespmem:s0+$0x0] =	vst v5  }
0x361: {  	[spmem:s11] =	stream.strided.scatter [tilespmem:s3], [sflag:$0x1], $0x100, s2, s12, $0x38;
	[tilespmem:$0x1C580] =	vst v63  }
0x362: {  	_ =	swait.ge [sflag:s13], $0x100  }
0x363: {  	[sflag:s13] =	ssyncset.done $0x0  }
0x364: {  	[sflag:s13] =	ssyncadd.s32 $0xFFFFFF00  }
0x365: {  	[bflag:$0x0] =	sbarrier.arrive $0xFFFF  }
0x366: {  	s4 =	simm.s32 $0x1C200;
	s15 =	rddreg [dreg:$0x5]  }
0x367: {  	[tilespmem:s4], [sflag:$0x1] =	stream.strided.gather [spmem:s15], $0x100, s2, s12, $0x38;
	[tilespmem:$0x1C580] =	vst v63  }
0x368: {  	_ =	swait.ge [sflag:s13], $0x100  }
0x369: {  	[sflag:s13] =	ssyncset.done $0x0  }
0x36a: {  	[sflag:s13] =	ssyncadd.s32 $0xFFFFFF00  }
0x36b: {  	v5 =	vld [tilespmem:$0x1C200]  }
0x36c: {  	v6 =	vld [tilespmem:$0x1C210]  }
0x36d: {  	v7 =	vld [tilespmem:$0x1C220]  }
0x36e: {  	v8 =	vld [tilespmem:$0x1C230]  }
0x36f: {  	v9 =	vld [tilespmem:$0x1C240]  }
0x370: {  	[tilespmem:$0x1C300] =	vst v5;
	v5 =	vld [tilespmem:$0x1C250]  }
0x371: {  	[tilespmem:$0x1C310] =	vst v6;
	v6 =	vld [tilespmem:$0x1C260]  }
0x372: {  	[tilespmem:$0x1C320] =	vst v7;
	v7 =	vld [tilespmem:$0x1C270]  }
0x373: {  	[tilespmem:$0x1C330] =	vst v8;
	v8 =	vld [tilespmem:$0x1C280]  }
0x374: {  	[tilespmem:$0x1C340] =	vst v9;
	v9 =	vld [tilespmem:$0x1C290]  }
0x375: {  	[tilespmem:$0x1C350] =	vst v5;
	v5 =	vld [tilespmem:$0x1C2A0]  }
0x376: {  	[tilespmem:$0x1C360] =	vst v6;
	v6 =	vld [tilespmem:$0x1C2B0]  }
0x377: {  	[tilespmem:$0x1C370] =	vst v7;
	v7 =	vld [tilespmem:$0x1C2C0]  }
0x378: {  	[tilespmem:$0x1C380] =	vst v8;
	v8 =	vld [tilespmem:$0x1C2D0]  }
0x379: {  	[tilespmem:$0x1C390] =	vst v9;
	v9 =	vld [tilespmem:$0x1C2E0]  }
0x37a: {  	[tilespmem:$0x1C3A0] =	vst v5;
	v5 =	vld [tilespmem:$0x1C2F0]  }
0x37b: {  	[tilespmem:$0x1C3B0] =	vst v6  }
0x37c: {  	[tilespmem:$0x1C3C0] =	vst v7  }
0x37d: {  	[tilespmem:$0x1C3D0] =	vst v8  }
0x37e: {  	[tilespmem:$0x1C3E0] =	vst v9  }
0x37f: {  	s16 =	rddreg [dreg:$0x7];
	[tilespmem:$0x1C3F0] =	vst v5  }
0x380: {  	[tilespmem:s4], [sflag:$0x1] =	stream.strided.gather [spmem:s16], $0x100, s2, s12, $0x38;
	[tilespmem:$0x1C580] =	vst v63  }
0x381: {  	_ =	swait.ge [sflag:s13], $0x100  }
0x382: {  	[sflag:s13] =	ssyncset.done $0x0  }
0x383: {  	[sflag:s13] =	ssyncadd.s32 $0xFFFFFF00  }
0x384: {  	v5 =	vld [tilespmem:$0x1C200]  }
0x385: {  	v6 =	vld [tilespmem:$0x1C300]  }
0x386: {  	v7 =	vld [tilespmem:$0x1C210]  }
0x387: {  	v8 =	vld [tilespmem:$0x1C310]  }
0x388: {  	v9 =	vld [tilespmem:$0x1C220]  }
0x389: {  	v10 =	vld [tilespmem:$0x1C320]  }
0x38a: {  	v11 =	vld [tilespmem:$0x1C230]  }
0x38b: {  	v12 =	vld [tilespmem:$0x1C330]  }
0x38c: {  	v13 =	vld [tilespmem:$0x1C240]  }
0x38d: {  	v14 =	vld [tilespmem:$0x1C340]  }
0x38e: {  	v15 =	vld [tilespmem:$0x1C250]  }
0x38f: {  	v16 =	vld [tilespmem:$0x1C350]  }
0x390: {  	v17 =	vld [tilespmem:$0x1C260]  }
0x391: {  	v18 =	vld [tilespmem:$0x1C360]  }
0x392: {  	v19 =	vld [tilespmem:$0x1C270]  }
0x393: {  	v20 =	vld [tilespmem:$0x1C370]  }
0x394: {  	v21 =	vld [tilespmem:$0x1C280]  }
0x395: {  	v22 =	vld [tilespmem:$0x1C380]  }
0x396: {  	v23 =	vld [tilespmem:$0x1C290]  }
0x397: {  	v24 =	vld [tilespmem:$0x1C390]  }
0x398: {  	v25 =	vld [tilespmem:$0x1C2A0]  }
0x399: {  	v5 =	vadd.s32 v5, v6;
	v6 =	vld [tilespmem:$0x1C3A0]  }
0x39a: {  	[tilespmem:$0x1C300] =	vst v5;
	v5 =	vadd.s32 v7, v8;
	v7 =	vld [tilespmem:$0x1C2B0]  }
0x39b: {  	v8 =	vld [tilespmem:$0x1C3B0];
	[tilespmem:$0x1C310] =	vst v5;
	v5 =	vadd.s32 v9, v10  }
0x39c: {  	v9 =	vld [tilespmem:$0x1C2C0];
	[tilespmem:$0x1C320] =	vst v5;
	v5 =	vadd.s32 v11, v12  }
0x39d: {  	v10 =	vld [tilespmem:$0x1C3C0];
	[tilespmem:$0x1C330] =	vst v5;
	v5 =	vadd.s32 v13, v14  }
0x39e: {  	v11 =	vld [tilespmem:$0x1C2D0];
	[tilespmem:$0x1C340] =	vst v5;
	v5 =	vadd.s32 v15, v16  }
0x39f: {  	v12 =	vld [tilespmem:$0x1C3D0];
	[tilespmem:$0x1C350] =	vst v5;
	v5 =	vadd.s32 v17, v18  }
0x3a0: {  	v13 =	vld [tilespmem:$0x1C2E0];
	[tilespmem:$0x1C360] =	vst v5;
	v5 =	vadd.s32 v19, v20  }
0x3a1: {  	v14 =	vld [tilespmem:$0x1C3E0];
	[tilespmem:$0x1C370] =	vst v5;
	v5 =	vadd.s32 v21, v22  }
0x3a2: {  	v15 =	vld [tilespmem:$0x1C2F0];
	[tilespmem:$0x1C380] =	vst v5;
	v5 =	vadd.s32 v23, v24  }
0x3a3: {  	[tilespmem:$0x1C390] =	vst v5;
	v5 =	vadd.s32 v25, v6;
	v6 =	vld [tilespmem:$0x1C3F0]  }
0x3a4: {  	[tilespmem:$0x1C3A0] =	vst v5;
	v5 =	vadd.s32 v7, v8  }
0x3a5: {  	[tilespmem:$0x1C3B0] =	vst v5;
	v5 =	vadd.s32 v9, v10  }
0x3a6: {  	[tilespmem:$0x1C3C0] =	vst v5;
	v5 =	vadd.s32 v11, v12  }
0x3a7: {  	[tilespmem:$0x1C3D0] =	vst v5;
	v5 =	vadd.s32 v13, v14  }
0x3a8: {  	[tilespmem:$0x1C3E0] =	vst v5;
	v5 =	vadd.s32 v15, v6  }
0x3a9: {  	s17 =	rddreg [dreg:$0x8];
	[tilespmem:$0x1C3F0] =	vst v5  }
0x3aa: {  	[tilespmem:s4], [sflag:$0x1] =	stream.strided.gather [spmem:s17], $0x100, s2, s12, $0x38;
	[tilespmem:$0x1C580] =	vst v63  }
0x3ab: {  	_ =	swait.ge [sflag:s13], $0x100  }
0x3ac: {  	[sflag:s13] =	ssyncset.done $0x0  }
0x3ad: {  	[sflag:s13] =	ssyncadd.s32 $0xFFFFFF00  }
0x3ae: {  	v5 =	vld [tilespmem:$0x1C200]  }
0x3af: {  	v6 =	vld [tilespmem:$0x1C300]  }
0x3b0: {  	v7 =	vld [tilespmem:$0x1C210]  }
0x3b1: {  	v8 =	vld [tilespmem:$0x1C310]  }
0x3b2: {  	v9 =	vld [tilespmem:$0x1C220]  }
0x3b3: {  	v10 =	vld [tilespmem:$0x1C320]  }
0x3b4: {  	v11 =	vld [tilespmem:$0x1C230]  }
0x3b5: {  	v12 =	vld [tilespmem:$0x1C330]  }
0x3b6: {  	v13 =	vld [tilespmem:$0x1C240]  }
0x3b7: {  	v14 =	vld [tilespmem:$0x1C340]  }
0x3b8: {  	v15 =	vld [tilespmem:$0x1C250]  }
0x3b9: {  	v16 =	vld [tilespmem:$0x1C350]  }
0x3ba: {  	v17 =	vld [tilespmem:$0x1C260]  }
0x3bb: {  	v48 =	vld [tilespmem:$0x1C360]  }
0x3bc: {  	v49 =	vld [tilespmem:$0x1C270]  }
0x3bd: {  	v50 =	vld [tilespmem:$0x1C370]  }
0x3be: {  	v51 =	vld [tilespmem:$0x1C280]  }
0x3bf: {  	v52 =	vld [tilespmem:$0x1C380]  }
0x3c0: {  	v53 =	vld [tilespmem:$0x1C290]  }
0x3c1: {  	v54 =	vld [tilespmem:$0x1C390]  }
0x3c2: {  	v55 =	vld [tilespmem:$0x1C2A0]  }
0x3c3: {  	v5 =	vadd.s32 v5, v6;
	v6 =	vld [tilespmem:$0x1C3A0]  }
0x3c4: {  	[tilespmem:$0x1C300] =	vst v5;
	v5 =	vadd.s32 v7, v8;
	v7 =	vld [tilespmem:$0x1C2B0]  }
0x3c5: {  	v8 =	vld [tilespmem:$0x1C3B0];
	[tilespmem:$0x1C310] =	vst v5;
	v5 =	vadd.s32 v9, v10  }
0x3c6: {  	v9 =	vld [tilespmem:$0x1C2C0];
	[tilespmem:$0x1C320] =	vst v5;
	v5 =	vadd.s32 v11, v12  }
0x3c7: {  	v10 =	vld [tilespmem:$0x1C3C0];
	[tilespmem:$0x1C330] =	vst v5;
	v5 =	vadd.s32 v13, v14  }
0x3c8: {  	v11 =	vld [tilespmem:$0x1C2D0];
	[tilespmem:$0x1C340] =	vst v5;
	v5 =	vadd.s32 v15, v16  }
0x3c9: {  	v12 =	vld [tilespmem:$0x1C3D0];
	[tilespmem:$0x1C350] =	vst v5;
	v5 =	vadd.s32 v17, v48  }
0x3ca: {  	v13 =	vld [tilespmem:$0x1C2E0];
	[tilespmem:$0x1C360] =	vst v5;
	v5 =	vadd.s32 v49, v50  }
0x3cb: {  	v14 =	vld [tilespmem:$0x1C3E0];
	[tilespmem:$0x1C370] =	vst v5;
	v5 =	vadd.s32 v51, v52  }
0x3cc: {  	v15 =	vld [tilespmem:$0x1C2F0];
	[tilespmem:$0x1C380] =	vst v5;
	v5 =	vadd.s32 v53, v54  }
0x3cd: {  	[tilespmem:$0x1C390] =	vst v5;
	v5 =	vadd.s32 v55, v6;
	v6 =	vld [tilespmem:$0x1C3F0]  }
0x3ce: {  	[tilespmem:$0x1C3A0] =	vst v5;
	v5 =	vadd.s32 v7, v8  }
0x3cf: {  	[tilespmem:$0x1C3B0] =	vst v5;
	v5 =	vadd.s32 v9, v10  }
0x3d0: {  	[tilespmem:$0x1C3C0] =	vst v5;
	v5 =	vadd.s32 v11, v12  }
0x3d1: {  	[tilespmem:$0x1C3D0] =	vst v5;
	v5 =	vadd.s32 v13, v14  }
0x3d2: {  	[tilespmem:$0x1C3E0] =	vst v5;
	v5 =	vadd.s32 v15, v6  }
0x3d3: {  	s20 =	rddreg [dreg:$0x9];
	[tilespmem:$0x1C3F0] =	vst v5  }
0x3d4: {  	[tilespmem:s4], [sflag:$0x1] =	stream.strided.gather [spmem:s20], $0x100, s2, s12, $0x38;
	[tilespmem:$0x1C580] =	vst v63  }
0x3d5: {  	_ =	swait.ge [sflag:s13], $0x100  }
0x3d6: {  	[sflag:s13] =	ssyncset.done $0x0  }
0x3d7: {  	[sflag:s13] =	ssyncadd.s32 $0xFFFFFF00  }
0x3d8: {  	v5 =	vld [tilespmem:$0x1C200]  }
0x3d9: {  	v6 =	vld [tilespmem:$0x1C300]  }
0x3da: {  	v7 =	vld [tilespmem:$0x1C210]  }
0x3db: {  	v8 =	vld [tilespmem:$0x1C310]  }
0x3dc: {  	v9 =	vld [tilespmem:$0x1C220]  }
0x3dd: {  	v10 =	vld [tilespmem:$0x1C320]  }
0x3de: {  	v11 =	vld [tilespmem:$0x1C230]  }
0x3df: {  	v12 =	vld [tilespmem:$0x1C330]  }
0x3e0: {  	v13 =	vld [tilespmem:$0x1C240]  }
0x3e1: {  	v14 =	vld [tilespmem:$0x1C340]  }
0x3e2: {  	v15 =	vld [tilespmem:$0x1C250]  }
0x3e3: {  	v16 =	vld [tilespmem:$0x1C350]  }
0x3e4: {  	v17 =	vld [tilespmem:$0x1C260]  }
0x3e5: {  	v56 =	vld [tilespmem:$0x1C360]  }
0x3e6: {  	v57 =	vld [tilespmem:$0x1C270]  }
0x3e7: {  	v58 =	vld [tilespmem:$0x1C370]  }
0x3e8: {  	v59 =	vld [tilespmem:$0x1C280]  }
0x3e9: {  	v60 =	vld [tilespmem:$0x1C380]  }
0x3ea: {  	v61 =	vld [tilespmem:$0x1C290]  }
0x3eb: {  	v62 =	vld [tilespmem:$0x1C390]  }
0x3ec: {  	v63 =	vld [tilespmem:$0x1C2A0]  }
0x3ed: {  	v5 =	vadd.s32 v5, v6;
	v6 =	vld [tilespmem:$0x1C3A0]  }
0x3ee: {  	[tilespmem:$0x1C300] =	vst v5;
	v5 =	vadd.s32 v7, v8;
	v7 =	vld [tilespmem:$0x1C2B0]  }
0x3ef: {  	v8 =	vld [tilespmem:$0x1C3B0];
	[tilespmem:$0x1C310] =	vst v5;
	v5 =	vadd.s32 v9, v10  }
0x3f0: {  	v9 =	vld [tilespmem:$0x1C2C0];
	[tilespmem:$0x1C320] =	vst v5;
	v5 =	vadd.s32 v11, v12  }
0x3f1: {  	v10 =	vld [tilespmem:$0x1C3C0];
	[tilespmem:$0x1C330] =	vst v5;
	v5 =	vadd.s32 v13, v14  }
0x3f2: {  	v11 =	vld [tilespmem:$0x1C2D0];
	[tilespmem:$0x1C340] =	vst v5;
	v5 =	vadd.s32 v15, v16  }
0x3f3: {  	v12 =	vld [tilespmem:$0x1C3D0];
	[tilespmem:$0x1C350] =	vst v5;
	v5 =	vadd.s32 v17, v56  }
0x3f4: {  	v13 =	vld [tilespmem:$0x1C2E0];
	[tilespmem:$0x1C360] =	vst v5;
	v5 =	vadd.s32 v57, v58  }
0x3f5: {  	v14 =	vld [tilespmem:$0x1C3E0];
	[tilespmem:$0x1C370] =	vst v5;
	v5 =	vadd.s32 v59, v60  }
0x3f6: {  	v15 =	vld [tilespmem:$0x1C2F0];
	[tilespmem:$0x1C380] =	vst v5;
	v5 =	vadd.s32 v61, v62  }
0x3f7: {  	[tilespmem:$0x1C390] =	vst v5;
	v5 =	vadd.s32 v63, v6;
	v6 =	vld [tilespmem:$0x1C3F0]  }
0x3f8: {  	[tilespmem:$0x1C3A0] =	vst v5;
	v5 =	vadd.s32 v7, v8  }
0x3f9: {  	[tilespmem:$0x1C3B0] =	vst v5;
	v5 =	vadd.s32 v9, v10  }
0x3fa: {  	[tilespmem:$0x1C3C0] =	vst v5;
	v5 =	vadd.s32 v11, v12  }
0x3fb: {  	[tilespmem:$0x1C3D0] =	vst v5;
	v5 =	vadd.s32 v13, v14  }
0x3fc: {  	[tilespmem:$0x1C3E0] =	vst v5;
	v5 =	vadd.s32 v15, v6  }
0x3fd: {  	[tilespmem:$0x1C3F0] =	vst v5  }
0x3fe: {  	s21 =	simm.s32 $0x1C3F0;
	[bflag:$0x0] =	sbarrier.arrive $0xFFFF  }
0x3ff: {  	v6 =	vld [tilespmem:s21+$0x0];
	_ =	sdelay $0x4  }
0x400: {  	(xrf0) =	vadd.scan.msk.s32 $0xffff, v6;
	_ =	sdelay $0x2  }
0x401: {  	s22 =	simm.s32 $0x1C3E0  }
0x402: {  	v12 =	vld [tilespmem:s22+$0x0];
	_ =	sdelay $0x1  }
0x403: {  	v5, _, _ =	vpop (xrf0)  }
0x404: {  	(v2sf) =	vpush v5, $0xF  }
0x405: {  	v7 =	vbroadcast v5, $0xF  }
0x406: {  	(xrf0) =	vadd.scan.msk.s32 $0xffff, v12  }
0x407: {  	v5 =	vsub.s32 v7, v5  }
0x408: {  	s23 =	ssub.s32 $0x12000, s19;
	s24 =	simm.s32 $0x0;
	v8 =	vadd.s32 v6, v5  }
0x409: {  	v5 =	vmov s23;
	v7 =	vadd.s32 s24, v8  }
0x40a: {  	vm0 =	vge.s32 v7, v5  }
0x40b: {  	v7 =	vnsel vm0, $0x7FFFFFFF, v4  }
0x40c: {  	v9, _, _ =	vpop (xrf0);
	(xrf0) =	vmax.scan.msk.u32 $0xffff, v7  }
0x40d: {  	s25 =	simm.s32 $0x1C3D0;
	(v2sf) =	vpush v9, $0xF  }
0x40e: {  	v13 =	vld [tilespmem:s25+$0x0];
	v7 =	vsel vm0, $0x1, v0  }
0x40f: {  	v7 =	vor.u32 $0x80000000, v7;
	_ =	sdelay $0x1  }
0x410: {  	v10 =	vbroadcast v9, $0xF  }
0x411: {  	(xrf0) =	vmax.scan.msk.u32 $0xffff, v7;
	v7, _, _ =	vpop (xrf0)  }
0x412: {  	(xrf0) =	vadd.scan.msk.s32 $0xffff, v13;
	(v2sf) =	vpush v7, $0xF;
	v7 =	vsub.s32 v10, v9;
	s26 =	spop (v2sf)  }
0x413: {  	v14 =	vadd.s32 v12, v7;
	s24 =	sadd.s32 $0x0, s26  }
0x414: {  	v7 =	vadd.s32 s24, v14  }
0x415: {  	s1 =	simm.s32 $0x1C3C0  }
0x416: {  	v9 =	vld [tilespmem:s1+$0x0]  }
0x417: {  	vm8 =	vge.s32 v7, v5;
	v7, _, _ =	vpop (xrf0)  }
0x418: {  	v10 =	vsel vm8, $0x1, v0;
	v11 =	vnsel vm8, $0x7FFFFFFF, v4;
	(v2sf) =	vpush v7, $0xF;
	v7, _, _ =	vpop (xrf0)  }
0x419: {  	v10 =	vor.u32 $0x80000000, v10;
	(xrf0) =	vmax.scan.msk.u32 $0xffff, v11;
	v11 =	vbroadcast v7, $0xF  }
0x41a: {  	(xrf0) =	vmax.scan.msk.u32 $0xffff, v10  }
0x41b: {  	s2 =	spop (v2sf);
	(v2sf) =	vpush v7, $0xF;
	(xrf0) =	vadd.scan.msk.s32 $0xffff, v9;
	v7 =	vsub.s32 v11, v7  }
0x41c: {  	s25 =	sadd.s32 s24, s2;
	v15 =	vadd.s32 v13, v7  }
0x41d: {  	v10 =	vadd.s32 s25, v15;
	_ =	sdelay $0x1  }
0x41e: {  	v11, _, _ =	vpop (xrf0);
	vm9 =	vge.s32 v10, v5  }
0x41f: {  	s3 =	simm.s32 $0x1C3B0;
	(v2sf) =	vpush v11, $0xF;
	v16 =	vnsel vm9, $0x7FFFFFFF, v4;
	v10, _, _ =	vpop (xrf0)  }
0x420: {  	v7 =	vld [tilespmem:s3+$0x0];
	(xrf0) =	vmax.scan.msk.u32 $0xffff, v16;
	(v2sf) =	vpush v10, $0xF;
	v10, _, _ =	vpop (xrf0)  }
0x421: {  	(v2sf) =	vpush v10, $0xF  }
0x422: {  	v11 =	vsel vm9, $0x1, v0;
	s4 =	spop (v2sf)  }
0x423: {  	v11 =	vor.u32 $0x80000000, v11;
	s6 =	sxor.u32 $0x80000000, s4  }
0x424: {  	(xrf0) =	vmax.scan.msk.u32 $0xffff, v11;
	v11 =	vmov s6  }
0x425: {  	(xrf0) =	vadd.scan.msk.s32 $0xffff, v7;
	vm10 =	veq.s32 v11, v1  }
0x426: {  	v8 =	vnsel vm10, $0x0, v8;
	v16, _, _ =	vpop (xrf0)  }
0x427: {  	v11 =	vbroadcast v10, $0xF;
	(xrf0) =	vadd.scan.msk.s32 $0xffff, v8;
	(v2sf) =	vpush v16, $0xF  }
0x428: {  	v6 =	vnsel vm10, $0x0, v6;
	s7 =	spop (v2sf)  }
0x429: {  	(xrf0) =	vadd.scan.msk.s32 $0xffff, v6;
	v6 =	vsub.s32 v11, v10;
	s8 =	spop (v2sf)  }
0x42a: {  	v8, _, _ =	vpop (xrf0);
	v11 =	vadd.s32 v9, v6;
	s26 =	sadd.s32 s25, s8  }
0x42b: {  	s9 =	simm.s32 $0x1C3A0;
	(v2sf) =	vpush v8, $0xF;
	v8, _, _ =	vpop (xrf0);
	v10 =	vadd.s32 s26, v11  }
0x42c: {  	v6 =	vld [tilespmem:s9+$0x0];
	(v2sf) =	vpush v8, $0xF;
	vm11 =	vge.s32 v10, v5  }
0x42d: {  	v17, _, _ =	vpop (xrf0);
	v10 =	vsel vm11, $0x1, v0;
	v16 =	vnsel vm11, $0x7FFFFFFF, v4  }
0x42e: {  	(v2sf) =	vpush v17, $0xF;
	v17 =	vbroadcast v8, $0xF;
	v10 =	vor.u32 $0x80000000, v10;
	(xrf0) =	vmax.scan.msk.u32 $0xffff, v16;
	s10 =	spop (v2sf)  }
0x42f: {  	(xrf0) =	vmax.scan.msk.u32 $0xffff, v10;
	s11 =	sxor.u32 $0x80000000, s10;
	s12 =	spop (v2sf)  }
0x430: {  	v8 =	vsub.s32 v17, v8;
	v10 =	vmov s11;
	s13 =	spop (v2sf)  }
0x431: {  	v16, _, _ =	vpop (xrf0);
	(xrf0) =	vadd.scan.msk.s32 $0xffff, v6;
	vm12 =	veq.s32 v10, v1;
	v10 =	vadd.s32 v7, v8;
	s28 =	sadd.s32 s26, s13  }
0x432: {  	(v2sf) =	vpush v16, $0xF;
	v14 =	vnsel vm12, $0x0, v14;
	v16 =	vadd.s32 s28, v10  }
0x433: {  	vm13 =	vge.s32 v16, v5  }
0x434: {  	v12 =	vnsel vm12, $0x0, v12;
	(xrf0) =	vadd.scan.msk.s32 $0xffff, v14;
	v17, _, _ =	vpop (xrf0);
	v16 =	vnsel vm13, $0x7FFFFFFF, v4  }
0x435: {  	v14, _, _ =	vpop (xrf0);
	(xrf0) =	vadd.scan.msk.s32 $0xffff, v12  }
0x436: {  	s5 =	simm.s32 $0x1C390;
	v12 =	vsel vm13, $0x1, v0;
	s15 =	spop (v2sf)  }
0x437: {  	v8 =	vld [tilespmem:s5+$0x0];
	(xrf0) =	vmax.scan.msk.u32 $0xffff, v16;
	v12 =	vor.u32 $0x80000000, v12;
	(v2sf) =	vpush v17, $0xF;
	s16 =	sxor.u32 $0x80000000, s15;
	v16, _, _ =	vpop (xrf0)  }
0x438: {  	p1 =	por $0x1, $0x1;
	s19 =	simm.s32 $0x0;
	s31 =	simm.s32 $0x80000090;
	(xrf0) =	vmax.scan.msk.u32 $0xffff, v12;
	(v2sf) =	vpush v14, $0xF;
	v14 =	vmov s16;
	v12 =	vbroadcast v16, $0xF  }
0x439: {  	s29 =	simm.s32 $0x0;
	s30 =	simm.s32 $0x80000080;
	p2 =	seq.s32 s7, $0x80000001  }
0x43a: {  	s0 =	simm.s32 $0x800000A0;
	p1 =	por !p1, !p2;
	s17 =	spop (v2sf);
	(v2sf) =	vpush v16, $0xF;
	v12 =	vsub.s32 v12, v16;
	v16, _, _ =	vpop (xrf0)  }
0x43b: {  	[dreg:$0x11] =	wrdreg s23;
	p1 =	por !p1, !p1;
	s20 =	spop (v2sf);
	vm14 =	veq.s32 v14, v1;
	(v2sf) =	vpush v16, $0xF;
	v14, _, _ =	vpop (xrf0)  }
0x43c: {  	s3 =	simm.s32 $0x800000B0;
	s1 =	sadd.s32 $0x800000F0, s4;
	s29 =	simm.s32 @p1 $0x1;
	(xrf0) =	vadd.scan.msk.s32 $0xffff, v8;
	(v2sf) =	vpush v14, $0xF  }
0x43d: {  	s6 =	simm.s32 $0x80000070;
	p5 =	seq.s32 s29, $0x0;
	p3 =	seq.s32 s12, $0x80000001  }
0x43e: {  	s19 =	smov.u32 @p1 s1;
	p1 =	por p1, p1;
	p2 =	por !p5, !p3;
	v15 =	vnsel vm14, $0x0, v15  }
0x43f: {  	s2 =	sadd.s32 $0x800000E0, s10;
	p3 =	por p1, p1;
	p2 =	por !p2, !p2  }
0x440: {  	s29 =	simm.s32 @p2 $0x1;
	s19 =	smov.u32 @p2 s2;
	s1 =	sadd.s32 s28, s20;
	v12 =	vadd.s32 v6, v12;
	v14, _, _ =	vpop (xrf0)  }
0x441: {  	p1 =	por p2, p2;
	p6 =	seq.s32 s29, $0x0;
	p4 =	seq.s32 s17, $0x80000001;
	(xrf0) =	vadd.scan.msk.s32 $0xffff, v15;
	v16 =	vadd.s32 s1, v12;
	v15, _, _ =	vpop (xrf0);
	(v2sf) =	vpush v14, $0xF  }
0x442: {  	s2 =	simm.s32 $0x1C380;
	p4 =	por !p6, !p4;
	v13 =	vnsel vm14, $0x0, v13;
	s21 =	spop (v2sf);
	vm15 =	vge.s32 v16, v5;
	(v2sf) =	vpush v15, $0xF;
	v14, _, _ =	vpop (xrf0)  }
0x443: {  	s4 =	sadd.s32 $0x800000D0, s15;
	p2 =	por !p4, !p4;
	(xrf0) =	vadd.scan.msk.s32 $0xffff, v13;
	v13 =	vsel vm15, $0x1, v0;
	v16 =	vnsel vm15, $0x7FFFFFFF, v4;
	s23 =	spop (v2sf);
	(v2sf) =	vpush v14, $0xF  }
0x444: {  	s9 =	simm.s32 $0x800000C0;
	s19 =	smov.u32 @p2 s4;
	s22 =	sadd.s32 $0x0, s21;
	v17 =	vor.u32 $0x80000000, v13;
	(xrf0) =	vmax.scan.msk.u32 $0xffff, v16;
	v13 =	vld [tilespmem:s2+$0x0]  }
0x445: {  	s29 =	simm.s32 @p2 $0x1;
	v15 =	vbroadcast v14, $0xF;
	s15 =	ssub.s32 s22, s23;
	s23 =	simm.s32 $0x0;
	(xrf0) =	vmax.scan.msk.u32 $0xffff, v17  }
.LBB2_19:
0x446: {  	s7 =	spop (v2sf);
	s23 =	smov.u32 @p3 s15  }
0x447: {  	s8 =	smov.u32 s6;
	s4 =	sadd.s32 $0xFFFFFFF0, s6;
	s5 =	smov.u32 s28  }
0x448: {  	s28 =	smov.u32 s1;
	p3 =	por p1, p1;
	p1 =	por p2, p2  }
0x449: {  	p4 =	sne.s32 s6, $0x80000000;
	(xrf0) =	vadd.scan.msk.s32 $0xffff, v13;
	s6 =	sxor.u32 $0x80000000, s7;
	s10 =	spop (v2sf);
	v16, _, _ =	vpop (xrf0);
	v17 =	vmov v13  }
0x44a: {  	p2 =	seq.s32 s29, $0x0;
	v18 =	vmov s6;
	p5 =	seq.s32 s10, $0x80000001;
	(v2sf) =	vpush v16, $0xF;
	v16, _, _ =	vpop (xrf0)  }
0x44b: {  	v14 =	vsub.s32 v15, v14;
	s2 =	sadd.s32 $0xFFFFFFF0, s2;
	s6 =	spop (v2sf);
	vm0 =	veq.s32 v18, v1;
	p2 =	por !p2, !p5;
	(v2sf) =	vpush v16, $0xF  }
0x44c: {  	v15 =	vadd.s32 v8, v14;
	s1 =	sadd.s32 s1, s6;
	v13, _, _ =	vpop (xrf0);
	v18 =	vnsel vm0, $0x0, v11;
	v9 =	vnsel vm0, $0x0, v9;
	p2 =	por !p2, !p2;
	s6 =	sadd.s32 s9, s7  }
0x44d: {  	s9 =	smov.u32 s3;
	v19 =	vadd.s32 s1, v15;
	v16, _, _ =	vpop (xrf0);
	(v2sf) =	vpush v13, $0xF;
	s19 =	smov.u32 @p2 s6;
	s29 =	simm.s32 @p2 $0x1;
	(xrf0) =	vadd.scan.msk.s32 $0xffff, v18  }
.Ltmp9:
0x44e: {  	v11 =	vmovc v10;
	v10 =	vmov v12;
	s3 =	smov.u32 s0;
	s0 =	smov.u32 s31;
	v13 =	vld [tilespmem:s2+$0x0];
	vm0 =	vge.s32 v19, v5;
	(v2sf) =	vpush v16, $0xF;
	(xrf0) =	vadd.scan.msk.s32 $0xffff, v9;
	(pc) =	sbr.rel @p4 .LBB2_19-.Ltmp9, $4  }
0x44f: {  	s6 =	spop (v2sf)  }
0x450: {  	v12 =	vmov v15;
	s31 =	smov.u32 s30;
	s30 =	smov.u32 s8;
	v14, _, _ =	vpop (xrf0);
	v19 =	vsel vm0, $0x1, v0;
	v16 =	vnsel vm0, $0x7FFFFFFF, v4;
	s6 =	sadd.s32 s24, s6  }
0x451: {  	v9 =	vmovc v7;
	v15 =	vbroadcast v14, $0xF;
	(v2sf) =	vpush v14, $0xF;
	v18 =	vor.u32 $0x80000000, v19;
	(xrf0) =	vmax.scan.msk.u32 $0xffff, v16;
	s7 =	spop (v2sf);
	s24 =	smov.u32 s25;
	s25 =	smov.u32 s26  }
0x452: {  	v7 =	vmovc v6;
	v6 =	vmov v8;
	v8 =	vmov v17;
	s26 =	smov.u32 s5;
	(xrf0) =	vmax.scan.msk.u32 $0xffff, v18;
	s15 =	ssub.s32 s6, s7;
	s6 =	smov.u32 s4  }
0x453: {  	_ =	sdelay $0x3  }
0x454: {  	(xrf0) =	vadd.scan.msk.s32 $0xffff, v13;
	_ =	sdelay $0x1  }
0x455: {  	s5 =	spop (v2sf);
	v16, _, _ =	vpop (xrf0)  }
0x456: {  	s2 =	spop (v2sf);
	v17, _, _ =	vpop (xrf0)  }
0x457: {  	s4 =	spop (v2sf);
	v54, _, _ =	vpop (xrf0)  }
0x458: {  	v14 =	vsub.s32 v15, v14;
	s17 =	sxor.u32 $0x80000000, s5;
	v19, _, _ =	vpop (xrf0);
	s20 =	spop (v2sf)  }
0x459: {  	v14 =	vadd.s32 v8, v14;
	(v2sf) =	vpush v16, $0xF;
	v18 =	vmov s17;
	s12 =	sadd.s32 s1, s4;
	v20, _, _ =	vpop (xrf0);
	s21 =	spop (v2sf)  }
0x45a: {  	vm0 =	veq.s32 v18, v1;
	v55 =	vadd.s32 s12, v14;
	v56 =	vbroadcast v20, $0xF;
	s7 =	spop (v2sf)  }
0x45b: {  	(v2sf) =	vpush v17, $0xF;
	v11 =	vnsel vm0, $0x0, v11;
	vm1 =	vge.s32 v55, v5;
	[dreg:$0x16] =	wrdreg s21;
	s21 =	spop (v2sf)  }
0x45c: {  	v9 =	vnsel vm0, $0x0, v9;
	(xrf0) =	vadd.scan.msk.s32 $0xffff, v11;
	v57 =	vsel vm1, $0x1, v0;
	v18 =	vsub.s32 v56, v20;
	s22 =	sxor.u32 $0x80000000, s7;
	s4 =	spop (v2sf)  }
0x45d: {  	[dreg:$0x1c] =	wrdreg s2;
	(xrf0) =	vadd.scan.msk.s32 $0xffff, v9;
	v58 =	vnsel vm1, $0x7FFFFFFF, v4;
	v61 =	vadd.s32 v13, v18;
	v59 =	vmov s22;
	s2 =	sadd.s32 s12, s4  }
0x45e: {  	(xrf0) =	vmax.scan.msk.u32 $0xffff, v58;
	v60 =	vor.u32 $0x80000000, v57;
	vm11 =	veq.s32 v59, v1;
	v63 =	vadd.s32 s2, v61  }
0x45f: {  	(xrf0) =	vmax.scan.msk.u32 $0xffff, v60;
	v62 =	vnsel vm11, $0x0, v10;
	v7 =	vnsel vm11, $0x0, v7;
	vm12 =	vge.s32 v63, v5  }
0x460: {  	(v2sf) =	vpush v54, $0xF;
	(xrf0) =	vadd.scan.msk.s32 $0xffff, v62;
	v5 =	vnsel vm12, $0x7FFFFFFF, v4  }
0x461: {  	(v2sf) =	vpush v19, $0xF;
	(xrf0) =	vadd.scan.msk.s32 $0xffff, v7  }
0x462: {  	(v2sf) =	vpush v20, $0xF;
	v7, _, _ =	vpop (xrf0);
	(xrf0) =	vmax.scan.msk.u32 $0xffff, v5  }
0x463: {  	(v2sf) =	vpush v7, $0xF;
	v5, _, _ =	vpop (xrf0)  }
0x464: {  	(v2sf) =	vpush v5, $0xF;
	v5, _, _ =	vpop (xrf0)  }
0x465: {  	v7, _, _ =	vpop (xrf0);
	(v2sf) =	vpush v5, $0xF  }
0x466: {  	(v2sf) =	vpush v7, $0xF;
	v5, _, _ =	vpop (xrf0)  }
0x467: {  	(v2sf) =	vpush v5, $0xF;
	v5, _, _ =	vpop (xrf0)  }
0x468: {  	(v2sf) =	vpush v5, $0xF;
	v5, _, _ =	vpop (xrf0)  }
0x469: {  	(v2sf) =	vpush v5, $0xF;
	_ =	sdelay $0x3  }
0x46a: {  	s10 =	spop (v2sf)  }
0x46b: {  	s11 =	spop (v2sf)  }
0x46c: {  	s4 =	spop (v2sf)  }
0x46d: {  	s8 =	spop (v2sf)  }
0x46e: {  	s6 =	spop (v2sf)  }
0x46f: {  	s13 =	spop (v2sf)  }
0x470: {  	[dreg:$0x19] =	wrdreg s20;
	s20 =	spop (v2sf)  }
0x471: {  	s17 =	spop (v2sf)  }
0x472: {  	s6 =	sxor.u32 $0x80000000, s4;
	v5 =	vsel vm12, $0x1, v0;
	s22 =	spop (v2sf)  }
0x473: {  	v7 =	vmov s6;
	v5 =	vor.u32 $0x80000000, v5;
	s6 =	spop (v2sf)  }
0x474: {  	(xrf0) =	vmax.scan.msk.u32 $0xffff, v5;
	[dreg:$0x1f] =	wrdreg s6;
	s6 =	sxor.u32 $0x80000000, s17;
	s16 =	spop (v2sf)  }
0x475: {  	v5 =	vmov s6;
	s6 =	spop (v2sf)  }
0x476: {  	[dreg:$0x13] =	wrdreg s2;
	vm13 =	veq.s32 v7, v1;
	s2 =	sxor.u32 $0x80000000, s6  }
0x477: {  	v7 =	vnsel vm13, $0x0, v12;
	vm14 =	veq.s32 v5, v1;
	v5 =	vmov s2  }
0x478: {  	p5 =	seq.s32 s29, $0x0;
	s23 =	smov.u32 @p3 s15;
	v6 =	vnsel vm13, $0x0, v6;
	(xrf0) =	vadd.scan.msk.s32 $0xffff, v7;
	[smem:$0x7FD] =	sst s16  }
0x479: {  	p1 =	por p1, p1;
	p2 =	por p2, p2;
	(xrf0) =	vadd.scan.msk.s32 $0xffff, v6;
	s16 =	rddreg [dreg:$0x1c];
	v6 =	vnsel vm14, $0x0, v14  }
0x47a: {  	s10 =	sadd.s32 s25, s10;
	s0 =	sadd.s32 s0, s4;
	p4 =	seq.s32 s16, $0x80000001;
	v7 =	vnsel vm14, $0x0, v8;
	(xrf0) =	vadd.scan.msk.s32 $0xffff, v6;
	vm15 =	veq.s32 v5, v1;
	v5, _, _ =	vpop (xrf0)  }
0x47b: {  	s16 =	rddreg [dreg:$0x1f];
	p4 =	por !p5, !p4;
	s2 =	sadd.s32 s9, s5;
	(xrf0) =	vadd.scan.msk.s32 $0xffff, v7;
	v6 =	vnsel vm15, $0x0, v61;
	(v2sf) =	vpush v5, $0xF;
	v5 =	vnsel vm15, $0x0, v13  }
0x47c: {  	s5 =	rddreg [dreg:$0x19];
	p5 =	seq.s32 s21, $0x80000001;
	p3 =	por !p4, !p4;
	(xrf0) =	vadd.scan.msk.s32 $0xffff, v6  }
0x47d: {  	s9 =	rddreg [dreg:$0x16];
	s19 =	smov.u32 @p3 s2;
	s29 =	simm.s32 @p3 $0x1;
	(xrf0) =	vadd.scan.msk.s32 $0xffff, v5  }
0x47e: {  	s2 =	sadd.s32 s24, s5;
	p3 =	por p3, p3;
	p6 =	seq.s32 s29, $0x0;
	v5, _, _ =	vpop (xrf0)  }
0x47f: {  	s2 =	ssub.s32 s2, s9;
	p3 =	por p3, p3;
	p4 =	por !p6, !p5;
	(v2sf) =	vpush v5, $0xF;
	v5, _, _ =	vpop (xrf0)  }
0x480: {  	s23 =	smov.u32 @p1 s2;
	s2 =	sadd.s32 s3, s7;
	p1 =	por !p4, !p4;
	(v2sf) =	vpush v5, $0xF;
	v5, _, _ =	vpop (xrf0)  }
0x481: {  	p5 =	seq.s32 s8, $0x80000001;
	s19 =	smov.u32 @p1 s2;
	s29 =	simm.s32 @p1 $0x1;
	(v2sf) =	vpush v5, $0xF;
	v5, _, _ =	vpop (xrf0)  }
0x482: {  	s2 =	ssub.s32 s10, s11;
	s11 =	sadd.s32 s26, s13;
	s13 =	simm.s32 $0x0;
	(v2sf) =	vpush v5, $0xF;
	v5, _, _ =	vpop (xrf0)  }
0x483: {  	p1 =	por p1, p1;
	p6 =	seq.s32 s29, $0x0;
	s15 =	sand.u32 $0x800, s13;
	(v2sf) =	vpush v5, $0xF;
	v5, _, _ =	vpop (xrf0)  }
0x484: {  	s3 =	sand.u32 $0x380, s13;
	p4 =	por !p6, !p5;
	p5 =	por p2, p2;
	(v2sf) =	vpush v5, $0xF  }
0x485: {  	p2 =	por !p4, !p4;
	s23 =	smov.u32 @p5 s2;
	s2 =	sor.u32 s3, s15  }
0x486: {  	s19 =	smov.u32 @p2 s0;
	s0 =	ssub.s32 s11, s20;
	s29 =	simm.s32 @p2 $0x1  }
0x487: {  	p4 =	seq.s32 s22, $0x80000001;
	s23 =	smov.u32 @p3 s0;
	p3 =	seq.s32 s29, $0x0  }
0x488: {  	[tilespmem:s2+$0x1B100] =	vst v0;
	s0 =	sadd.s32 $0x1B100, s2;
	s2 =	sadd.s32 s31, s17;
	s17 =	sld [smem:$0x7FD]  }
0x489: {  	p5 =	por p1, p1;
	p6 =	por p2, p2;
	p3 =	por !p3, !p4;
	[tilespmem:s0+$0x10] =	vst v0  }
0x48a: {  	s3 =	sadd.s32 s28, s16;
	p1 =	por p6, p6;
	[tilespmem:s0+$0x20] =	vst v0;
	p2 =	por !p3, !p3  }
0x48b: {  	[tilespmem:s0+$0x30] =	vst v0;
	s29 =	simm.s32 @p2 $0x1;
	s3 =	ssub.s32 s3, s17;
	s19 =	smov.u32 @p2 s2  }
0x48c: {  	[tilespmem:s0+$0x40] =	vst v0;
	p6 =	por p2, p2;
	s23 =	smov.u32 @p5 s3;
	s20 =	spop (v2sf)  }
0x48d: {  	[tilespmem:s0+$0x50] =	vst v0;
	p4 =	seq.s32 s29, $0x0;
	s3 =	sadd.s32 s30, s6;
	p5 =	seq.s32 s20, $0x80000001  }
0x48e: {  	[tilespmem:s0+$0x60] =	vst v0;
	s29 =	rddreg [dreg:$0x13];
	p3 =	por !p4, !p5;
	s21 =	spop (v2sf)  }
0x48f: {  	[tilespmem:s0+$0x70] =	vst v0;
	p2 =	por !p3, !p3;
	s22 =	sadd.s32 s1, s21;
	s24 =	spop (v2sf)  }
0x490: {  	[tilespmem:s0+$0x400] =	vst v0;
	s19 =	smov.u32 @p2 s3;
	s1 =	ssub.s32 s22, s24;
	s25 =	spop (v2sf)  }
0x491: {  	[tilespmem:s0+$0x410] =	vst v0;
	p2 =	por p2, p2;
	s23 =	smov.u32 @p1 s1;
	s26 =	spop (v2sf)  }
0x492: {  	[tilespmem:s0+$0x420] =	vst v0;
	p1 =	por p6, p6;
	s2 =	sadd.s32 s12, s25;
	s28 =	spop (v2sf)  }
0x493: {  	[tilespmem:s0+$0x430] =	vst v0;
	s1 =	ssub.s32 s2, s26;
	s2 =	sadd.s32 s29, s28;
	s30 =	spop (v2sf)  }
0x494: {  	[tilespmem:s0+$0x440] =	vst v0;
	s23 =	smov.u32 @p1 s1;
	p1 =	por p2, p2;
	s1 =	ssub.s32 s2, s30  }
0x495: {  	s31 =	simm.s32 $0x100;
	[tilespmem:s0+$0x450] =	vst v0;
	s23 =	smov.u32 @p1 s1;
	s1 =	simm.s32 $0x80  }
0x496: {  	[tilespmem:s0+$0x460] =	vst v0;
	s3 =	sand.u32 $0x800, s31;
	s2 =	simm.s32 $0x200;
	s4 =	sand.u32 $0x380, s1  }
.LBB2_21:
0x497: {  	p1 =	sne.s32 s2, $0xF00;
	s3 =	sor.u32 s4, s3;
	[tilespmem:s0+$0x470] =	vst v0  }
0x498: {  	s0 =	sadd.s32 $0x1B100, s3;
	[tilespmem:s3+$0x1B100] =	vst v0  }
0x499: {  	[tilespmem:s0+$0x10] =	vst v0  }
0x49a: {  	[tilespmem:s0+$0x20] =	vst v0  }
0x49b: {  	[tilespmem:s0+$0x30] =	vst v0  }
0x49c: {  	[tilespmem:s0+$0x40] =	vst v0  }
0x49d: {  	[tilespmem:s0+$0x50] =	vst v0  }
0x49e: {  	[tilespmem:s0+$0x60] =	vst v0  }
0x49f: {  	[tilespmem:s0+$0x70] =	vst v0  }
0x4a0: {  	[tilespmem:s0+$0x400] =	vst v0  }
0x4a1: {  	[tilespmem:s0+$0x410] =	vst v0  }
.Ltmp10:
0x4a2: {  	[tilespmem:s0+$0x420] =	vst v0;
	(pc) =	sbr.rel @p1 .LBB2_21-.Ltmp10, $4  }
0x4a3: {  	[tilespmem:s0+$0x430] =	vst v0  }
0x4a4: {  	[tilespmem:s0+$0x440] =	vst v0  }
0x4a5: {  	s1 =	sadd.s32 $0x80, s1;
	[tilespmem:s0+$0x450] =	vst v0  }
0x4a6: {  	s3 =	sand.u32 $0x800, s2;
	s4 =	sand.u32 $0x380, s1;
	s2 =	sadd.s32 $0x100, s2;
	[tilespmem:s0+$0x460] =	vst v0  }
0x4a7: {  	s1 =	sor.u32 s4, s3;
	[tilespmem:s0+$0x470] =	vst v0  }
0x4a8: {  	s26 =	sadd.s32 $0x1B100, s1;
	[tilespmem:s1+$0x1B100] =	vst v0  }
0x4a9: {  	[tilespmem:s26+$0x10] =	vst v0  }
0x4aa: {  	s4 =	rddreg [dreg:$0x10];
	[tilespmem:s26+$0x20] =	vst v0  }
0x4ab: {  	s28 =	sadd.s32 $0xF, s4;
	[tilespmem:s26+$0x30] =	vst v0  }
0x4ac: {  	[tilespmem:s26+$0x40] =	vst v0;
	s2 =	sand.u32 $0xF, s28  }
0x4ad: {  	[tilespmem:s26+$0x50] =	vst v0;
	s29 =	sshra.s32 s28, $0x1F;
	p2 =	slt.s32 s28, $0x1;
	p1 =	sne.s32 s2, $0x0  }
0x4ae: {  	[tilespmem:s26+$0x60] =	vst v0;
	s2 =	sshrl.u32 s29, $0x1C;
	p1 =	por !p2, !p1  }
0x4af: {  	[tilespmem:s26+$0x70] =	vst v0;
	s1 =	sadd.s32 s2, s28;
	s2 =	simm.s32 $0x1;
	p1 =	por !p1, !p1  }
0x4b0: {  	[tilespmem:s26+$0x400] =	vst v0;
	s1 =	sshra.s32 s1, $0x4;
	s2 =	simm.s32 @!p1 $0x0  }
0x4b1: {  	[tilespmem:s26+$0x410] =	vst v0;
	s2 =	ssub.s32 s1, s2  }
0x4b2: {  	[tilespmem:s26+$0x420] =	vst v0;
	p1 =	slt.s32 s2, $0x1  }
.Ltmp11:
0x4b3: {  	[tilespmem:s26+$0x430] =	vst v0;
	(pc) =	sbr.rel @p1 .LBB2_29-.Ltmp11, $4  }
0x4b4: {  	[tilespmem:s26+$0x440] =	vst v0  }
0x4b5: {  	[tilespmem:s26+$0x450] =	vst v0  }
0x4b6: {  	s30 =	sshll.u32 s18, $0x18;
	s31 =	sshll.u32 s19, $0x10;
	[tilespmem:s26+$0x460] =	vst v0  }
0x4b7: {  	s0 =	simm.s32 $0x0;
	s7 =	sor.u32 s30, s31;
	[tilespmem:s26+$0x470] =	vst v0;
	s1 =	simm.s32 $0x0  }
0x4b8: {  	s3 =	simm.s32 $0x12080  }
0x4b9: {  	v5 =	vld [tilespmem:s3+$0x0];
	_ =	sdelay $0x1  }
0x4ba: {  	s0 =	sshrl.u32 s7, $0x10  }
0x4bb: {  	v7 =	vmov s0;
	s0 =	simm.s32 $0x0  }
0x4bc: {  	v6 =	vmov s4;
	p2 =	seq.s32 s2, $0x1;
	v8 =	vor.u32 s0, v1  }
.Ltmp12:
0x4bd: {  	vm0 =	vlt.s32 v8, v6;
	v9 =	vshrl.u32 v5, $0x10;
	(pc) =	sbr.rel @p2 .LBB2_24-.Ltmp12, $4  }
0x4be: {  	v10 =	vshrl.u32 v5, $0x8;
	v11 =	vshrl.u32 v5, $0x5;
	vm1 =	veq.s32 v9, v7  }
0x4bf: {  	v8 =	vand.u32 $0x7F, v10;
	v9 =	vand.u32 $0x400, v11;
	vm0 =	vmand vm0, vm1  }
0x4c0: {  	v8 =	vor.u32 v8, v9;
	v9 =	vsel vm0, $0x1, v0  }
0x4c1: {  	s4 =	sadd.s32 $0xFFFFFFFF, s2;
	p1 =	por $0x0, $0x0;
	v8 =	vor.u32 v2, v8;
	(xrf0) =	vadd.scan.msk.s32 $0xffff, v9  }
0x4c2: {  	_ =	sdelay $0x4  }
0x4c3: {  	[tilespmem:v8+s14+$0x0] =	vst.idx.add.s32.msk vm0, v3  }
0x4c4: {  	s2 =	simm.s32 $0x12090;
	[tilespmem:s0+$0x9000] =	vst.msk vm0, v5  }
0x4c5: {  	v5 =	vld [tilespmem:s2+$0x0];
	_ =	sdelay $0x4  }
0x4c6: {  	v10 =	vshrl.u32 v5, $0x8  }
0x4c7: {  	s3 =	simm.s32 $0x10  }
0x4c8: {  	v8 =	vor.u32 s3, v1  }
0x4c9: {  	vm0 =	vlt.s32 v8, v6;
	v8 =	vand.u32 $0x7F, v10;
	v10, _, _ =	vpop (xrf0)  }
0x4ca: {  	(v2sf) =	vpush v10, $0xF;
	_ =	sdelay $0x4  }
0x4cb: {  	p2 =	seq.s32 s4, $0x1  }
.Ltmp13:
0x4cc: {  	v9 =	vshrl.u32 v5, $0x10;
	(pc) =	sbr.rel @p2 .LBB2_26-.Ltmp13, $4  }
0x4cd: {  	v11 =	vshrl.u32 v5, $0x5;
	vm1 =	veq.s32 v9, v7  }
0x4ce: {  	v9 =	vand.u32 $0x400, v11;
	vm0 =	vmand vm0, vm1  }
0x4cf: {  	v8 =	vor.u32 v8, v9;
	v9 =	vsel vm0, $0x1, v0  }
0x4d0: {  	s5 =	sadd.s32 $0xFFFFFFFF, s4;
	p1 =	por $0x1, $0x1;
	s4 =	simm.s32 $0x0;
	v8 =	vor.u32 v2, v8;
	(xrf0) =	vadd.scan.msk.s32 $0xffff, v9  }
.LBB2_27:
0x4d1: {  	_ =	sdelay $0x3  }
0x4d2: {  	p2 =	seq.s32 s5, $0x1;
	s5 =	sadd.s32 $0xFFFFFFFF, s5;
	[tilespmem:v8+s14+$0x0] =	vst.idx.add.s32.msk vm0, v3;
	s6 =	spop (v2sf)  }
0x4d3: {  	s2 =	sadd.s32 $0x10, s2;
	v8, _, _ =	vpop (xrf0);
	s4 =	sadd.s32 s4, s6  }
0x4d4: {  	[tilespmem:s4+$0x9000] =	vst.msk vm0, v5;
	(v2sf) =	vpush v8, $0xF  }
0x4d5: {  	v5 =	vld [tilespmem:s2+$0x0];
	_ =	sdelay $0x1  }
0x4d6: {  	s3 =	sadd.s32 $0x10, s3  }
0x4d7: {  	v8 =	vor.u32 s3, v1;
	_ =	sdelay $0x1  }
.Ltmp14:
0x4d8: {  	v9 =	vshrl.u32 v5, $0x10;
	v10 =	vshrl.u32 v5, $0x8;
	v11 =	vshrl.u32 v5, $0x5;
	(pc) =	sbr.rel @!p2 .LBB2_27-.Ltmp14, $4  }
0x4d9: {  	vm0 =	vlt.s32 v8, v6;
	vm1 =	veq.s32 v9, v7;
	v8 =	vand.u32 $0x7F, v10  }
0x4da: {  	v9 =	vand.u32 $0x400, v11;
	vm0 =	vmand vm0, vm1  }
0x4db: {  	v8 =	vor.u32 v8, v9;
	v9 =	vsel vm0, $0x1, v0  }
0x4dc: {  	v8 =	vor.u32 v2, v8;
	(xrf0) =	vadd.scan.msk.s32 $0xffff, v9  }
.LBB2_28:
0x4dd: {  	_ =	sdelay $0x4  }
0x4de: {  	v6, _, _ =	vpop (xrf0)  }
0x4df: {  	(v2sf) =	vpush v6, $0xF;
	_ =	sdelay $0xc  }
0x4e0: {  	s2 =	spop @p1 (v2sf)  }
0x4e1: {  	s2 =	sadd.s32 @p1 s4, s2  }
0x4e2: {  	[tilespmem:v8+s14+$0x0] =	vst.idx.add.s32.msk vm0, v3;
	s0 =	smov.u32 @p1 s2;
	s31 =	spop (v2sf)  }
0x4e3: {  	[tilespmem:s0+$0x9000] =	vst.msk vm0, v5;
	s0 =	sadd.s32 s0, s31  }
.LBB2_29:
0x4e4: {  	s2 =	sand.u32 $0x70, s1;
	s30 =	sand.u32 $0x400, s1  }
0x4e5: {  	s1 =	sor.u32 s2, s30  }
0x4e6: {  	v5 =	vld [tilespmem:s1+$0x1B180]  }
0x4e7: {  	v6 =	vld [tilespmem:s1+$0x1B100]  }
0x4e8: {  	v7 =	vld [tilespmem:s1+$0x1B200]  }
0x4e9: {  	v8 =	vld [tilespmem:s1+$0x1B280]  }
0x4ea: {  	v9 =	vld [tilespmem:s1+$0x1B300]  }
0x4eb: {  	v10 =	vld [tilespmem:s1+$0x1B380]  }
0x4ec: {  	v5 =	vadd.s32 v6, v5;
	v6 =	vld [tilespmem:s1+$0x1B400]  }
0x4ed: {  	v5 =	vadd.s32 v7, v5;
	v7 =	vld [tilespmem:s1+$0x1B480]  }
0x4ee: {  	v58 =	vld [tilespmem:s1+$0x1B900];
	v5 =	vadd.s32 v8, v5  }
0x4ef: {  	v59 =	vld [tilespmem:s1+$0x1B980];
	v5 =	vadd.s32 v9, v5  }
0x4f0: {  	v60 =	vld [tilespmem:s1+$0x1BA00];
	v5 =	vadd.s32 v10, v5  }
0x4f1: {  	v5 =	vadd.s32 v6, v5;
	v6 =	vld [tilespmem:s1+$0x1BA80]  }
0x4f2: {  	v5 =	vadd.s32 v7, v5;
	v7 =	vld [tilespmem:s1+$0x1BB00]  }
0x4f3: {  	v61 =	vld [tilespmem:s1+$0x1BB80];
	v5 =	vadd.s32 v58, v5  }
0x4f4: {  	v62 =	vld [tilespmem:s1+$0x1BC00];
	v5 =	vadd.s32 v59, v5  }
0x4f5: {  	v63 =	vld [tilespmem:s1+$0x1BC80];
	v5 =	vadd.s32 v60, v5  }
0x4f6: {  	v5 =	vadd.s32 v6, v5  }
0x4f7: {  	v5 =	vadd.s32 v7, v5  }
0x4f8: {  	[dreg:$0xf] =	wrdreg s0;
	v5 =	vadd.s32 v61, v5  }
0x4f9: {  	s29 =	rddreg [dreg:$0x11];
	s31 =	simm.s32 $0x10;
	s2 =	simm.s32 $0x80;
	v5 =	vadd.s32 v62, v5  }
0x4fa: {  	s0 =	simm.s32 $0x1C100;
	s3 =	sand.u32 $0x400, s2;
	s1 =	sand.u32 $0x70, s31;
	v5 =	vadd.s32 v63, v5  }
0x4fb: {  	s5 =	ssub.s32 s29, s23;
	s1 =	sor.u32 s1, s3;
	s3 =	simm.s32 $0x20;
	[tilespmem:s0+$0x0] =	vst v5  }
.LBB2_30:
0x4fc: {  	p1 =	sne.s32 s3, $0xF0;
	v5 =	vld [tilespmem:s1+$0x1B180]  }
0x4fd: {  	v6 =	vld [tilespmem:s1+$0x1B100]  }
0x4fe: {  	v7 =	vld [tilespmem:s1+$0x1B200]  }
0x4ff: {  	v8 =	vld [tilespmem:s1+$0x1B280]  }
0x500: {  	v9 =	vld [tilespmem:s1+$0x1B300]  }
0x501: {  	v10 =	vld [tilespmem:s1+$0x1B380]  }
0x502: {  	v5 =	vadd.s32 v6, v5;
	v6 =	vld [tilespmem:s1+$0x1B400]  }
0x503: {  	v5 =	vadd.s32 v7, v5;
	v7 =	vld [tilespmem:s1+$0x1B480]  }
0x504: {  	v5 =	vadd.s32 v8, v5;
	v8 =	vld [tilespmem:s1+$0x1B900]  }
0x505: {  	v5 =	vadd.s32 v9, v5;
	v9 =	vld [tilespmem:s1+$0x1B980]  }
0x506: {  	v5 =	vadd.s32 v10, v5;
	v10 =	vld [tilespmem:s1+$0x1BA00]  }
0x507: {  	v5 =	vadd.s32 v6, v5;
	v6 =	vld [tilespmem:s1+$0x1BA80]  }
0x508: {  	v5 =	vadd.s32 v7, v5;
	v7 =	vld [tilespmem:s1+$0x1BB00]  }
0x509: {  	v5 =	vadd.s32 v8, v5;
	v8 =	vld [tilespmem:s1+$0x1BB80]  }
0x50a: {  	v5 =	vadd.s32 v9, v5;
	v9 =	vld [tilespmem:s1+$0x1BC00]  }
0x50b: {  	v5 =	vadd.s32 v10, v5;
	v10 =	vld [tilespmem:s1+$0x1BC80]  }
0x50c: {  	v5 =	vadd.s32 v6, v5  }
.Ltmp15:
0x50d: {  	v5 =	vadd.s32 v7, v5;
	(pc) =	sbr.rel @p1 .LBB2_30-.Ltmp15, $4  }
0x50e: {  	v5 =	vadd.s32 v8, v5  }
0x50f: {  	s2 =	sadd.s32 $0x80, s2;
	v5 =	vadd.s32 v9, v5  }
0x510: {  	s0 =	sadd.s32 $0x10, s0;
	s4 =	sand.u32 $0x400, s2;
	s1 =	sand.u32 $0x70, s3;
	v5 =	vadd.s32 v10, v5  }
0x511: {  	s3 =	sadd.s32 $0x10, s3;
	s1 =	sor.u32 s1, s4;
	[tilespmem:s0+$0x0] =	vst v5  }
0x512: {  	v5 =	vld [tilespmem:s1+$0x1B180]  }
0x513: {  	v6 =	vld [tilespmem:s1+$0x1B100]  }
0x514: {  	v7 =	vld [tilespmem:s1+$0x1B200]  }
0x515: {  	v8 =	vld [tilespmem:s1+$0x1B280]  }
0x516: {  	v9 =	vld [tilespmem:s1+$0x1B300]  }
0x517: {  	v10 =	vld [tilespmem:s1+$0x1B380]  }
0x518: {  	v5 =	vadd.s32 v6, v5;
	v6 =	vld [tilespmem:s1+$0x1B400]  }
0x519: {  	v5 =	vadd.s32 v7, v5;
	v7 =	vld [tilespmem:s1+$0x1B480]  }
0x51a: {  	v5 =	vadd.s32 v8, v5;
	v8 =	vld [tilespmem:s1+$0x1B900]  }
0x51b: {  	v5 =	vadd.s32 v9, v5;
	v9 =	vld [tilespmem:s1+$0x1B980]  }
0x51c: {  	v5 =	vadd.s32 v10, v5;
	v10 =	vld [tilespmem:s1+$0x1BA00]  }
0x51d: {  	v5 =	vadd.s32 v6, v5;
	v6 =	vld [tilespmem:s1+$0x1BA80]  }
0x51e: {  	v5 =	vadd.s32 v7, v5;
	v7 =	vld [tilespmem:s1+$0x1BB00]  }
0x51f: {  	v5 =	vadd.s32 v8, v5;
	v8 =	vld [tilespmem:s1+$0x1BB80]  }
0x520: {  	v5 =	vadd.s32 v9, v5;
	v9 =	vld [tilespmem:s1+$0x1BC00]  }
0x521: {  	v5 =	vadd.s32 v10, v5;
	v10 =	vld [tilespmem:s1+$0x1BC80]  }
0x522: {  	v5 =	vadd.s32 v6, v5  }
0x523: {  	v5 =	vadd.s32 v7, v5  }
0x524: {  	v5 =	vadd.s32 v8, v5  }
0x525: {  	[dreg:$0xe] =	wrdreg s7;
	v5 =	vadd.s32 v9, v5  }
0x526: {  	s0 =	sadd.s32 $0x10, s0;
	s15 =	rddreg [dreg:$0x6];
	s16 =	simm.s32 $0x80;
	v5 =	vadd.s32 v10, v5  }
0x527: {  	s2 =	simm.s32 $0x400;
	s3 =	simm.s32 $0x1C100;
	s17 =	simm.s32 $0x1;
	[tilespmem:s0+$0x0] =	vst v5  }
0x528: {  	[spmem:s15] =	stream.strided.scatter [tilespmem:s3], [sflag:$0x1], $0x100, s2, s16, $0x38;
	[tilespmem:$0x1C580] =	vst v63  }
0x529: {  	_ =	swait.ge [sflag:s17], $0x100  }
0x52a: {  	[sflag:s17] =	ssyncset.done $0x0  }
0x52b: {  	[sflag:s17] =	ssyncadd.s32 $0xFFFFFF00  }
0x52c: {  	[bflag:$0x0] =	sbarrier.arrive $0xFFFF  }
0x52d: {  	s4 =	simm.s32 $0x1C200;
	s18 =	rddreg [dreg:$0x5]  }
0x52e: {  	[tilespmem:s4], [sflag:$0x1] =	stream.strided.gather [spmem:s18], $0x100, s2, s16, $0x38;
	[tilespmem:$0x1C580] =	vst v63  }
0x52f: {  	_ =	swait.ge [sflag:s17], $0x100  }
0x530: {  	[sflag:s17] =	ssyncset.done $0x0  }
0x531: {  	[sflag:s17] =	ssyncadd.s32 $0xFFFFFF00  }
0x532: {  	v5 =	vld [tilespmem:$0x1C200]  }
0x533: {  	v6 =	vld [tilespmem:$0x1C210]  }
0x534: {  	v7 =	vld [tilespmem:$0x1C220]  }
0x535: {  	v8 =	vld [tilespmem:$0x1C230]  }
0x536: {  	v9 =	vld [tilespmem:$0x1C240]  }
0x537: {  	[tilespmem:$0x1C300] =	vst v5;
	v5 =	vld [tilespmem:$0x1C250]  }
0x538: {  	[tilespmem:$0x1C310] =	vst v6;
	v6 =	vld [tilespmem:$0x1C260]  }
0x539: {  	[tilespmem:$0x1C320] =	vst v7;
	v7 =	vld [tilespmem:$0x1C270]  }
0x53a: {  	[tilespmem:$0x1C330] =	vst v8;
	v8 =	vld [tilespmem:$0x1C280]  }
0x53b: {  	[tilespmem:$0x1C340] =	vst v9;
	v9 =	vld [tilespmem:$0x1C290]  }
0x53c: {  	[tilespmem:$0x1C350] =	vst v5;
	v5 =	vld [tilespmem:$0x1C2A0]  }
0x53d: {  	[tilespmem:$0x1C360] =	vst v6;
	v6 =	vld [tilespmem:$0x1C2B0]  }
0x53e: {  	[tilespmem:$0x1C370] =	vst v7;
	v7 =	vld [tilespmem:$0x1C2C0]  }
0x53f: {  	[tilespmem:$0x1C380] =	vst v8;
	v8 =	vld [tilespmem:$0x1C2D0]  }
0x540: {  	[tilespmem:$0x1C390] =	vst v9;
	v9 =	vld [tilespmem:$0x1C2E0]  }
0x541: {  	[tilespmem:$0x1C3A0] =	vst v5;
	v5 =	vld [tilespmem:$0x1C2F0]  }
0x542: {  	[tilespmem:$0x1C3B0] =	vst v6  }
0x543: {  	[tilespmem:$0x1C3C0] =	vst v7  }
0x544: {  	[tilespmem:$0x1C3D0] =	vst v8  }
0x545: {  	[tilespmem:$0x1C3E0] =	vst v9  }
0x546: {  	s19 =	rddreg [dreg:$0x7];
	[tilespmem:$0x1C3F0] =	vst v5  }
0x547: {  	[tilespmem:s4], [sflag:$0x1] =	stream.strided.gather [spmem:s19], $0x100, s2, s16, $0x38;
	[tilespmem:$0x1C580] =	vst v63  }
0x548: {  	_ =	swait.ge [sflag:s17], $0x100  }
0x549: {  	[sflag:s17] =	ssyncset.done $0x0  }
0x54a: {  	[sflag:s17] =	ssyncadd.s32 $0xFFFFFF00  }
0x54b: {  	v5 =	vld [tilespmem:$0x1C200]  }
0x54c: {  	v6 =	vld [tilespmem:$0x1C300]  }
0x54d: {  	v7 =	vld [tilespmem:$0x1C210]  }
0x54e: {  	v8 =	vld [tilespmem:$0x1C310]  }
0x54f: {  	v9 =	vld [tilespmem:$0x1C220]  }
0x550: {  	v10 =	vld [tilespmem:$0x1C320]  }
0x551: {  	v11 =	vld [tilespmem:$0x1C230]  }
0x552: {  	v12 =	vld [tilespmem:$0x1C330]  }
0x553: {  	v13 =	vld [tilespmem:$0x1C240]  }
0x554: {  	v14 =	vld [tilespmem:$0x1C340]  }
0x555: {  	v15 =	vld [tilespmem:$0x1C250]  }
0x556: {  	v16 =	vld [tilespmem:$0x1C350]  }
0x557: {  	v17 =	vld [tilespmem:$0x1C260]  }
0x558: {  	v18 =	vld [tilespmem:$0x1C360]  }
0x559: {  	v19 =	vld [tilespmem:$0x1C270]  }
0x55a: {  	v20 =	vld [tilespmem:$0x1C370]  }
0x55b: {  	v21 =	vld [tilespmem:$0x1C280]  }
0x55c: {  	v22 =	vld [tilespmem:$0x1C380]  }
0x55d: {  	v23 =	vld [tilespmem:$0x1C290]  }
0x55e: {  	v24 =	vld [tilespmem:$0x1C390]  }
0x55f: {  	v25 =	vld [tilespmem:$0x1C2A0]  }
0x560: {  	v5 =	vadd.s32 v5, v6;
	v6 =	vld [tilespmem:$0x1C3A0]  }
0x561: {  	[tilespmem:$0x1C300] =	vst v5;
	v5 =	vadd.s32 v7, v8;
	v7 =	vld [tilespmem:$0x1C2B0]  }
0x562: {  	v8 =	vld [tilespmem:$0x1C3B0];
	[tilespmem:$0x1C310] =	vst v5;
	v5 =	vadd.s32 v9, v10  }
0x563: {  	v9 =	vld [tilespmem:$0x1C2C0];
	[tilespmem:$0x1C320] =	vst v5;
	v5 =	vadd.s32 v11, v12  }
0x564: {  	v10 =	vld [tilespmem:$0x1C3C0];
	[tilespmem:$0x1C330] =	vst v5;
	v5 =	vadd.s32 v13, v14  }
0x565: {  	v11 =	vld [tilespmem:$0x1C2D0];
	[tilespmem:$0x1C340] =	vst v5;
	v5 =	vadd.s32 v15, v16  }
0x566: {  	v12 =	vld [tilespmem:$0x1C3D0];
	[tilespmem:$0x1C350] =	vst v5;
	v5 =	vadd.s32 v17, v18  }
0x567: {  	v13 =	vld [tilespmem:$0x1C2E0];
	[tilespmem:$0x1C360] =	vst v5;
	v5 =	vadd.s32 v19, v20  }
0x568: {  	v14 =	vld [tilespmem:$0x1C3E0];
	[tilespmem:$0x1C370] =	vst v5;
	v5 =	vadd.s32 v21, v22  }
0x569: {  	v15 =	vld [tilespmem:$0x1C2F0];
	[tilespmem:$0x1C380] =	vst v5;
	v5 =	vadd.s32 v23, v24  }
0x56a: {  	[tilespmem:$0x1C390] =	vst v5;
	v5 =	vadd.s32 v25, v6;
	v6 =	vld [tilespmem:$0x1C3F0]  }
0x56b: {  	[tilespmem:$0x1C3A0] =	vst v5;
	v5 =	vadd.s32 v7, v8  }
0x56c: {  	[tilespmem:$0x1C3B0] =	vst v5;
	v5 =	vadd.s32 v9, v10  }
0x56d: {  	[tilespmem:$0x1C3C0] =	vst v5;
	v5 =	vadd.s32 v11, v12  }
0x56e: {  	[tilespmem:$0x1C3D0] =	vst v5;
	v5 =	vadd.s32 v13, v14  }
0x56f: {  	[tilespmem:$0x1C3E0] =	vst v5;
	v5 =	vadd.s32 v15, v6  }
0x570: {  	s20 =	rddreg [dreg:$0x8];
	[tilespmem:$0x1C3F0] =	vst v5  }
0x571: {  	[tilespmem:s4], [sflag:$0x1] =	stream.strided.gather [spmem:s20], $0x100, s2, s16, $0x38;
	[tilespmem:$0x1C580] =	vst v63  }
0x572: {  	_ =	swait.ge [sflag:s17], $0x100  }
0x573: {  	[sflag:s17] =	ssyncset.done $0x0  }
0x574: {  	[sflag:s17] =	ssyncadd.s32 $0xFFFFFF00  }
0x575: {  	v5 =	vld [tilespmem:$0x1C200]  }
0x576: {  	v6 =	vld [tilespmem:$0x1C300]  }
0x577: {  	v7 =	vld [tilespmem:$0x1C210]  }
0x578: {  	v8 =	vld [tilespmem:$0x1C310]  }
0x579: {  	v9 =	vld [tilespmem:$0x1C220]  }
0x57a: {  	v10 =	vld [tilespmem:$0x1C320]  }
0x57b: {  	v11 =	vld [tilespmem:$0x1C230]  }
0x57c: {  	v12 =	vld [tilespmem:$0x1C330]  }
0x57d: {  	v13 =	vld [tilespmem:$0x1C240]  }
0x57e: {  	v14 =	vld [tilespmem:$0x1C340]  }
0x57f: {  	v15 =	vld [tilespmem:$0x1C250]  }
0x580: {  	v16 =	vld [tilespmem:$0x1C350]  }
0x581: {  	v17 =	vld [tilespmem:$0x1C260]  }
0x582: {  	v48 =	vld [tilespmem:$0x1C360]  }
0x583: {  	v49 =	vld [tilespmem:$0x1C270]  }
0x584: {  	v50 =	vld [tilespmem:$0x1C370]  }
0x585: {  	v51 =	vld [tilespmem:$0x1C280]  }
0x586: {  	v52 =	vld [tilespmem:$0x1C380]  }
0x587: {  	v53 =	vld [tilespmem:$0x1C290]  }
0x588: {  	v54 =	vld [tilespmem:$0x1C390]  }
0x589: {  	v55 =	vld [tilespmem:$0x1C2A0]  }
0x58a: {  	v5 =	vadd.s32 v5, v6;
	v6 =	vld [tilespmem:$0x1C3A0]  }
0x58b: {  	[tilespmem:$0x1C300] =	vst v5;
	v5 =	vadd.s32 v7, v8;
	v7 =	vld [tilespmem:$0x1C2B0]  }
0x58c: {  	v8 =	vld [tilespmem:$0x1C3B0];
	[tilespmem:$0x1C310] =	vst v5;
	v5 =	vadd.s32 v9, v10  }
0x58d: {  	v9 =	vld [tilespmem:$0x1C2C0];
	[tilespmem:$0x1C320] =	vst v5;
	v5 =	vadd.s32 v11, v12  }
0x58e: {  	v10 =	vld [tilespmem:$0x1C3C0];
	[tilespmem:$0x1C330] =	vst v5;
	v5 =	vadd.s32 v13, v14  }
0x58f: {  	v11 =	vld [tilespmem:$0x1C2D0];
	[tilespmem:$0x1C340] =	vst v5;
	v5 =	vadd.s32 v15, v16  }
0x590: {  	v12 =	vld [tilespmem:$0x1C3D0];
	[tilespmem:$0x1C350] =	vst v5;
	v5 =	vadd.s32 v17, v48  }
0x591: {  	v13 =	vld [tilespmem:$0x1C2E0];
	[tilespmem:$0x1C360] =	vst v5;
	v5 =	vadd.s32 v49, v50  }
0x592: {  	v14 =	vld [tilespmem:$0x1C3E0];
	[tilespmem:$0x1C370] =	vst v5;
	v5 =	vadd.s32 v51, v52  }
0x593: {  	v15 =	vld [tilespmem:$0x1C2F0];
	[tilespmem:$0x1C380] =	vst v5;
	v5 =	vadd.s32 v53, v54  }
0x594: {  	[tilespmem:$0x1C390] =	vst v5;
	v5 =	vadd.s32 v55, v6;
	v6 =	vld [tilespmem:$0x1C3F0]  }
0x595: {  	[tilespmem:$0x1C3A0] =	vst v5;
	v5 =	vadd.s32 v7, v8  }
0x596: {  	[tilespmem:$0x1C3B0] =	vst v5;
	v5 =	vadd.s32 v9, v10  }
0x597: {  	[tilespmem:$0x1C3C0] =	vst v5;
	v5 =	vadd.s32 v11, v12  }
0x598: {  	[tilespmem:$0x1C3D0] =	vst v5;
	v5 =	vadd.s32 v13, v14  }
0x599: {  	[tilespmem:$0x1C3E0] =	vst v5;
	v5 =	vadd.s32 v15, v6  }
0x59a: {  	s21 =	rddreg [dreg:$0x9];
	[tilespmem:$0x1C3F0] =	vst v5  }
0x59b: {  	[tilespmem:s4], [sflag:$0x1] =	stream.strided.gather [spmem:s21], $0x100, s2, s16, $0x38;
	[tilespmem:$0x1C580] =	vst v63  }
0x59c: {  	_ =	swait.ge [sflag:s17], $0x100  }
0x59d: {  	[sflag:s17] =	ssyncset.done $0x0  }
0x59e: {  	[sflag:s17] =	ssyncadd.s32 $0xFFFFFF00  }
0x59f: {  	v5 =	vld [tilespmem:$0x1C200]  }
0x5a0: {  	v6 =	vld [tilespmem:$0x1C300]  }
0x5a1: {  	v7 =	vld [tilespmem:$0x1C210]  }
0x5a2: {  	v8 =	vld [tilespmem:$0x1C310]  }
0x5a3: {  	v9 =	vld [tilespmem:$0x1C220]  }
0x5a4: {  	v10 =	vld [tilespmem:$0x1C320]  }
0x5a5: {  	v11 =	vld [tilespmem:$0x1C230]  }
0x5a6: {  	v12 =	vld [tilespmem:$0x1C330]  }
0x5a7: {  	v13 =	vld [tilespmem:$0x1C240]  }
0x5a8: {  	v14 =	vld [tilespmem:$0x1C340]  }
0x5a9: {  	v15 =	vld [tilespmem:$0x1C250]  }
0x5aa: {  	v16 =	vld [tilespmem:$0x1C350]  }
0x5ab: {  	v17 =	vld [tilespmem:$0x1C260]  }
0x5ac: {  	v56 =	vld [tilespmem:$0x1C360]  }
0x5ad: {  	v57 =	vld [tilespmem:$0x1C270]  }
0x5ae: {  	v58 =	vld [tilespmem:$0x1C370]  }
0x5af: {  	v59 =	vld [tilespmem:$0x1C280]  }
0x5b0: {  	v60 =	vld [tilespmem:$0x1C380]  }
0x5b1: {  	v61 =	vld [tilespmem:$0x1C290]  }
0x5b2: {  	v62 =	vld [tilespmem:$0x1C390]  }
0x5b3: {  	v63 =	vld [tilespmem:$0x1C2A0]  }
0x5b4: {  	v5 =	vadd.s32 v5, v6;
	v6 =	vld [tilespmem:$0x1C3A0]  }
0x5b5: {  	[tilespmem:$0x1C300] =	vst v5;
	v5 =	vadd.s32 v7, v8;
	v7 =	vld [tilespmem:$0x1C2B0]  }
0x5b6: {  	v8 =	vld [tilespmem:$0x1C3B0];
	[tilespmem:$0x1C310] =	vst v5;
	v5 =	vadd.s32 v9, v10  }
0x5b7: {  	v9 =	vld [tilespmem:$0x1C2C0];
	[tilespmem:$0x1C320] =	vst v5;
	v5 =	vadd.s32 v11, v12  }
0x5b8: {  	v10 =	vld [tilespmem:$0x1C3C0];
	[tilespmem:$0x1C330] =	vst v5;
	v5 =	vadd.s32 v13, v14  }
0x5b9: {  	v11 =	vld [tilespmem:$0x1C2D0];
	[tilespmem:$0x1C340] =	vst v5;
	v5 =	vadd.s32 v15, v16  }
0x5ba: {  	v12 =	vld [tilespmem:$0x1C3D0];
	[tilespmem:$0x1C350] =	vst v5;
	v5 =	vadd.s32 v17, v56  }
0x5bb: {  	v13 =	vld [tilespmem:$0x1C2E0];
	[tilespmem:$0x1C360] =	vst v5;
	v5 =	vadd.s32 v57, v58  }
0x5bc: {  	v14 =	vld [tilespmem:$0x1C3E0];
	[tilespmem:$0x1C370] =	vst v5;
	v5 =	vadd.s32 v59, v60  }
0x5bd: {  	v15 =	vld [tilespmem:$0x1C2F0];
	[tilespmem:$0x1C380] =	vst v5;
	v5 =	vadd.s32 v61, v62  }
0x5be: {  	[tilespmem:$0x1C390] =	vst v5;
	v5 =	vadd.s32 v63, v6;
	v6 =	vld [tilespmem:$0x1C3F0]  }
0x5bf: {  	[tilespmem:$0x1C3A0] =	vst v5;
	v5 =	vadd.s32 v7, v8  }
0x5c0: {  	[tilespmem:$0x1C3B0] =	vst v5;
	v5 =	vadd.s32 v9, v10  }
0x5c1: {  	[tilespmem:$0x1C3C0] =	vst v5;
	v5 =	vadd.s32 v11, v12  }
0x5c2: {  	[tilespmem:$0x1C3D0] =	vst v5;
	v5 =	vadd.s32 v13, v14  }
0x5c3: {  	[tilespmem:$0x1C3E0] =	vst v5;
	v5 =	vadd.s32 v15, v6  }
0x5c4: {  	[tilespmem:$0x1C3F0] =	vst v5  }
0x5c5: {  	s22 =	simm.s32 $0x1C3F0;
	[bflag:$0x0] =	sbarrier.arrive $0xFFFF  }
0x5c6: {  	v6 =	vld [tilespmem:s22+$0x0];
	_ =	sdelay $0x4  }
0x5c7: {  	(xrf0) =	vadd.scan.msk.s32 $0xffff, v6;
	_ =	sdelay $0x2  }
0x5c8: {  	s23 =	simm.s32 $0x1C3E0  }
0x5c9: {  	v12 =	vld [tilespmem:s23+$0x0];
	_ =	sdelay $0x1  }
0x5ca: {  	v5, _, _ =	vpop (xrf0)  }
0x5cb: {  	(v2sf) =	vpush v5, $0xF  }
0x5cc: {  	v7 =	vbroadcast v5, $0xF  }
0x5cd: {  	(xrf0) =	vadd.scan.msk.s32 $0xffff, v12  }
0x5ce: {  	v5 =	vsub.s32 v7, v5  }
0x5cf: {  	s24 =	simm.s32 $0x0;
	v8 =	vadd.s32 v6, v5  }
0x5d0: {  	v5 =	vmov s5;
	v7 =	vadd.s32 s24, v8  }
0x5d1: {  	vm0 =	vge.s32 v7, v5  }
0x5d2: {  	v7 =	vnsel vm0, $0x7FFFFFFF, v4  }
0x5d3: {  	v9, _, _ =	vpop (xrf0);
	(xrf0) =	vmax.scan.msk.u32 $0xffff, v7  }
0x5d4: {  	s25 =	simm.s32 $0x1C3D0;
	(v2sf) =	vpush v9, $0xF  }
0x5d5: {  	v13 =	vld [tilespmem:s25+$0x0];
	v7 =	vsel vm0, $0x1, v0  }
0x5d6: {  	v7 =	vor.u32 $0x80000000, v7;
	_ =	sdelay $0x1  }
0x5d7: {  	v10 =	vbroadcast v9, $0xF  }
0x5d8: {  	(xrf0) =	vmax.scan.msk.u32 $0xffff, v7;
	v7, _, _ =	vpop (xrf0)  }
0x5d9: {  	(xrf0) =	vadd.scan.msk.s32 $0xffff, v13;
	(v2sf) =	vpush v7, $0xF;
	v7 =	vsub.s32 v10, v9;
	s26 =	spop (v2sf)  }
0x5da: {  	v14 =	vadd.s32 v12, v7;
	s24 =	sadd.s32 $0x0, s26  }
0x5db: {  	v7 =	vadd.s32 s24, v14  }
0x5dc: {  	s1 =	simm.s32 $0x1C3C0  }
0x5dd: {  	v9 =	vld [tilespmem:s1+$0x0]  }
0x5de: {  	vm8 =	vge.s32 v7, v5;
	v7, _, _ =	vpop (xrf0)  }
0x5df: {  	v10 =	vsel vm8, $0x1, v0;
	v11 =	vnsel vm8, $0x7FFFFFFF, v4;
	(v2sf) =	vpush v7, $0xF;
	v7, _, _ =	vpop (xrf0)  }
0x5e0: {  	v10 =	vor.u32 $0x80000000, v10;
	(xrf0) =	vmax.scan.msk.u32 $0xffff, v11;
	v11 =	vbroadcast v7, $0xF  }
0x5e1: {  	(xrf0) =	vmax.scan.msk.u32 $0xffff, v10  }
0x5e2: {  	s2 =	spop (v2sf);
	(v2sf) =	vpush v7, $0xF;
	(xrf0) =	vadd.scan.msk.s32 $0xffff, v9;
	v7 =	vsub.s32 v11, v7  }
0x5e3: {  	s25 =	sadd.s32 s24, s2;
	v15 =	vadd.s32 v13, v7  }
0x5e4: {  	v10 =	vadd.s32 s25, v15;
	_ =	sdelay $0x1  }
0x5e5: {  	v11, _, _ =	vpop (xrf0);
	vm9 =	vge.s32 v10, v5  }
0x5e6: {  	s3 =	simm.s32 $0x1C3B0;
	(v2sf) =	vpush v11, $0xF;
	v16 =	vnsel vm9, $0x7FFFFFFF, v4;
	v10, _, _ =	vpop (xrf0)  }
0x5e7: {  	v7 =	vld [tilespmem:s3+$0x0];
	(xrf0) =	vmax.scan.msk.u32 $0xffff, v16;
	(v2sf) =	vpush v10, $0xF;
	v10, _, _ =	vpop (xrf0)  }
0x5e8: {  	(v2sf) =	vpush v10, $0xF  }
0x5e9: {  	v11 =	vsel vm9, $0x1, v0;
	s4 =	spop (v2sf)  }
0x5ea: {  	v11 =	vor.u32 $0x80000000, v11;
	s6 =	sxor.u32 $0x80000000, s4  }
0x5eb: {  	(xrf0) =	vmax.scan.msk.u32 $0xffff, v11;
	v11 =	vmov s6  }
0x5ec: {  	(xrf0) =	vadd.scan.msk.s32 $0xffff, v7;
	vm10 =	veq.s32 v11, v1  }
0x5ed: {  	v8 =	vnsel vm10, $0x0, v8;
	v16, _, _ =	vpop (xrf0)  }
0x5ee: {  	v11 =	vbroadcast v10, $0xF;
	(xrf0) =	vadd.scan.msk.s32 $0xffff, v8;
	(v2sf) =	vpush v16, $0xF  }
0x5ef: {  	v6 =	vnsel vm10, $0x0, v6;
	s7 =	spop (v2sf)  }
0x5f0: {  	(xrf0) =	vadd.scan.msk.s32 $0xffff, v6;
	v6 =	vsub.s32 v11, v10;
	s8 =	spop (v2sf)  }
0x5f1: {  	v8, _, _ =	vpop (xrf0);
	v11 =	vadd.s32 v9, v6;
	s26 =	sadd.s32 s25, s8  }
0x5f2: {  	s9 =	simm.s32 $0x1C3A0;
	(v2sf) =	vpush v8, $0xF;
	v8, _, _ =	vpop (xrf0);
	v10 =	vadd.s32 s26, v11  }
0x5f3: {  	v6 =	vld [tilespmem:s9+$0x0];
	(v2sf) =	vpush v8, $0xF;
	vm11 =	vge.s32 v10, v5  }
0x5f4: {  	v17, _, _ =	vpop (xrf0);
	v10 =	vsel vm11, $0x1, v0;
	v16 =	vnsel vm11, $0x7FFFFFFF, v4  }
0x5f5: {  	(v2sf) =	vpush v17, $0xF;
	v17 =	vbroadcast v8, $0xF;
	v10 =	vor.u32 $0x80000000, v10;
	(xrf0) =	vmax.scan.msk.u32 $0xffff, v16;
	s10 =	spop (v2sf)  }
0x5f6: {  	(xrf0) =	vmax.scan.msk.u32 $0xffff, v10;
	s11 =	sxor.u32 $0x80000000, s10;
	s12 =	spop (v2sf)  }
0x5f7: {  	v8 =	vsub.s32 v17, v8;
	v10 =	vmov s11;
	s13 =	spop (v2sf)  }
0x5f8: {  	v16, _, _ =	vpop (xrf0);
	(xrf0) =	vadd.scan.msk.s32 $0xffff, v6;
	vm12 =	veq.s32 v10, v1;
	v10 =	vadd.s32 v7, v8;
	s28 =	sadd.s32 s26, s13  }
0x5f9: {  	(v2sf) =	vpush v16, $0xF;
	v14 =	vnsel vm12, $0x0, v14;
	v16 =	vadd.s32 s28, v10  }
0x5fa: {  	vm13 =	vge.s32 v16, v5  }
0x5fb: {  	v12 =	vnsel vm12, $0x0, v12;
	(xrf0) =	vadd.scan.msk.s32 $0xffff, v14;
	v17, _, _ =	vpop (xrf0);
	v16 =	vnsel vm13, $0x7FFFFFFF, v4  }
0x5fc: {  	v14, _, _ =	vpop (xrf0);
	(xrf0) =	vadd.scan.msk.s32 $0xffff, v12  }
0x5fd: {  	s15 =	simm.s32 $0x1C390;
	v12 =	vsel vm13, $0x1, v0;
	s16 =	spop (v2sf)  }
0x5fe: {  	v8 =	vld [tilespmem:s15+$0x0];
	(xrf0) =	vmax.scan.msk.u32 $0xffff, v16;
	v12 =	vor.u32 $0x80000000, v12;
	(v2sf) =	vpush v17, $0xF;
	s17 =	sxor.u32 $0x80000000, s16;
	v16, _, _ =	vpop (xrf0)  }
0x5ff: {  	p1 =	por $0x1, $0x1;
	s31 =	simm.s32 $0x80000090;
	s30 =	simm.s32 $0x80000080;
	(xrf0) =	vmax.scan.msk.u32 $0xffff, v12;
	(v2sf) =	vpush v14, $0xF;
	v14 =	vmov s17;
	v12 =	vbroadcast v16, $0xF  }
0x600: {  	s29 =	simm.s32 $0x0;
	s0 =	simm.s32 $0x800000A0;
	p2 =	seq.s32 s7, $0x80000001  }
0x601: {  	[dreg:$0xd] =	wrdreg s5;
	p1 =	por !p1, !p2;
	s18 =	spop (v2sf);
	(v2sf) =	vpush v16, $0xF;
	v12 =	vsub.s32 v12, v16;
	v16, _, _ =	vpop (xrf0)  }
0x602: {  	s22 =	simm.s32 $0x0;
	p1 =	por !p1, !p1;
	s19 =	spop (v2sf);
	vm14 =	veq.s32 v14, v1;
	(v2sf) =	vpush v16, $0xF;
	v14, _, _ =	vpop (xrf0)  }
0x603: {  	s3 =	simm.s32 $0x800000B0;
	s1 =	sadd.s32 $0x800000F0, s4;
	s29 =	simm.s32 @p1 $0x1;
	(xrf0) =	vadd.scan.msk.s32 $0xffff, v8;
	(v2sf) =	vpush v14, $0xF  }
0x604: {  	s6 =	simm.s32 $0x80000070;
	p5 =	seq.s32 s29, $0x0;
	p3 =	seq.s32 s12, $0x80000001  }
0x605: {  	s22 =	smov.u32 @p1 s1;
	p1 =	por p1, p1;
	p2 =	por !p5, !p3;
	v15 =	vnsel vm14, $0x0, v15  }
0x606: {  	s2 =	sadd.s32 $0x800000E0, s10;
	p3 =	por p1, p1;
	p2 =	por !p2, !p2  }
0x607: {  	s29 =	simm.s32 @p2 $0x1;
	s22 =	smov.u32 @p2 s2;
	s1 =	sadd.s32 s28, s19;
	v12 =	vadd.s32 v6, v12;
	v14, _, _ =	vpop (xrf0)  }
0x608: {  	p1 =	por p2, p2;
	p6 =	seq.s32 s29, $0x0;
	p4 =	seq.s32 s18, $0x80000001;
	(xrf0) =	vadd.scan.msk.s32 $0xffff, v15;
	v16 =	vadd.s32 s1, v12;
	v15, _, _ =	vpop (xrf0);
	(v2sf) =	vpush v14, $0xF  }
0x609: {  	s2 =	simm.s32 $0x1C380;
	p4 =	por !p6, !p4;
	v13 =	vnsel vm14, $0x0, v13;
	s20 =	spop (v2sf);
	vm15 =	vge.s32 v16, v5;
	(v2sf) =	vpush v15, $0xF;
	v14, _, _ =	vpop (xrf0)  }
0x60a: {  	s4 =	sadd.s32 $0x800000D0, s16;
	p2 =	por !p4, !p4;
	(xrf0) =	vadd.scan.msk.s32 $0xffff, v13;
	v13 =	vsel vm15, $0x1, v0;
	v16 =	vnsel vm15, $0x7FFFFFFF, v4;
	s23 =	spop (v2sf);
	(v2sf) =	vpush v14, $0xF  }
0x60b: {  	s9 =	simm.s32 $0x800000C0;
	s22 =	smov.u32 @p2 s4;
	s21 =	sadd.s32 $0x0, s20;
	v17 =	vor.u32 $0x80000000, v13;
	(xrf0) =	vmax.scan.msk.u32 $0xffff, v16;
	v13 =	vld [tilespmem:s2+$0x0]  }
0x60c: {  	s29 =	simm.s32 @p2 $0x1;
	v15 =	vbroadcast v14, $0xF;
	s15 =	ssub.s32 s21, s23;
	s21 =	simm.s32 $0x0;
	(xrf0) =	vmax.scan.msk.u32 $0xffff, v17  }
.LBB2_32:
0x60d: {  	s7 =	spop (v2sf);
	s21 =	smov.u32 @p3 s15  }
0x60e: {  	s8 =	smov.u32 s6;
	s4 =	sadd.s32 $0xFFFFFFF0, s6;
	s5 =	smov.u32 s28  }
0x60f: {  	s28 =	smov.u32 s1;
	p3 =	por p1, p1;
	p1 =	por p2, p2  }
0x610: {  	p4 =	sne.s32 s6, $0x80000000;
	(xrf0) =	vadd.scan.msk.s32 $0xffff, v13;
	s6 =	sxor.u32 $0x80000000, s7;
	s10 =	spop (v2sf);
	v16, _, _ =	vpop (xrf0);
	v17 =	vmov v13  }
0x611: {  	p2 =	seq.s32 s29, $0x0;
	v18 =	vmov s6;
	p5 =	seq.s32 s10, $0x80000001;
	(v2sf) =	vpush v16, $0xF;
	v16, _, _ =	vpop (xrf0)  }
0x612: {  	v14 =	vsub.s32 v15, v14;
	s2 =	sadd.s32 $0xFFFFFFF0, s2;
	s6 =	spop (v2sf);
	vm0 =	veq.s32 v18, v1;
	p2 =	por !p2, !p5;
	(v2sf) =	vpush v16, $0xF  }
0x613: {  	v15 =	vadd.s32 v8, v14;
	s1 =	sadd.s32 s1, s6;
	v13, _, _ =	vpop (xrf0);
	v18 =	vnsel vm0, $0x0, v11;
	v9 =	vnsel vm0, $0x0, v9;
	p2 =	por !p2, !p2;
	s6 =	sadd.s32 s9, s7  }
0x614: {  	s9 =	smov.u32 s3;
	v19 =	vadd.s32 s1, v15;
	v16, _, _ =	vpop (xrf0);
	(v2sf) =	vpush v13, $0xF;
	s22 =	smov.u32 @p2 s6;
	s29 =	simm.s32 @p2 $0x1;
	(xrf0) =	vadd.scan.msk.s32 $0xffff, v18  }
.Ltmp16:
0x615: {  	v11 =	vmovc v10;
	v10 =	vmov v12;
	s3 =	smov.u32 s0;
	s0 =	smov.u32 s31;
	v13 =	vld [tilespmem:s2+$0x0];
	vm0 =	vge.s32 v19, v5;
	(v2sf) =	vpush v16, $0xF;
	(xrf0) =	vadd.scan.msk.s32 $0xffff, v9;
	(pc) =	sbr.rel @p4 .LBB2_32-.Ltmp16, $4  }
0x616: {  	s6 =	spop (v2sf)  }
0x617: {  	v12 =	vmov v15;
	s31 =	smov.u32 s30;
	s30 =	smov.u32 s8;
	v14, _, _ =	vpop (xrf0);
	v19 =	vsel vm0, $0x1, v0;
	v16 =	vnsel vm0, $0x7FFFFFFF, v4;
	s6 =	sadd.s32 s24, s6  }
0x618: {  	v9 =	vmovc v7;
	v15 =	vbroadcast v14, $0xF;
	(v2sf) =	vpush v14, $0xF;
	v18 =	vor.u32 $0x80000000, v19;
	(xrf0) =	vmax.scan.msk.u32 $0xffff, v16;
	s7 =	spop (v2sf);
	s24 =	smov.u32 s25;
	s25 =	smov.u32 s26  }
0x619: {  	v7 =	vmovc v6;
	v6 =	vmov v8;
	v8 =	vmov v17;
	s26 =	smov.u32 s5;
	(xrf0) =	vmax.scan.msk.u32 $0xffff, v18;
	s15 =	ssub.s32 s6, s7;
	s6 =	smov.u32 s4  }
0x61a: {  	_ =	sdelay $0x3  }
0x61b: {  	(xrf0) =	vadd.scan.msk.s32 $0xffff, v13;
	_ =	sdelay $0x1  }
0x61c: {  	s5 =	spop (v2sf);
	v16, _, _ =	vpop (xrf0)  }
0x61d: {  	s2 =	spop (v2sf);
	v17, _, _ =	vpop (xrf0)  }
0x61e: {  	s4 =	spop (v2sf);
	v54, _, _ =	vpop (xrf0)  }
0x61f: {  	v14 =	vsub.s32 v15, v14;
	s23 =	sxor.u32 $0x80000000, s5;
	v19, _, _ =	vpop (xrf0);
	s6 =	spop (v2sf)  }
0x620: {  	v14 =	vadd.s32 v8, v14;
	(v2sf) =	vpush v16, $0xF;
	v18 =	vmov s23;
	s11 =	sadd.s32 s1, s4;
	v20, _, _ =	vpop (xrf0);
	s7 =	spop (v2sf)  }
0x621: {  	vm0 =	veq.s32 v18, v1;
	v55 =	vadd.s32 s11, v14;
	v56 =	vbroadcast v20, $0xF;
	[dreg:$0x17] =	wrdreg s7;
	s7 =	spop (v2sf)  }
0x622: {  	(v2sf) =	vpush v17, $0xF;
	v11 =	vnsel vm0, $0x0, v11;
	vm1 =	vge.s32 v55, v5;
	s19 =	spop (v2sf)  }
0x623: {  	v9 =	vnsel vm0, $0x0, v9;
	(xrf0) =	vadd.scan.msk.s32 $0xffff, v11;
	v57 =	vsel vm1, $0x1, v0;
	v18 =	vsub.s32 v56, v20;
	s8 =	sxor.u32 $0x80000000, s7;
	s10 =	spop (v2sf)  }
0x624: {  	[dreg:$0x1d] =	wrdreg s2;
	(xrf0) =	vadd.scan.msk.s32 $0xffff, v9;
	v58 =	vnsel vm1, $0x7FFFFFFF, v4;
	v61 =	vadd.s32 v13, v18;
	v59 =	vmov s8;
	s2 =	sadd.s32 s11, s10  }
0x625: {  	(xrf0) =	vmax.scan.msk.u32 $0xffff, v58;
	v60 =	vor.u32 $0x80000000, v57;
	vm11 =	veq.s32 v59, v1;
	v63 =	vadd.s32 s2, v61  }
0x626: {  	(xrf0) =	vmax.scan.msk.u32 $0xffff, v60;
	v62 =	vnsel vm11, $0x0, v10;
	v7 =	vnsel vm11, $0x0, v7;
	vm12 =	vge.s32 v63, v5  }
0x627: {  	(v2sf) =	vpush v54, $0xF;
	(xrf0) =	vadd.scan.msk.s32 $0xffff, v62;
	v5 =	vnsel vm12, $0x7FFFFFFF, v4  }
0x628: {  	(v2sf) =	vpush v19, $0xF;
	(xrf0) =	vadd.scan.msk.s32 $0xffff, v7  }
0x629: {  	(v2sf) =	vpush v20, $0xF;
	v7, _, _ =	vpop (xrf0);
	(xrf0) =	vmax.scan.msk.u32 $0xffff, v5  }
0x62a: {  	(v2sf) =	vpush v7, $0xF;
	v5, _, _ =	vpop (xrf0)  }
0x62b: {  	(v2sf) =	vpush v5, $0xF;
	v5, _, _ =	vpop (xrf0)  }
0x62c: {  	v7, _, _ =	vpop (xrf0);
	(v2sf) =	vpush v5, $0xF  }
0x62d: {  	(v2sf) =	vpush v7, $0xF;
	v5, _, _ =	vpop (xrf0)  }
0x62e: {  	(v2sf) =	vpush v5, $0xF;
	v5, _, _ =	vpop (xrf0)  }
0x62f: {  	(v2sf) =	vpush v5, $0xF;
	v5, _, _ =	vpop (xrf0)  }
0x630: {  	(v2sf) =	vpush v5, $0xF;
	_ =	sdelay $0x3  }
0x631: {  	s8 =	spop (v2sf)  }
0x632: {  	s10 =	spop (v2sf)  }
0x633: {  	s23 =	spop (v2sf)  }
0x634: {  	s4 =	spop (v2sf)  }
0x635: {  	[dreg:$0x1a] =	wrdreg s6;
	s6 =	spop (v2sf)  }
0x636: {  	s13 =	spop (v2sf)  }
0x637: {  	s20 =	spop (v2sf)  }
0x638: {  	s17 =	spop (v2sf)  }
0x639: {  	v5 =	vsel vm12, $0x1, v0;
	s18 =	spop (v2sf)  }
0x63a: {  	s6 =	sxor.u32 $0x80000000, s23;
	v5 =	vor.u32 $0x80000000, v5;
	s16 =	spop (v2sf)  }
0x63b: {  	v7 =	vmov s6;
	(xrf0) =	vmax.scan.msk.u32 $0xffff, v5;
	s6 =	sxor.u32 $0x80000000, s17;
	s12 =	spop (v2sf)  }
0x63c: {  	v5 =	vmov s6;
	s6 =	spop (v2sf)  }
0x63d: {  	[dreg:$0x14] =	wrdreg s2;
	vm13 =	veq.s32 v7, v1;
	s2 =	sxor.u32 $0x80000000, s6  }
0x63e: {  	v7 =	vnsel vm13, $0x0, v12;
	vm14 =	veq.s32 v5, v1;
	v5 =	vmov s2  }
0x63f: {  	p5 =	seq.s32 s29, $0x0;
	v6 =	vnsel vm13, $0x0, v6;
	(xrf0) =	vadd.scan.msk.s32 $0xffff, v7;
	[smem:$0x7FC] =	sst s12  }
0x640: {  	s21 =	smov.u32 @p3 s15;
	p1 =	por p1, p1;
	(xrf0) =	vadd.scan.msk.s32 $0xffff, v6;
	s12 =	rddreg [dreg:$0x1d];
	v6 =	vnsel vm14, $0x0, v14  }
0x641: {  	p2 =	por p2, p2;
	s15 =	rddreg [dreg:$0x1a];
	v7 =	vnsel vm14, $0x0, v8;
	p4 =	seq.s32 s12, $0x80000001;
	(xrf0) =	vadd.scan.msk.s32 $0xffff, v6;
	vm15 =	veq.s32 v5, v1;
	v5, _, _ =	vpop (xrf0)  }
0x642: {  	s0 =	sadd.s32 s0, s23;
	s12 =	sadd.s32 s26, s13;
	p4 =	por !p5, !p4;
	(xrf0) =	vadd.scan.msk.s32 $0xffff, v7;
	v6 =	vnsel vm15, $0x0, v61;
	(v2sf) =	vpush v5, $0xF;
	v5 =	vnsel vm15, $0x0, v13  }
0x643: {  	s13 =	simm.s32 $0x0;
	s2 =	sadd.s32 s9, s5;
	p3 =	por !p4, !p4;
	(xrf0) =	vadd.scan.msk.s32 $0xffff, v6  }
0x644: {  	p5 =	seq.s32 s19, $0x80000001;
	s9 =	sadd.s32 s25, s8;
	s22 =	smov.u32 @p3 s2;
	(xrf0) =	vadd.scan.msk.s32 $0xffff, v5  }
0x645: {  	s29 =	simm.s32 @p3 $0x1;
	s2 =	sadd.s32 s24, s15;
	s24 =	rddreg [dreg:$0x17];
	v5, _, _ =	vpop (xrf0)  }
0x646: {  	p3 =	por p3, p3;
	s15 =	sand.u32 $0x800, s13;
	p6 =	seq.s32 s29, $0x0;
	(v2sf) =	vpush v5, $0xF;
	v5, _, _ =	vpop (xrf0)  }
0x647: {  	s2 =	ssub.s32 s2, s24;
	p3 =	por p3, p3;
	p4 =	por !p6, !p5;
	(v2sf) =	vpush v5, $0xF;
	v5, _, _ =	vpop (xrf0)  }
0x648: {  	s21 =	smov.u32 @p1 s2;
	s2 =	sadd.s32 s3, s7;
	p1 =	por !p4, !p4;
	(v2sf) =	vpush v5, $0xF;
	v5, _, _ =	vpop (xrf0)  }
0x649: {  	p5 =	seq.s32 s4, $0x80000001;
	s3 =	sand.u32 $0x380, s13;
	s29 =	simm.s32 @p1 $0x1;
	(v2sf) =	vpush v5, $0xF;
	v5, _, _ =	vpop (xrf0)  }
0x64a: {  	s22 =	smov.u32 @p1 s2;
	s2 =	ssub.s32 s9, s10;
	p6 =	seq.s32 s29, $0x0;
	(v2sf) =	vpush v5, $0xF;
	v5, _, _ =	vpop (xrf0)  }
0x64b: {  	p1 =	por p1, p1;
	p4 =	por !p6, !p5;
	p5 =	por p2, p2;
	(v2sf) =	vpush v5, $0xF  }
0x64c: {  	p2 =	por !p4, !p4;
	s21 =	smov.u32 @p5 s2;
	s2 =	sor.u32 s3, s15  }
0x64d: {  	p4 =	seq.s32 s18, $0x80000001;
	p5 =	por p1, p1;
	s18 =	sld [smem:$0x7FC]  }
0x64e: {  	s22 =	smov.u32 @p2 s0;
	s0 =	ssub.s32 s12, s20;
	s29 =	simm.s32 @p2 $0x1  }
0x64f: {  	[tilespmem:s2+$0x1B100] =	vst v0;
	p6 =	por p2, p2;
	s21 =	smov.u32 @p3 s0;
	s0 =	sadd.s32 $0x1B100, s2  }
0x650: {  	p3 =	seq.s32 s29, $0x0;
	s2 =	sadd.s32 s31, s17;
	s17 =	sadd.s32 s28, s16;
	[tilespmem:s0+$0x10] =	vst v0  }
0x651: {  	p1 =	por p6, p6;
	p3 =	por !p3, !p4;
	[tilespmem:s0+$0x20] =	vst v0;
	s3 =	ssub.s32 s17, s18  }
0x652: {  	[tilespmem:s0+$0x30] =	vst v0;
	p2 =	por !p3, !p3;
	s21 =	smov.u32 @p5 s3;
	s3 =	sadd.s32 s30, s6  }
0x653: {  	[tilespmem:s0+$0x40] =	vst v0;
	s29 =	simm.s32 @p2 $0x1;
	s22 =	smov.u32 @p2 s2;
	s19 =	spop (v2sf)  }
0x654: {  	[tilespmem:s0+$0x50] =	vst v0;
	p6 =	por p2, p2;
	p4 =	seq.s32 s29, $0x0;
	p5 =	seq.s32 s19, $0x80000001  }
0x655: {  	[tilespmem:s0+$0x60] =	vst v0;
	s29 =	rddreg [dreg:$0x14];
	p3 =	por !p4, !p5;
	s20 =	spop (v2sf)  }
0x656: {  	[tilespmem:s0+$0x70] =	vst v0;
	p2 =	por !p3, !p3;
	s23 =	sadd.s32 s1, s20;
	s24 =	spop (v2sf)  }
0x657: {  	[tilespmem:s0+$0x400] =	vst v0;
	s22 =	smov.u32 @p2 s3;
	s1 =	ssub.s32 s23, s24;
	s25 =	spop (v2sf)  }
0x658: {  	[tilespmem:s0+$0x410] =	vst v0;
	p2 =	por p2, p2;
	s21 =	smov.u32 @p1 s1;
	s26 =	spop (v2sf)  }
0x659: {  	[tilespmem:s0+$0x420] =	vst v0;
	p1 =	por p6, p6;
	s2 =	sadd.s32 s11, s25;
	s28 =	spop (v2sf)  }
0x65a: {  	[tilespmem:s0+$0x430] =	vst v0;
	s1 =	ssub.s32 s2, s26;
	s2 =	sadd.s32 s29, s28;
	s30 =	spop (v2sf)  }
0x65b: {  	[tilespmem:s0+$0x440] =	vst v0;
	s21 =	smov.u32 @p1 s1;
	p1 =	por p2, p2;
	s1 =	ssub.s32 s2, s30  }
0x65c: {  	s31 =	simm.s32 $0x100;
	[tilespmem:s0+$0x450] =	vst v0;
	s21 =	smov.u32 @p1 s1;
	s1 =	simm.s32 $0x80  }
0x65d: {  	[tilespmem:s0+$0x460] =	vst v0;
	s3 =	sand.u32 $0x800, s31;
	s2 =	simm.s32 $0x200;
	s4 =	sand.u32 $0x380, s1  }
.LBB2_34:
0x65e: {  	p1 =	sne.s32 s2, $0xF00;
	s3 =	sor.u32 s4, s3;
	[tilespmem:s0+$0x470] =	vst v0  }
0x65f: {  	s0 =	sadd.s32 $0x1B100, s3;
	[tilespmem:s3+$0x1B100] =	vst v0  }
0x660: {  	[tilespmem:s0+$0x10] =	vst v0  }
0x661: {  	[tilespmem:s0+$0x20] =	vst v0  }
0x662: {  	[tilespmem:s0+$0x30] =	vst v0  }
0x663: {  	[tilespmem:s0+$0x40] =	vst v0  }
0x664: {  	[tilespmem:s0+$0x50] =	vst v0  }
0x665: {  	[tilespmem:s0+$0x60] =	vst v0  }
0x666: {  	[tilespmem:s0+$0x70] =	vst v0  }
0x667: {  	[tilespmem:s0+$0x400] =	vst v0  }
0x668: {  	[tilespmem:s0+$0x410] =	vst v0  }
.Ltmp17:
0x669: {  	[tilespmem:s0+$0x420] =	vst v0;
	(pc) =	sbr.rel @p1 .LBB2_34-.Ltmp17, $4  }
0x66a: {  	[tilespmem:s0+$0x430] =	vst v0  }
0x66b: {  	[tilespmem:s0+$0x440] =	vst v0  }
0x66c: {  	s1 =	sadd.s32 $0x80, s1;
	[tilespmem:s0+$0x450] =	vst v0  }
0x66d: {  	s3 =	sand.u32 $0x800, s2;
	s4 =	sand.u32 $0x380, s1;
	s2 =	sadd.s32 $0x100, s2;
	[tilespmem:s0+$0x460] =	vst v0  }
0x66e: {  	s1 =	sor.u32 s4, s3;
	[tilespmem:s0+$0x470] =	vst v0  }
0x66f: {  	s26 =	sadd.s32 $0x1B100, s1;
	[tilespmem:s1+$0x1B100] =	vst v0  }
0x670: {  	[tilespmem:s26+$0x10] =	vst v0  }
0x671: {  	s3 =	rddreg [dreg:$0xf];
	[tilespmem:s26+$0x20] =	vst v0  }
0x672: {  	s28 =	sadd.s32 $0xF, s3;
	[tilespmem:s26+$0x30] =	vst v0  }
0x673: {  	[tilespmem:s26+$0x40] =	vst v0;
	s2 =	sand.u32 $0xF, s28  }
0x674: {  	[tilespmem:s26+$0x50] =	vst v0;
	s29 =	sshra.s32 s28, $0x1F;
	p2 =	slt.s32 s28, $0x1;
	p1 =	sne.s32 s2, $0x0  }
0x675: {  	[tilespmem:s26+$0x60] =	vst v0;
	s2 =	sshrl.u32 s29, $0x1C;
	p1 =	por !p2, !p1  }
0x676: {  	[tilespmem:s26+$0x70] =	vst v0;
	s1 =	sadd.s32 s2, s28;
	s2 =	simm.s32 $0x1;
	p1 =	por !p1, !p1  }
0x677: {  	[tilespmem:s26+$0x400] =	vst v0;
	s1 =	sshra.s32 s1, $0x4;
	s2 =	simm.s32 @!p1 $0x0  }
0x678: {  	[tilespmem:s26+$0x410] =	vst v0;
	s1 =	ssub.s32 s1, s2  }
0x679: {  	[tilespmem:s26+$0x420] =	vst v0;
	p1 =	slt.s32 s1, $0x1  }
.Ltmp18:
0x67a: {  	[tilespmem:s26+$0x430] =	vst v0;
	(pc) =	sbr.rel @p1 .LBB2_42-.Ltmp18, $4  }
0x67b: {  	[tilespmem:s26+$0x440] =	vst v0  }
0x67c: {  	[tilespmem:s26+$0x450] =	vst v0  }
0x67d: {  	s30 =	sshll.u32 s22, $0x8;
	s31 =	rddreg [dreg:$0xe];
	[tilespmem:s26+$0x460] =	vst v0  }
0x67e: {  	s4 =	rddreg [dreg:$0xd];
	s19 =	sor.u32 s31, s30;
	[tilespmem:s26+$0x470] =	vst v0  }
0x67f: {  	p2 =	sne.s32 s1, $0x1  }
.Ltmp19:
0x680: {  	_ = 	snop;
	(pc) =	sbr.rel @!p2 .LBB2_37-.Ltmp19, $3  }
0x681: {  	_ =	sdelay $0x1  }
0x682: {  	s0 =	sshrl.u32 s19, $0x8;
	s2 =	simm.s32 $0x9000  }
0x683: {  	v6 =	vmov s3;
	s1 =	sadd.s32 $0xFFFFFFFF, s1;
	p1 =	por $0x0, $0x0;
	v5 =	vmov s0;
	s0 =	simm.s32 $0x0;
	v7 =	vld [tilespmem:s2+$0x0]  }
0x684: {  	_ =	sdelay $0x2  }
0x685: {  	v8 =	vor.u32 s0, v1  }
0x686: {  	vm0 =	vlt.s32 v8, v6;
	v8 =	vshrl.u32 v7, $0x8;
	v9 =	vshll.u32 v7, $0x3  }
0x687: {  	v7 =	vand.u32 $0x7F, v7;
	vm1 =	veq.s32 v8, v5;
	v8 =	vand.u32 $0x400, v9  }
0x688: {  	vm0 =	vmand vm0, vm1;
	v7 =	vor.u32 v8, v7  }
0x689: {  	v7 =	vor.u32 v2, v7  }
0x68a: {  	p2 =	sne.s32 s1, $0x1  }
.Ltmp20:
0x68b: {  	_ = 	snop;
	(pc) =	sbr.rel @!p2 .LBB2_39-.Ltmp20, $3  }
0x68c: {  	_ =	sdelay $0x1  }
0x68d: {  	s2 =	simm.s32 $0x9010;
	[tilespmem:v7+s14+$0x0] =	vst.idx.add.s32.msk vm0, v3  }
0x68e: {  	s3 =	sadd.s32 $0xFFFFFFFF, s1;
	p1 =	por $0x1, $0x1;
	s1 =	simm.s32 $0x0;
	v7 =	vld [tilespmem:s2+$0x0]  }
.LBB2_40:
0x68f: {  	p2 =	sne.s32 s3, $0x1;
	_ =	sdelay $0x1  }
0x690: {  	s1 =	sadd.s32 $0x10, s1  }
0x691: {  	v8 =	vor.u32 s1, v1  }
0x692: {  	vm0 =	vlt.s32 v8, v6;
	v8 =	vshrl.u32 v7, $0x8;
	v9 =	vshll.u32 v7, $0x3  }
0x693: {  	v7 =	vand.u32 $0x7F, v7;
	vm1 =	veq.s32 v8, v5;
	v8 =	vand.u32 $0x400, v9  }
0x694: {  	vm0 =	vmand vm0, vm1;
	v7 =	vor.u32 v8, v7  }
0x695: {  	v7 =	vor.u32 v2, v7;
	_ =	sdelay $0x1  }
.Ltmp21:
0x696: {  	(pc) =	sbr.rel @p2 .LBB2_40-.Ltmp21, $3  }
0x697: {  	_ =	sdelay $0x1  }
0x698: {  	s2 =	sadd.s32 $0x10, s2;
	[tilespmem:v7+s14+$0x0] =	vst.idx.add.s32.msk vm0, v3  }
0x699: {  	s3 =	sadd.s32 $0xFFFFFFFF, s3;
	v7 =	vld [tilespmem:s2+$0x0]  }
.LBB2_41:
0x69a: {  	_ = 	snop  }
0x69b: {  	s1 =	sadd.s32 @p1 $0x10, s1  }
0x69c: {  	s0 =	smov.u32 @p1 s1  }
0x69d: {  	v8 =	vor.u32 s0, v1  }
0x69e: {  	vm0 =	vlt.s32 v8, v6;
	v6 =	vshrl.u32 v7, $0x8;
	v63 =	vshll.u32 v7, $0x3  }
0x69f: {  	vm1 =	veq.s32 v6, v5;
	v5 =	vand.u32 $0x7F, v7;
	v6 =	vand.u32 $0x400, v63  }
0x6a0: {  	vm0 =	vmand vm0, vm1;
	v5 =	vor.u32 v6, v5  }
0x6a1: {  	v5 =	vor.u32 v2, v5;
	_ =	sdelay $0x4  }
0x6a2: {  	[tilespmem:v5+s14+$0x0] =	vst.idx.add.s32.msk vm0, v3  }
.LBB2_42:
0x6a3: {  	s0 =	simm.s32 $0x0  }
0x6a4: {  	s1 =	sand.u32 $0x70, s0;
	s0 =	sand.u32 $0x400, s0  }
0x6a5: {  	s0 =	sor.u32 s1, s0  }
0x6a6: {  	v5 =	vld [tilespmem:s0+$0x1B180]  }
0x6a7: {  	v6 =	vld [tilespmem:s0+$0x1B100]  }
0x6a8: {  	v7 =	vld [tilespmem:s0+$0x1B200]  }
0x6a9: {  	v8 =	vld [tilespmem:s0+$0x1B280]  }
0x6aa: {  	v9 =	vld [tilespmem:s0+$0x1B300]  }
0x6ab: {  	v10 =	vld [tilespmem:s0+$0x1B380]  }
0x6ac: {  	v5 =	vadd.s32 v6, v5;
	v6 =	vld [tilespmem:s0+$0x1B400]  }
0x6ad: {  	v5 =	vadd.s32 v7, v5;
	v7 =	vld [tilespmem:s0+$0x1B480]  }
0x6ae: {  	v58 =	vld [tilespmem:s0+$0x1B900];
	v5 =	vadd.s32 v8, v5  }
0x6af: {  	v59 =	vld [tilespmem:s0+$0x1B980];
	v5 =	vadd.s32 v9, v5  }
0x6b0: {  	v60 =	vld [tilespmem:s0+$0x1BA00];
	v5 =	vadd.s32 v10, v5  }
0x6b1: {  	v5 =	vadd.s32 v6, v5;
	v6 =	vld [tilespmem:s0+$0x1BA80]  }
0x6b2: {  	v5 =	vadd.s32 v7, v5;
	v7 =	vld [tilespmem:s0+$0x1BB00]  }
0x6b3: {  	v61 =	vld [tilespmem:s0+$0x1BB80];
	v5 =	vadd.s32 v58, v5  }
0x6b4: {  	v62 =	vld [tilespmem:s0+$0x1BC00];
	v5 =	vadd.s32 v59, v5  }
0x6b5: {  	v63 =	vld [tilespmem:s0+$0x1BC80];
	v5 =	vadd.s32 v60, v5  }
0x6b6: {  	v5 =	vadd.s32 v6, v5  }
0x6b7: {  	v5 =	vadd.s32 v7, v5  }
0x6b8: {  	v5 =	vadd.s32 v61, v5  }
0x6b9: {  	s31 =	simm.s32 $0x10;
	s2 =	simm.s32 $0x80;
	v5 =	vadd.s32 v62, v5  }
0x6ba: {  	s3 =	sand.u32 $0x400, s2;
	s1 =	sand.u32 $0x70, s31;
	s0 =	simm.s32 $0x1C100;
	v5 =	vadd.s32 v63, v5  }
0x6bb: {  	s18 =	ssub.s32 s4, s21;
	s1 =	sor.u32 s1, s3;
	s3 =	simm.s32 $0x20;
	[tilespmem:s0+$0x0] =	vst v5  }
.LBB2_43:
0x6bc: {  	p1 =	sne.s32 s3, $0xF0;
	v5 =	vld [tilespmem:s1+$0x1B180]  }
0x6bd: {  	v6 =	vld [tilespmem:s1+$0x1B100]  }
0x6be: {  	v7 =	vld [tilespmem:s1+$0x1B200]  }
0x6bf: {  	v8 =	vld [tilespmem:s1+$0x1B280]  }
0x6c0: {  	v9 =	vld [tilespmem:s1+$0x1B300]  }
0x6c1: {  	v10 =	vld [tilespmem:s1+$0x1B380]  }
0x6c2: {  	v5 =	vadd.s32 v6, v5;
	v6 =	vld [tilespmem:s1+$0x1B400]  }
0x6c3: {  	v5 =	vadd.s32 v7, v5;
	v7 =	vld [tilespmem:s1+$0x1B480]  }
0x6c4: {  	v5 =	vadd.s32 v8, v5;
	v8 =	vld [tilespmem:s1+$0x1B900]  }
0x6c5: {  	v5 =	vadd.s32 v9, v5;
	v9 =	vld [tilespmem:s1+$0x1B980]  }
0x6c6: {  	v5 =	vadd.s32 v10, v5;
	v10 =	vld [tilespmem:s1+$0x1BA00]  }
0x6c7: {  	v5 =	vadd.s32 v6, v5;
	v6 =	vld [tilespmem:s1+$0x1BA80]  }
0x6c8: {  	v5 =	vadd.s32 v7, v5;
	v7 =	vld [tilespmem:s1+$0x1BB00]  }
0x6c9: {  	v5 =	vadd.s32 v8, v5;
	v8 =	vld [tilespmem:s1+$0x1BB80]  }
0x6ca: {  	v5 =	vadd.s32 v9, v5;
	v9 =	vld [tilespmem:s1+$0x1BC00]  }
0x6cb: {  	v5 =	vadd.s32 v10, v5;
	v10 =	vld [tilespmem:s1+$0x1BC80]  }
0x6cc: {  	v5 =	vadd.s32 v6, v5  }
.Ltmp22:
0x6cd: {  	v5 =	vadd.s32 v7, v5;
	(pc) =	sbr.rel @p1 .LBB2_43-.Ltmp22, $4  }
0x6ce: {  	v5 =	vadd.s32 v8, v5  }
0x6cf: {  	s2 =	sadd.s32 $0x80, s2;
	v5 =	vadd.s32 v9, v5  }
0x6d0: {  	s0 =	sadd.s32 $0x10, s0;
	s4 =	sand.u32 $0x400, s2;
	s1 =	sand.u32 $0x70, s3;
	v5 =	vadd.s32 v10, v5  }
0x6d1: {  	s3 =	sadd.s32 $0x10, s3;
	s1 =	sor.u32 s1, s4;
	[tilespmem:s0+$0x0] =	vst v5  }
0x6d2: {  	v5 =	vld [tilespmem:s1+$0x1B180]  }
0x6d3: {  	v6 =	vld [tilespmem:s1+$0x1B100]  }
0x6d4: {  	v7 =	vld [tilespmem:s1+$0x1B200]  }
0x6d5: {  	v8 =	vld [tilespmem:s1+$0x1B280]  }
0x6d6: {  	v9 =	vld [tilespmem:s1+$0x1B300]  }
0x6d7: {  	v10 =	vld [tilespmem:s1+$0x1B380]  }
0x6d8: {  	v5 =	vadd.s32 v6, v5;
	v6 =	vld [tilespmem:s1+$0x1B400]  }
0x6d9: {  	v5 =	vadd.s32 v7, v5;
	v7 =	vld [tilespmem:s1+$0x1B480]  }
0x6da: {  	v5 =	vadd.s32 v8, v5;
	v8 =	vld [tilespmem:s1+$0x1B900]  }
0x6db: {  	v5 =	vadd.s32 v9, v5;
	v9 =	vld [tilespmem:s1+$0x1B980]  }
0x6dc: {  	v5 =	vadd.s32 v10, v5;
	v10 =	vld [tilespmem:s1+$0x1BA00]  }
0x6dd: {  	v5 =	vadd.s32 v6, v5;
	v6 =	vld [tilespmem:s1+$0x1BA80]  }
0x6de: {  	v5 =	vadd.s32 v7, v5;
	v7 =	vld [tilespmem:s1+$0x1BB00]  }
0x6df: {  	v5 =	vadd.s32 v8, v5;
	v8 =	vld [tilespmem:s1+$0x1BB80]  }
0x6e0: {  	v5 =	vadd.s32 v9, v5;
	v9 =	vld [tilespmem:s1+$0x1BC00]  }
0x6e1: {  	v5 =	vadd.s32 v10, v5;
	v10 =	vld [tilespmem:s1+$0x1BC80]  }
0x6e2: {  	v5 =	vadd.s32 v6, v5  }
0x6e3: {  	v5 =	vadd.s32 v7, v5  }
0x6e4: {  	v5 =	vadd.s32 v8, v5  }
0x6e5: {  	v5 =	vadd.s32 v9, v5  }
0x6e6: {  	s0 =	sadd.s32 $0x10, s0;
	s13 =	rddreg [dreg:$0x6];
	s15 =	simm.s32 $0x80;
	v5 =	vadd.s32 v10, v5  }
0x6e7: {  	s2 =	simm.s32 $0x400;
	s3 =	simm.s32 $0x1C100;
	s16 =	simm.s32 $0x1;
	[tilespmem:s0+$0x0] =	vst v5  }
0x6e8: {  	[spmem:s13] =	stream.strided.scatter [tilespmem:s3], [sflag:$0x1], $0x100, s2, s15, $0x38;
	[tilespmem:$0x1C580] =	vst v63  }
0x6e9: {  	_ =	swait.ge [sflag:s16], $0x100  }
0x6ea: {  	[sflag:s16] =	ssyncset.done $0x0  }
0x6eb: {  	[sflag:s16] =	ssyncadd.s32 $0xFFFFFF00  }
0x6ec: {  	[bflag:$0x0] =	sbarrier.arrive $0xFFFF  }
0x6ed: {  	s4 =	simm.s32 $0x1C200;
	s17 =	rddreg [dreg:$0x5]  }
0x6ee: {  	[tilespmem:s4], [sflag:$0x1] =	stream.strided.gather [spmem:s17], $0x100, s2, s15, $0x38;
	[tilespmem:$0x1C580] =	vst v63  }
0x6ef: {  	_ =	swait.ge [sflag:s16], $0x100  }
0x6f0: {  	[sflag:s16] =	ssyncset.done $0x0  }
0x6f1: {  	[sflag:s16] =	ssyncadd.s32 $0xFFFFFF00  }
0x6f2: {  	v5 =	vld [tilespmem:$0x1C200]  }
0x6f3: {  	v6 =	vld [tilespmem:$0x1C210]  }
0x6f4: {  	v7 =	vld [tilespmem:$0x1C220]  }
0x6f5: {  	v8 =	vld [tilespmem:$0x1C230]  }
0x6f6: {  	v9 =	vld [tilespmem:$0x1C240]  }
0x6f7: {  	[tilespmem:$0x1C300] =	vst v5;
	v5 =	vld [tilespmem:$0x1C250]  }
0x6f8: {  	[tilespmem:$0x1C310] =	vst v6;
	v6 =	vld [tilespmem:$0x1C260]  }
0x6f9: {  	[tilespmem:$0x1C320] =	vst v7;
	v7 =	vld [tilespmem:$0x1C270]  }
0x6fa: {  	[tilespmem:$0x1C330] =	vst v8;
	v8 =	vld [tilespmem:$0x1C280]  }
0x6fb: {  	[tilespmem:$0x1C340] =	vst v9;
	v9 =	vld [tilespmem:$0x1C290]  }
0x6fc: {  	[tilespmem:$0x1C350] =	vst v5;
	v5 =	vld [tilespmem:$0x1C2A0]  }
0x6fd: {  	[tilespmem:$0x1C360] =	vst v6;
	v6 =	vld [tilespmem:$0x1C2B0]  }
0x6fe: {  	[tilespmem:$0x1C370] =	vst v7;
	v7 =	vld [tilespmem:$0x1C2C0]  }
0x6ff: {  	[tilespmem:$0x1C380] =	vst v8;
	v8 =	vld [tilespmem:$0x1C2D0]  }
0x700: {  	[tilespmem:$0x1C390] =	vst v9;
	v9 =	vld [tilespmem:$0x1C2E0]  }
0x701: {  	[tilespmem:$0x1C3A0] =	vst v5;
	v5 =	vld [tilespmem:$0x1C2F0]  }
0x702: {  	[tilespmem:$0x1C3B0] =	vst v6  }
0x703: {  	[tilespmem:$0x1C3C0] =	vst v7  }
0x704: {  	[tilespmem:$0x1C3D0] =	vst v8  }
0x705: {  	[tilespmem:$0x1C3E0] =	vst v9  }
0x706: {  	s20 =	rddreg [dreg:$0x7];
	[tilespmem:$0x1C3F0] =	vst v5  }
0x707: {  	[tilespmem:s4], [sflag:$0x1] =	stream.strided.gather [spmem:s20], $0x100, s2, s15, $0x38;
	[tilespmem:$0x1C580] =	vst v63  }
0x708: {  	_ =	swait.ge [sflag:s16], $0x100  }
0x709: {  	[sflag:s16] =	ssyncset.done $0x0  }
0x70a: {  	[sflag:s16] =	ssyncadd.s32 $0xFFFFFF00  }
0x70b: {  	v5 =	vld [tilespmem:$0x1C200]  }
0x70c: {  	v6 =	vld [tilespmem:$0x1C300]  }
0x70d: {  	v7 =	vld [tilespmem:$0x1C210]  }
0x70e: {  	v8 =	vld [tilespmem:$0x1C310]  }
0x70f: {  	v9 =	vld [tilespmem:$0x1C220]  }
0x710: {  	v10 =	vld [tilespmem:$0x1C320]  }
0x711: {  	v11 =	vld [tilespmem:$0x1C230]  }
0x712: {  	v12 =	vld [tilespmem:$0x1C330]  }
0x713: {  	v13 =	vld [tilespmem:$0x1C240]  }
0x714: {  	v14 =	vld [tilespmem:$0x1C340]  }
0x715: {  	v15 =	vld [tilespmem:$0x1C250]  }
0x716: {  	v16 =	vld [tilespmem:$0x1C350]  }
0x717: {  	v17 =	vld [tilespmem:$0x1C260]  }
0x718: {  	v18 =	vld [tilespmem:$0x1C360]  }
0x719: {  	v19 =	vld [tilespmem:$0x1C270]  }
0x71a: {  	v20 =	vld [tilespmem:$0x1C370]  }
0x71b: {  	v21 =	vld [tilespmem:$0x1C280]  }
0x71c: {  	v22 =	vld [tilespmem:$0x1C380]  }
0x71d: {  	v23 =	vld [tilespmem:$0x1C290]  }
0x71e: {  	v24 =	vld [tilespmem:$0x1C390]  }
0x71f: {  	v25 =	vld [tilespmem:$0x1C2A0]  }
0x720: {  	v26 =	vld [tilespmem:$0x1C3E0];
	v5 =	vadd.s32 v5, v6  }
0x721: {  	v27 =	vld [tilespmem:$0x1C2F0];
	[tilespmem:$0x1C300] =	vst v5;
	v5 =	vadd.s32 v7, v8  }
0x722: {  	v6 =	vld [tilespmem:$0x1C3A0];
	[tilespmem:$0x1C310] =	vst v5;
	v5 =	vadd.s32 v9, v10  }
0x723: {  	v7 =	vld [tilespmem:$0x1C2B0];
	[tilespmem:$0x1C320] =	vst v5;
	v5 =	vadd.s32 v11, v12  }
0x724: {  	v8 =	vld [tilespmem:$0x1C3B0];
	[tilespmem:$0x1C330] =	vst v5;
	v5 =	vadd.s32 v13, v14  }
0x725: {  	v9 =	vld [tilespmem:$0x1C2C0];
	[tilespmem:$0x1C340] =	vst v5;
	v5 =	vadd.s32 v15, v16  }
0x726: {  	v10 =	vld [tilespmem:$0x1C3C0];
	[tilespmem:$0x1C350] =	vst v5;
	v5 =	vadd.s32 v17, v18  }
0x727: {  	v11 =	vld [tilespmem:$0x1C2D0];
	[tilespmem:$0x1C360] =	vst v5;
	v5 =	vadd.s32 v19, v20  }
0x728: {  	v18 =	vld [tilespmem:$0x1C3D0];
	[tilespmem:$0x1C370] =	vst v5;
	v5 =	vadd.s32 v21, v22  }
0x729: {  	v20 =	vld [tilespmem:$0x1C2E0];
	[tilespmem:$0x1C380] =	vst v5;
	v5 =	vadd.s32 v23, v24  }
0x72a: {  	[tilespmem:$0x1C390] =	vst v5;
	v5 =	vadd.s32 v25, v6;
	v6 =	vld [tilespmem:$0x1C3F0]  }
0x72b: {  	[tilespmem:$0x1C3A0] =	vst v5;
	v5 =	vadd.s32 v7, v8  }
0x72c: {  	[tilespmem:$0x1C3B0] =	vst v5;
	v5 =	vadd.s32 v9, v10  }
0x72d: {  	[tilespmem:$0x1C3C0] =	vst v5;
	v5 =	vadd.s32 v11, v18  }
0x72e: {  	[tilespmem:$0x1C3D0] =	vst v5;
	v5 =	vadd.s32 v20, v26  }
0x72f: {  	[tilespmem:$0x1C3E0] =	vst v5;
	v5 =	vadd.s32 v27, v6  }
0x730: {  	s21 =	rddreg [dreg:$0x8];
	[tilespmem:$0x1C3F0] =	vst v5  }
0x731: {  	[tilespmem:s4], [sflag:$0x1] =	stream.strided.gather [spmem:s21], $0x100, s2, s15, $0x38;
	[tilespmem:$0x1C580] =	vst v63  }
0x732: {  	_ =	swait.ge [sflag:s16], $0x100  }
0x733: {  	[sflag:s16] =	ssyncset.done $0x0  }
0x734: {  	[sflag:s16] =	ssyncadd.s32 $0xFFFFFF00  }
0x735: {  	v5 =	vld [tilespmem:$0x1C200]  }
0x736: {  	v6 =	vld [tilespmem:$0x1C300]  }
0x737: {  	v7 =	vld [tilespmem:$0x1C210]  }
0x738: {  	v8 =	vld [tilespmem:$0x1C310]  }
0x739: {  	v9 =	vld [tilespmem:$0x1C220]  }
0x73a: {  	v10 =	vld [tilespmem:$0x1C320]  }
0x73b: {  	v11 =	vld [tilespmem:$0x1C230]  }
0x73c: {  	v28 =	vld [tilespmem:$0x1C330]  }
0x73d: {  	v29 =	vld [tilespmem:$0x1C240]  }
0x73e: {  	v30 =	vld [tilespmem:$0x1C340]  }
0x73f: {  	v31 =	vld [tilespmem:$0x1C250]  }
0x740: {  	v32 =	vld [tilespmem:$0x1C350]  }
0x741: {  	v33 =	vld [tilespmem:$0x1C260]  }
0x742: {  	v34 =	vld [tilespmem:$0x1C360]  }
0x743: {  	v35 =	vld [tilespmem:$0x1C270]  }
0x744: {  	v36 =	vld [tilespmem:$0x1C370]  }
0x745: {  	v37 =	vld [tilespmem:$0x1C280]  }
0x746: {  	v38 =	vld [tilespmem:$0x1C380]  }
0x747: {  	v39 =	vld [tilespmem:$0x1C290]  }
0x748: {  	v40 =	vld [tilespmem:$0x1C390]  }
0x749: {  	v41 =	vld [tilespmem:$0x1C2A0]  }
0x74a: {  	v42 =	vld [tilespmem:$0x1C3D0];
	v5 =	vadd.s32 v5, v6  }
0x74b: {  	v43 =	vld [tilespmem:$0x1C2E0];
	[tilespmem:$0x1C300] =	vst v5;
	v5 =	vadd.s32 v7, v8  }
0x74c: {  	v44 =	vld [tilespmem:$0x1C3E0];
	[tilespmem:$0x1C310] =	vst v5;
	v5 =	vadd.s32 v9, v10  }
0x74d: {  	v6 =	vld [tilespmem:$0x1C3A0];
	[tilespmem:$0x1C320] =	vst v5;
	v5 =	vadd.s32 v11, v28  }
0x74e: {  	v7 =	vld [tilespmem:$0x1C2B0];
	[tilespmem:$0x1C330] =	vst v5;
	v5 =	vadd.s32 v29, v30  }
0x74f: {  	v8 =	vld [tilespmem:$0x1C3B0];
	[tilespmem:$0x1C340] =	vst v5;
	v5 =	vadd.s32 v31, v32  }
0x750: {  	v9 =	vld [tilespmem:$0x1C2C0];
	[tilespmem:$0x1C350] =	vst v5;
	v5 =	vadd.s32 v33, v34  }
0x751: {  	v10 =	vld [tilespmem:$0x1C3C0];
	[tilespmem:$0x1C360] =	vst v5;
	v5 =	vadd.s32 v35, v36  }
0x752: {  	v11 =	vld [tilespmem:$0x1C2D0];
	[tilespmem:$0x1C370] =	vst v5;
	v5 =	vadd.s32 v37, v38  }
0x753: {  	v45 =	vld [tilespmem:$0x1C2F0];
	[tilespmem:$0x1C380] =	vst v5;
	v5 =	vadd.s32 v39, v40  }
0x754: {  	[tilespmem:$0x1C390] =	vst v5;
	v5 =	vadd.s32 v41, v6;
	v6 =	vld [tilespmem:$0x1C3F0]  }
0x755: {  	[tilespmem:$0x1C3A0] =	vst v5;
	v5 =	vadd.s32 v7, v8  }
0x756: {  	[tilespmem:$0x1C3B0] =	vst v5;
	v5 =	vadd.s32 v9, v10  }
0x757: {  	[tilespmem:$0x1C3C0] =	vst v5;
	v5 =	vadd.s32 v11, v42  }
0x758: {  	[tilespmem:$0x1C3D0] =	vst v5;
	v5 =	vadd.s32 v43, v44  }
0x759: {  	[tilespmem:$0x1C3E0] =	vst v5;
	v5 =	vadd.s32 v45, v6  }
0x75a: {  	s22 =	rddreg [dreg:$0x9];
	[tilespmem:$0x1C3F0] =	vst v5  }
0x75b: {  	[tilespmem:s4], [sflag:$0x1] =	stream.strided.gather [spmem:s22], $0x100, s2, s15, $0x38;
	[tilespmem:$0x1C580] =	vst v63  }
0x75c: {  	_ =	swait.ge [sflag:s16], $0x100  }
0x75d: {  	[sflag:s16] =	ssyncset.done $0x0  }
0x75e: {  	[sflag:s16] =	ssyncadd.s32 $0xFFFFFF00  }
0x75f: {  	v5 =	vld [tilespmem:$0x1C200]  }
0x760: {  	v6 =	vld [tilespmem:$0x1C300]  }
0x761: {  	v7 =	vld [tilespmem:$0x1C210]  }
0x762: {  	v8 =	vld [tilespmem:$0x1C310]  }
0x763: {  	v9 =	vld [tilespmem:$0x1C220]  }
0x764: {  	v10 =	vld [tilespmem:$0x1C320]  }
0x765: {  	v11 =	vld [tilespmem:$0x1C230]  }
0x766: {  	v46 =	vld [tilespmem:$0x1C330]  }
0x767: {  	v47 =	vld [tilespmem:$0x1C240]  }
0x768: {  	v48 =	vld [tilespmem:$0x1C340]  }
0x769: {  	v49 =	vld [tilespmem:$0x1C250]  }
0x76a: {  	v50 =	vld [tilespmem:$0x1C350]  }
0x76b: {  	v51 =	vld [tilespmem:$0x1C260]  }
0x76c: {  	v52 =	vld [tilespmem:$0x1C360]  }
0x76d: {  	v53 =	vld [tilespmem:$0x1C270]  }
0x76e: {  	v54 =	vld [tilespmem:$0x1C370]  }
0x76f: {  	v55 =	vld [tilespmem:$0x1C280]  }
0x770: {  	v56 =	vld [tilespmem:$0x1C380]  }
0x771: {  	v57 =	vld [tilespmem:$0x1C290]  }
0x772: {  	v58 =	vld [tilespmem:$0x1C390]  }
0x773: {  	v59 =	vld [tilespmem:$0x1C2A0]  }
0x774: {  	v60 =	vld [tilespmem:$0x1C3D0];
	v5 =	vadd.s32 v5, v6  }
0x775: {  	v61 =	vld [tilespmem:$0x1C2E0];
	[tilespmem:$0x1C300] =	vst v5;
	v5 =	vadd.s32 v7, v8  }
0x776: {  	v62 =	vld [tilespmem:$0x1C3E0];
	[tilespmem:$0x1C310] =	vst v5;
	v5 =	vadd.s32 v9, v10  }
0x777: {  	v6 =	vld [tilespmem:$0x1C3A0];
	[tilespmem:$0x1C320] =	vst v5;
	v5 =	vadd.s32 v11, v46  }
0x778: {  	v7 =	vld [tilespmem:$0x1C2B0];
	[tilespmem:$0x1C330] =	vst v5;
	v5 =	vadd.s32 v47, v48  }
0x779: {  	v8 =	vld [tilespmem:$0x1C3B0];
	[tilespmem:$0x1C340] =	vst v5;
	v5 =	vadd.s32 v49, v50  }
0x77a: {  	v9 =	vld [tilespmem:$0x1C2C0];
	[tilespmem:$0x1C350] =	vst v5;
	v5 =	vadd.s32 v51, v52  }
0x77b: {  	v10 =	vld [tilespmem:$0x1C3C0];
	[tilespmem:$0x1C360] =	vst v5;
	v5 =	vadd.s32 v53, v54  }
0x77c: {  	v11 =	vld [tilespmem:$0x1C2D0];
	[tilespmem:$0x1C370] =	vst v5;
	v5 =	vadd.s32 v55, v56  }
0x77d: {  	v63 =	vld [tilespmem:$0x1C2F0];
	[tilespmem:$0x1C380] =	vst v5;
	v5 =	vadd.s32 v57, v58  }
0x77e: {  	[tilespmem:$0x1C390] =	vst v5;
	v5 =	vadd.s32 v59, v6;
	v6 =	vld [tilespmem:$0x1C3F0]  }
0x77f: {  	[tilespmem:$0x1C3A0] =	vst v5;
	v5 =	vadd.s32 v7, v8  }
0x780: {  	[tilespmem:$0x1C3B0] =	vst v5;
	v5 =	vadd.s32 v9, v10  }
0x781: {  	[tilespmem:$0x1C3C0] =	vst v5;
	v5 =	vadd.s32 v11, v60  }
0x782: {  	[tilespmem:$0x1C3D0] =	vst v5;
	v5 =	vadd.s32 v61, v62  }
0x783: {  	[tilespmem:$0x1C3E0] =	vst v5;
	v5 =	vadd.s32 v63, v6  }
0x784: {  	[tilespmem:$0x1C3F0] =	vst v5  }
0x785: {  	s23 =	simm.s32 $0x1C3F0;
	[bflag:$0x0] =	sbarrier.arrive $0xFFFF  }
0x786: {  	v5 =	vld [tilespmem:s23+$0x0];
	_ =	sdelay $0x4  }
0x787: {  	(xrf0) =	vadd.scan.msk.s32 $0xffff, v5  }
0x788: {  	s24 =	simm.s32 $0x1C3E0  }
0x789: {  	v7 =	vld [tilespmem:s24+$0x0];
	_ =	sdelay $0x3  }
0x78a: {  	v6, _, _ =	vpop (xrf0)  }
0x78b: {  	(xrf0) =	vadd.scan.msk.s32 $0xffff, v7;
	(v2sf) =	vpush v6, $0xF;
	_ =	sdelay $0x5  }
0x78c: {  	v8, _, _ =	vpop (xrf0)  }
0x78d: {  	(v2sf) =	vpush v8, $0xF;
	_ =	sdelay $0x4  }
0x78e: {  	s25 =	simm.s32 $0x1C3D0  }
0x78f: {  	s0 =	simm.s32 $0x0;
	v9 =	vld [tilespmem:s25+$0x0]  }
0x790: {  	v5 =	vadd.s32 s0, v5;
	v10 =	vbroadcast v6, $0xF  }
0x791: {  	v6 =	vsub.s32 v5, v6;
	s28 =	spop (v2sf)  }
0x792: {  	v5 =	vmov s18;
	v10 =	vadd.s32 v10, v6;
	s29 =	sadd.s32 $0x0, s28  }
0x793: {  	s26 =	simm.s32 $0x1C3C0;
	vm0 =	vge.s32 v10, v5;
	v10 =	vbroadcast v8, $0xF;
	v7 =	vadd.s32 s29, v7  }
0x794: {  	(xrf0) =	vadd.scan.msk.s32 $0xffff, v9;
	v6 =	vld [tilespmem:s26+$0x0];
	v7 =	vsub.s32 v7, v8  }
0x795: {  	v11 =	vnsel vm0, $0x7FFFFFFF, v4;
	v8 =	vsel vm0, $0x1, v0;
	v7 =	vadd.s32 v10, v7  }
0x796: {  	(xrf0) =	vmax.scan.msk.u32 $0xffff, v11;
	v8 =	vor.u32 $0x80000000, v8;
	vm14 =	vge.s32 v7, v5  }
0x797: {  	(xrf0) =	vmax.scan.msk.u32 $0xffff, v8;
	v8 =	vnsel vm14, $0x7FFFFFFF, v4  }
0x798: {  	s31 =	spop (v2sf)  }
0x799: {  	s4 =	sadd.s32 s29, s31;
	(xrf0) =	vadd.scan.msk.s32 $0xffff, v6  }
0x79a: {  	v9 =	vadd.s32 s4, v9;
	v7 =	vsel vm14, $0x1, v0;
	(xrf0) =	vmax.scan.msk.u32 $0xffff, v8;
	v8, _, _ =	vpop (xrf0)  }
0x79b: {  	v7 =	vor.u32 $0x80000000, v7;
	(v2sf) =	vpush v8, $0xF  }
0x79c: {  	(xrf0) =	vmax.scan.msk.u32 $0xffff, v7;
	v11, _, _ =	vpop (xrf0)  }
0x79d: {  	v10 =	vbroadcast v8, $0xF;
	v8 =	vsub.s32 v9, v8;
	v9, _, _ =	vpop (xrf0);
	(v2sf) =	vpush v11, $0xF  }
0x79e: {  	(v2sf) =	vpush v9, $0xF;
	_ =	sdelay $0x1  }
0x79f: {  	s30 =	simm.s32 $0x1C3B0;
	v10 =	vadd.s32 v10, v8;
	v8, _, _ =	vpop (xrf0)  }
0x7a0: {  	v7 =	vld [tilespmem:s30+$0x0];
	(v2sf) =	vpush v8, $0xF;
	v9, _, _ =	vpop (xrf0)  }
0x7a1: {  	(v2sf) =	vpush v9, $0xF;
	v9, _, _ =	vpop (xrf0)  }
0x7a2: {  	(v2sf) =	vpush v9, $0xF;
	_ =	sdelay $0x2  }
0x7a3: {  	s10 =	simm.s32 $0x800000F0;
	vm15 =	vge.s32 v10, v5;
	(xrf0) =	vadd.scan.msk.s32 $0xffff, v7  }
0x7a4: {  	s12 =	simm.s32 $0x400;
	s9 =	simm.s32 $0x800000C0;
	s5 =	simm.s32 $0x1C3A0;
	v10 =	vsel vm15, $0x1, v0;
	v11 =	vnsel vm15, $0x7FFFFFFF, v4  }
0x7a5: {  	s11 =	simm.s32 $0x80;
	s6 =	simm.s32 $0x800000A0;
	s1 =	simm.s32 $0x800000D0;
	v10 =	vor.u32 $0x80000000, v10;
	(xrf0) =	vmax.scan.msk.u32 $0xffff, v11  }
0x7a6: {  	s3 =	simm.s32 $0x0;
	s2 =	simm.s32 $0x800000B0;
	s18 =	simm.s32 $0x800000E0;
	(xrf0) =	vmax.scan.msk.u32 $0xffff, v10  }
.LBB2_45:
0x7a7: {  	v9 =	vld [tilespmem:s5+$0x0];
	p1 =	sne.s32 s6, $0x80000000;
	s7 =	spop (v2sf)  }
0x7a8: {  	s4 =	sadd.s32 s4, s7  }
0x7a9: {  	v13 =	vbroadcast v8, $0xF;
	v10, _, _ =	vpop (xrf0);
	v12 =	vadd.s32 s4, v6;
	s7 =	spop (v2sf);
	v6 =	vmov v7  }
0x7aa: {  	(v2sf) =	vpush v10, $0xF;
	v14 =	vsub.s32 v12, v8;
	s7 =	sadd.s32 s10, s7;
	s8 =	spop (v2sf);
	v8 =	vmov v10;
	s10 =	smov.u32 s18  }
.Ltmp23:
0x7ab: {  	p2 =	seq.s32 s0, $0x0;
	v12 =	vadd.s32 v13, v14;
	v10, _, _ =	vpop (xrf0);
	p3 =	seq.s32 s8, $0x80000001;
	(pc) =	sbr.rel @p1 .LBB2_45-.Ltmp23, $4  }
0x7ac: {  	s18 =	smov.u32 s1;
	s1 =	smov.u32 s9;
	(xrf0) =	vadd.scan.msk.s32 $0xffff, v9;
	vm0 =	vge.s32 v12, v5;
	v11, _, _ =	vpop (xrf0);
	(v2sf) =	vpush v10, $0xF;
	p2 =	por !p2, !p3;
	v7 =	vmov v9  }
0x7ad: {  	s9 =	smov.u32 s2;
	s2 =	smov.u32 s6;
	v9 =	vsel vm0, $0x1, v0;
	v10 =	vnsel vm0, $0x7FFFFFFF, v4;
	(v2sf) =	vpush v11, $0xF;
	p2 =	por !p2, !p2  }
0x7ae: {  	v9 =	vor.u32 $0x80000000, v9;
	(xrf0) =	vmax.scan.msk.u32 $0xffff, v10;
	s3 =	smov.u32 @p2 s7;
	s0 =	simm.s32 @p2 $0x1  }
0x7af: {  	s5 =	sadd.s32 $0xFFFFFFF0, s5;
	s6 =	sadd.s32 $0xFFFFFFF0, s6;
	(xrf0) =	vmax.scan.msk.u32 $0xffff, v9  }
0x7b0: {  	_ =	sdelay $0x2  }
0x7b1: {  	s5 =	spop (v2sf)  }
0x7b2: {  	s4 =	sadd.s32 s4, s5  }
0x7b3: {  	v9 =	vbroadcast v8, $0xF;
	v6 =	vadd.s32 s4, v6  }
0x7b4: {  	v6 =	vsub.s32 v6, v8  }
0x7b5: {  	s21 =	spop (v2sf);
	v6 =	vadd.s32 v9, v6  }
0x7b6: {  	s6 =	spop (v2sf)  }
0x7b7: {  	s7 =	spop (v2sf)  }
0x7b8: {  	vm0 =	vge.s32 v6, v5;
	v6, _, _ =	vpop (xrf0);
	s4 =	sadd.s32 s4, s7  }
0x7b9: {  	v10 =	vbroadcast v6, $0xF;
	v7 =	vadd.s32 s4, v7  }
0x7ba: {  	v62 =	vsel vm0, $0x1, v0;
	v63 =	vnsel vm0, $0x7FFFFFFF, v4;
	v7 =	vsub.s32 v7, v6  }
0x7bb: {  	v8 =	vor.u32 $0x80000000, v62;
	(xrf0) =	vmax.scan.msk.u32 $0xffff, v63;
	v7 =	vadd.s32 v10, v7  }
0x7bc: {  	(xrf0) =	vmax.scan.msk.u32 $0xffff, v8;
	(v2sf) =	vpush v6, $0xF;
	v6, _, _ =	vpop (xrf0);
	vm15 =	vge.s32 v7, v5  }
0x7bd: {  	(v2sf) =	vpush v6, $0xF;
	v5, _, _ =	vpop (xrf0);
	v6 =	vsel vm15, $0x1, v0  }
0x7be: {  	v7 =	vnsel vm15, $0x7FFFFFFF, v4;
	(v2sf) =	vpush v5, $0xF;
	v5 =	vor.u32 $0x80000000, v6  }
0x7bf: {  	(xrf0) =	vmax.scan.msk.u32 $0xffff, v7  }
0x7c0: {  	(xrf0) =	vmax.scan.msk.u32 $0xffff, v5  }
0x7c1: {  	v5, _, _ =	vpop (xrf0)  }
0x7c2: {  	v6, _, _ =	vpop (xrf0);
	(v2sf) =	vpush v5, $0xF  }
0x7c3: {  	(v2sf) =	vpush v6, $0xF;
	_ =	sdelay $0x1  }
0x7c4: {  	v5, _, _ =	vpop (xrf0)  }
0x7c5: {  	v6, _, _ =	vpop (xrf0);
	(v2sf) =	vpush v5, $0xF  }
0x7c6: {  	p1 =	seq.s32 s0, $0x0;
	p2 =	seq.s32 s6, $0x80000001;
	(v2sf) =	vpush v6, $0xF  }
0x7c7: {  	p1 =	por !p1, !p2  }
0x7c8: {  	p1 =	por !p1, !p1;
	s22 =	spop (v2sf)  }
0x7c9: {  	s0 =	simm.s32 @p1 $0x1;
	s23 =	spop (v2sf)  }
0x7ca: {  	p4 =	seq.s32 s0, $0x0;
	p3 =	seq.s32 s23, $0x80000001  }
0x7cb: {  	p2 =	por !p4, !p3;
	s24 =	spop (v2sf)  }
0x7cc: {  	p3 =	por !p2, !p2;
	s6 =	spop (v2sf)  }
0x7cd: {  	s0 =	simm.s32 @p3 $0x1;
	s25 =	spop (v2sf)  }
0x7ce: {  	p5 =	seq.s32 s0, $0x0;
	p4 =	seq.s32 s25, $0x80000001  }
0x7cf: {  	p2 =	por !p5, !p4  }
0x7d0: {  	p2 =	por !p2, !p2;
	s26 =	spop (v2sf)  }
0x7d1: {  	s0 =	simm.s32 @p2 $0x1;
	s8 =	spop (v2sf)  }
0x7d2: {  	s5 =	sadd.s32 s10, s21;
	p5 =	seq.s32 s0, $0x0;
	p6 =	seq.s32 s8, $0x80000001  }
0x7d3: {  	s3 =	smov.u32 @p1 s5;
	p6 =	por !p5, !p6  }
0x7d4: {  	s4 =	sadd.s32 s18, s22;
	s28 =	spop (v2sf);
	p1 =	por !p6, !p6  }
0x7d5: {  	s3 =	smov.u32 @p3 s4;
	s29 =	spop (v2sf);
	s0 =	simm.s32 @p1 $0x1  }
0x7d6: {  	s1 =	sadd.s32 s1, s6;
	p5 =	seq.s32 s29, $0x80000001;
	p4 =	seq.s32 s0, $0x0  }
0x7d7: {  	s3 =	smov.u32 @p2 s1;
	s0 =	sadd.s32 s9, s26;
	p6 =	por !p4, !p5  }
0x7d8: {  	s3 =	smov.u32 @p1 s0;
	s0 =	sadd.s32 s2, s28;
	p1 =	por !p6, !p6  }
0x7d9: {  	s3 =	smov.u32 @p1 s0  }
0x7da: {  	s0 =	sor.u32 @!p0 s19, s3  }
0x7db: {  	v5 =	vmov @!p0 s0  }
0x7dc: {  	vm0 =	vgt.s32 @!p0 v5, $0xFFFFFFFF;
	v5 =	vimm.s32 @!p0 $0x80000000  }
0x7dd: {  	v5 =	vsel @!p0 vm0, $0xFFFFFFFF, v5  }
0x7de: {  	v5 =	vxor.u32 @!p0 s0, v5  }
0x7df: {  	s1 =	simm.s32 @!p0 $0x1C400;
	s2 =	rddreg [dreg:$0xa];
	s0 =	simm.s32 @!p0 $0x0;
	[tilespmem:$0x1C400] =	vst @!p0 v5  }
0x7e0: {  	[hbm4b:s2+s0] =	stream.linear.scatter @!p0 [tilespmem:s1], [sflag:$0x1], $0x80, $0x38;
	[tilespmem:$0x1C580] =	vst v63  }
0x7e1: {  	s0 =	simm.s32 @!p0 $0x1  }
0x7e2: {  	_ =	swait.ge @!p0 [sflag:s0], $0x80  }
0x7e3: {  	s30 =	rddreg [dreg:$0xc]  }
0x7e4: {  	s31 =	rddreg [dreg:$0xb];
	s6 =	sadd.s32 $0x1, s30  }
0x7e5: {  	p1 =	sne.s32 s6, s31  }
.Ltmp24:
0x7e6: {  	_ = 	snop;
	(pc) =	sbr.rel @p1 .LBB2_1-.Ltmp24, $4  }
.Ltmp25:
0x7e7: {  	_ = 	snop;
	(pc) =	sbr.rel @!p1 .LBB2_47-.Ltmp25, $4  }
0x7e8: {  	_ = 	snop  }
0x7e9: {  	[sflag:s0] =	ssyncset.done @!p0 $0x0  }
0x7ea: {  	[sflag:s0] =	ssyncadd.s32 @!p0 $0xFFFFFF80  }
0x7eb: {  	_ = 	snop  }
.LBB2_6:
.Ltmp26:
0x7ec: {  	(pc) =	sbr.rel .LBB2_10-.Ltmp26, $2  }
0x7ed: {  	_ =	sdelay $0x2  }
0x7ee: {  	s2 =	simm.s32 $0x1C100  }
.LBB2_8:
.Ltmp27:
0x7ef: {  	(pc) =	sbr.rel .LBB2_10-.Ltmp27, $2  }
0x7f0: {  	_ =	sdelay $0x2  }
0x7f1: {  	s2 =	simm.s32 $0x1C100  }
.LBB2_24:
.Ltmp28:
0x7f2: {  	(pc) =	sbr.rel .LBB2_28-.Ltmp28, $2  }
0x7f3: {  	_ =	sdelay $0x2  }
0x7f4: {  	s4 =	simm.s32 $0x0  }
.LBB2_37:
.Ltmp29:
0x7f5: {  	(pc) =	sbr.rel .LBB2_41-.Ltmp29, $2  }
0x7f6: {  	_ =	sdelay $0x2  }
0x7f7: {  	s1 =	simm.s32 $0x0  }
.LBB2_26:
.Ltmp30:
0x7f8: {  	(pc) =	sbr.rel .LBB2_28-.Ltmp30, $2  }
0x7f9: {  	_ =	sdelay $0x2  }
0x7fa: {  	s4 =	simm.s32 $0x0  }
.LBB2_39:
.Ltmp31:
0x7fb: {  	(pc) =	sbr.rel .LBB2_41-.Ltmp31, $2  }
0x7fc: {  	_ =	sdelay $0x2  }
0x7fd: {  	s1 =	simm.s32 $0x0  }
.LBB2_47:
0x7fe: {  	_ =	sfence.sel $0x180000  }
0x7ff: {  	[bflag:$0x0] =	sbarrier.arrive $0xFFFF  }
0x800: {  	_ =	strace $0x90000047  }
0x801: {  	s0 =	stileid.u32;
	[bflag:$0x2] =	sbarrier.arrive $0xFFFF  }
0x802: {  	p0 =	sne.s32 s0, $0x0;
	s0 =	rddreg [dreg:$0x3]  }
0x803: {  	s0 =	sadd.s32 @!p0 $0x100000, s0  }
0x804: {  	[sflag:s0] =	ssyncadd.tile.s32 @!p0 $0x1;
	_ =	shalt  }
.Lfunc_end2:
_tile_overlayer_lowered:
.L_overlay_start_2:
0x805: {  	(tag) =	ssettag $0x2  }
0x806: {  	s0 =	rddreg [dreg:$0x0];
	s2 =	stileid.u32  }
0x807: {  	s1 =	rddreg [dreg:$0x1];
	p0 =	sne.s32 s2, $0x0  }
0x808: {  	s3 =	rddreg [dreg:$0x2];
	[bflag:$0x3] =	sbarrier.arrive $0xFFFF;
	s2 =	simm.s32 @!p0 $0x1C01  }
0x809: {  	[timem:s3], [sflag:s2] =	dma.local @!p0 [hbm:s0], s1  }
0x80a: {  	s0 =	simm.s32 @!p0 $0x1  }
0x80b: {  	_ =	swait.ge @!p0 [sflag:s0], s1  }
0x80c: {  	s1 =	ssub.s32 @!p0 $0x0, s1;
	[sflag:s0] =	ssyncset.done @!p0 $0x0  }
0x80d: {  	[sflag:s0] =	ssyncadd.s32 @!p0 s1  }
0x80e: {  	[bflag:$0x3] =	sbarrier.arrive $0xFFFF  }
0x80f: {  	_ =	shalt  }

</sc_bundles>
